<compile_context>
chip_gen: v7x
topology: tpu7x:2x2x1
jax: 0.10.2.dev20260603
libtpu: 0.0.44.dev20260713+nightly
codegen_flags: <defaults>
</compile_context>

<pallas_src>
import functools

import numpy as np
import jax
import jax.numpy as jnp
from jax import lax
from jax.experimental import pallas as pl
from jax.experimental.pallas import tpu as pltpu
from jax.experimental.pallas import tpu_sc as plsc

GRID = 128
GRID3 = GRID * GRID * GRID
GRID_RES = 0.05
NTILES = 32


def _tf2x32(k0, k1, x0, x1):
    with np.errstate(over='ignore'):
        rots = [np.uint32(r) for r in (13, 15, 26, 6, 17, 29, 16, 24)]
        ks = [np.uint32(k0), np.uint32(k1),
              np.uint32(k0) ^ np.uint32(k1) ^ np.uint32(0x1BD11BDA)]
        x = [x0.astype(np.uint32) + ks[0], x1.astype(np.uint32) + ks[1]]
        ksl = [ks[1], ks[2], ks[0]]
        ro = [rots[:4], rots[4:]]
        for i in range(5):
            for r in ro[0]:
                x[0] = (x[0] + x[1]).astype(np.uint32)
                x[1] = ((x[1] << r) | (x[1] >> np.uint32(32 - r))).astype(np.uint32)
                x[1] = x[0] ^ x[1]
            x[0] = (x[0] + ksl[0]).astype(np.uint32)
            x[1] = (x[1] + ksl[1] + np.uint32(i + 1)).astype(np.uint32)
            ksl = ksl[1:] + ksl[:1]
            ro = ro[1:] + ro[:1]
    return x[0], x[1]


def _np_split(k, n):
    b1, b2 = _tf2x32(k[0], k[1], np.zeros(n, np.uint32), np.arange(n, dtype=np.uint32))
    return [(b1[i], b2[i]) for i in range(n)]


def _np_randint(k, n, span):
    kd = _np_split(k, 2)
    y = _tf2x32(kd[0][0], kd[0][1], np.zeros(n, np.uint32),
                np.arange(n, dtype=np.uint32))
    y = y[0] ^ y[1]
    z = _tf2x32(kd[1][0], kd[1][1], np.zeros(n, np.uint32),
                np.arange(n, dtype=np.uint32))
    z = z[0] ^ z[1]
    span = np.uint32(span)
    m = np.uint32(65536) % span
    m2 = (m * m) % span
    return (((y % span) * m2 + (z % span)) % span).astype(np.int64)


@functools.lru_cache(maxsize=None)
def _first_lane_np(B, X, Y, Z):
    max_add = B * X * Y * Z + 100
    ka, kb, kc = _np_split((np.uint32(0), np.uint32(1)), 3)
    r1 = _np_randint(ka, max_add, Z)
    r2 = _np_randint(kb, max_add, Y)
    r3 = _np_randint(kc, max_add, X)
    lane = np.arange(max_add)
    b_idx = lane % B
    first = np.full((B, X, Y, Z), max_add, np.int64)
    np.minimum.at(first, (b_idx, r1, r2, r3), lane)
    return first.astype(np.int32)


def _minmax_body(coords_ref, out_ref):
    c = coords_ref[...]
    B = c.shape[0] // 3
    min_v = jnp.min(c, axis=1).reshape(1, B, 3)
    max_v = jnp.max(c, axis=1).reshape(1, B, 3)
    out_ref[...] = jnp.concatenate([min_v, max_v], axis=0)


def _minmax_call(coords12):
    B = coords12.shape[0] // 3
    return pl.pallas_call(
        _minmax_body,
        out_shape=jax.ShapeDtypeStruct((2, B, 3), jnp.float32),
    )(coords12)


def _scal_glue(mm, transforms, transforms_inv):
    B = transforms.shape[0]
    min_v, max_v = mm[0], mm[1]
    max_size_grid = (max_v + GRID_RES - min_v).max(axis=0)
    min_homo = jnp.concatenate([min_v, jnp.ones((B, 1), jnp.float32)], axis=1)
    min_idx = jnp.floor(jnp.einsum('bij,bj->bi', transforms_inv, min_homo)[:, :3])
    min_idx = jnp.where(min_idx < 0, 0.0, min_idx)
    size_vg = jnp.ceil((transforms_inv[:, :3, :3] @ max_size_grid).max(axis=0)).astype(jnp.int32)
    size_f = size_vg.astype(jnp.float32)
    min_idx_homo = jnp.concatenate([min_idx, jnp.ones((B, 1), jnp.float32)], axis=1)
    base = jnp.einsum('bij,bj->bi', transforms, min_idx_homo)[:, :3]
    extent = transforms[:, :3, :3] @ size_f
    vox = extent / size_f
    return jnp.concatenate(
        [base, vox, min_idx, jnp.broadcast_to(size_f, (B, 3))], axis=1)


HALF = GRID * GRID * 64


@functools.lru_cache(maxsize=None)
def _make_scatter(B, N):
    CH = 8192
    NCH = 4
    SPAN = CH * NCH
    step = ((N // 16) // 8) * 8
    STRIPE = HALF // 16
    mesh = plsc.VectorSubcoreMesh(core_axis_name="c", subcore_axis_name="s")

    @functools.partial(
        pl.kernel,
        out_type=jax.ShapeDtypeStruct((B * GRID3,), jnp.float32),
        mesh=mesh,
        scratch_types=[
            pltpu.VMEM((CH,), jnp.float32),
            pltpu.VMEM((CH,), jnp.int32),
            pltpu.VMEM((CH,), jnp.int32),
            pltpu.VMEM((CH,), jnp.int32),
            pltpu.VMEM((CH,), jnp.int32),
            pltpu.VMEM((CH,), jnp.int32),
            pltpu.VMEM((CH,), jnp.float32),
            pltpu.VMEM_SHARED((HALF + CH,), jnp.float32),
            pltpu.SemaphoreType.DMA,
            pltpu.SemaphoreType.DMA,
        ],
    )
    def scatter_kernel(sx_hbm, sy_hbm, sz_hbm, grid_hbm,
                       zbuf, xb, yb, zb, idx0, idx1, onesb, zone, sem0, sem1):
        c = lax.axis_index("c")
        s = lax.axis_index("s")

        def fill(i, carry):
            zbuf[pl.ds(i * 16, 16)] = jnp.zeros((16,), jnp.float32)
            return carry
        lax.fori_loop(0, CH // 16, fill, 0)

        def fill1(i, carry):
            onesb[pl.ds(i * 16, 16)] = jnp.ones((16,), jnp.float32)
            return carry
        lax.fori_loop(0, CH // 16, fill1, 0)

        start = jnp.minimum(s * step, N - SPAN)
        zstart = s * STRIPE
        bufs = (idx0, idx1)
        for p in range(4):
            bq = 2 * c + (p // 2)
            zbase = (p % 2) * 64
            for j in range(STRIPE // CH):
                pltpu.async_copy(zbuf, zone.at[pl.ds(zstart + j * CH, CH)], sem0)
            for j in range(STRIPE // CH):
                pltpu.make_async_copy(zbuf, zone.at[pl.ds(zstart, CH)], sem0).wait()
            plsc.subcore_barrier()
            srcoff = bq * N + start
            for k in range(NCH):
                co = srcoff + k * CH
                idxb = bufs[k % 2]
                cpx = pltpu.async_copy(sx_hbm.at[pl.ds(co, CH)], xb, sem0)
                cpy = pltpu.async_copy(sy_hbm.at[pl.ds(co, CH)], yb, sem0)
                cpz = pltpu.async_copy(sz_hbm.at[pl.ds(co, CH)], zb, sem0)
                if k >= 2:
                    pltpu.make_async_copy(onesb, zone.at[idxb], sem1).wait()
                cpx.wait(); cpy.wait(); cpz.wait()

                def comp(i, carry):
                    x = xb[pl.ds(i * 16, 16)]
                    y = yb[pl.ds(i * 16, 16)]
                    z = zb[pl.ds(i * 16, 16)]
                    inz = (z >= zbase) & (z < zbase + 64)
                    zl = x * (GRID * 64) + y * 64 + (z - zbase)
                    dump = HALF + i * 16 + lax.iota(jnp.int32, 16)
                    idxb[pl.ds(i * 16, 16)] = jnp.where(inz, zl, dump)
                    return carry
                lax.fori_loop(0, CH // 16, comp, 0)
                pltpu.async_copy(onesb, zone.at[idxb], sem1, add=True)
            pltpu.make_async_copy(onesb, zone.at[idx0], sem1).wait()
            pltpu.make_async_copy(onesb, zone.at[idx1], sem1).wait()
            plsc.subcore_barrier()
            pltpu.sync_copy(
                zone.at[pl.ds(zstart, STRIPE)],
                grid_hbm.at[pl.ds(bq * GRID3 + (p % 2) * HALF + zstart, STRIPE)])
            plsc.subcore_barrier()

    return scatter_kernel


@functools.lru_cache(maxsize=None)
def _make_gather(B, P):
    Q = (B * P) // NTILES
    mesh = plsc.VectorSubcoreMesh(core_axis_name="c", subcore_axis_name="s")

    @functools.partial(
        pl.kernel,
        out_type=jax.ShapeDtypeStruct((B * P,), jnp.float32),
        mesh=mesh,
        scratch_types=[
            pltpu.VMEM((Q,), jnp.float32),
            pltpu.VMEM((Q,), jnp.float32),
            pltpu.VMEM((Q,), jnp.float32),
            pltpu.VMEM((Q,), jnp.int32),
            pltpu.VMEM((Q,), jnp.float32),
            pltpu.VMEM((Q,), jnp.float32),
            pltpu.VMEM((Q,), jnp.float32),
            pltpu.VMEM((192,), jnp.float32),
            pltpu.SemaphoreType.DMA,
            pltpu.SemaphoreType.DMA,
        ],
    )
    def gather_kernel(grid_hbm, cx_hbm, cy_hbm, cz_hbm, scal_hbm, out_hbm,
                      cxb, cyb, czb, idxb, vldb, valb, outb, scalb, sem0, sem1):
        c = lax.axis_index("c")
        s = lax.axis_index("s")
        wid = c * 16 + s
        b = wid // (NTILES // B)
        qoff = wid * Q
        cp0 = pltpu.async_copy(scal_hbm.at[pl.ds(b * 192, 192)], scalb, sem0)
        cpx = pltpu.async_copy(cx_hbm.at[pl.ds(qoff, Q)], cxb, sem0)
        cpy = pltpu.async_copy(cy_hbm.at[pl.ds(qoff, Q)], cyb, sem0)
        cpz = pltpu.async_copy(cz_hbm.at[pl.ds(qoff, Q)], czb, sem0)
        cp0.wait(); cpx.wait(); cpy.wait(); cpz.wait()
        gridbase = b * GRID3

        def axis_idx(cb, i, k):
            cv = cb[pl.ds(i * 16, 16)]
            bse = scalb[pl.ds(k * 16, 16)]
            vx = scalb[pl.ds((3 + k) * 16, 16)]
            mi = scalb[pl.ds((6 + k) * 16, 16)].astype(jnp.int32)
            sz = scalb[pl.ds((9 + k) * 16, 16)].astype(jnp.int32)
            tq = (cv - bse) / vx
            ti = tq.astype(jnp.int32)
            fl = jnp.where(tq < ti.astype(jnp.float32), ti - 1, ti)
            q = fl + mi
            ok = (fl >= 0) & (fl < sz) & (q < GRID)
            return q, ok

        def comp(i, carry):
            q0, ok0 = axis_idx(cxb, i, 0)
            q1, ok1 = axis_idx(cyb, i, 1)
            q2, ok2 = axis_idx(czb, i, 2)
            ok = ok0 & ok1 & ok2
            zh = jnp.right_shift(q2, 6)
            zr = jnp.bitwise_and(q2, 63)
            lin = zh * HALF + q0 * (GRID * 64) + q1 * 64 + zr + gridbase
            idxb[pl.ds(i * 16, 16)] = jnp.where(ok, lin, gridbase)
            vldb[pl.ds(i * 16, 16)] = jnp.where(ok, jnp.float32(1.0), jnp.float32(0.0))
            return carry
        lax.fori_loop(0, Q // 16, comp, 0)
        pltpu.async_copy(grid_hbm.at[idxb], valb, sem1).wait()

        def mul(i, carry):
            hit = (valb[pl.ds(i * 16, 16)] > 0) & (vldb[pl.ds(i * 16, 16)] > 0)
            outb[pl.ds(i * 16, 16)] = jnp.where(hit, jnp.float32(1.0), jnp.float32(0.0))
            return carry
        lax.fori_loop(0, Q // 16, mul, 0)
        pltpu.sync_copy(outb, out_hbm.at[pl.ds(qoff, Q)])

    return gather_kernel


def _dilate_body(v_ref, fl_ref, out_ref):
    v = v_ref[...]
    num_add = jnp.sum(v).astype(jnp.int32) + 100
    d = v
    for axis in (1, 2, 3):
        pw = [(0, 0)] * 4
        pw[axis] = (2, 2)
        p = jnp.pad(d, pw)
        n = v.shape[axis]
        d = functools.reduce(
            jnp.maximum,
            [lax.slice_in_dim(p, o, o + n, axis=axis) for o in range(5)])
    mask = (d > 0) | (fl_ref[...] < num_add)
    out_ref[...] = mask.astype(jnp.int32)


def _dilate_call(v4, flane):
    return pl.pallas_call(
        _dilate_body,
        out_shape=jax.ShapeDtypeStruct(v4.shape, jnp.int32),
    )(v4, flane)


def kernel(coordinates, transforms, transforms_inv, sparse_indices):
    B, C, X, Y, Z = coordinates.shape
    N = sparse_indices.shape[1]
    P = X * Y * Z
    coords12 = coordinates.reshape(B * 3, P)
    mm = _minmax_call(coords12)
    scal = _scal_glue(mm, transforms, transforms_inv)
    scal16 = jnp.broadcast_to(scal[:, :, None], (B, 12, 16)).reshape(B * 192)
    sx = sparse_indices[..., 0].reshape(B * N)
    sy = sparse_indices[..., 1].reshape(B * N)
    sz = sparse_indices[..., 2].reshape(B * N)
    grid = _make_scatter(B, N)(sx, sy, sz)
    cx = coordinates[:, 0].reshape(B * P)
    cy = coordinates[:, 1].reshape(B * P)
    cz = coordinates[:, 2].reshape(B * P)
    vals = _make_gather(B, P)(grid, cx, cy, cz, scal16)
    flane = jnp.asarray(_first_lane_np(B, X, Y, Z))
    v4 = vals.reshape(B, X, Y, Z)
    mask = _dilate_call(v4, flane)
    occ_grids = v4.reshape(B, 1, X, Y, Z).astype(bool)
    occ_mask = mask.reshape(B, 1, X, Y, Z).astype(bool)
    return occ_grids, occ_mask

# --- scband reference (transcript-rebuilt; emitter-appended) ---
"""Pipeline reference for scband-sample-occ-grid-72679436583136 (READ-ONLY COPY).

The authoritative reference and input builder live on the scoring server;
editing this copy changes nothing except your own understanding.
"""

import jax, jax.numpy as jnp
import numpy as np

GRID_RES = 0.05
KERNEL = 5


def conv3d_ones(x, k):
    w = jnp.ones((1, 1, k, k, k), x.dtype)
    return jax.lax.conv_general_dilated(
        x, w, (1, 1, 1), [(k // 2, k // 2)] * 3,
        dimension_numbers=('NCDHW', 'OIDHW', 'NCDHW'))


def interpolate_grid_batch(occ, extent, base, coords, size):
    # nearest-neighbor sampling of dense occupancy grid at world coordinates
    size_i = jnp.asarray(size, jnp.int32)
    size_f = jnp.asarray(size, jnp.float32)
    vox = extent / size_f  # [B,3] world size of one voxel
    idx = jnp.floor((coords - base[:, :, None, None, None]) / vox[:, :, None, None, None]).astype(jnp.int32)
    inb = ((idx >= 0) & (idx < size_i[None, :, None, None, None])).all(axis=1)
    idxc = jnp.clip(idx, 0, size_i[None, :, None, None, None] - 1)
    gathered = jax.vmap(lambda o, ix: o[ix[0], ix[1], ix[2]])(occ, idxc)
    return jnp.where(inb, gathered, 0.0)[:, None]


def setup_inputs(seed: int = 0):
    key = jax.random.key(seed)
    k1, k2 = jax.random.split(key)
    B, X, Y, Z, N = 4, 32, 32, 32, 500000
    coordinates = jax.random.uniform(k1, (B, 3, X, Y, Z), dtype=jnp.float32) * 6.4
    sparse_indices = jax.random.randint(k2, (B, N, 3), 0, 128, dtype=jnp.int32)
    s = 0.05
    T = np.eye(4, dtype=np.float32)
    T[0, 0] = T[1, 1] = T[2, 2] = s
    transforms = jnp.asarray(np.tile(T[None], (B, 1, 1)))
    transforms_inv = jnp.asarray(np.tile(np.linalg.inv(T).astype(np.float32)[None], (B, 1, 1)))
    return {'coordinates': coordinates, 'transforms': transforms,
            'transforms_inv': transforms_inv, 'sparse_indices': sparse_indices}


def reference(coordinates, transforms, transforms_inv, sparse_indices):
    B, C, X, Y, Z = coordinates.shape
    flat = coordinates.reshape(B, 3, -1)
    min_v = flat.min(axis=2)
    max_v = flat.max(axis=2)
    max_size_grid = (max_v + GRID_RES - min_v).max(axis=0)
    min_homo = jnp.concatenate([min_v, jnp.ones((B, 1), jnp.float32)], axis=1)
    min_idx = jnp.floor(jnp.einsum('bij,bj->bi', transforms_inv, min_homo)[:, :3])
    min_idx = jnp.where(min_idx < 0, 0.0, min_idx)
    size_vg = jnp.ceil((transforms_inv[:, :3, :3] @ max_size_grid).max(axis=0)).astype(jnp.int32)
    size_cap = 130
    size_f = size_vg.astype(jnp.float32)
    se = sparse_indices.astype(jnp.float32) - min_idx[:, None, :]
    valid = ((se >= 0) & (se < size_f)).all(axis=-1)
    sei = jnp.clip(se.astype(jnp.int32), 0, size_vg - 1)
    occ = jnp.zeros((B, size_cap, size_cap, size_cap), jnp.float32)
    bidx = jnp.broadcast_to(jnp.arange(B)[:, None], valid.shape)
    occ = occ.at[bidx, sei[..., 0], sei[..., 1], sei[..., 2]].add(valid.astype(jnp.float32))
    occ = jnp.minimum(occ, 1.0)  # equivalent to scatter-set(1) on valid voxels
    min_idx_homo = jnp.concatenate([min_idx, jnp.ones((B, 1), jnp.float32)], axis=1)
    base = jnp.einsum('bij,bj->bi', transforms, min_idx_homo)[:, :3]
    extent = transforms[:, :3, :3] @ size_f
    occ_grids = interpolate_grid_batch(occ, extent, base, coordinates, size_vg)
    occ_mask = conv3d_ones(occ_grids, KERNEL) > 0
    num_add = occ_grids.sum().astype(jnp.int32) + 100
    max_add = B * X * Y * Z + 100
    ka, kb, kc = jax.random.split(jax.random.key(1), 3)
    lane = jnp.arange(max_add)
    b_idx = lane % B
    r1 = jax.random.randint(ka, (max_add,), 0, occ_grids.shape[-1])
    r2 = jax.random.randint(kb, (max_add,), 0, occ_grids.shape[-2])
    r3 = jax.random.randint(kc, (max_add,), 0, occ_grids.shape[-3])
    b_sc = jnp.where(lane < num_add, b_idx, B)
    occ_mask = occ_mask.at[b_sc, 0, r1, r2, r3].set(True, mode='drop')
    return occ_grids.astype(bool), occ_mask

if __name__ == "__main__":
    import jax
    _d = setup_inputs()
    print(jax.jit(kernel)(*tuple(_d.values())))

</pallas_src>

<mosaic_0001>
#map = affine_map<(d0, d1) -> (0)>
module attributes {stable_mosaic.version = 14 : i64} {
  func.func @scatter_kernel(%arg0: i32, %arg1: i32, %arg2: memref<2000000xi32, #tpu.memory_space<hbm>>, %arg3: memref<2000000xi32, #tpu.memory_space<hbm>>, %arg4: memref<2000000xi32, #tpu.memory_space<hbm>>, %arg5: memref<8388608xf32, #tpu.memory_space<hbm>>, %arg6: memref<8192xf32, #tpu.memory_space<vmem>>, %arg7: memref<8192xi32, #tpu.memory_space<vmem>>, %arg8: memref<8192xi32, #tpu.memory_space<vmem>>, %arg9: memref<8192xi32, #tpu.memory_space<vmem>>, %arg10: memref<8192xi32, #tpu.memory_space<vmem>>, %arg11: memref<8192xi32, #tpu.memory_space<vmem>>, %arg12: memref<8192xf32, #tpu.memory_space<vmem>>, %arg13: memref<1056768xf32, #tpu.memory_space<vmem_shared>>, %arg14: memref<!tpu.dma_semaphore, #tpu.memory_space<semaphore_mem>>, %arg15: memref<!tpu.dma_semaphore, #tpu.memory_space<semaphore_mem>>) attributes {dimension_semantics = [#tpu.dimension_semantics<core_parallel>, #tpu.dimension_semantics<subcore_parallel>], iteration_bounds = array<i64: 2, 16>, scalar_prefetch = 0 : i64, scratch_operands = 10 : i64, tpu.core_type = #tpu.core_type<sc_vector_subcore>, window_params = [{transform_indices = #map}, {transform_indices = #map}, {transform_indices = #map}, {transform_indices = #map}]} {
    %scan3A = arith.constant 0 : i32
    %scan3A_0 = arith.constant 0 : i32
    %scan3A_1 = arith.constant 512 : i32
    %scan3A_2 = arith.addi %scan3A_0, %scan3A_1 : i32
    %scan3A_3 = arith.constant 1 : i32
    scf.for %scan3A_647 = %scan3A_0 to %scan3A_2 step %scan3A_3  : i32 {
      %broadcast_in_dim3A = arith.constant 0.000000e+00 : f32
      %broadcast_in_dim3A_648 = vector.broadcast %broadcast_in_dim3A : f32 to vector<16xf32>
      %mul3A_649 = arith.constant 16 : i32
      %mul3A_650 = arith.muli %scan3A_647, %mul3A_649 : i32
      %swap3A = arith.index_cast %mul3A_650 : i32 to index
      %swap3A_651 = tpu.vector_load %arg6[%swap3A] {strides = array<i32>} : memref<8192xf32, #tpu.memory_space<vmem>>, vector<16xf32>,
      %swap3A_652 = vector.shape_cast %swap3A_651 : vector<16xf32> to vector<16xf32>
      %swap3A_653 = vector.shape_cast %broadcast_in_dim3A_648 : vector<16xf32> to vector<16xf32>
      tpu.vector_store %arg6[%swap3A], %swap3A_653 {strides = array<i32>} : memref<8192xf32, #tpu.memory_space<vmem>>, vector<16xf32>,
    }
    %scan3A_4 = arith.constant 512 : i32
    %scan3A_5 = arith.constant 0 : i32
    %scan3A_6 = arith.constant 0 : i32
    %scan3A_7 = arith.constant 512 : i32
    %scan3A_8 = arith.addi %scan3A_6, %scan3A_7 : i32
    %scan3A_9 = arith.constant 1 : i32
    scf.for %scan3A_647 = %scan3A_6 to %scan3A_8 step %scan3A_9  : i32 {
      %broadcast_in_dim3A = arith.constant 1.000000e+00 : f32
      %broadcast_in_dim3A_648 = vector.broadcast %broadcast_in_dim3A : f32 to vector<16xf32>
      %mul3A_649 = arith.constant 16 : i32
      %mul3A_650 = arith.muli %scan3A_647, %mul3A_649 : i32
      %swap3A = arith.index_cast %mul3A_650 : i32 to index
      %swap3A_651 = tpu.vector_load %arg12[%swap3A] {strides = array<i32>} : memref<8192xf32, #tpu.memory_space<vmem>>, vector<16xf32>,
      %swap3A_652 = vector.shape_cast %swap3A_651 : vector<16xf32> to vector<16xf32>
      %swap3A_653 = vector.shape_cast %broadcast_in_dim3A_648 : vector<16xf32> to vector<16xf32>
      tpu.vector_store %arg12[%swap3A], %swap3A_653 {strides = array<i32>} : memref<8192xf32, #tpu.memory_space<vmem>>, vector<16xf32>,
    }
    %scan3A_10 = arith.constant 512 : i32
    %mul3A = arith.constant 31248 : i32
    %mul3A_11 = arith.muli %arg1, %mul3A : i32
    %min3A = arith.constant 467232 : i32
    %min3A_12 = arith.minsi %mul3A_11, %min3A : i32
    %mul3A_13 = arith.constant 65536 : i32
    %mul3A_14 = arith.muli %arg1, %mul3A_13 : i32
    %mul3A_15 = arith.constant 2 : i32
    %mul3A_16 = arith.muli %mul3A_15, %arg0 : i32
    %add3A = arith.constant 0 : i32
    %add3A_17 = arith.addi %mul3A_16, %add3A : i32
    %add3A_18 = arith.constant 0 : i32
    %add3A_19 = arith.addi %mul3A_14, %add3A_18 : i32
    %dma_start3A = tpu.memref_slice %arg13[%add3A_19] : memref<1056768xf32, #tpu.memory_space<vmem_shared>> -> memref<8192xf32, #tpu.memory_space<vmem_shared>>
    %dma_start3A_20 = tpu.memref_slice %arg13[%add3A_19] : memref<1056768xf32, #tpu.memory_space<vmem_shared>> -> memref<8192xf32, #tpu.memory_space<vmem_shared>>
    tpu.enqueue_dma source(%arg6 : memref<8192xf32, #tpu.memory_space<vmem>>) target(%dma_start3A_20 : memref<8192xf32, #tpu.memory_space<vmem_shared>>) target_semaphore(%arg14 : memref<!tpu.dma_semaphore, #tpu.memory_space<semaphore_mem>>)
    %add3A_21 = arith.constant 8192 : i32
    %add3A_22 = arith.addi %mul3A_14, %add3A_21 : i32
    %dma_start3A_23 = tpu.memref_slice %arg13[%add3A_22] : memref<1056768xf32, #tpu.memory_space<vmem_shared>> -> memref<8192xf32, #tpu.memory_space<vmem_shared>>
    %dma_start3A_24 = tpu.memref_slice %arg13[%add3A_22] : memref<1056768xf32, #tpu.memory_space<vmem_shared>> -> memref<8192xf32, #tpu.memory_space<vmem_shared>>
    tpu.enqueue_dma source(%arg6 : memref<8192xf32, #tpu.memory_space<vmem>>) target(%dma_start3A_24 : memref<8192xf32, #tpu.memory_space<vmem_shared>>) target_semaphore(%arg14 : memref<!tpu.dma_semaphore, #tpu.memory_space<semaphore_mem>>)
    %add3A_25 = arith.constant 16384 : i32
    %add3A_26 = arith.addi %mul3A_14, %add3A_25 : i32
    %dma_start3A_27 = tpu.memref_slice %arg13[%add3A_26] : memref<1056768xf32, #tpu.memory_space<vmem_shared>> -> memref<8192xf32, #tpu.memory_space<vmem_shared>>
    %dma_start3A_28 = tpu.memref_slice %arg13[%add3A_26] : memref<1056768xf32, #tpu.memory_space<vmem_shared>> -> memref<8192xf32, #tpu.memory_space<vmem_shared>>
    tpu.enqueue_dma source(%arg6 : memref<8192xf32, #tpu.memory_space<vmem>>) target(%dma_start3A_28 : memref<8192xf32, #tpu.memory_space<vmem_shared>>) target_semaphore(%arg14 : memref<!tpu.dma_semaphore, #tpu.memory_space<semaphore_mem>>)
    %add3A_29 = arith.constant 24576 : i32
    %add3A_30 = arith.addi %mul3A_14, %add3A_29 : i32
    %dma_start3A_31 = tpu.memref_slice %arg13[%add3A_30] : memref<1056768xf32, #tpu.memory_space<vmem_shared>> -> memref<8192xf32, #tpu.memory_space<vmem_shared>>
    %dma_start3A_32 = tpu.memref_slice %arg13[%add3A_30] : memref<1056768xf32, #tpu.memory_space<vmem_shared>> -> memref<8192xf32, #tpu.memory_space<vmem_shared>>
    tpu.enqueue_dma source(%arg6 : memref<8192xf32, #tpu.memory_space<vmem>>) target(%dma_start3A_32 : memref<8192xf32, #tpu.memory_space<vmem_shared>>) target_semaphore(%arg14 : memref<!tpu.dma_semaphore, #tpu.memory_space<semaphore_mem>>)
    %add3A_33 = arith.constant 32768 : i32
    %add3A_34 = arith.addi %mul3A_14, %add3A_33 : i32
    %dma_start3A_35 = tpu.memref_slice %arg13[%add3A_34] : memref<1056768xf32, #tpu.memory_space<vmem_shared>> -> memref<8192xf32, #tpu.memory_space<vmem_shared>>
    %dma_start3A_36 = tpu.memref_slice %arg13[%add3A_34] : memref<1056768xf32, #tpu.memory_space<vmem_shared>> -> memref<8192xf32, #tpu.memory_space<vmem_shared>>
    tpu.enqueue_dma source(%arg6 : memref<8192xf32, #tpu.memory_space<vmem>>) target(%dma_start3A_36 : memref<8192xf32, #tpu.memory_space<vmem_shared>>) target_semaphore(%arg14 : memref<!tpu.dma_semaphore, #tpu.memory_space<semaphore_mem>>)
    %add3A_37 = arith.constant 40960 : i32
    %add3A_38 = arith.addi %mul3A_14, %add3A_37 : i32
    %dma_start3A_39 = tpu.memref_slice %arg13[%add3A_38] : memref<1056768xf32, #tpu.memory_space<vmem_shared>> -> memref<8192xf32, #tpu.memory_space<vmem_shared>>
    %dma_start3A_40 = tpu.memref_slice %arg13[%add3A_38] : memref<1056768xf32, #tpu.memory_space<vmem_shared>> -> memref<8192xf32, #tpu.memory_space<vmem_shared>>
    tpu.enqueue_dma source(%arg6 : memref<8192xf32, #tpu.memory_space<vmem>>) target(%dma_start3A_40 : memref<8192xf32, #tpu.memory_space<vmem_shared>>) target_semaphore(%arg14 : memref<!tpu.dma_semaphore, #tpu.memory_space<semaphore_mem>>)
    %add3A_41 = arith.constant 49152 : i32
    %add3A_42 = arith.addi %mul3A_14, %add3A_41 : i32
    %dma_start3A_43 = tpu.memref_slice %arg13[%add3A_42] : memref<1056768xf32, #tpu.memory_space<vmem_shared>> -> memref<8192xf32, #tpu.memory_space<vmem_shared>>
    %dma_start3A_44 = tpu.memref_slice %arg13[%add3A_42] : memref<1056768xf32, #tpu.memory_space<vmem_shared>> -> memref<8192xf32, #tpu.memory_space<vmem_shared>>
    tpu.enqueue_dma source(%arg6 : memref<8192xf32, #tpu.memory_space<vmem>>) target(%dma_start3A_44 : memref<8192xf32, #tpu.memory_space<vmem_shared>>) target_semaphore(%arg14 : memref<!tpu.dma_semaphore, #tpu.memory_space<semaphore_mem>>)
    %add3A_45 = arith.constant 57344 : i32
    %add3A_46 = arith.addi %mul3A_14, %add3A_45 : i32
    %dma_start3A_47 = tpu.memref_slice %arg13[%add3A_46] : memref<1056768xf32, #tpu.memory_space<vmem_shared>> -> memref<8192xf32, #tpu.memory_space<vmem_shared>>
    %dma_start3A_48 = tpu.memref_slice %arg13[%add3A_46] : memref<1056768xf32, #tpu.memory_space<vmem_shared>> -> memref<8192xf32, #tpu.memory_space<vmem_shared>>
    tpu.enqueue_dma source(%arg6 : memref<8192xf32, #tpu.memory_space<vmem>>) target(%dma_start3A_48 : memref<8192xf32, #tpu.memory_space<vmem_shared>>) target_semaphore(%arg14 : memref<!tpu.dma_semaphore, #tpu.memory_space<semaphore_mem>>)
    %dma_wait3A = tpu.memref_slice %arg13[%mul3A_14] : memref<1056768xf32, #tpu.memory_space<vmem_shared>> -> memref<8192xf32, #tpu.memory_space<vmem_shared>>
    %dma_wait3A_49 = tpu.memref_slice %arg13[%mul3A_14] : memref<1056768xf32, #tpu.memory_space<vmem_shared>> -> memref<8192xf32, #tpu.memory_space<vmem_shared>>
    tpu.wait_dma2 semaphore(%arg14 : memref<!tpu.dma_semaphore, #tpu.memory_space<semaphore_mem>>) src(%arg6 : memref<8192xf32, #tpu.memory_space<vmem>>) dst(%dma_wait3A_49 : memref<8192xf32, #tpu.memory_space<vmem_shared>>)
    %dma_wait3A_50 = tpu.memref_slice %arg13[%mul3A_14] : memref<1056768xf32, #tpu.memory_space<vmem_shared>> -> memref<8192xf32, #tpu.memory_space<vmem_shared>>
    %dma_wait3A_51 = tpu.memref_slice %arg13[%mul3A_14] : memref<1056768xf32, #tpu.memory_space<vmem_shared>> -> memref<8192xf32, #tpu.memory_space<vmem_shared>>
    tpu.wait_dma2 semaphore(%arg14 : memref<!tpu.dma_semaphore, #tpu.memory_space<semaphore_mem>>) src(%arg6 : memref<8192xf32, #tpu.memory_space<vmem>>) dst(%dma_wait3A_51 : memref<8192xf32, #tpu.memory_space<vmem_shared>>)
    %dma_wait3A_52 = tpu.memref_slice %arg13[%mul3A_14] : memref<1056768xf32, #tpu.memory_space<vmem_shared>> -> memref<8192xf32, #tpu.memory_space<vmem_shared>>
    %dma_wait3A_53 = tpu.memref_slice %arg13[%mul3A_14] : memref<1056768xf32, #tpu.memory_space<vmem_shared>> -> memref<8192xf32, #tpu.memory_space<vmem_shared>>
    tpu.wait_dma2 semaphore(%arg14 : memref<!tpu.dma_semaphore, #tpu.memory_space<semaphore_mem>>) src(%arg6 : memref<8192xf32, #tpu.memory_space<vmem>>) dst(%dma_wait3A_53 : memref<8192xf32, #tpu.memory_space<vmem_shared>>)
    %dma_wait3A_54 = tpu.memref_slice %arg13[%mul3A_14] : memref<1056768xf32, #tpu.memory_space<vmem_shared>> -> memref<8192xf32, #tpu.memory_space<vmem_shared>>
    %dma_wait3A_55 = tpu.memref_slice %arg13[%mul3A_14] : memref<1056768xf32, #tpu.memory_space<vmem_shared>> -> memref<8192xf32, #tpu.memory_space<vmem_shared>>
    tpu.wait_dma2 semaphore(%arg14 : memref<!tpu.dma_semaphore, #tpu.memory_space<semaphore_mem>>) src(%arg6 : memref<8192xf32, #tpu.memory_space<vmem>>) dst(%dma_wait3A_55 : memref<8192xf32, #tpu.memory_space<vmem_shared>>)
    %dma_wait3A_56 = tpu.memref_slice %arg13[%mul3A_14] : memref<1056768xf32, #tpu.memory_space<vmem_shared>> -> memref<8192xf32, #tpu.memory_space<vmem_shared>>
    %dma_wait3A_57 = tpu.memref_slice %arg13[%mul3A_14] : memref<1056768xf32, #tpu.memory_space<vmem_shared>> -> memref<8192xf32, #tpu.memory_space<vmem_shared>>
    tpu.wait_dma2 semaphore(%arg14 : memref<!tpu.dma_semaphore, #tpu.memory_space<semaphore_mem>>) src(%arg6 : memref<8192xf32, #tpu.memory_space<vmem>>) dst(%dma_wait3A_57 : memref<8192xf32, #tpu.memory_space<vmem_shared>>)
    %dma_wait3A_58 = tpu.memref_slice %arg13[%mul3A_14] : memref<1056768xf32, #tpu.memory_space<vmem_shared>> -> memref<8192xf32, #tpu.memory_space<vmem_shared>>
    %dma_wait3A_59 = tpu.memref_slice %arg13[%mul3A_14] : memref<1056768xf32, #tpu.memory_space<vmem_shared>> -> memref<8192xf32, #tpu.memory_space<vmem_shared>>
    tpu.wait_dma2 semaphore(%arg14 : memref<!tpu.dma_semaphore, #tpu.memory_space<semaphore_mem>>) src(%arg6 : memref<8192xf32, #tpu.memory_space<vmem>>) dst(%dma_wait3A_59 : memref<8192xf32, #tpu.memory_space<vmem_shared>>)
    %dma_wait3A_60 = tpu.memref_slice %arg13[%mul3A_14] : memref<1056768xf32, #tpu.memory_space<vmem_shared>> -> memref<8192xf32, #tpu.memory_space<vmem_shared>>
    %dma_wait3A_61 = tpu.memref_slice %arg13[%mul3A_14] : memref<1056768xf32, #tpu.memory_space<vmem_shared>> -> memref<8192xf32, #tpu.memory_space<vmem_shared>>
    tpu.wait_dma2 semaphore(%arg14 : memref<!tpu.dma_semaphore, #tpu.memory_space<semaphore_mem>>) src(%arg6 : memref<8192xf32, #tpu.memory_space<vmem>>) dst(%dma_wait3A_61 : memref<8192xf32, #tpu.memory_space<vmem_shared>>)
    %dma_wait3A_62 = tpu.memref_slice %arg13[%mul3A_14] : memref<1056768xf32, #tpu.memory_space<vmem_shared>> -> memref<8192xf32, #tpu.memory_space<vmem_shared>>
    %dma_wait3A_63 = tpu.memref_slice %arg13[%mul3A_14] : memref<1056768xf32, #tpu.memory_space<vmem_shared>> -> memref<8192xf32, #tpu.memory_space<vmem_shared>>
    tpu.wait_dma2 semaphore(%arg14 : memref<!tpu.dma_semaphore, #tpu.memory_space<semaphore_mem>>) src(%arg6 : memref<8192xf32, #tpu.memory_space<vmem>>) dst(%dma_wait3A_63 : memref<8192xf32, #tpu.memory_space<vmem_shared>>)
    %barrier3A = arith.constant 0 : index
    tpu.barrier barrier_id(%barrier3A)
    %mul3A_64 = arith.constant 500000 : i32
    %mul3A_65 = arith.muli %add3A_17, %mul3A_64 : i32
    %add3A_66 = arith.addi %mul3A_65, %min3A_12 : i32
    %add3A_67 = arith.constant 0 : i32
    %add3A_68 = arith.addi %add3A_66, %add3A_67 : i32
    %dma_start3A_69 = tpu.memref_slice %arg2[%add3A_68] : memref<2000000xi32, #tpu.memory_space<hbm>> -> memref<8192xi32, #tpu.memory_space<hbm>>
    %dma_start3A_70 = tpu.memref_slice %arg2[%add3A_68] : memref<2000000xi32, #tpu.memory_space<hbm>> -> memref<8192xi32, #tpu.memory_space<hbm>>
    tpu.enqueue_dma source(%dma_start3A_70 : memref<8192xi32, #tpu.memory_space<hbm>>) target(%arg7 : memref<8192xi32, #tpu.memory_space<vmem>>) target_semaphore(%arg14 : memref<!tpu.dma_semaphore, #tpu.memory_space<semaphore_mem>>)
    %dma_start3A_71 = tpu.memref_slice %arg3[%add3A_68] : memref<2000000xi32, #tpu.memory_space<hbm>> -> memref<8192xi32, #tpu.memory_space<hbm>>
    %dma_start3A_72 = tpu.memref_slice %arg3[%add3A_68] : memref<2000000xi32, #tpu.memory_space<hbm>> -> memref<8192xi32, #tpu.memory_space<hbm>>
    tpu.enqueue_dma source(%dma_start3A_72 : memref<8192xi32, #tpu.memory_space<hbm>>) target(%arg8 : memref<8192xi32, #tpu.memory_space<vmem>>) target_semaphore(%arg14 : memref<!tpu.dma_semaphore, #tpu.memory_space<semaphore_mem>>)
    %dma_start3A_73 = tpu.memref_slice %arg4[%add3A_68] : memref<2000000xi32, #tpu.memory_space<hbm>> -> memref<8192xi32, #tpu.memory_space<hbm>>
    %dma_start3A_74 = tpu.memref_slice %arg4[%add3A_68] : memref<2000000xi32, #tpu.memory_space<hbm>> -> memref<8192xi32, #tpu.memory_space<hbm>>
    tpu.enqueue_dma source(%dma_start3A_74 : memref<8192xi32, #tpu.memory_space<hbm>>) target(%arg9 : memref<8192xi32, #tpu.memory_space<vmem>>) target_semaphore(%arg14 : memref<!tpu.dma_semaphore, #tpu.memory_space<semaphore_mem>>)
    %dma_wait3A_75 = tpu.memref_slice %arg2[%add3A_68] : memref<2000000xi32, #tpu.memory_space<hbm>> -> memref<8192xi32, #tpu.memory_space<hbm>>
    %dma_wait3A_76 = tpu.memref_slice %arg2[%add3A_68] : memref<2000000xi32, #tpu.memory_space<hbm>> -> memref<8192xi32, #tpu.memory_space<hbm>>
    tpu.wait_dma2 semaphore(%arg14 : memref<!tpu.dma_semaphore, #tpu.memory_space<semaphore_mem>>) src(%dma_wait3A_76 : memref<8192xi32, #tpu.memory_space<hbm>>) dst(%arg7 : memref<8192xi32, #tpu.memory_space<vmem>>)
    %dma_wait3A_77 = tpu.memref_slice %arg3[%add3A_68] : memref<2000000xi32, #tpu.memory_space<hbm>> -> memref<8192xi32, #tpu.memory_space<hbm>>
    %dma_wait3A_78 = tpu.memref_slice %arg3[%add3A_68] : memref<2000000xi32, #tpu.memory_space<hbm>> -> memref<8192xi32, #tpu.memory_space<hbm>>
    tpu.wait_dma2 semaphore(%arg14 : memref<!tpu.dma_semaphore, #tpu.memory_space<semaphore_mem>>) src(%dma_wait3A_78 : memref<8192xi32, #tpu.memory_space<hbm>>) dst(%arg8 : memref<8192xi32, #tpu.memory_space<vmem>>)
    %dma_wait3A_79 = tpu.memref_slice %arg4[%add3A_68] : memref<2000000xi32, #tpu.memory_space<hbm>> -> memref<8192xi32, #tpu.memory_space<hbm>>
    %dma_wait3A_80 = tpu.memref_slice %arg4[%add3A_68] : memref<2000000xi32, #tpu.memory_space<hbm>> -> memref<8192xi32, #tpu.memory_space<hbm>>
    tpu.wait_dma2 semaphore(%arg14 : memref<!tpu.dma_semaphore, #tpu.memory_space<semaphore_mem>>) src(%dma_wait3A_80 : memref<8192xi32, #tpu.memory_space<hbm>>) dst(%arg9 : memref<8192xi32, #tpu.memory_space<vmem>>)
    %scan3A_81 = arith.constant 0 : i32
    %scan3A_82 = arith.constant 0 : i32
    %scan3A_83 = arith.constant 512 : i32
    %scan3A_84 = arith.addi %scan3A_82, %scan3A_83 : i32
    %scan3A_85 = arith.constant 1 : i32
    scf.for %scan3A_647 = %scan3A_82 to %scan3A_84 step %scan3A_85  : i32 {
      %mul3A_648 = arith.constant 16 : i32
      %mul3A_649 = arith.muli %scan3A_647, %mul3A_648 : i32
      %get3A = arith.index_cast %mul3A_649 : i32 to index
      %get3A_650 = tpu.vector_load %arg7[%get3A] {strides = array<i32>} : memref<8192xi32, #tpu.memory_space<vmem>>, vector<16xi32>,
      %get3A_651 = vector.shape_cast %get3A_650 : vector<16xi32> to vector<16xi32>
      %mul3A_652 = arith.constant 16 : i32
      %mul3A_653 = arith.muli %scan3A_647, %mul3A_652 : i32
      %get3A_654 = arith.index_cast %mul3A_653 : i32 to index
      %get3A_655 = tpu.vector_load %arg8[%get3A_654] {strides = array<i32>} : memref<8192xi32, #tpu.memory_space<vmem>>, vector<16xi32>,
      %get3A_656 = vector.shape_cast %get3A_655 : vector<16xi32> to vector<16xi32>
      %mul3A_657 = arith.constant 16 : i32
      %mul3A_658 = arith.muli %scan3A_647, %mul3A_657 : i32
      %get3A_659 = arith.index_cast %mul3A_658 : i32 to index
      %get3A_660 = tpu.vector_load %arg9[%get3A_659] {strides = array<i32>} : memref<8192xi32, #tpu.memory_space<vmem>>, vector<16xi32>,
      %get3A_661 = vector.shape_cast %get3A_660 : vector<16xi32> to vector<16xi32>
      %ge3A = arith.constant 0 : i32
      %ge3A_662 = vector.broadcast %ge3A : i32 to vector<16xi32>
      %ge3A_663 = arith.cmpi sge, %get3A_661, %ge3A_662 : vector<16xi32>
      %lt3A = arith.constant 64 : i32
      %lt3A_664 = vector.broadcast %lt3A : i32 to vector<16xi32>
      %lt3A_665 = arith.cmpi slt, %get3A_661, %lt3A_664 : vector<16xi32>
      %and3A = arith.andi %ge3A_663, %lt3A_665 : vector<16xi1>
      %mul3A_666 = arith.constant 8192 : i32
      %mul3A_667 = vector.broadcast %mul3A_666 : i32 to vector<16xi32>
      %mul3A_668 = arith.muli %get3A_651, %mul3A_667 : vector<16xi32>
      %mul3A_669 = arith.constant 64 : i32
      %mul3A_670 = vector.broadcast %mul3A_669 : i32 to vector<16xi32>
      %mul3A_671 = arith.muli %get3A_656, %mul3A_670 : vector<16xi32>
      %add3A_672 = arith.addi %mul3A_668, %mul3A_671 : vector<16xi32>
      %sub3A = arith.constant 0 : i32
      %sub3A_673 = vector.broadcast %sub3A : i32 to vector<16xi32>
      %sub3A_674 = arith.subi %get3A_661, %sub3A_673 : vector<16xi32>
      %add3A_675 = arith.addi %add3A_672, %sub3A_674 : vector<16xi32>
      %mul3A_676 = arith.constant 16 : i32
      %mul3A_677 = arith.muli %scan3A_647, %mul3A_676 : i32
      %add3A_678 = arith.constant 1048576 : i32
      %add3A_679 = arith.addi %add3A_678, %mul3A_677 : i32
      %iota3A = tpu.iota {dimensions = array<i32: 0>} : vector<16xi32>
      %add3A_680 = vector.broadcast %add3A_679 : i32 to vector<16xi32>
      %add3A_681 = arith.addi %add3A_680, %iota3A : vector<16xi32>
      %select_n3A = arith.select %and3A, %add3A_675, %add3A_681 : vector<16xi1>, vector<16xi32>
      %mul3A_682 = arith.constant 16 : i32
      %mul3A_683 = arith.muli %scan3A_647, %mul3A_682 : i32
      %swap3A = arith.index_cast %mul3A_683 : i32 to index
      %swap3A_684 = tpu.vector_load %arg10[%swap3A] {strides = array<i32>} : memref<8192xi32, #tpu.memory_space<vmem>>, vector<16xi32>,
      %swap3A_685 = vector.shape_cast %swap3A_684 : vector<16xi32> to vector<16xi32>
      %swap3A_686 = vector.shape_cast %select_n3A : vector<16xi32> to vector<16xi32>
      tpu.vector_store %arg10[%swap3A], %swap3A_686 {strides = array<i32>} : memref<8192xi32, #tpu.memory_space<vmem>>, vector<16xi32>,
    }
    %scan3A_86 = arith.constant 512 : i32
    %dma_start3A_87 = arith.constant 0 : i32
    %dma_start3A_88 = tpu.memref_slice %arg13[%dma_start3A_87] : memref<1056768xf32, #tpu.memory_space<vmem_shared>> -> memref<1056768xf32, #tpu.memory_space<vmem_shared>>
    tpu.enqueue_indirect_dma source(%arg12 : memref<8192xf32, #tpu.memory_space<vmem>>) target(%dma_start3A_88 : memref<1056768xf32, #tpu.memory_space<vmem_shared>>) offsets(%arg10 : memref<8192xi32, #tpu.memory_space<vmem>>) semaphore(%arg15 : memref<!tpu.dma_semaphore, #tpu.memory_space<semaphore_mem>>) {add = true}
    %add3A_89 = arith.constant 8192 : i32
    %add3A_90 = arith.addi %add3A_66, %add3A_89 : i32
    %dma_start3A_91 = tpu.memref_slice %arg2[%add3A_90] : memref<2000000xi32, #tpu.memory_space<hbm>> -> memref<8192xi32, #tpu.memory_space<hbm>>
    %dma_start3A_92 = tpu.memref_slice %arg2[%add3A_90] : memref<2000000xi32, #tpu.memory_space<hbm>> -> memref<8192xi32, #tpu.memory_space<hbm>>
    tpu.enqueue_dma source(%dma_start3A_92 : memref<8192xi32, #tpu.memory_space<hbm>>) target(%arg7 : memref<8192xi32, #tpu.memory_space<vmem>>) target_semaphore(%arg14 : memref<!tpu.dma_semaphore, #tpu.memory_space<semaphore_mem>>)
    %dma_start3A_93 = tpu.memref_slice %arg3[%add3A_90] : memref<2000000xi32, #tpu.memory_space<hbm>> -> memref<8192xi32, #tpu.memory_space<hbm>>
    %dma_start3A_94 = tpu.memref_slice %arg3[%add3A_90] : memref<2000000xi32, #tpu.memory_space<hbm>> -> memref<8192xi32, #tpu.memory_space<hbm>>
    tpu.enqueue_dma source(%dma_start3A_94 : memref<8192xi32, #tpu.memory_space<hbm>>) target(%arg8 : memref<8192xi32, #tpu.memory_space<vmem>>) target_semaphore(%arg14 : memref<!tpu.dma_semaphore, #tpu.memory_space<semaphore_mem>>)
    %dma_start3A_95 = tpu.memref_slice %arg4[%add3A_90] : memref<2000000xi32, #tpu.memory_space<hbm>> -> memref<8192xi32, #tpu.memory_space<hbm>>
    %dma_start3A_96 = tpu.memref_slice %arg4[%add3A_90] : memref<2000000xi32, #tpu.memory_space<hbm>> -> memref<8192xi32, #tpu.memory_space<hbm>>
    tpu.enqueue_dma source(%dma_start3A_96 : memref<8192xi32, #tpu.memory_space<hbm>>) target(%arg9 : memref<8192xi32, #tpu.memory_space<vmem>>) target_semaphore(%arg14 : memref<!tpu.dma_semaphore, #tpu.memory_space<semaphore_mem>>)
    %dma_wait3A_97 = tpu.memref_slice %arg2[%add3A_90] : memref<2000000xi32, #tpu.memory_space<hbm>> -> memref<8192xi32, #tpu.memory_space<hbm>>
    %dma_wait3A_98 = tpu.memref_slice %arg2[%add3A_90] : memref<2000000xi32, #tpu.memory_space<hbm>> -> memref<8192xi32, #tpu.memory_space<hbm>>
    tpu.wait_dma2 semaphore(%arg14 : memref<!tpu.dma_semaphore, #tpu.memory_space<semaphore_mem>>) src(%dma_wait3A_98 : memref<8192xi32, #tpu.memory_space<hbm>>) dst(%arg7 : memref<8192xi32, #tpu.memory_space<vmem>>)
    %dma_wait3A_99 = tpu.memref_slice %arg3[%add3A_90] : memref<2000000xi32, #tpu.memory_space<hbm>> -> memref<8192xi32, #tpu.memory_space<hbm>>
    %dma_wait3A_100 = tpu.memref_slice %arg3[%add3A_90] : memref<2000000xi32, #tpu.memory_space<hbm>> -> memref<8192xi32, #tpu.memory_space<hbm>>
    tpu.wait_dma2 semaphore(%arg14 : memref<!tpu.dma_semaphore, #tpu.memory_space<semaphore_mem>>) src(%dma_wait3A_100 : memref<8192xi32, #tpu.memory_space<hbm>>) dst(%arg8 : memref<8192xi32, #tpu.memory_space<vmem>>)
    %dma_wait3A_101 = tpu.memref_slice %arg4[%add3A_90] : memref<2000000xi32, #tpu.memory_space<hbm>> -> memref<8192xi32, #tpu.memory_space<hbm>>
    %dma_wait3A_102 = tpu.memref_slice %arg4[%add3A_90] : memref<2000000xi32, #tpu.memory_space<hbm>> -> memref<8192xi32, #tpu.memory_space<hbm>>
    tpu.wait_dma2 semaphore(%arg14 : memref<!tpu.dma_semaphore, #tpu.memory_space<semaphore_mem>>) src(%dma_wait3A_102 : memref<8192xi32, #tpu.memory_space<hbm>>) dst(%arg9 : memref<8192xi32, #tpu.memory_space<vmem>>)
    %scan3A_103 = arith.constant 0 : i32
    %scan3A_104 = arith.constant 0 : i32
    %scan3A_105 = arith.constant 512 : i32
    %scan3A_106 = arith.addi %scan3A_104, %scan3A_105 : i32
    %scan3A_107 = arith.constant 1 : i32
    scf.for %scan3A_647 = %scan3A_104 to %scan3A_106 step %scan3A_107  : i32 {
      %mul3A_648 = arith.constant 16 : i32
      %mul3A_649 = arith.muli %scan3A_647, %mul3A_648 : i32
      %get3A = arith.index_cast %mul3A_649 : i32 to index
      %get3A_650 = tpu.vector_load %arg7[%get3A] {strides = array<i32>} : memref<8192xi32, #tpu.memory_space<vmem>>, vector<16xi32>,
      %get3A_651 = vector.shape_cast %get3A_650 : vector<16xi32> to vector<16xi32>
      %mul3A_652 = arith.constant 16 : i32
      %mul3A_653 = arith.muli %scan3A_647, %mul3A_652 : i32
      %get3A_654 = arith.index_cast %mul3A_653 : i32 to index
      %get3A_655 = tpu.vector_load %arg8[%get3A_654] {strides = array<i32>} : memref<8192xi32, #tpu.memory_space<vmem>>, vector<16xi32>,
      %get3A_656 = vector.shape_cast %get3A_655 : vector<16xi32> to vector<16xi32>
      %mul3A_657 = arith.constant 16 : i32
      %mul3A_658 = arith.muli %scan3A_647, %mul3A_657 : i32
      %get3A_659 = arith.index_cast %mul3A_658 : i32 to index
      %get3A_660 = tpu.vector_load %arg9[%get3A_659] {strides = array<i32>} : memref<8192xi32, #tpu.memory_space<vmem>>, vector<16xi32>,
      %get3A_661 = vector.shape_cast %get3A_660 : vector<16xi32> to vector<16xi32>
      %ge3A = arith.constant 0 : i32
      %ge3A_662 = vector.broadcast %ge3A : i32 to vector<16xi32>
      %ge3A_663 = arith.cmpi sge, %get3A_661, %ge3A_662 : vector<16xi32>
      %lt3A = arith.constant 64 : i32
      %lt3A_664 = vector.broadcast %lt3A : i32 to vector<16xi32>
      %lt3A_665 = arith.cmpi slt, %get3A_661, %lt3A_664 : vector<16xi32>
      %and3A = arith.andi %ge3A_663, %lt3A_665 : vector<16xi1>
      %mul3A_666 = arith.constant 8192 : i32
      %mul3A_667 = vector.broadcast %mul3A_666 : i32 to vector<16xi32>
      %mul3A_668 = arith.muli %get3A_651, %mul3A_667 : vector<16xi32>
      %mul3A_669 = arith.constant 64 : i32
      %mul3A_670 = vector.broadcast %mul3A_669 : i32 to vector<16xi32>
      %mul3A_671 = arith.muli %get3A_656, %mul3A_670 : vector<16xi32>
      %add3A_672 = arith.addi %mul3A_668, %mul3A_671 : vector<16xi32>
      %sub3A = arith.constant 0 : i32
      %sub3A_673 = vector.broadcast %sub3A : i32 to vector<16xi32>
      %sub3A_674 = arith.subi %get3A_661, %sub3A_673 : vector<16xi32>
      %add3A_675 = arith.addi %add3A_672, %sub3A_674 : vector<16xi32>
      %mul3A_676 = arith.constant 16 : i32
      %mul3A_677 = arith.muli %scan3A_647, %mul3A_676 : i32
      %add3A_678 = arith.constant 1048576 : i32
      %add3A_679 = arith.addi %add3A_678, %mul3A_677 : i32
      %iota3A = tpu.iota {dimensions = array<i32: 0>} : vector<16xi32>
      %add3A_680 = vector.broadcast %add3A_679 : i32 to vector<16xi32>
      %add3A_681 = arith.addi %add3A_680, %iota3A : vector<16xi32>
      %select_n3A = arith.select %and3A, %add3A_675, %add3A_681 : vector<16xi1>, vector<16xi32>
      %mul3A_682 = arith.constant 16 : i32
      %mul3A_683 = arith.muli %scan3A_647, %mul3A_682 : i32
      %swap3A = arith.index_cast %mul3A_683 : i32 to index
      %swap3A_684 = tpu.vector_load %arg11[%swap3A] {strides = array<i32>} : memref<8192xi32, #tpu.memory_space<vmem>>, vector<16xi32>,
      %swap3A_685 = vector.shape_cast %swap3A_684 : vector<16xi32> to vector<16xi32>
      %swap3A_686 = vector.shape_cast %select_n3A : vector<16xi32> to vector<16xi32>
      tpu.vector_store %arg11[%swap3A], %swap3A_686 {strides = array<i32>} : memref<8192xi32, #tpu.memory_space<vmem>>, vector<16xi32>,
    }
    %scan3A_108 = arith.constant 512 : i32
    %dma_start3A_109 = arith.constant 0 : i32
    %dma_start3A_110 = tpu.memref_slice %arg13[%dma_start3A_109] : memref<1056768xf32, #tpu.memory_space<vmem_shared>> -> memref<1056768xf32, #tpu.memory_space<vmem_shared>>
    tpu.enqueue_indirect_dma source(%arg12 : memref<8192xf32, #tpu.memory_space<vmem>>) target(%dma_start3A_110 : memref<1056768xf32, #tpu.memory_space<vmem_shared>>) offsets(%arg11 : memref<8192xi32, #tpu.memory_space<vmem>>) semaphore(%arg15 : memref<!tpu.dma_semaphore, #tpu.memory_space<semaphore_mem>>) {add = true}
    %add3A_111 = arith.constant 16384 : i32
    %add3A_112 = arith.addi %add3A_66, %add3A_111 : i32
    %dma_start3A_113 = tpu.memref_slice %arg2[%add3A_112] : memref<2000000xi32, #tpu.memory_space<hbm>> -> memref<8192xi32, #tpu.memory_space<hbm>>
    %dma_start3A_114 = tpu.memref_slice %arg2[%add3A_112] : memref<2000000xi32, #tpu.memory_space<hbm>> -> memref<8192xi32, #tpu.memory_space<hbm>>
    tpu.enqueue_dma source(%dma_start3A_114 : memref<8192xi32, #tpu.memory_space<hbm>>) target(%arg7 : memref<8192xi32, #tpu.memory_space<vmem>>) target_semaphore(%arg14 : memref<!tpu.dma_semaphore, #tpu.memory_space<semaphore_mem>>)
    %dma_start3A_115 = tpu.memref_slice %arg3[%add3A_112] : memref<2000000xi32, #tpu.memory_space<hbm>> -> memref<8192xi32, #tpu.memory_space<hbm>>
    %dma_start3A_116 = tpu.memref_slice %arg3[%add3A_112] : memref<2000000xi32, #tpu.memory_space<hbm>> -> memref<8192xi32, #tpu.memory_space<hbm>>
    tpu.enqueue_dma source(%dma_start3A_116 : memref<8192xi32, #tpu.memory_space<hbm>>) target(%arg8 : memref<8192xi32, #tpu.memory_space<vmem>>) target_semaphore(%arg14 : memref<!tpu.dma_semaphore, #tpu.memory_space<semaphore_mem>>)
    %dma_start3A_117 = tpu.memref_slice %arg4[%add3A_112] : memref<2000000xi32, #tpu.memory_space<hbm>> -> memref<8192xi32, #tpu.memory_space<hbm>>
    %dma_start3A_118 = tpu.memref_slice %arg4[%add3A_112] : memref<2000000xi32, #tpu.memory_space<hbm>> -> memref<8192xi32, #tpu.memory_space<hbm>>
    tpu.enqueue_dma source(%dma_start3A_118 : memref<8192xi32, #tpu.memory_space<hbm>>) target(%arg9 : memref<8192xi32, #tpu.memory_space<vmem>>) target_semaphore(%arg14 : memref<!tpu.dma_semaphore, #tpu.memory_space<semaphore_mem>>)
    %dma_wait3A_119 = arith.constant 0 : i32
    %dma_wait3A_120 = tpu.memref_slice %arg13[%dma_wait3A_119] : memref<1056768xf32, #tpu.memory_space<vmem_shared>> -> memref<1056768xf32, #tpu.memory_space<vmem_shared>>
    tpu.wait_indirect_dma semaphore(%arg15 : memref<!tpu.dma_semaphore, #tpu.memory_space<semaphore_mem>>) src(%arg12 : memref<8192xf32, #tpu.memory_space<vmem>>) dst(%dma_wait3A_120 : memref<1056768xf32, #tpu.memory_space<vmem_shared>>)
    %dma_wait3A_121 = tpu.memref_slice %arg2[%add3A_112] : memref<2000000xi32, #tpu.memory_space<hbm>> -> memref<8192xi32, #tpu.memory_space<hbm>>
    %dma_wait3A_122 = tpu.memref_slice %arg2[%add3A_112] : memref<2000000xi32, #tpu.memory_space<hbm>> -> memref<8192xi32, #tpu.memory_space<hbm>>
    tpu.wait_dma2 semaphore(%arg14 : memref<!tpu.dma_semaphore, #tpu.memory_space<semaphore_mem>>) src(%dma_wait3A_122 : memref<8192xi32, #tpu.memory_space<hbm>>) dst(%arg7 : memref<8192xi32, #tpu.memory_space<vmem>>)
    %dma_wait3A_123 = tpu.memref_slice %arg3[%add3A_112] : memref<2000000xi32, #tpu.memory_space<hbm>> -> memref<8192xi32, #tpu.memory_space<hbm>>
    %dma_wait3A_124 = tpu.memref_slice %arg3[%add3A_112] : memref<2000000xi32, #tpu.memory_space<hbm>> -> memref<8192xi32, #tpu.memory_space<hbm>>
    tpu.wait_dma2 semaphore(%arg14 : memref<!tpu.dma_semaphore, #tpu.memory_space<semaphore_mem>>) src(%dma_wait3A_124 : memref<8192xi32, #tpu.memory_space<hbm>>) dst(%arg8 : memref<8192xi32, #tpu.memory_space<vmem>>)
    %dma_wait3A_125 = tpu.memref_slice %arg4[%add3A_112] : memref<2000000xi32, #tpu.memory_space<hbm>> -> memref<8192xi32, #tpu.memory_space<hbm>>
    %dma_wait3A_126 = tpu.memref_slice %arg4[%add3A_112] : memref<2000000xi32, #tpu.memory_space<hbm>> -> memref<8192xi32, #tpu.memory_space<hbm>>
    tpu.wait_dma2 semaphore(%arg14 : memref<!tpu.dma_semaphore, #tpu.memory_space<semaphore_mem>>) src(%dma_wait3A_126 : memref<8192xi32, #tpu.memory_space<hbm>>) dst(%arg9 : memref<8192xi32, #tpu.memory_space<vmem>>)
    %scan3A_127 = arith.constant 0 : i32
    %scan3A_128 = arith.constant 0 : i32
    %scan3A_129 = arith.constant 512 : i32
    %scan3A_130 = arith.addi %scan3A_128, %scan3A_129 : i32
    %scan3A_131 = arith.constant 1 : i32
    scf.for %scan3A_647 = %scan3A_128 to %scan3A_130 step %scan3A_131  : i32 {
      %mul3A_648 = arith.constant 16 : i32
      %mul3A_649 = arith.muli %scan3A_647, %mul3A_648 : i32
      %get3A = arith.index_cast %mul3A_649 : i32 to index
      %get3A_650 = tpu.vector_load %arg7[%get3A] {strides = array<i32>} : memref<8192xi32, #tpu.memory_space<vmem>>, vector<16xi32>,
      %get3A_651 = vector.shape_cast %get3A_650 : vector<16xi32> to vector<16xi32>
      %mul3A_652 = arith.constant 16 : i32
      %mul3A_653 = arith.muli %scan3A_647, %mul3A_652 : i32
      %get3A_654 = arith.index_cast %mul3A_653 : i32 to index
      %get3A_655 = tpu.vector_load %arg8[%get3A_654] {strides = array<i32>} : memref<8192xi32, #tpu.memory_space<vmem>>, vector<16xi32>,
      %get3A_656 = vector.shape_cast %get3A_655 : vector<16xi32> to vector<16xi32>
      %mul3A_657 = arith.constant 16 : i32
      %mul3A_658 = arith.muli %scan3A_647, %mul3A_657 : i32
      %get3A_659 = arith.index_cast %mul3A_658 : i32 to index
      %get3A_660 = tpu.vector_load %arg9[%get3A_659] {strides = array<i32>} : memref<8192xi32, #tpu.memory_space<vmem>>, vector<16xi32>,
      %get3A_661 = vector.shape_cast %get3A_660 : vector<16xi32> to vector<16xi32>
      %ge3A = arith.constant 0 : i32
      %ge3A_662 = vector.broadcast %ge3A : i32 to vector<16xi32>
      %ge3A_663 = arith.cmpi sge, %get3A_661, %ge3A_662 : vector<16xi32>
      %lt3A = arith.constant 64 : i32
      %lt3A_664 = vector.broadcast %lt3A : i32 to vector<16xi32>
      %lt3A_665 = arith.cmpi slt, %get3A_661, %lt3A_664 : vector<16xi32>
      %and3A = arith.andi %ge3A_663, %lt3A_665 : vector<16xi1>
      %mul3A_666 = arith.constant 8192 : i32
      %mul3A_667 = vector.broadcast %mul3A_666 : i32 to vector<16xi32>
      %mul3A_668 = arith.muli %get3A_651, %mul3A_667 : vector<16xi32>
      %mul3A_669 = arith.constant 64 : i32
      %mul3A_670 = vector.broadcast %mul3A_669 : i32 to vector<16xi32>
      %mul3A_671 = arith.muli %get3A_656, %mul3A_670 : vector<16xi32>
      %add3A_672 = arith.addi %mul3A_668, %mul3A_671 : vector<16xi32>
      %sub3A = arith.constant 0 : i32
      %sub3A_673 = vector.broadcast %sub3A : i32 to vector<16xi32>
      %sub3A_674 = arith.subi %get3A_661, %sub3A_673 : vector<16xi32>
      %add3A_675 = arith.addi %add3A_672, %sub3A_674 : vector<16xi32>
      %mul3A_676 = arith.constant 16 : i32
      %mul3A_677 = arith.muli %scan3A_647, %mul3A_676 : i32
      %add3A_678 = arith.constant 1048576 : i32
      %add3A_679 = arith.addi %add3A_678, %mul3A_677 : i32
      %iota3A = tpu.iota {dimensions = array<i32: 0>} : vector<16xi32>
      %add3A_680 = vector.broadcast %add3A_679 : i32 to vector<16xi32>
      %add3A_681 = arith.addi %add3A_680, %iota3A : vector<16xi32>
      %select_n3A = arith.select %and3A, %add3A_675, %add3A_681 : vector<16xi1>, vector<16xi32>
      %mul3A_682 = arith.constant 16 : i32
      %mul3A_683 = arith.muli %scan3A_647, %mul3A_682 : i32
      %swap3A = arith.index_cast %mul3A_683 : i32 to index
      %swap3A_684 = tpu.vector_load %arg10[%swap3A] {strides = array<i32>} : memref<8192xi32, #tpu.memory_space<vmem>>, vector<16xi32>,
      %swap3A_685 = vector.shape_cast %swap3A_684 : vector<16xi32> to vector<16xi32>
      %swap3A_686 = vector.shape_cast %select_n3A : vector<16xi32> to vector<16xi32>
      tpu.vector_store %arg10[%swap3A], %swap3A_686 {strides = array<i32>} : memref<8192xi32, #tpu.memory_space<vmem>>, vector<16xi32>,
    }
    %scan3A_132 = arith.constant 512 : i32
    %dma_start3A_133 = arith.constant 0 : i32
    %dma_start3A_134 = tpu.memref_slice %arg13[%dma_start3A_133] : memref<1056768xf32, #tpu.memory_space<vmem_shared>> -> memref<1056768xf32, #tpu.memory_space<vmem_shared>>
    tpu.enqueue_indirect_dma source(%arg12 : memref<8192xf32, #tpu.memory_space<vmem>>) target(%dma_start3A_134 : memref<1056768xf32, #tpu.memory_space<vmem_shared>>) offsets(%arg10 : memref<8192xi32, #tpu.memory_space<vmem>>) semaphore(%arg15 : memref<!tpu.dma_semaphore, #tpu.memory_space<semaphore_mem>>) {add = true}
    %add3A_135 = arith.constant 24576 : i32
    %add3A_136 = arith.addi %add3A_66, %add3A_135 : i32
    %dma_start3A_137 = tpu.memref_slice %arg2[%add3A_136] : memref<2000000xi32, #tpu.memory_space<hbm>> -> memref<8192xi32, #tpu.memory_space<hbm>>
    %dma_start3A_138 = tpu.memref_slice %arg2[%add3A_136] : memref<2000000xi32, #tpu.memory_space<hbm>> -> memref<8192xi32, #tpu.memory_space<hbm>>
    tpu.enqueue_dma source(%dma_start3A_138 : memref<8192xi32, #tpu.memory_space<hbm>>) target(%arg7 : memref<8192xi32, #tpu.memory_space<vmem>>) target_semaphore(%arg14 : memref<!tpu.dma_semaphore, #tpu.memory_space<semaphore_mem>>)
    %dma_start3A_139 = tpu.memref_slice %arg3[%add3A_136] : memref<2000000xi32, #tpu.memory_space<hbm>> -> memref<8192xi32, #tpu.memory_space<hbm>>
    %dma_start3A_140 = tpu.memref_slice %arg3[%add3A_136] : memref<2000000xi32, #tpu.memory_space<hbm>> -> memref<8192xi32, #tpu.memory_space<hbm>>
    tpu.enqueue_dma source(%dma_start3A_140 : memref<8192xi32, #tpu.memory_space<hbm>>) target(%arg8 : memref<8192xi32, #tpu.memory_space<vmem>>) target_semaphore(%arg14 : memref<!tpu.dma_semaphore, #tpu.memory_space<semaphore_mem>>)
    %dma_start3A_141 = tpu.memref_slice %arg4[%add3A_136] : memref<2000000xi32, #tpu.memory_space<hbm>> -> memref<8192xi32, #tpu.memory_space<hbm>>
    %dma_start3A_142 = tpu.memref_slice %arg4[%add3A_136] : memref<2000000xi32, #tpu.memory_space<hbm>> -> memref<8192xi32, #tpu.memory_space<hbm>>
    tpu.enqueue_dma source(%dma_start3A_142 : memref<8192xi32, #tpu.memory_space<hbm>>) target(%arg9 : memref<8192xi32, #tpu.memory_space<vmem>>) target_semaphore(%arg14 : memref<!tpu.dma_semaphore, #tpu.memory_space<semaphore_mem>>)
    %dma_wait3A_143 = arith.constant 0 : i32
    %dma_wait3A_144 = tpu.memref_slice %arg13[%dma_wait3A_143] : memref<1056768xf32, #tpu.memory_space<vmem_shared>> -> memref<1056768xf32, #tpu.memory_space<vmem_shared>>
    tpu.wait_indirect_dma semaphore(%arg15 : memref<!tpu.dma_semaphore, #tpu.memory_space<semaphore_mem>>) src(%arg12 : memref<8192xf32, #tpu.memory_space<vmem>>) dst(%dma_wait3A_144 : memref<1056768xf32, #tpu.memory_space<vmem_shared>>)
    %dma_wait3A_145 = tpu.memref_slice %arg2[%add3A_136] : memref<2000000xi32, #tpu.memory_space<hbm>> -> memref<8192xi32, #tpu.memory_space<hbm>>
    %dma_wait3A_146 = tpu.memref_slice %arg2[%add3A_136] : memref<2000000xi32, #tpu.memory_space<hbm>> -> memref<8192xi32, #tpu.memory_space<hbm>>
    tpu.wait_dma2 semaphore(%arg14 : memref<!tpu.dma_semaphore, #tpu.memory_space<semaphore_mem>>) src(%dma_wait3A_146 : memref<8192xi32, #tpu.memory_space<hbm>>) dst(%arg7 : memref<8192xi32, #tpu.memory_space<vmem>>)
    %dma_wait3A_147 = tpu.memref_slice %arg3[%add3A_136] : memref<2000000xi32, #tpu.memory_space<hbm>> -> memref<8192xi32, #tpu.memory_space<hbm>>
    %dma_wait3A_148 = tpu.memref_slice %arg3[%add3A_136] : memref<2000000xi32, #tpu.memory_space<hbm>> -> memref<8192xi32, #tpu.memory_space<hbm>>
    tpu.wait_dma2 semaphore(%arg14 : memref<!tpu.dma_semaphore, #tpu.memory_space<semaphore_mem>>) src(%dma_wait3A_148 : memref<8192xi32, #tpu.memory_space<hbm>>) dst(%arg8 : memref<8192xi32, #tpu.memory_space<vmem>>)
    %dma_wait3A_149 = tpu.memref_slice %arg4[%add3A_136] : memref<2000000xi32, #tpu.memory_space<hbm>> -> memref<8192xi32, #tpu.memory_space<hbm>>
    %dma_wait3A_150 = tpu.memref_slice %arg4[%add3A_136] : memref<2000000xi32, #tpu.memory_space<hbm>> -> memref<8192xi32, #tpu.memory_space<hbm>>
    tpu.wait_dma2 semaphore(%arg14 : memref<!tpu.dma_semaphore, #tpu.memory_space<semaphore_mem>>) src(%dma_wait3A_150 : memref<8192xi32, #tpu.memory_space<hbm>>) dst(%arg9 : memref<8192xi32, #tpu.memory_space<vmem>>)
    %scan3A_151 = arith.constant 0 : i32
    %scan3A_152 = arith.constant 0 : i32
    %scan3A_153 = arith.constant 512 : i32
    %scan3A_154 = arith.addi %scan3A_152, %scan3A_153 : i32
    %scan3A_155 = arith.constant 1 : i32
    scf.for %scan3A_647 = %scan3A_152 to %scan3A_154 step %scan3A_155  : i32 {
      %mul3A_648 = arith.constant 16 : i32
      %mul3A_649 = arith.muli %scan3A_647, %mul3A_648 : i32
      %get3A = arith.index_cast %mul3A_649 : i32 to index
      %get3A_650 = tpu.vector_load %arg7[%get3A] {strides = array<i32>} : memref<8192xi32, #tpu.memory_space<vmem>>, vector<16xi32>,
      %get3A_651 = vector.shape_cast %get3A_650 : vector<16xi32> to vector<16xi32>
      %mul3A_652 = arith.constant 16 : i32
      %mul3A_653 = arith.muli %scan3A_647, %mul3A_652 : i32
      %get3A_654 = arith.index_cast %mul3A_653 : i32 to index
      %get3A_655 = tpu.vector_load %arg8[%get3A_654] {strides = array<i32>} : memref<8192xi32, #tpu.memory_space<vmem>>, vector<16xi32>,
      %get3A_656 = vector.shape_cast %get3A_655 : vector<16xi32> to vector<16xi32>
      %mul3A_657 = arith.constant 16 : i32
      %mul3A_658 = arith.muli %scan3A_647, %mul3A_657 : i32
      %get3A_659 = arith.index_cast %mul3A_658 : i32 to index
      %get3A_660 = tpu.vector_load %arg9[%get3A_659] {strides = array<i32>} : memref<8192xi32, #tpu.memory_space<vmem>>, vector<16xi32>,
      %get3A_661 = vector.shape_cast %get3A_660 : vector<16xi32> to vector<16xi32>
      %ge3A = arith.constant 0 : i32
      %ge3A_662 = vector.broadcast %ge3A : i32 to vector<16xi32>
      %ge3A_663 = arith.cmpi sge, %get3A_661, %ge3A_662 : vector<16xi32>
      %lt3A = arith.constant 64 : i32
      %lt3A_664 = vector.broadcast %lt3A : i32 to vector<16xi32>
      %lt3A_665 = arith.cmpi slt, %get3A_661, %lt3A_664 : vector<16xi32>
      %and3A = arith.andi %ge3A_663, %lt3A_665 : vector<16xi1>
      %mul3A_666 = arith.constant 8192 : i32
      %mul3A_667 = vector.broadcast %mul3A_666 : i32 to vector<16xi32>
      %mul3A_668 = arith.muli %get3A_651, %mul3A_667 : vector<16xi32>
      %mul3A_669 = arith.constant 64 : i32
      %mul3A_670 = vector.broadcast %mul3A_669 : i32 to vector<16xi32>
      %mul3A_671 = arith.muli %get3A_656, %mul3A_670 : vector<16xi32>
      %add3A_672 = arith.addi %mul3A_668, %mul3A_671 : vector<16xi32>
      %sub3A = arith.constant 0 : i32
      %sub3A_673 = vector.broadcast %sub3A : i32 to vector<16xi32>
      %sub3A_674 = arith.subi %get3A_661, %sub3A_673 : vector<16xi32>
      %add3A_675 = arith.addi %add3A_672, %sub3A_674 : vector<16xi32>
      %mul3A_676 = arith.constant 16 : i32
      %mul3A_677 = arith.muli %scan3A_647, %mul3A_676 : i32
      %add3A_678 = arith.constant 1048576 : i32
      %add3A_679 = arith.addi %add3A_678, %mul3A_677 : i32
      %iota3A = tpu.iota {dimensions = array<i32: 0>} : vector<16xi32>
      %add3A_680 = vector.broadcast %add3A_679 : i32 to vector<16xi32>
      %add3A_681 = arith.addi %add3A_680, %iota3A : vector<16xi32>
      %select_n3A = arith.select %and3A, %add3A_675, %add3A_681 : vector<16xi1>, vector<16xi32>
      %mul3A_682 = arith.constant 16 : i32
      %mul3A_683 = arith.muli %scan3A_647, %mul3A_682 : i32
      %swap3A = arith.index_cast %mul3A_683 : i32 to index
      %swap3A_684 = tpu.vector_load %arg11[%swap3A] {strides = array<i32>} : memref<8192xi32, #tpu.memory_space<vmem>>, vector<16xi32>,
      %swap3A_685 = vector.shape_cast %swap3A_684 : vector<16xi32> to vector<16xi32>
      %swap3A_686 = vector.shape_cast %select_n3A : vector<16xi32> to vector<16xi32>
      tpu.vector_store %arg11[%swap3A], %swap3A_686 {strides = array<i32>} : memref<8192xi32, #tpu.memory_space<vmem>>, vector<16xi32>,
    }
    %scan3A_156 = arith.constant 512 : i32
    %dma_start3A_157 = arith.constant 0 : i32
    %dma_start3A_158 = tpu.memref_slice %arg13[%dma_start3A_157] : memref<1056768xf32, #tpu.memory_space<vmem_shared>> -> memref<1056768xf32, #tpu.memory_space<vmem_shared>>
    tpu.enqueue_indirect_dma source(%arg12 : memref<8192xf32, #tpu.memory_space<vmem>>) target(%dma_start3A_158 : memref<1056768xf32, #tpu.memory_space<vmem_shared>>) offsets(%arg11 : memref<8192xi32, #tpu.memory_space<vmem>>) semaphore(%arg15 : memref<!tpu.dma_semaphore, #tpu.memory_space<semaphore_mem>>) {add = true}
    %dma_wait3A_159 = arith.constant 0 : i32
    %dma_wait3A_160 = tpu.memref_slice %arg13[%dma_wait3A_159] : memref<1056768xf32, #tpu.memory_space<vmem_shared>> -> memref<1056768xf32, #tpu.memory_space<vmem_shared>>
    tpu.wait_indirect_dma semaphore(%arg15 : memref<!tpu.dma_semaphore, #tpu.memory_space<semaphore_mem>>) src(%arg12 : memref<8192xf32, #tpu.memory_space<vmem>>) dst(%dma_wait3A_160 : memref<1056768xf32, #tpu.memory_space<vmem_shared>>)
    %dma_wait3A_161 = arith.constant 0 : i32
    %dma_wait3A_162 = tpu.memref_slice %arg13[%dma_wait3A_161] : memref<1056768xf32, #tpu.memory_space<vmem_shared>> -> memref<1056768xf32, #tpu.memory_space<vmem_shared>>
    tpu.wait_indirect_dma semaphore(%arg15 : memref<!tpu.dma_semaphore, #tpu.memory_space<semaphore_mem>>) src(%arg12 : memref<8192xf32, #tpu.memory_space<vmem>>) dst(%dma_wait3A_162 : memref<1056768xf32, #tpu.memory_space<vmem_shared>>)
    %barrier3A_163 = arith.constant 0 : index
    tpu.barrier barrier_id(%barrier3A_163)
    %mul3A_164 = arith.constant 2097152 : i32
    %mul3A_165 = arith.muli %add3A_17, %mul3A_164 : i32
    %add3A_166 = arith.constant 0 : i32
    %add3A_167 = arith.addi %mul3A_165, %add3A_166 : i32
    %add3A_168 = arith.addi %add3A_167, %mul3A_14 : i32
    "tpu.region"() ({
      %run_scoped3A = tpu.sem_alloc : memref<!tpu.dma_semaphore, #tpu.memory_space<semaphore_mem>>
      %dma_start3A_647 = tpu.memref_slice %arg5[%add3A_168] : memref<8388608xf32, #tpu.memory_space<hbm>> -> memref<65536xf32, #tpu.memory_space<hbm>>
      %dma_start3A_648 = tpu.memref_slice %arg13[%mul3A_14] : memref<1056768xf32, #tpu.memory_space<vmem_shared>> -> memref<65536xf32, #tpu.memory_space<vmem_shared>>
      tpu.enqueue_dma source(%dma_start3A_648 : memref<65536xf32, #tpu.memory_space<vmem_shared>>) target(%dma_start3A_647 : memref<65536xf32, #tpu.memory_space<hbm>>) target_semaphore(%run_scoped3A : memref<!tpu.dma_semaphore, #tpu.memory_space<semaphore_mem>>)
      %dma_wait3A_649 = tpu.memref_slice %arg5[%add3A_168] : memref<8388608xf32, #tpu.memory_space<hbm>> -> memref<65536xf32, #tpu.memory_space<hbm>>
      %dma_wait3A_650 = tpu.memref_slice %arg13[%mul3A_14] : memref<1056768xf32, #tpu.memory_space<vmem_shared>> -> memref<65536xf32, #tpu.memory_space<vmem_shared>>
      tpu.wait_dma2 semaphore(%run_scoped3A : memref<!tpu.dma_semaphore, #tpu.memory_space<semaphore_mem>>) src(%dma_wait3A_650 : memref<65536xf32, #tpu.memory_space<vmem_shared>>) dst(%dma_wait3A_649 : memref<65536xf32, #tpu.memory_space<hbm>>)
      tpu.yield
    }) : () -> ()
    %barrier3A_169 = arith.constant 0 : index
    tpu.barrier barrier_id(%barrier3A_169)
    %mul3A_170 = arith.constant 2 : i32
    %mul3A_171 = arith.muli %mul3A_170, %arg0 : i32
    %add3A_172 = arith.constant 0 : i32
    %add3A_173 = arith.addi %mul3A_171, %add3A_172 : i32
    %add3A_174 = arith.constant 0 : i32
    %add3A_175 = arith.addi %mul3A_14, %add3A_174 : i32
    %dma_start3A_176 = tpu.memref_slice %arg13[%add3A_175] : memref<1056768xf32, #tpu.memory_space<vmem_shared>> -> memref<8192xf32, #tpu.memory_space<vmem_shared>>
    %dma_start3A_177 = tpu.memref_slice %arg13[%add3A_175] : memref<1056768xf32, #tpu.memory_space<vmem_shared>> -> memref<8192xf32, #tpu.memory_space<vmem_shared>>
    tpu.enqueue_dma source(%arg6 : memref<8192xf32, #tpu.memory_space<vmem>>) target(%dma_start3A_177 : memref<8192xf32, #tpu.memory_space<vmem_shared>>) target_semaphore(%arg14 : memref<!tpu.dma_semaphore, #tpu.memory_space<semaphore_mem>>)
    %add3A_178 = arith.constant 8192 : i32
    %add3A_179 = arith.addi %mul3A_14, %add3A_178 : i32
    %dma_start3A_180 = tpu.memref_slice %arg13[%add3A_179] : memref<1056768xf32, #tpu.memory_space<vmem_shared>> -> memref<8192xf32, #tpu.memory_space<vmem_shared>>
    %dma_start3A_181 = tpu.memref_slice %arg13[%add3A_179] : memref<1056768xf32, #tpu.memory_space<vmem_shared>> -> memref<8192xf32, #tpu.memory_space<vmem_shared>>
    tpu.enqueue_dma source(%arg6 : memref<8192xf32, #tpu.memory_space<vmem>>) target(%dma_start3A_181 : memref<8192xf32, #tpu.memory_space<vmem_shared>>) target_semaphore(%arg14 : memref<!tpu.dma_semaphore, #tpu.memory_space<semaphore_mem>>)
    %add3A_182 = arith.constant 16384 : i32
    %add3A_183 = arith.addi %mul3A_14, %add3A_182 : i32
    %dma_start3A_184 = tpu.memref_slice %arg13[%add3A_183] : memref<1056768xf32, #tpu.memory_space<vmem_shared>> -> memref<8192xf32, #tpu.memory_space<vmem_shared>>
    %dma_start3A_185 = tpu.memref_slice %arg13[%add3A_183] : memref<1056768xf32, #tpu.memory_space<vmem_shared>> -> memref<8192xf32, #tpu.memory_space<vmem_shared>>
    tpu.enqueue_dma source(%arg6 : memref<8192xf32, #tpu.memory_space<vmem>>) target(%dma_start3A_185 : memref<8192xf32, #tpu.memory_space<vmem_shared>>) target_semaphore(%arg14 : memref<!tpu.dma_semaphore, #tpu.memory_space<semaphore_mem>>)
    %add3A_186 = arith.constant 24576 : i32
    %add3A_187 = arith.addi %mul3A_14, %add3A_186 : i32
    %dma_start3A_188 = tpu.memref_slice %arg13[%add3A_187] : memref<1056768xf32, #tpu.memory_space<vmem_shared>> -> memref<8192xf32, #tpu.memory_space<vmem_shared>>
    %dma_start3A_189 = tpu.memref_slice %arg13[%add3A_187] : memref<1056768xf32, #tpu.memory_space<vmem_shared>> -> memref<8192xf32, #tpu.memory_space<vmem_shared>>
    tpu.enqueue_dma source(%arg6 : memref<8192xf32, #tpu.memory_space<vmem>>) target(%dma_start3A_189 : memref<8192xf32, #tpu.memory_space<vmem_shared>>) target_semaphore(%arg14 : memref<!tpu.dma_semaphore, #tpu.memory_space<semaphore_mem>>)
    %add3A_190 = arith.constant 32768 : i32
    %add3A_191 = arith.addi %mul3A_14, %add3A_190 : i32
    %dma_start3A_192 = tpu.memref_slice %arg13[%add3A_191] : memref<1056768xf32, #tpu.memory_space<vmem_shared>> -> memref<8192xf32, #tpu.memory_space<vmem_shared>>
    %dma_start3A_193 = tpu.memref_slice %arg13[%add3A_191] : memref<1056768xf32, #tpu.memory_space<vmem_shared>> -> memref<8192xf32, #tpu.memory_space<vmem_shared>>
    tpu.enqueue_dma source(%arg6 : memref<8192xf32, #tpu.memory_space<vmem>>) target(%dma_start3A_193 : memref<8192xf32, #tpu.memory_space<vmem_shared>>) target_semaphore(%arg14 : memref<!tpu.dma_semaphore, #tpu.memory_space<semaphore_mem>>)
    %add3A_194 = arith.constant 40960 : i32
    %add3A_195 = arith.addi %mul3A_14, %add3A_194 : i32
    %dma_start3A_196 = tpu.memref_slice %arg13[%add3A_195] : memref<1056768xf32, #tpu.memory_space<vmem_shared>> -> memref<8192xf32, #tpu.memory_space<vmem_shared>>
    %dma_start3A_197 = tpu.memref_slice %arg13[%add3A_195] : memref<1056768xf32, #tpu.memory_space<vmem_shared>> -> memref<8192xf32, #tpu.memory_space<vmem_shared>>
    tpu.enqueue_dma source(%arg6 : memref<8192xf32, #tpu.memory_space<vmem>>) target(%dma_start3A_197 : memref<8192xf32, #tpu.memory_space<vmem_shared>>) target_semaphore(%arg14 : memref<!tpu.dma_semaphore, #tpu.memory_space<semaphore_mem>>)
    %add3A_198 = arith.constant 49152 : i32
    %add3A_199 = arith.addi %mul3A_14, %add3A_198 : i32
    %dma_start3A_200 = tpu.memref_slice %arg13[%add3A_199] : memref<1056768xf32, #tpu.memory_space<vmem_shared>> -> memref<8192xf32, #tpu.memory_space<vmem_shared>>
    %dma_start3A_201 = tpu.memref_slice %arg13[%add3A_199] : memref<1056768xf32, #tpu.memory_space<vmem_shared>> -> memref<8192xf32, #tpu.memory_space<vmem_shared>>
    tpu.enqueue_dma source(%arg6 : memref<8192xf32, #tpu.memory_space<vmem>>) target(%dma_start3A_201 : memref<8192xf32, #tpu.memory_space<vmem_shared>>) target_semaphore(%arg14 : memref<!tpu.dma_semaphore, #tpu.memory_space<semaphore_mem>>)
    %add3A_202 = arith.constant 57344 : i32
    %add3A_203 = arith.addi %mul3A_14, %add3A_202 : i32
    %dma_start3A_204 = tpu.memref_slice %arg13[%add3A_203] : memref<1056768xf32, #tpu.memory_space<vmem_shared>> -> memref<8192xf32, #tpu.memory_space<vmem_shared>>
    %dma_start3A_205 = tpu.memref_slice %arg13[%add3A_203] : memref<1056768xf32, #tpu.memory_space<vmem_shared>> -> memref<8192xf32, #tpu.memory_space<vmem_shared>>
    tpu.enqueue_dma source(%arg6 : memref<8192xf32, #tpu.memory_space<vmem>>) target(%dma_start3A_205 : memref<8192xf32, #tpu.memory_space<vmem_shared>>) target_semaphore(%arg14 : memref<!tpu.dma_semaphore, #tpu.memory_space<semaphore_mem>>)
    %dma_wait3A_206 = tpu.memref_slice %arg13[%mul3A_14] : memref<1056768xf32, #tpu.memory_space<vmem_shared>> -> memref<8192xf32, #tpu.memory_space<vmem_shared>>
    %dma_wait3A_207 = tpu.memref_slice %arg13[%mul3A_14] : memref<1056768xf32, #tpu.memory_space<vmem_shared>> -> memref<8192xf32, #tpu.memory_space<vmem_shared>>
    tpu.wait_dma2 semaphore(%arg14 : memref<!tpu.dma_semaphore, #tpu.memory_space<semaphore_mem>>) src(%arg6 : memref<8192xf32, #tpu.memory_space<vmem>>) dst(%dma_wait3A_207 : memref<8192xf32, #tpu.memory_space<vmem_shared>>)
    %dma_wait3A_208 = tpu.memref_slice %arg13[%mul3A_14] : memref<1056768xf32, #tpu.memory_space<vmem_shared>> -> memref<8192xf32, #tpu.memory_space<vmem_shared>>
    %dma_wait3A_209 = tpu.memref_slice %arg13[%mul3A_14] : memref<1056768xf32, #tpu.memory_space<vmem_shared>> -> memref<8192xf32, #tpu.memory_space<vmem_shared>>
    tpu.wait_dma2 semaphore(%arg14 : memref<!tpu.dma_semaphore, #tpu.memory_space<semaphore_mem>>) src(%arg6 : memref<8192xf32, #tpu.memory_space<vmem>>) dst(%dma_wait3A_209 : memref<8192xf32, #tpu.memory_space<vmem_shared>>)
    %dma_wait3A_210 = tpu.memref_slice %arg13[%mul3A_14] : memref<1056768xf32, #tpu.memory_space<vmem_shared>> -> memref<8192xf32, #tpu.memory_space<vmem_shared>>
    %dma_wait3A_211 = tpu.memref_slice %arg13[%mul3A_14] : memref<1056768xf32, #tpu.memory_space<vmem_shared>> -> memref<8192xf32, #tpu.memory_space<vmem_shared>>
    tpu.wait_dma2 semaphore(%arg14 : memref<!tpu.dma_semaphore, #tpu.memory_space<semaphore_mem>>) src(%arg6 : memref<8192xf32, #tpu.memory_space<vmem>>) dst(%dma_wait3A_211 : memref<8192xf32, #tpu.memory_space<vmem_shared>>)
    %dma_wait3A_212 = tpu.memref_slice %arg13[%mul3A_14] : memref<1056768xf32, #tpu.memory_space<vmem_shared>> -> memref<8192xf32, #tpu.memory_space<vmem_shared>>
    %dma_wait3A_213 = tpu.memref_slice %arg13[%mul3A_14] : memref<1056768xf32, #tpu.memory_space<vmem_shared>> -> memref<8192xf32, #tpu.memory_space<vmem_shared>>
    tpu.wait_dma2 semaphore(%arg14 : memref<!tpu.dma_semaphore, #tpu.memory_space<semaphore_mem>>) src(%arg6 : memref<8192xf32, #tpu.memory_space<vmem>>) dst(%dma_wait3A_213 : memref<8192xf32, #tpu.memory_space<vmem_shared>>)
    %dma_wait3A_214 = tpu.memref_slice %arg13[%mul3A_14] : memref<1056768xf32, #tpu.memory_space<vmem_shared>> -> memref<8192xf32, #tpu.memory_space<vmem_shared>>
    %dma_wait3A_215 = tpu.memref_slice %arg13[%mul3A_14] : memref<1056768xf32, #tpu.memory_space<vmem_shared>> -> memref<8192xf32, #tpu.memory_space<vmem_shared>>
    tpu.wait_dma2 semaphore(%arg14 : memref<!tpu.dma_semaphore, #tpu.memory_space<semaphore_mem>>) src(%arg6 : memref<8192xf32, #tpu.memory_space<vmem>>) dst(%dma_wait3A_215 : memref<8192xf32, #tpu.memory_space<vmem_shared>>)
    %dma_wait3A_216 = tpu.memref_slice %arg13[%mul3A_14] : memref<1056768xf32, #tpu.memory_space<vmem_shared>> -> memref<8192xf32, #tpu.memory_space<vmem_shared>>
    %dma_wait3A_217 = tpu.memref_slice %arg13[%mul3A_14] : memref<1056768xf32, #tpu.memory_space<vmem_shared>> -> memref<8192xf32, #tpu.memory_space<vmem_shared>>
    tpu.wait_dma2 semaphore(%arg14 : memref<!tpu.dma_semaphore, #tpu.memory_space<semaphore_mem>>) src(%arg6 : memref<8192xf32, #tpu.memory_space<vmem>>) dst(%dma_wait3A_217 : memref<8192xf32, #tpu.memory_space<vmem_shared>>)
    %dma_wait3A_218 = tpu.memref_slice %arg13[%mul3A_14] : memref<1056768xf32, #tpu.memory_space<vmem_shared>> -> memref<8192xf32, #tpu.memory_space<vmem_shared>>
    %dma_wait3A_219 = tpu.memref_slice %arg13[%mul3A_14] : memref<1056768xf32, #tpu.memory_space<vmem_shared>> -> memref<8192xf32, #tpu.memory_space<vmem_shared>>
    tpu.wait_dma2 semaphore(%arg14 : memref<!tpu.dma_semaphore, #tpu.memory_space<semaphore_mem>>) src(%arg6 : memref<8192xf32, #tpu.memory_space<vmem>>) dst(%dma_wait3A_219 : memref<8192xf32, #tpu.memory_space<vmem_shared>>)
    %dma_wait3A_220 = tpu.memref_slice %arg13[%mul3A_14] : memref<1056768xf32, #tpu.memory_space<vmem_shared>> -> memref<8192xf32, #tpu.memory_space<vmem_shared>>
    %dma_wait3A_221 = tpu.memref_slice %arg13[%mul3A_14] : memref<1056768xf32, #tpu.memory_space<vmem_shared>> -> memref<8192xf32, #tpu.memory_space<vmem_shared>>
    tpu.wait_dma2 semaphore(%arg14 : memref<!tpu.dma_semaphore, #tpu.memory_space<semaphore_mem>>) src(%arg6 : memref<8192xf32, #tpu.memory_space<vmem>>) dst(%dma_wait3A_221 : memref<8192xf32, #tpu.memory_space<vmem_shared>>)
    %barrier3A_222 = arith.constant 0 : index
    tpu.barrier barrier_id(%barrier3A_222)
    %mul3A_223 = arith.constant 500000 : i32
    %mul3A_224 = arith.muli %add3A_173, %mul3A_223 : i32
    %add3A_225 = arith.addi %mul3A_224, %min3A_12 : i32
    %add3A_226 = arith.constant 0 : i32
    %add3A_227 = arith.addi %add3A_225, %add3A_226 : i32
    %dma_start3A_228 = tpu.memref_slice %arg2[%add3A_227] : memref<2000000xi32, #tpu.memory_space<hbm>> -> memref<8192xi32, #tpu.memory_space<hbm>>
    %dma_start3A_229 = tpu.memref_slice %arg2[%add3A_227] : memref<2000000xi32, #tpu.memory_space<hbm>> -> memref<8192xi32, #tpu.memory_space<hbm>>
    tpu.enqueue_dma source(%dma_start3A_229 : memref<8192xi32, #tpu.memory_space<hbm>>) target(%arg7 : memref<8192xi32, #tpu.memory_space<vmem>>) target_semaphore(%arg14 : memref<!tpu.dma_semaphore, #tpu.memory_space<semaphore_mem>>)
    %dma_start3A_230 = tpu.memref_slice %arg3[%add3A_227] : memref<2000000xi32, #tpu.memory_space<hbm>> -> memref<8192xi32, #tpu.memory_space<hbm>>
    %dma_start3A_231 = tpu.memref_slice %arg3[%add3A_227] : memref<2000000xi32, #tpu.memory_space<hbm>> -> memref<8192xi32, #tpu.memory_space<hbm>>
    tpu.enqueue_dma source(%dma_start3A_231 : memref<8192xi32, #tpu.memory_space<hbm>>) target(%arg8 : memref<8192xi32, #tpu.memory_space<vmem>>) target_semaphore(%arg14 : memref<!tpu.dma_semaphore, #tpu.memory_space<semaphore_mem>>)
    %dma_start3A_232 = tpu.memref_slice %arg4[%add3A_227] : memref<2000000xi32, #tpu.memory_space<hbm>> -> memref<8192xi32, #tpu.memory_space<hbm>>
    %dma_start3A_233 = tpu.memref_slice %arg4[%add3A_227] : memref<2000000xi32, #tpu.memory_space<hbm>> -> memref<8192xi32, #tpu.memory_space<hbm>>
    tpu.enqueue_dma source(%dma_start3A_233 : memref<8192xi32, #tpu.memory_space<hbm>>) target(%arg9 : memref<8192xi32, #tpu.memory_space<vmem>>) target_semaphore(%arg14 : memref<!tpu.dma_semaphore, #tpu.memory_space<semaphore_mem>>)
    %dma_wait3A_234 = tpu.memref_slice %arg2[%add3A_227] : memref<2000000xi32, #tpu.memory_space<hbm>> -> memref<8192xi32, #tpu.memory_space<hbm>>
    %dma_wait3A_235 = tpu.memref_slice %arg2[%add3A_227] : memref<2000000xi32, #tpu.memory_space<hbm>> -> memref<8192xi32, #tpu.memory_space<hbm>>
    tpu.wait_dma2 semaphore(%arg14 : memref<!tpu.dma_semaphore, #tpu.memory_space<semaphore_mem>>) src(%dma_wait3A_235 : memref<8192xi32, #tpu.memory_space<hbm>>) dst(%arg7 : memref<8192xi32, #tpu.memory_space<vmem>>)
    %dma_wait3A_236 = tpu.memref_slice %arg3[%add3A_227] : memref<2000000xi32, #tpu.memory_space<hbm>> -> memref<8192xi32, #tpu.memory_space<hbm>>
    %dma_wait3A_237 = tpu.memref_slice %arg3[%add3A_227] : memref<2000000xi32, #tpu.memory_space<hbm>> -> memref<8192xi32, #tpu.memory_space<hbm>>
    tpu.wait_dma2 semaphore(%arg14 : memref<!tpu.dma_semaphore, #tpu.memory_space<semaphore_mem>>) src(%dma_wait3A_237 : memref<8192xi32, #tpu.memory_space<hbm>>) dst(%arg8 : memref<8192xi32, #tpu.memory_space<vmem>>)
    %dma_wait3A_238 = tpu.memref_slice %arg4[%add3A_227] : memref<2000000xi32, #tpu.memory_space<hbm>> -> memref<8192xi32, #tpu.memory_space<hbm>>
    %dma_wait3A_239 = tpu.memref_slice %arg4[%add3A_227] : memref<2000000xi32, #tpu.memory_space<hbm>> -> memref<8192xi32, #tpu.memory_space<hbm>>
    tpu.wait_dma2 semaphore(%arg14 : memref<!tpu.dma_semaphore, #tpu.memory_space<semaphore_mem>>) src(%dma_wait3A_239 : memref<8192xi32, #tpu.memory_space<hbm>>) dst(%arg9 : memref<8192xi32, #tpu.memory_space<vmem>>)
    %scan3A_240 = arith.constant 0 : i32
    %scan3A_241 = arith.constant 0 : i32
    %scan3A_242 = arith.constant 512 : i32
    %scan3A_243 = arith.addi %scan3A_241, %scan3A_242 : i32
    %scan3A_244 = arith.constant 1 : i32
    scf.for %scan3A_647 = %scan3A_241 to %scan3A_243 step %scan3A_244  : i32 {
      %mul3A_648 = arith.constant 16 : i32
      %mul3A_649 = arith.muli %scan3A_647, %mul3A_648 : i32
      %get3A = arith.index_cast %mul3A_649 : i32 to index
      %get3A_650 = tpu.vector_load %arg7[%get3A] {strides = array<i32>} : memref<8192xi32, #tpu.memory_space<vmem>>, vector<16xi32>,
      %get3A_651 = vector.shape_cast %get3A_650 : vector<16xi32> to vector<16xi32>
      %mul3A_652 = arith.constant 16 : i32
      %mul3A_653 = arith.muli %scan3A_647, %mul3A_652 : i32
      %get3A_654 = arith.index_cast %mul3A_653 : i32 to index
      %get3A_655 = tpu.vector_load %arg8[%get3A_654] {strides = array<i32>} : memref<8192xi32, #tpu.memory_space<vmem>>, vector<16xi32>,
      %get3A_656 = vector.shape_cast %get3A_655 : vector<16xi32> to vector<16xi32>
      %mul3A_657 = arith.constant 16 : i32
      %mul3A_658 = arith.muli %scan3A_647, %mul3A_657 : i32
      %get3A_659 = arith.index_cast %mul3A_658 : i32 to index
      %get3A_660 = tpu.vector_load %arg9[%get3A_659] {strides = array<i32>} : memref<8192xi32, #tpu.memory_space<vmem>>, vector<16xi32>,
      %get3A_661 = vector.shape_cast %get3A_660 : vector<16xi32> to vector<16xi32>
      %ge3A = arith.constant 64 : i32
      %ge3A_662 = vector.broadcast %ge3A : i32 to vector<16xi32>
      %ge3A_663 = arith.cmpi sge, %get3A_661, %ge3A_662 : vector<16xi32>
      %lt3A = arith.constant 128 : i32
      %lt3A_664 = vector.broadcast %lt3A : i32 to vector<16xi32>
      %lt3A_665 = arith.cmpi slt, %get3A_661, %lt3A_664 : vector<16xi32>
      %and3A = arith.andi %ge3A_663, %lt3A_665 : vector<16xi1>
      %mul3A_666 = arith.constant 8192 : i32
      %mul3A_667 = vector.broadcast %mul3A_666 : i32 to vector<16xi32>
      %mul3A_668 = arith.muli %get3A_651, %mul3A_667 : vector<16xi32>
      %mul3A_669 = arith.constant 64 : i32
      %mul3A_670 = vector.broadcast %mul3A_669 : i32 to vector<16xi32>
      %mul3A_671 = arith.muli %get3A_656, %mul3A_670 : vector<16xi32>
      %add3A_672 = arith.addi %mul3A_668, %mul3A_671 : vector<16xi32>
      %sub3A = arith.constant 64 : i32
      %sub3A_673 = vector.broadcast %sub3A : i32 to vector<16xi32>
      %sub3A_674 = arith.subi %get3A_661, %sub3A_673 : vector<16xi32>
      %add3A_675 = arith.addi %add3A_672, %sub3A_674 : vector<16xi32>
      %mul3A_676 = arith.constant 16 : i32
      %mul3A_677 = arith.muli %scan3A_647, %mul3A_676 : i32
      %add3A_678 = arith.constant 1048576 : i32
      %add3A_679 = arith.addi %add3A_678, %mul3A_677 : i32
      %iota3A = tpu.iota {dimensions = array<i32: 0>} : vector<16xi32>
      %add3A_680 = vector.broadcast %add3A_679 : i32 to vector<16xi32>
      %add3A_681 = arith.addi %add3A_680, %iota3A : vector<16xi32>
      %select_n3A = arith.select %and3A, %add3A_675, %add3A_681 : vector<16xi1>, vector<16xi32>
      %mul3A_682 = arith.constant 16 : i32
      %mul3A_683 = arith.muli %scan3A_647, %mul3A_682 : i32
      %swap3A = arith.index_cast %mul3A_683 : i32 to index
      %swap3A_684 = tpu.vector_load %arg10[%swap3A] {strides = array<i32>} : memref<8192xi32, #tpu.memory_space<vmem>>, vector<16xi32>,
      %swap3A_685 = vector.shape_cast %swap3A_684 : vector<16xi32> to vector<16xi32>
      %swap3A_686 = vector.shape_cast %select_n3A : vector<16xi32> to vector<16xi32>
      tpu.vector_store %arg10[%swap3A], %swap3A_686 {strides = array<i32>} : memref<8192xi32, #tpu.memory_space<vmem>>, vector<16xi32>,
    }
    %scan3A_245 = arith.constant 512 : i32
    %dma_start3A_246 = arith.constant 0 : i32
    %dma_start3A_247 = tpu.memref_slice %arg13[%dma_start3A_246] : memref<1056768xf32, #tpu.memory_space<vmem_shared>> -> memref<1056768xf32, #tpu.memory_space<vmem_shared>>
    tpu.enqueue_indirect_dma source(%arg12 : memref<8192xf32, #tpu.memory_space<vmem>>) target(%dma_start3A_247 : memref<1056768xf32, #tpu.memory_space<vmem_shared>>) offsets(%arg10 : memref<8192xi32, #tpu.memory_space<vmem>>) semaphore(%arg15 : memref<!tpu.dma_semaphore, #tpu.memory_space<semaphore_mem>>) {add = true}
    %add3A_248 = arith.constant 8192 : i32
    %add3A_249 = arith.addi %add3A_225, %add3A_248 : i32
    %dma_start3A_250 = tpu.memref_slice %arg2[%add3A_249] : memref<2000000xi32, #tpu.memory_space<hbm>> -> memref<8192xi32, #tpu.memory_space<hbm>>
    %dma_start3A_251 = tpu.memref_slice %arg2[%add3A_249] : memref<2000000xi32, #tpu.memory_space<hbm>> -> memref<8192xi32, #tpu.memory_space<hbm>>
    tpu.enqueue_dma source(%dma_start3A_251 : memref<8192xi32, #tpu.memory_space<hbm>>) target(%arg7 : memref<8192xi32, #tpu.memory_space<vmem>>) target_semaphore(%arg14 : memref<!tpu.dma_semaphore, #tpu.memory_space<semaphore_mem>>)
    %dma_start3A_252 = tpu.memref_slice %arg3[%add3A_249] : memref<2000000xi32, #tpu.memory_space<hbm>> -> memref<8192xi32, #tpu.memory_space<hbm>>
    %dma_start3A_253 = tpu.memref_slice %arg3[%add3A_249] : memref<2000000xi32, #tpu.memory_space<hbm>> -> memref<8192xi32, #tpu.memory_space<hbm>>
    tpu.enqueue_dma source(%dma_start3A_253 : memref<8192xi32, #tpu.memory_space<hbm>>) target(%arg8 : memref<8192xi32, #tpu.memory_space<vmem>>) target_semaphore(%arg14 : memref<!tpu.dma_semaphore, #tpu.memory_space<semaphore_mem>>)
    %dma_start3A_254 = tpu.memref_slice %arg4[%add3A_249] : memref<2000000xi32, #tpu.memory_space<hbm>> -> memref<8192xi32, #tpu.memory_space<hbm>>
    %dma_start3A_255 = tpu.memref_slice %arg4[%add3A_249] : memref<2000000xi32, #tpu.memory_space<hbm>> -> memref<8192xi32, #tpu.memory_space<hbm>>
    tpu.enqueue_dma source(%dma_start3A_255 : memref<8192xi32, #tpu.memory_space<hbm>>) target(%arg9 : memref<8192xi32, #tpu.memory_space<vmem>>) target_semaphore(%arg14 : memref<!tpu.dma_semaphore, #tpu.memory_space<semaphore_mem>>)
    %dma_wait3A_256 = tpu.memref_slice %arg2[%add3A_249] : memref<2000000xi32, #tpu.memory_space<hbm>> -> memref<8192xi32, #tpu.memory_space<hbm>>
    %dma_wait3A_257 = tpu.memref_slice %arg2[%add3A_249] : memref<2000000xi32, #tpu.memory_space<hbm>> -> memref<8192xi32, #tpu.memory_space<hbm>>
    tpu.wait_dma2 semaphore(%arg14 : memref<!tpu.dma_semaphore, #tpu.memory_space<semaphore_mem>>) src(%dma_wait3A_257 : memref<8192xi32, #tpu.memory_space<hbm>>) dst(%arg7 : memref<8192xi32, #tpu.memory_space<vmem>>)
    %dma_wait3A_258 = tpu.memref_slice %arg3[%add3A_249] : memref<2000000xi32, #tpu.memory_space<hbm>> -> memref<8192xi32, #tpu.memory_space<hbm>>
    %dma_wait3A_259 = tpu.memref_slice %arg3[%add3A_249] : memref<2000000xi32, #tpu.memory_space<hbm>> -> memref<8192xi32, #tpu.memory_space<hbm>>
    tpu.wait_dma2 semaphore(%arg14 : memref<!tpu.dma_semaphore, #tpu.memory_space<semaphore_mem>>) src(%dma_wait3A_259 : memref<8192xi32, #tpu.memory_space<hbm>>) dst(%arg8 : memref<8192xi32, #tpu.memory_space<vmem>>)
    %dma_wait3A_260 = tpu.memref_slice %arg4[%add3A_249] : memref<2000000xi32, #tpu.memory_space<hbm>> -> memref<8192xi32, #tpu.memory_space<hbm>>
    %dma_wait3A_261 = tpu.memref_slice %arg4[%add3A_249] : memref<2000000xi32, #tpu.memory_space<hbm>> -> memref<8192xi32, #tpu.memory_space<hbm>>
    tpu.wait_dma2 semaphore(%arg14 : memref<!tpu.dma_semaphore, #tpu.memory_space<semaphore_mem>>) src(%dma_wait3A_261 : memref<8192xi32, #tpu.memory_space<hbm>>) dst(%arg9 : memref<8192xi32, #tpu.memory_space<vmem>>)
    %scan3A_262 = arith.constant 0 : i32
    %scan3A_263 = arith.constant 0 : i32
    %scan3A_264 = arith.constant 512 : i32
    %scan3A_265 = arith.addi %scan3A_263, %scan3A_264 : i32
    %scan3A_266 = arith.constant 1 : i32
    scf.for %scan3A_647 = %scan3A_263 to %scan3A_265 step %scan3A_266  : i32 {
      %mul3A_648 = arith.constant 16 : i32
      %mul3A_649 = arith.muli %scan3A_647, %mul3A_648 : i32
      %get3A = arith.index_cast %mul3A_649 : i32 to index
      %get3A_650 = tpu.vector_load %arg7[%get3A] {strides = array<i32>} : memref<8192xi32, #tpu.memory_space<vmem>>, vector<16xi32>,
      %get3A_651 = vector.shape_cast %get3A_650 : vector<16xi32> to vector<16xi32>
      %mul3A_652 = arith.constant 16 : i32
      %mul3A_653 = arith.muli %scan3A_647, %mul3A_652 : i32
      %get3A_654 = arith.index_cast %mul3A_653 : i32 to index
      %get3A_655 = tpu.vector_load %arg8[%get3A_654] {strides = array<i32>} : memref<8192xi32, #tpu.memory_space<vmem>>, vector<16xi32>,
      %get3A_656 = vector.shape_cast %get3A_655 : vector<16xi32> to vector<16xi32>
      %mul3A_657 = arith.constant 16 : i32
      %mul3A_658 = arith.muli %scan3A_647, %mul3A_657 : i32
      %get3A_659 = arith.index_cast %mul3A_658 : i32 to index
      %get3A_660 = tpu.vector_load %arg9[%get3A_659] {strides = array<i32>} : memref<8192xi32, #tpu.memory_space<vmem>>, vector<16xi32>,
      %get3A_661 = vector.shape_cast %get3A_660 : vector<16xi32> to vector<16xi32>
      %ge3A = arith.constant 64 : i32
      %ge3A_662 = vector.broadcast %ge3A : i32 to vector<16xi32>
      %ge3A_663 = arith.cmpi sge, %get3A_661, %ge3A_662 : vector<16xi32>
      %lt3A = arith.constant 128 : i32
      %lt3A_664 = vector.broadcast %lt3A : i32 to vector<16xi32>
      %lt3A_665 = arith.cmpi slt, %get3A_661, %lt3A_664 : vector<16xi32>
      %and3A = arith.andi %ge3A_663, %lt3A_665 : vector<16xi1>
      %mul3A_666 = arith.constant 8192 : i32
      %mul3A_667 = vector.broadcast %mul3A_666 : i32 to vector<16xi32>
      %mul3A_668 = arith.muli %get3A_651, %mul3A_667 : vector<16xi32>
      %mul3A_669 = arith.constant 64 : i32
      %mul3A_670 = vector.broadcast %mul3A_669 : i32 to vector<16xi32>
      %mul3A_671 = arith.muli %get3A_656, %mul3A_670 : vector<16xi32>
      %add3A_672 = arith.addi %mul3A_668, %mul3A_671 : vector<16xi32>
      %sub3A = arith.constant 64 : i32
      %sub3A_673 = vector.broadcast %sub3A : i32 to vector<16xi32>
      %sub3A_674 = arith.subi %get3A_661, %sub3A_673 : vector<16xi32>
      %add3A_675 = arith.addi %add3A_672, %sub3A_674 : vector<16xi32>
      %mul3A_676 = arith.constant 16 : i32
      %mul3A_677 = arith.muli %scan3A_647, %mul3A_676 : i32
      %add3A_678 = arith.constant 1048576 : i32
      %add3A_679 = arith.addi %add3A_678, %mul3A_677 : i32
      %iota3A = tpu.iota {dimensions = array<i32: 0>} : vector<16xi32>
      %add3A_680 = vector.broadcast %add3A_679 : i32 to vector<16xi32>
      %add3A_681 = arith.addi %add3A_680, %iota3A : vector<16xi32>
      %select_n3A = arith.select %and3A, %add3A_675, %add3A_681 : vector<16xi1>, vector<16xi32>
      %mul3A_682 = arith.constant 16 : i32
      %mul3A_683 = arith.muli %scan3A_647, %mul3A_682 : i32
      %swap3A = arith.index_cast %mul3A_683 : i32 to index
      %swap3A_684 = tpu.vector_load %arg11[%swap3A] {strides = array<i32>} : memref<8192xi32, #tpu.memory_space<vmem>>, vector<16xi32>,
      %swap3A_685 = vector.shape_cast %swap3A_684 : vector<16xi32> to vector<16xi32>
      %swap3A_686 = vector.shape_cast %select_n3A : vector<16xi32> to vector<16xi32>
      tpu.vector_store %arg11[%swap3A], %swap3A_686 {strides = array<i32>} : memref<8192xi32, #tpu.memory_space<vmem>>, vector<16xi32>,
    }
    %scan3A_267 = arith.constant 512 : i32
    %dma_start3A_268 = arith.constant 0 : i32
    %dma_start3A_269 = tpu.memref_slice %arg13[%dma_start3A_268] : memref<1056768xf32, #tpu.memory_space<vmem_shared>> -> memref<1056768xf32, #tpu.memory_space<vmem_shared>>
    tpu.enqueue_indirect_dma source(%arg12 : memref<8192xf32, #tpu.memory_space<vmem>>) target(%dma_start3A_269 : memref<1056768xf32, #tpu.memory_space<vmem_shared>>) offsets(%arg11 : memref<8192xi32, #tpu.memory_space<vmem>>) semaphore(%arg15 : memref<!tpu.dma_semaphore, #tpu.memory_space<semaphore_mem>>) {add = true}
    %add3A_270 = arith.constant 16384 : i32
    %add3A_271 = arith.addi %add3A_225, %add3A_270 : i32
    %dma_start3A_272 = tpu.memref_slice %arg2[%add3A_271] : memref<2000000xi32, #tpu.memory_space<hbm>> -> memref<8192xi32, #tpu.memory_space<hbm>>
    %dma_start3A_273 = tpu.memref_slice %arg2[%add3A_271] : memref<2000000xi32, #tpu.memory_space<hbm>> -> memref<8192xi32, #tpu.memory_space<hbm>>
    tpu.enqueue_dma source(%dma_start3A_273 : memref<8192xi32, #tpu.memory_space<hbm>>) target(%arg7 : memref<8192xi32, #tpu.memory_space<vmem>>) target_semaphore(%arg14 : memref<!tpu.dma_semaphore, #tpu.memory_space<semaphore_mem>>)
    %dma_start3A_274 = tpu.memref_slice %arg3[%add3A_271] : memref<2000000xi32, #tpu.memory_space<hbm>> -> memref<8192xi32, #tpu.memory_space<hbm>>
    %dma_start3A_275 = tpu.memref_slice %arg3[%add3A_271] : memref<2000000xi32, #tpu.memory_space<hbm>> -> memref<8192xi32, #tpu.memory_space<hbm>>
    tpu.enqueue_dma source(%dma_start3A_275 : memref<8192xi32, #tpu.memory_space<hbm>>) target(%arg8 : memref<8192xi32, #tpu.memory_space<vmem>>) target_semaphore(%arg14 : memref<!tpu.dma_semaphore, #tpu.memory_space<semaphore_mem>>)
    %dma_start3A_276 = tpu.memref_slice %arg4[%add3A_271] : memref<2000000xi32, #tpu.memory_space<hbm>> -> memref<8192xi32, #tpu.memory_space<hbm>>
    %dma_start3A_277 = tpu.memref_slice %arg4[%add3A_271] : memref<2000000xi32, #tpu.memory_space<hbm>> -> memref<8192xi32, #tpu.memory_space<hbm>>
    tpu.enqueue_dma source(%dma_start3A_277 : memref<8192xi32, #tpu.memory_space<hbm>>) target(%arg9 : memref<8192xi32, #tpu.memory_space<vmem>>) target_semaphore(%arg14 : memref<!tpu.dma_semaphore, #tpu.memory_space<semaphore_mem>>)
    %dma_wait3A_278 = arith.constant 0 : i32
    %dma_wait3A_279 = tpu.memref_slice %arg13[%dma_wait3A_278] : memref<1056768xf32, #tpu.memory_space<vmem_shared>> -> memref<1056768xf32, #tpu.memory_space<vmem_shared>>
    tpu.wait_indirect_dma semaphore(%arg15 : memref<!tpu.dma_semaphore, #tpu.memory_space<semaphore_mem>>) src(%arg12 : memref<8192xf32, #tpu.memory_space<vmem>>) dst(%dma_wait3A_279 : memref<1056768xf32, #tpu.memory_space<vmem_shared>>)
    %dma_wait3A_280 = tpu.memref_slice %arg2[%add3A_271] : memref<2000000xi32, #tpu.memory_space<hbm>> -> memref<8192xi32, #tpu.memory_space<hbm>>
    %dma_wait3A_281 = tpu.memref_slice %arg2[%add3A_271] : memref<2000000xi32, #tpu.memory_space<hbm>> -> memref<8192xi32, #tpu.memory_space<hbm>>
    tpu.wait_dma2 semaphore(%arg14 : memref<!tpu.dma_semaphore, #tpu.memory_space<semaphore_mem>>) src(%dma_wait3A_281 : memref<8192xi32, #tpu.memory_space<hbm>>) dst(%arg7 : memref<8192xi32, #tpu.memory_space<vmem>>)
    %dma_wait3A_282 = tpu.memref_slice %arg3[%add3A_271] : memref<2000000xi32, #tpu.memory_space<hbm>> -> memref<8192xi32, #tpu.memory_space<hbm>>
    %dma_wait3A_283 = tpu.memref_slice %arg3[%add3A_271] : memref<2000000xi32, #tpu.memory_space<hbm>> -> memref<8192xi32, #tpu.memory_space<hbm>>
    tpu.wait_dma2 semaphore(%arg14 : memref<!tpu.dma_semaphore, #tpu.memory_space<semaphore_mem>>) src(%dma_wait3A_283 : memref<8192xi32, #tpu.memory_space<hbm>>) dst(%arg8 : memref<8192xi32, #tpu.memory_space<vmem>>)
    %dma_wait3A_284 = tpu.memref_slice %arg4[%add3A_271] : memref<2000000xi32, #tpu.memory_space<hbm>> -> memref<8192xi32, #tpu.memory_space<hbm>>
    %dma_wait3A_285 = tpu.memref_slice %arg4[%add3A_271] : memref<2000000xi32, #tpu.memory_space<hbm>> -> memref<8192xi32, #tpu.memory_space<hbm>>
    tpu.wait_dma2 semaphore(%arg14 : memref<!tpu.dma_semaphore, #tpu.memory_space<semaphore_mem>>) src(%dma_wait3A_285 : memref<8192xi32, #tpu.memory_space<hbm>>) dst(%arg9 : memref<8192xi32, #tpu.memory_space<vmem>>)
    %scan3A_286 = arith.constant 0 : i32
    %scan3A_287 = arith.constant 0 : i32
    %scan3A_288 = arith.constant 512 : i32
    %scan3A_289 = arith.addi %scan3A_287, %scan3A_288 : i32
    %scan3A_290 = arith.constant 1 : i32
    scf.for %scan3A_647 = %scan3A_287 to %scan3A_289 step %scan3A_290  : i32 {
      %mul3A_648 = arith.constant 16 : i32
      %mul3A_649 = arith.muli %scan3A_647, %mul3A_648 : i32
      %get3A = arith.index_cast %mul3A_649 : i32 to index
      %get3A_650 = tpu.vector_load %arg7[%get3A] {strides = array<i32>} : memref<8192xi32, #tpu.memory_space<vmem>>, vector<16xi32>,
      %get3A_651 = vector.shape_cast %get3A_650 : vector<16xi32> to vector<16xi32>
      %mul3A_652 = arith.constant 16 : i32
      %mul3A_653 = arith.muli %scan3A_647, %mul3A_652 : i32
      %get3A_654 = arith.index_cast %mul3A_653 : i32 to index
      %get3A_655 = tpu.vector_load %arg8[%get3A_654] {strides = array<i32>} : memref<8192xi32, #tpu.memory_space<vmem>>, vector<16xi32>,
      %get3A_656 = vector.shape_cast %get3A_655 : vector<16xi32> to vector<16xi32>
      %mul3A_657 = arith.constant 16 : i32
      %mul3A_658 = arith.muli %scan3A_647, %mul3A_657 : i32
      %get3A_659 = arith.index_cast %mul3A_658 : i32 to index
      %get3A_660 = tpu.vector_load %arg9[%get3A_659] {strides = array<i32>} : memref<8192xi32, #tpu.memory_space<vmem>>, vector<16xi32>,
      %get3A_661 = vector.shape_cast %get3A_660 : vector<16xi32> to vector<16xi32>
      %ge3A = arith.constant 64 : i32
      %ge3A_662 = vector.broadcast %ge3A : i32 to vector<16xi32>
      %ge3A_663 = arith.cmpi sge, %get3A_661, %ge3A_662 : vector<16xi32>
      %lt3A = arith.constant 128 : i32
      %lt3A_664 = vector.broadcast %lt3A : i32 to vector<16xi32>
      %lt3A_665 = arith.cmpi slt, %get3A_661, %lt3A_664 : vector<16xi32>
      %and3A = arith.andi %ge3A_663, %lt3A_665 : vector<16xi1>
      %mul3A_666 = arith.constant 8192 : i32
      %mul3A_667 = vector.broadcast %mul3A_666 : i32 to vector<16xi32>
      %mul3A_668 = arith.muli %get3A_651, %mul3A_667 : vector<16xi32>
      %mul3A_669 = arith.constant 64 : i32
      %mul3A_670 = vector.broadcast %mul3A_669 : i32 to vector<16xi32>
      %mul3A_671 = arith.muli %get3A_656, %mul3A_670 : vector<16xi32>
      %add3A_672 = arith.addi %mul3A_668, %mul3A_671 : vector<16xi32>
      %sub3A = arith.constant 64 : i32
      %sub3A_673 = vector.broadcast %sub3A : i32 to vector<16xi32>
      %sub3A_674 = arith.subi %get3A_661, %sub3A_673 : vector<16xi32>
      %add3A_675 = arith.addi %add3A_672, %sub3A_674 : vector<16xi32>
      %mul3A_676 = arith.constant 16 : i32
      %mul3A_677 = arith.muli %scan3A_647, %mul3A_676 : i32
      %add3A_678 = arith.constant 1048576 : i32
      %add3A_679 = arith.addi %add3A_678, %mul3A_677 : i32
      %iota3A = tpu.iota {dimensions = array<i32: 0>} : vector<16xi32>
      %add3A_680 = vector.broadcast %add3A_679 : i32 to vector<16xi32>
      %add3A_681 = arith.addi %add3A_680, %iota3A : vector<16xi32>
      %select_n3A = arith.select %and3A, %add3A_675, %add3A_681 : vector<16xi1>, vector<16xi32>
      %mul3A_682 = arith.constant 16 : i32
      %mul3A_683 = arith.muli %scan3A_647, %mul3A_682 : i32
      %swap3A = arith.index_cast %mul3A_683 : i32 to index
      %swap3A_684 = tpu.vector_load %arg10[%swap3A] {strides = array<i32>} : memref<8192xi32, #tpu.memory_space<vmem>>, vector<16xi32>,
      %swap3A_685 = vector.shape_cast %swap3A_684 : vector<16xi32> to vector<16xi32>
      %swap3A_686 = vector.shape_cast %select_n3A : vector<16xi32> to vector<16xi32>
      tpu.vector_store %arg10[%swap3A], %swap3A_686 {strides = array<i32>} : memref<8192xi32, #tpu.memory_space<vmem>>, vector<16xi32>,
    }
    %scan3A_291 = arith.constant 512 : i32
    %dma_start3A_292 = arith.constant 0 : i32
    %dma_start3A_293 = tpu.memref_slice %arg13[%dma_start3A_292] : memref<1056768xf32, #tpu.memory_space<vmem_shared>> -> memref<1056768xf32, #tpu.memory_space<vmem_shared>>
    tpu.enqueue_indirect_dma source(%arg12 : memref<8192xf32, #tpu.memory_space<vmem>>) target(%dma_start3A_293 : memref<1056768xf32, #tpu.memory_space<vmem_shared>>) offsets(%arg10 : memref<8192xi32, #tpu.memory_space<vmem>>) semaphore(%arg15 : memref<!tpu.dma_semaphore, #tpu.memory_space<semaphore_mem>>) {add = true}
    %add3A_294 = arith.constant 24576 : i32
    %add3A_295 = arith.addi %add3A_225, %add3A_294 : i32
    %dma_start3A_296 = tpu.memref_slice %arg2[%add3A_295] : memref<2000000xi32, #tpu.memory_space<hbm>> -> memref<8192xi32, #tpu.memory_space<hbm>>
    %dma_start3A_297 = tpu.memref_slice %arg2[%add3A_295] : memref<2000000xi32, #tpu.memory_space<hbm>> -> memref<8192xi32, #tpu.memory_space<hbm>>
    tpu.enqueue_dma source(%dma_start3A_297 : memref<8192xi32, #tpu.memory_space<hbm>>) target(%arg7 : memref<8192xi32, #tpu.memory_space<vmem>>) target_semaphore(%arg14 : memref<!tpu.dma_semaphore, #tpu.memory_space<semaphore_mem>>)
    %dma_start3A_298 = tpu.memref_slice %arg3[%add3A_295] : memref<2000000xi32, #tpu.memory_space<hbm>> -> memref<8192xi32, #tpu.memory_space<hbm>>
    %dma_start3A_299 = tpu.memref_slice %arg3[%add3A_295] : memref<2000000xi32, #tpu.memory_space<hbm>> -> memref<8192xi32, #tpu.memory_space<hbm>>
    tpu.enqueue_dma source(%dma_start3A_299 : memref<8192xi32, #tpu.memory_space<hbm>>) target(%arg8 : memref<8192xi32, #tpu.memory_space<vmem>>) target_semaphore(%arg14 : memref<!tpu.dma_semaphore, #tpu.memory_space<semaphore_mem>>)
    %dma_start3A_300 = tpu.memref_slice %arg4[%add3A_295] : memref<2000000xi32, #tpu.memory_space<hbm>> -> memref<8192xi32, #tpu.memory_space<hbm>>
    %dma_start3A_301 = tpu.memref_slice %arg4[%add3A_295] : memref<2000000xi32, #tpu.memory_space<hbm>> -> memref<8192xi32, #tpu.memory_space<hbm>>
    tpu.enqueue_dma source(%dma_start3A_301 : memref<8192xi32, #tpu.memory_space<hbm>>) target(%arg9 : memref<8192xi32, #tpu.memory_space<vmem>>) target_semaphore(%arg14 : memref<!tpu.dma_semaphore, #tpu.memory_space<semaphore_mem>>)
    %dma_wait3A_302 = arith.constant 0 : i32
    %dma_wait3A_303 = tpu.memref_slice %arg13[%dma_wait3A_302] : memref<1056768xf32, #tpu.memory_space<vmem_shared>> -> memref<1056768xf32, #tpu.memory_space<vmem_shared>>
    tpu.wait_indirect_dma semaphore(%arg15 : memref<!tpu.dma_semaphore, #tpu.memory_space<semaphore_mem>>) src(%arg12 : memref<8192xf32, #tpu.memory_space<vmem>>) dst(%dma_wait3A_303 : memref<1056768xf32, #tpu.memory_space<vmem_shared>>)
    %dma_wait3A_304 = tpu.memref_slice %arg2[%add3A_295] : memref<2000000xi32, #tpu.memory_space<hbm>> -> memref<8192xi32, #tpu.memory_space<hbm>>
    %dma_wait3A_305 = tpu.memref_slice %arg2[%add3A_295] : memref<2000000xi32, #tpu.memory_space<hbm>> -> memref<8192xi32, #tpu.memory_space<hbm>>
    tpu.wait_dma2 semaphore(%arg14 : memref<!tpu.dma_semaphore, #tpu.memory_space<semaphore_mem>>) src(%dma_wait3A_305 : memref<8192xi32, #tpu.memory_space<hbm>>) dst(%arg7 : memref<8192xi32, #tpu.memory_space<vmem>>)
    %dma_wait3A_306 = tpu.memref_slice %arg3[%add3A_295] : memref<2000000xi32, #tpu.memory_space<hbm>> -> memref<8192xi32, #tpu.memory_space<hbm>>
    %dma_wait3A_307 = tpu.memref_slice %arg3[%add3A_295] : memref<2000000xi32, #tpu.memory_space<hbm>> -> memref<8192xi32, #tpu.memory_space<hbm>>
    tpu.wait_dma2 semaphore(%arg14 : memref<!tpu.dma_semaphore, #tpu.memory_space<semaphore_mem>>) src(%dma_wait3A_307 : memref<8192xi32, #tpu.memory_space<hbm>>) dst(%arg8 : memref<8192xi32, #tpu.memory_space<vmem>>)
    %dma_wait3A_308 = tpu.memref_slice %arg4[%add3A_295] : memref<2000000xi32, #tpu.memory_space<hbm>> -> memref<8192xi32, #tpu.memory_space<hbm>>
    %dma_wait3A_309 = tpu.memref_slice %arg4[%add3A_295] : memref<2000000xi32, #tpu.memory_space<hbm>> -> memref<8192xi32, #tpu.memory_space<hbm>>
    tpu.wait_dma2 semaphore(%arg14 : memref<!tpu.dma_semaphore, #tpu.memory_space<semaphore_mem>>) src(%dma_wait3A_309 : memref<8192xi32, #tpu.memory_space<hbm>>) dst(%arg9 : memref<8192xi32, #tpu.memory_space<vmem>>)
    %scan3A_310 = arith.constant 0 : i32
    %scan3A_311 = arith.constant 0 : i32
    %scan3A_312 = arith.constant 512 : i32
    %scan3A_313 = arith.addi %scan3A_311, %scan3A_312 : i32
    %scan3A_314 = arith.constant 1 : i32
    scf.for %scan3A_647 = %scan3A_311 to %scan3A_313 step %scan3A_314  : i32 {
      %mul3A_648 = arith.constant 16 : i32
      %mul3A_649 = arith.muli %scan3A_647, %mul3A_648 : i32
      %get3A = arith.index_cast %mul3A_649 : i32 to index
      %get3A_650 = tpu.vector_load %arg7[%get3A] {strides = array<i32>} : memref<8192xi32, #tpu.memory_space<vmem>>, vector<16xi32>,
      %get3A_651 = vector.shape_cast %get3A_650 : vector<16xi32> to vector<16xi32>
      %mul3A_652 = arith.constant 16 : i32
      %mul3A_653 = arith.muli %scan3A_647, %mul3A_652 : i32
      %get3A_654 = arith.index_cast %mul3A_653 : i32 to index
      %get3A_655 = tpu.vector_load %arg8[%get3A_654] {strides = array<i32>} : memref<8192xi32, #tpu.memory_space<vmem>>, vector<16xi32>,
      %get3A_656 = vector.shape_cast %get3A_655 : vector<16xi32> to vector<16xi32>
      %mul3A_657 = arith.constant 16 : i32
      %mul3A_658 = arith.muli %scan3A_647, %mul3A_657 : i32
      %get3A_659 = arith.index_cast %mul3A_658 : i32 to index
      %get3A_660 = tpu.vector_load %arg9[%get3A_659] {strides = array<i32>} : memref<8192xi32, #tpu.memory_space<vmem>>, vector<16xi32>,
      %get3A_661 = vector.shape_cast %get3A_660 : vector<16xi32> to vector<16xi32>
      %ge3A = arith.constant 64 : i32
      %ge3A_662 = vector.broadcast %ge3A : i32 to vector<16xi32>
      %ge3A_663 = arith.cmpi sge, %get3A_661, %ge3A_662 : vector<16xi32>
      %lt3A = arith.constant 128 : i32
      %lt3A_664 = vector.broadcast %lt3A : i32 to vector<16xi32>
      %lt3A_665 = arith.cmpi slt, %get3A_661, %lt3A_664 : vector<16xi32>
      %and3A = arith.andi %ge3A_663, %lt3A_665 : vector<16xi1>
      %mul3A_666 = arith.constant 8192 : i32
      %mul3A_667 = vector.broadcast %mul3A_666 : i32 to vector<16xi32>
      %mul3A_668 = arith.muli %get3A_651, %mul3A_667 : vector<16xi32>
      %mul3A_669 = arith.constant 64 : i32
      %mul3A_670 = vector.broadcast %mul3A_669 : i32 to vector<16xi32>
      %mul3A_671 = arith.muli %get3A_656, %mul3A_670 : vector<16xi32>
      %add3A_672 = arith.addi %mul3A_668, %mul3A_671 : vector<16xi32>
      %sub3A = arith.constant 64 : i32
      %sub3A_673 = vector.broadcast %sub3A : i32 to vector<16xi32>
      %sub3A_674 = arith.subi %get3A_661, %sub3A_673 : vector<16xi32>
      %add3A_675 = arith.addi %add3A_672, %sub3A_674 : vector<16xi32>
      %mul3A_676 = arith.constant 16 : i32
      %mul3A_677 = arith.muli %scan3A_647, %mul3A_676 : i32
      %add3A_678 = arith.constant 1048576 : i32
      %add3A_679 = arith.addi %add3A_678, %mul3A_677 : i32
      %iota3A = tpu.iota {dimensions = array<i32: 0>} : vector<16xi32>
      %add3A_680 = vector.broadcast %add3A_679 : i32 to vector<16xi32>
      %add3A_681 = arith.addi %add3A_680, %iota3A : vector<16xi32>
      %select_n3A = arith.select %and3A, %add3A_675, %add3A_681 : vector<16xi1>, vector<16xi32>
      %mul3A_682 = arith.constant 16 : i32
      %mul3A_683 = arith.muli %scan3A_647, %mul3A_682 : i32
      %swap3A = arith.index_cast %mul3A_683 : i32 to index
      %swap3A_684 = tpu.vector_load %arg11[%swap3A] {strides = array<i32>} : memref<8192xi32, #tpu.memory_space<vmem>>, vector<16xi32>,
      %swap3A_685 = vector.shape_cast %swap3A_684 : vector<16xi32> to vector<16xi32>
      %swap3A_686 = vector.shape_cast %select_n3A : vector<16xi32> to vector<16xi32>
      tpu.vector_store %arg11[%swap3A], %swap3A_686 {strides = array<i32>} : memref<8192xi32, #tpu.memory_space<vmem>>, vector<16xi32>,
    }
    %scan3A_315 = arith.constant 512 : i32
    %dma_start3A_316 = arith.constant 0 : i32
    %dma_start3A_317 = tpu.memref_slice %arg13[%dma_start3A_316] : memref<1056768xf32, #tpu.memory_space<vmem_shared>> -> memref<1056768xf32, #tpu.memory_space<vmem_shared>>
    tpu.enqueue_indirect_dma source(%arg12 : memref<8192xf32, #tpu.memory_space<vmem>>) target(%dma_start3A_317 : memref<1056768xf32, #tpu.memory_space<vmem_shared>>) offsets(%arg11 : memref<8192xi32, #tpu.memory_space<vmem>>) semaphore(%arg15 : memref<!tpu.dma_semaphore, #tpu.memory_space<semaphore_mem>>) {add = true}
    %dma_wait3A_318 = arith.constant 0 : i32
    %dma_wait3A_319 = tpu.memref_slice %arg13[%dma_wait3A_318] : memref<1056768xf32, #tpu.memory_space<vmem_shared>> -> memref<1056768xf32, #tpu.memory_space<vmem_shared>>
    tpu.wait_indirect_dma semaphore(%arg15 : memref<!tpu.dma_semaphore, #tpu.memory_space<semaphore_mem>>) src(%arg12 : memref<8192xf32, #tpu.memory_space<vmem>>) dst(%dma_wait3A_319 : memref<1056768xf32, #tpu.memory_space<vmem_shared>>)
    %dma_wait3A_320 = arith.constant 0 : i32
    %dma_wait3A_321 = tpu.memref_slice %arg13[%dma_wait3A_320] : memref<1056768xf32, #tpu.memory_space<vmem_shared>> -> memref<1056768xf32, #tpu.memory_space<vmem_shared>>
    tpu.wait_indirect_dma semaphore(%arg15 : memref<!tpu.dma_semaphore, #tpu.memory_space<semaphore_mem>>) src(%arg12 : memref<8192xf32, #tpu.memory_space<vmem>>) dst(%dma_wait3A_321 : memref<1056768xf32, #tpu.memory_space<vmem_shared>>)
    %barrier3A_322 = arith.constant 0 : index
    tpu.barrier barrier_id(%barrier3A_322)
    %mul3A_323 = arith.constant 2097152 : i32
    %mul3A_324 = arith.muli %add3A_173, %mul3A_323 : i32
    %add3A_325 = arith.constant 1048576 : i32
    %add3A_326 = arith.addi %mul3A_324, %add3A_325 : i32
    %add3A_327 = arith.addi %add3A_326, %mul3A_14 : i32
    "tpu.region"() ({
      %run_scoped3A = tpu.sem_alloc : memref<!tpu.dma_semaphore, #tpu.memory_space<semaphore_mem>>
      %dma_start3A_647 = tpu.memref_slice %arg5[%add3A_327] : memref<8388608xf32, #tpu.memory_space<hbm>> -> memref<65536xf32, #tpu.memory_space<hbm>>
      %dma_start3A_648 = tpu.memref_slice %arg13[%mul3A_14] : memref<1056768xf32, #tpu.memory_space<vmem_shared>> -> memref<65536xf32, #tpu.memory_space<vmem_shared>>
      tpu.enqueue_dma source(%dma_start3A_648 : memref<65536xf32, #tpu.memory_space<vmem_shared>>) target(%dma_start3A_647 : memref<65536xf32, #tpu.memory_space<hbm>>) target_semaphore(%run_scoped3A : memref<!tpu.dma_semaphore, #tpu.memory_space<semaphore_mem>>)
      %dma_wait3A_649 = tpu.memref_slice %arg5[%add3A_327] : memref<8388608xf32, #tpu.memory_space<hbm>> -> memref<65536xf32, #tpu.memory_space<hbm>>
      %dma_wait3A_650 = tpu.memref_slice %arg13[%mul3A_14] : memref<1056768xf32, #tpu.memory_space<vmem_shared>> -> memref<65536xf32, #tpu.memory_space<vmem_shared>>
      tpu.wait_dma2 semaphore(%run_scoped3A : memref<!tpu.dma_semaphore, #tpu.memory_space<semaphore_mem>>) src(%dma_wait3A_650 : memref<65536xf32, #tpu.memory_space<vmem_shared>>) dst(%dma_wait3A_649 : memref<65536xf32, #tpu.memory_space<hbm>>)
      tpu.yield
    }) : () -> ()
    %barrier3A_328 = arith.constant 0 : index
    tpu.barrier barrier_id(%barrier3A_328)
    %mul3A_329 = arith.constant 2 : i32
    %mul3A_330 = arith.muli %mul3A_329, %arg0 : i32
    %add3A_331 = arith.constant 1 : i32
    %add3A_332 = arith.addi %mul3A_330, %add3A_331 : i32
    %add3A_333 = arith.constant 0 : i32
    %add3A_334 = arith.addi %mul3A_14, %add3A_333 : i32
    %dma_start3A_335 = tpu.memref_slice %arg13[%add3A_334] : memref<1056768xf32, #tpu.memory_space<vmem_shared>> -> memref<8192xf32, #tpu.memory_space<vmem_shared>>
    %dma_start3A_336 = tpu.memref_slice %arg13[%add3A_334] : memref<1056768xf32, #tpu.memory_space<vmem_shared>> -> memref<8192xf32, #tpu.memory_space<vmem_shared>>
    tpu.enqueue_dma source(%arg6 : memref<8192xf32, #tpu.memory_space<vmem>>) target(%dma_start3A_336 : memref<8192xf32, #tpu.memory_space<vmem_shared>>) target_semaphore(%arg14 : memref<!tpu.dma_semaphore, #tpu.memory_space<semaphore_mem>>)
    %add3A_337 = arith.constant 8192 : i32
    %add3A_338 = arith.addi %mul3A_14, %add3A_337 : i32
    %dma_start3A_339 = tpu.memref_slice %arg13[%add3A_338] : memref<1056768xf32, #tpu.memory_space<vmem_shared>> -> memref<8192xf32, #tpu.memory_space<vmem_shared>>
    %dma_start3A_340 = tpu.memref_slice %arg13[%add3A_338] : memref<1056768xf32, #tpu.memory_space<vmem_shared>> -> memref<8192xf32, #tpu.memory_space<vmem_shared>>
    tpu.enqueue_dma source(%arg6 : memref<8192xf32, #tpu.memory_space<vmem>>) target(%dma_start3A_340 : memref<8192xf32, #tpu.memory_space<vmem_shared>>) target_semaphore(%arg14 : memref<!tpu.dma_semaphore, #tpu.memory_space<semaphore_mem>>)
    %add3A_341 = arith.constant 16384 : i32
    %add3A_342 = arith.addi %mul3A_14, %add3A_341 : i32
    %dma_start3A_343 = tpu.memref_slice %arg13[%add3A_342] : memref<1056768xf32, #tpu.memory_space<vmem_shared>> -> memref<8192xf32, #tpu.memory_space<vmem_shared>>
    %dma_start3A_344 = tpu.memref_slice %arg13[%add3A_342] : memref<1056768xf32, #tpu.memory_space<vmem_shared>> -> memref<8192xf32, #tpu.memory_space<vmem_shared>>
    tpu.enqueue_dma source(%arg6 : memref<8192xf32, #tpu.memory_space<vmem>>) target(%dma_start3A_344 : memref<8192xf32, #tpu.memory_space<vmem_shared>>) target_semaphore(%arg14 : memref<!tpu.dma_semaphore, #tpu.memory_space<semaphore_mem>>)
    %add3A_345 = arith.constant 24576 : i32
    %add3A_346 = arith.addi %mul3A_14, %add3A_345 : i32
    %dma_start3A_347 = tpu.memref_slice %arg13[%add3A_346] : memref<1056768xf32, #tpu.memory_space<vmem_shared>> -> memref<8192xf32, #tpu.memory_space<vmem_shared>>
    %dma_start3A_348 = tpu.memref_slice %arg13[%add3A_346] : memref<1056768xf32, #tpu.memory_space<vmem_shared>> -> memref<8192xf32, #tpu.memory_space<vmem_shared>>
    tpu.enqueue_dma source(%arg6 : memref<8192xf32, #tpu.memory_space<vmem>>) target(%dma_start3A_348 : memref<8192xf32, #tpu.memory_space<vmem_shared>>) target_semaphore(%arg14 : memref<!tpu.dma_semaphore, #tpu.memory_space<semaphore_mem>>)
    %add3A_349 = arith.constant 32768 : i32
    %add3A_350 = arith.addi %mul3A_14, %add3A_349 : i32
    %dma_start3A_351 = tpu.memref_slice %arg13[%add3A_350] : memref<1056768xf32, #tpu.memory_space<vmem_shared>> -> memref<8192xf32, #tpu.memory_space<vmem_shared>>
    %dma_start3A_352 = tpu.memref_slice %arg13[%add3A_350] : memref<1056768xf32, #tpu.memory_space<vmem_shared>> -> memref<8192xf32, #tpu.memory_space<vmem_shared>>
    tpu.enqueue_dma source(%arg6 : memref<8192xf32, #tpu.memory_space<vmem>>) target(%dma_start3A_352 : memref<8192xf32, #tpu.memory_space<vmem_shared>>) target_semaphore(%arg14 : memref<!tpu.dma_semaphore, #tpu.memory_space<semaphore_mem>>)
    %add3A_353 = arith.constant 40960 : i32
    %add3A_354 = arith.addi %mul3A_14, %add3A_353 : i32
    %dma_start3A_355 = tpu.memref_slice %arg13[%add3A_354] : memref<1056768xf32, #tpu.memory_space<vmem_shared>> -> memref<8192xf32, #tpu.memory_space<vmem_shared>>
    %dma_start3A_356 = tpu.memref_slice %arg13[%add3A_354] : memref<1056768xf32, #tpu.memory_space<vmem_shared>> -> memref<8192xf32, #tpu.memory_space<vmem_shared>>
    tpu.enqueue_dma source(%arg6 : memref<8192xf32, #tpu.memory_space<vmem>>) target(%dma_start3A_356 : memref<8192xf32, #tpu.memory_space<vmem_shared>>) target_semaphore(%arg14 : memref<!tpu.dma_semaphore, #tpu.memory_space<semaphore_mem>>)
    %add3A_357 = arith.constant 49152 : i32
    %add3A_358 = arith.addi %mul3A_14, %add3A_357 : i32
    %dma_start3A_359 = tpu.memref_slice %arg13[%add3A_358] : memref<1056768xf32, #tpu.memory_space<vmem_shared>> -> memref<8192xf32, #tpu.memory_space<vmem_shared>>
    %dma_start3A_360 = tpu.memref_slice %arg13[%add3A_358] : memref<1056768xf32, #tpu.memory_space<vmem_shared>> -> memref<8192xf32, #tpu.memory_space<vmem_shared>>
    tpu.enqueue_dma source(%arg6 : memref<8192xf32, #tpu.memory_space<vmem>>) target(%dma_start3A_360 : memref<8192xf32, #tpu.memory_space<vmem_shared>>) target_semaphore(%arg14 : memref<!tpu.dma_semaphore, #tpu.memory_space<semaphore_mem>>)
    %add3A_361 = arith.constant 57344 : i32
    %add3A_362 = arith.addi %mul3A_14, %add3A_361 : i32
    %dma_start3A_363 = tpu.memref_slice %arg13[%add3A_362] : memref<1056768xf32, #tpu.memory_space<vmem_shared>> -> memref<8192xf32, #tpu.memory_space<vmem_shared>>
    %dma_start3A_364 = tpu.memref_slice %arg13[%add3A_362] : memref<1056768xf32, #tpu.memory_space<vmem_shared>> -> memref<8192xf32, #tpu.memory_space<vmem_shared>>
    tpu.enqueue_dma source(%arg6 : memref<8192xf32, #tpu.memory_space<vmem>>) target(%dma_start3A_364 : memref<8192xf32, #tpu.memory_space<vmem_shared>>) target_semaphore(%arg14 : memref<!tpu.dma_semaphore, #tpu.memory_space<semaphore_mem>>)
    %dma_wait3A_365 = tpu.memref_slice %arg13[%mul3A_14] : memref<1056768xf32, #tpu.memory_space<vmem_shared>> -> memref<8192xf32, #tpu.memory_space<vmem_shared>>
    %dma_wait3A_366 = tpu.memref_slice %arg13[%mul3A_14] : memref<1056768xf32, #tpu.memory_space<vmem_shared>> -> memref<8192xf32, #tpu.memory_space<vmem_shared>>
    tpu.wait_dma2 semaphore(%arg14 : memref<!tpu.dma_semaphore, #tpu.memory_space<semaphore_mem>>) src(%arg6 : memref<8192xf32, #tpu.memory_space<vmem>>) dst(%dma_wait3A_366 : memref<8192xf32, #tpu.memory_space<vmem_shared>>)
    %dma_wait3A_367 = tpu.memref_slice %arg13[%mul3A_14] : memref<1056768xf32, #tpu.memory_space<vmem_shared>> -> memref<8192xf32, #tpu.memory_space<vmem_shared>>
    %dma_wait3A_368 = tpu.memref_slice %arg13[%mul3A_14] : memref<1056768xf32, #tpu.memory_space<vmem_shared>> -> memref<8192xf32, #tpu.memory_space<vmem_shared>>
    tpu.wait_dma2 semaphore(%arg14 : memref<!tpu.dma_semaphore, #tpu.memory_space<semaphore_mem>>) src(%arg6 : memref<8192xf32, #tpu.memory_space<vmem>>) dst(%dma_wait3A_368 : memref<8192xf32, #tpu.memory_space<vmem_shared>>)
    %dma_wait3A_369 = tpu.memref_slice %arg13[%mul3A_14] : memref<1056768xf32, #tpu.memory_space<vmem_shared>> -> memref<8192xf32, #tpu.memory_space<vmem_shared>>
    %dma_wait3A_370 = tpu.memref_slice %arg13[%mul3A_14] : memref<1056768xf32, #tpu.memory_space<vmem_shared>> -> memref<8192xf32, #tpu.memory_space<vmem_shared>>
    tpu.wait_dma2 semaphore(%arg14 : memref<!tpu.dma_semaphore, #tpu.memory_space<semaphore_mem>>) src(%arg6 : memref<8192xf32, #tpu.memory_space<vmem>>) dst(%dma_wait3A_370 : memref<8192xf32, #tpu.memory_space<vmem_shared>>)
    %dma_wait3A_371 = tpu.memref_slice %arg13[%mul3A_14] : memref<1056768xf32, #tpu.memory_space<vmem_shared>> -> memref<8192xf32, #tpu.memory_space<vmem_shared>>
    %dma_wait3A_372 = tpu.memref_slice %arg13[%mul3A_14] : memref<1056768xf32, #tpu.memory_space<vmem_shared>> -> memref<8192xf32, #tpu.memory_space<vmem_shared>>
    tpu.wait_dma2 semaphore(%arg14 : memref<!tpu.dma_semaphore, #tpu.memory_space<semaphore_mem>>) src(%arg6 : memref<8192xf32, #tpu.memory_space<vmem>>) dst(%dma_wait3A_372 : memref<8192xf32, #tpu.memory_space<vmem_shared>>)
    %dma_wait3A_373 = tpu.memref_slice %arg13[%mul3A_14] : memref<1056768xf32, #tpu.memory_space<vmem_shared>> -> memref<8192xf32, #tpu.memory_space<vmem_shared>>
    %dma_wait3A_374 = tpu.memref_slice %arg13[%mul3A_14] : memref<1056768xf32, #tpu.memory_space<vmem_shared>> -> memref<8192xf32, #tpu.memory_space<vmem_shared>>
    tpu.wait_dma2 semaphore(%arg14 : memref<!tpu.dma_semaphore, #tpu.memory_space<semaphore_mem>>) src(%arg6 : memref<8192xf32, #tpu.memory_space<vmem>>) dst(%dma_wait3A_374 : memref<8192xf32, #tpu.memory_space<vmem_shared>>)
    %dma_wait3A_375 = tpu.memref_slice %arg13[%mul3A_14] : memref<1056768xf32, #tpu.memory_space<vmem_shared>> -> memref<8192xf32, #tpu.memory_space<vmem_shared>>
    %dma_wait3A_376 = tpu.memref_slice %arg13[%mul3A_14] : memref<1056768xf32, #tpu.memory_space<vmem_shared>> -> memref<8192xf32, #tpu.memory_space<vmem_shared>>
    tpu.wait_dma2 semaphore(%arg14 : memref<!tpu.dma_semaphore, #tpu.memory_space<semaphore_mem>>) src(%arg6 : memref<8192xf32, #tpu.memory_space<vmem>>) dst(%dma_wait3A_376 : memref<8192xf32, #tpu.memory_space<vmem_shared>>)
    %dma_wait3A_377 = tpu.memref_slice %arg13[%mul3A_14] : memref<1056768xf32, #tpu.memory_space<vmem_shared>> -> memref<8192xf32, #tpu.memory_space<vmem_shared>>
    %dma_wait3A_378 = tpu.memref_slice %arg13[%mul3A_14] : memref<1056768xf32, #tpu.memory_space<vmem_shared>> -> memref<8192xf32, #tpu.memory_space<vmem_shared>>
    tpu.wait_dma2 semaphore(%arg14 : memref<!tpu.dma_semaphore, #tpu.memory_space<semaphore_mem>>) src(%arg6 : memref<8192xf32, #tpu.memory_space<vmem>>) dst(%dma_wait3A_378 : memref<8192xf32, #tpu.memory_space<vmem_shared>>)
    %dma_wait3A_379 = tpu.memref_slice %arg13[%mul3A_14] : memref<1056768xf32, #tpu.memory_space<vmem_shared>> -> memref<8192xf32, #tpu.memory_space<vmem_shared>>
    %dma_wait3A_380 = tpu.memref_slice %arg13[%mul3A_14] : memref<1056768xf32, #tpu.memory_space<vmem_shared>> -> memref<8192xf32, #tpu.memory_space<vmem_shared>>
    tpu.wait_dma2 semaphore(%arg14 : memref<!tpu.dma_semaphore, #tpu.memory_space<semaphore_mem>>) src(%arg6 : memref<8192xf32, #tpu.memory_space<vmem>>) dst(%dma_wait3A_380 : memref<8192xf32, #tpu.memory_space<vmem_shared>>)
    %barrier3A_381 = arith.constant 0 : index
    tpu.barrier barrier_id(%barrier3A_381)
    %mul3A_382 = arith.constant 500000 : i32
    %mul3A_383 = arith.muli %add3A_332, %mul3A_382 : i32
    %add3A_384 = arith.addi %mul3A_383, %min3A_12 : i32
    %add3A_385 = arith.constant 0 : i32
    %add3A_386 = arith.addi %add3A_384, %add3A_385 : i32
    %dma_start3A_387 = tpu.memref_slice %arg2[%add3A_386] : memref<2000000xi32, #tpu.memory_space<hbm>> -> memref<8192xi32, #tpu.memory_space<hbm>>
    %dma_start3A_388 = tpu.memref_slice %arg2[%add3A_386] : memref<2000000xi32, #tpu.memory_space<hbm>> -> memref<8192xi32, #tpu.memory_space<hbm>>
    tpu.enqueue_dma source(%dma_start3A_388 : memref<8192xi32, #tpu.memory_space<hbm>>) target(%arg7 : memref<8192xi32, #tpu.memory_space<vmem>>) target_semaphore(%arg14 : memref<!tpu.dma_semaphore, #tpu.memory_space<semaphore_mem>>)
    %dma_start3A_389 = tpu.memref_slice %arg3[%add3A_386] : memref<2000000xi32, #tpu.memory_space<hbm>> -> memref<8192xi32, #tpu.memory_space<hbm>>
    %dma_start3A_390 = tpu.memref_slice %arg3[%add3A_386] : memref<2000000xi32, #tpu.memory_space<hbm>> -> memref<8192xi32, #tpu.memory_space<hbm>>
    tpu.enqueue_dma source(%dma_start3A_390 : memref<8192xi32, #tpu.memory_space<hbm>>) target(%arg8 : memref<8192xi32, #tpu.memory_space<vmem>>) target_semaphore(%arg14 : memref<!tpu.dma_semaphore, #tpu.memory_space<semaphore_mem>>)
    %dma_start3A_391 = tpu.memref_slice %arg4[%add3A_386] : memref<2000000xi32, #tpu.memory_space<hbm>> -> memref<8192xi32, #tpu.memory_space<hbm>>
    %dma_start3A_392 = tpu.memref_slice %arg4[%add3A_386] : memref<2000000xi32, #tpu.memory_space<hbm>> -> memref<8192xi32, #tpu.memory_space<hbm>>
    tpu.enqueue_dma source(%dma_start3A_392 : memref<8192xi32, #tpu.memory_space<hbm>>) target(%arg9 : memref<8192xi32, #tpu.memory_space<vmem>>) target_semaphore(%arg14 : memref<!tpu.dma_semaphore, #tpu.memory_space<semaphore_mem>>)
    %dma_wait3A_393 = tpu.memref_slice %arg2[%add3A_386] : memref<2000000xi32, #tpu.memory_space<hbm>> -> memref<8192xi32, #tpu.memory_space<hbm>>
    %dma_wait3A_394 = tpu.memref_slice %arg2[%add3A_386] : memref<2000000xi32, #tpu.memory_space<hbm>> -> memref<8192xi32, #tpu.memory_space<hbm>>
    tpu.wait_dma2 semaphore(%arg14 : memref<!tpu.dma_semaphore, #tpu.memory_space<semaphore_mem>>) src(%dma_wait3A_394 : memref<8192xi32, #tpu.memory_space<hbm>>) dst(%arg7 : memref<8192xi32, #tpu.memory_space<vmem>>)
    %dma_wait3A_395 = tpu.memref_slice %arg3[%add3A_386] : memref<2000000xi32, #tpu.memory_space<hbm>> -> memref<8192xi32, #tpu.memory_space<hbm>>
    %dma_wait3A_396 = tpu.memref_slice %arg3[%add3A_386] : memref<2000000xi32, #tpu.memory_space<hbm>> -> memref<8192xi32, #tpu.memory_space<hbm>>
    tpu.wait_dma2 semaphore(%arg14 : memref<!tpu.dma_semaphore, #tpu.memory_space<semaphore_mem>>) src(%dma_wait3A_396 : memref<8192xi32, #tpu.memory_space<hbm>>) dst(%arg8 : memref<8192xi32, #tpu.memory_space<vmem>>)
    %dma_wait3A_397 = tpu.memref_slice %arg4[%add3A_386] : memref<2000000xi32, #tpu.memory_space<hbm>> -> memref<8192xi32, #tpu.memory_space<hbm>>
    %dma_wait3A_398 = tpu.memref_slice %arg4[%add3A_386] : memref<2000000xi32, #tpu.memory_space<hbm>> -> memref<8192xi32, #tpu.memory_space<hbm>>
    tpu.wait_dma2 semaphore(%arg14 : memref<!tpu.dma_semaphore, #tpu.memory_space<semaphore_mem>>) src(%dma_wait3A_398 : memref<8192xi32, #tpu.memory_space<hbm>>) dst(%arg9 : memref<8192xi32, #tpu.memory_space<vmem>>)
    %scan3A_399 = arith.constant 0 : i32
    %scan3A_400 = arith.constant 0 : i32
    %scan3A_401 = arith.constant 512 : i32
    %scan3A_402 = arith.addi %scan3A_400, %scan3A_401 : i32
    %scan3A_403 = arith.constant 1 : i32
    scf.for %scan3A_647 = %scan3A_400 to %scan3A_402 step %scan3A_403  : i32 {
      %mul3A_648 = arith.constant 16 : i32
      %mul3A_649 = arith.muli %scan3A_647, %mul3A_648 : i32
      %get3A = arith.index_cast %mul3A_649 : i32 to index
      %get3A_650 = tpu.vector_load %arg7[%get3A] {strides = array<i32>} : memref<8192xi32, #tpu.memory_space<vmem>>, vector<16xi32>,
      %get3A_651 = vector.shape_cast %get3A_650 : vector<16xi32> to vector<16xi32>
      %mul3A_652 = arith.constant 16 : i32
      %mul3A_653 = arith.muli %scan3A_647, %mul3A_652 : i32
      %get3A_654 = arith.index_cast %mul3A_653 : i32 to index
      %get3A_655 = tpu.vector_load %arg8[%get3A_654] {strides = array<i32>} : memref<8192xi32, #tpu.memory_space<vmem>>, vector<16xi32>,
      %get3A_656 = vector.shape_cast %get3A_655 : vector<16xi32> to vector<16xi32>
      %mul3A_657 = arith.constant 16 : i32
      %mul3A_658 = arith.muli %scan3A_647, %mul3A_657 : i32
      %get3A_659 = arith.index_cast %mul3A_658 : i32 to index
      %get3A_660 = tpu.vector_load %arg9[%get3A_659] {strides = array<i32>} : memref<8192xi32, #tpu.memory_space<vmem>>, vector<16xi32>,
      %get3A_661 = vector.shape_cast %get3A_660 : vector<16xi32> to vector<16xi32>
      %ge3A = arith.constant 0 : i32
      %ge3A_662 = vector.broadcast %ge3A : i32 to vector<16xi32>
      %ge3A_663 = arith.cmpi sge, %get3A_661, %ge3A_662 : vector<16xi32>
      %lt3A = arith.constant 64 : i32
      %lt3A_664 = vector.broadcast %lt3A : i32 to vector<16xi32>
      %lt3A_665 = arith.cmpi slt, %get3A_661, %lt3A_664 : vector<16xi32>
      %and3A = arith.andi %ge3A_663, %lt3A_665 : vector<16xi1>
      %mul3A_666 = arith.constant 8192 : i32
      %mul3A_667 = vector.broadcast %mul3A_666 : i32 to vector<16xi32>
      %mul3A_668 = arith.muli %get3A_651, %mul3A_667 : vector<16xi32>
      %mul3A_669 = arith.constant 64 : i32
      %mul3A_670 = vector.broadcast %mul3A_669 : i32 to vector<16xi32>
      %mul3A_671 = arith.muli %get3A_656, %mul3A_670 : vector<16xi32>
      %add3A_672 = arith.addi %mul3A_668, %mul3A_671 : vector<16xi32>
      %sub3A = arith.constant 0 : i32
      %sub3A_673 = vector.broadcast %sub3A : i32 to vector<16xi32>
      %sub3A_674 = arith.subi %get3A_661, %sub3A_673 : vector<16xi32>
      %add3A_675 = arith.addi %add3A_672, %sub3A_674 : vector<16xi32>
      %mul3A_676 = arith.constant 16 : i32
      %mul3A_677 = arith.muli %scan3A_647, %mul3A_676 : i32
      %add3A_678 = arith.constant 1048576 : i32
      %add3A_679 = arith.addi %add3A_678, %mul3A_677 : i32
      %iota3A = tpu.iota {dimensions = array<i32: 0>} : vector<16xi32>
      %add3A_680 = vector.broadcast %add3A_679 : i32 to vector<16xi32>
      %add3A_681 = arith.addi %add3A_680, %iota3A : vector<16xi32>
      %select_n3A = arith.select %and3A, %add3A_675, %add3A_681 : vector<16xi1>, vector<16xi32>
      %mul3A_682 = arith.constant 16 : i32
      %mul3A_683 = arith.muli %scan3A_647, %mul3A_682 : i32
      %swap3A = arith.index_cast %mul3A_683 : i32 to index
      %swap3A_684 = tpu.vector_load %arg10[%swap3A] {strides = array<i32>} : memref<8192xi32, #tpu.memory_space<vmem>>, vector<16xi32>,
      %swap3A_685 = vector.shape_cast %swap3A_684 : vector<16xi32> to vector<16xi32>
      %swap3A_686 = vector.shape_cast %select_n3A : vector<16xi32> to vector<16xi32>
      tpu.vector_store %arg10[%swap3A], %swap3A_686 {strides = array<i32>} : memref<8192xi32, #tpu.memory_space<vmem>>, vector<16xi32>,
    }
    %scan3A_404 = arith.constant 512 : i32
    %dma_start3A_405 = arith.constant 0 : i32
    %dma_start3A_406 = tpu.memref_slice %arg13[%dma_start3A_405] : memref<1056768xf32, #tpu.memory_space<vmem_shared>> -> memref<1056768xf32, #tpu.memory_space<vmem_shared>>
    tpu.enqueue_indirect_dma source(%arg12 : memref<8192xf32, #tpu.memory_space<vmem>>) target(%dma_start3A_406 : memref<1056768xf32, #tpu.memory_space<vmem_shared>>) offsets(%arg10 : memref<8192xi32, #tpu.memory_space<vmem>>) semaphore(%arg15 : memref<!tpu.dma_semaphore, #tpu.memory_space<semaphore_mem>>) {add = true}
    %add3A_407 = arith.constant 8192 : i32
    %add3A_408 = arith.addi %add3A_384, %add3A_407 : i32
    %dma_start3A_409 = tpu.memref_slice %arg2[%add3A_408] : memref<2000000xi32, #tpu.memory_space<hbm>> -> memref<8192xi32, #tpu.memory_space<hbm>>
    %dma_start3A_410 = tpu.memref_slice %arg2[%add3A_408] : memref<2000000xi32, #tpu.memory_space<hbm>> -> memref<8192xi32, #tpu.memory_space<hbm>>
    tpu.enqueue_dma source(%dma_start3A_410 : memref<8192xi32, #tpu.memory_space<hbm>>) target(%arg7 : memref<8192xi32, #tpu.memory_space<vmem>>) target_semaphore(%arg14 : memref<!tpu.dma_semaphore, #tpu.memory_space<semaphore_mem>>)
    %dma_start3A_411 = tpu.memref_slice %arg3[%add3A_408] : memref<2000000xi32, #tpu.memory_space<hbm>> -> memref<8192xi32, #tpu.memory_space<hbm>>
    %dma_start3A_412 = tpu.memref_slice %arg3[%add3A_408] : memref<2000000xi32, #tpu.memory_space<hbm>> -> memref<8192xi32, #tpu.memory_space<hbm>>
    tpu.enqueue_dma source(%dma_start3A_412 : memref<8192xi32, #tpu.memory_space<hbm>>) target(%arg8 : memref<8192xi32, #tpu.memory_space<vmem>>) target_semaphore(%arg14 : memref<!tpu.dma_semaphore, #tpu.memory_space<semaphore_mem>>)
    %dma_start3A_413 = tpu.memref_slice %arg4[%add3A_408] : memref<2000000xi32, #tpu.memory_space<hbm>> -> memref<8192xi32, #tpu.memory_space<hbm>>
    %dma_start3A_414 = tpu.memref_slice %arg4[%add3A_408] : memref<2000000xi32, #tpu.memory_space<hbm>> -> memref<8192xi32, #tpu.memory_space<hbm>>
    tpu.enqueue_dma source(%dma_start3A_414 : memref<8192xi32, #tpu.memory_space<hbm>>) target(%arg9 : memref<8192xi32, #tpu.memory_space<vmem>>) target_semaphore(%arg14 : memref<!tpu.dma_semaphore, #tpu.memory_space<semaphore_mem>>)
    %dma_wait3A_415 = tpu.memref_slice %arg2[%add3A_408] : memref<2000000xi32, #tpu.memory_space<hbm>> -> memref<8192xi32, #tpu.memory_space<hbm>>
    %dma_wait3A_416 = tpu.memref_slice %arg2[%add3A_408] : memref<2000000xi32, #tpu.memory_space<hbm>> -> memref<8192xi32, #tpu.memory_space<hbm>>
    tpu.wait_dma2 semaphore(%arg14 : memref<!tpu.dma_semaphore, #tpu.memory_space<semaphore_mem>>) src(%dma_wait3A_416 : memref<8192xi32, #tpu.memory_space<hbm>>) dst(%arg7 : memref<8192xi32, #tpu.memory_space<vmem>>)
    %dma_wait3A_417 = tpu.memref_slice %arg3[%add3A_408] : memref<2000000xi32, #tpu.memory_space<hbm>> -> memref<8192xi32, #tpu.memory_space<hbm>>
    %dma_wait3A_418 = tpu.memref_slice %arg3[%add3A_408] : memref<2000000xi32, #tpu.memory_space<hbm>> -> memref<8192xi32, #tpu.memory_space<hbm>>
    tpu.wait_dma2 semaphore(%arg14 : memref<!tpu.dma_semaphore, #tpu.memory_space<semaphore_mem>>) src(%dma_wait3A_418 : memref<8192xi32, #tpu.memory_space<hbm>>) dst(%arg8 : memref<8192xi32, #tpu.memory_space<vmem>>)
    %dma_wait3A_419 = tpu.memref_slice %arg4[%add3A_408] : memref<2000000xi32, #tpu.memory_space<hbm>> -> memref<8192xi32, #tpu.memory_space<hbm>>
    %dma_wait3A_420 = tpu.memref_slice %arg4[%add3A_408] : memref<2000000xi32, #tpu.memory_space<hbm>> -> memref<8192xi32, #tpu.memory_space<hbm>>
    tpu.wait_dma2 semaphore(%arg14 : memref<!tpu.dma_semaphore, #tpu.memory_space<semaphore_mem>>) src(%dma_wait3A_420 : memref<8192xi32, #tpu.memory_space<hbm>>) dst(%arg9 : memref<8192xi32, #tpu.memory_space<vmem>>)
    %scan3A_421 = arith.constant 0 : i32
    %scan3A_422 = arith.constant 0 : i32
    %scan3A_423 = arith.constant 512 : i32
    %scan3A_424 = arith.addi %scan3A_422, %scan3A_423 : i32
    %scan3A_425 = arith.constant 1 : i32
    scf.for %scan3A_647 = %scan3A_422 to %scan3A_424 step %scan3A_425  : i32 {
      %mul3A_648 = arith.constant 16 : i32
      %mul3A_649 = arith.muli %scan3A_647, %mul3A_648 : i32
      %get3A = arith.index_cast %mul3A_649 : i32 to index
      %get3A_650 = tpu.vector_load %arg7[%get3A] {strides = array<i32>} : memref<8192xi32, #tpu.memory_space<vmem>>, vector<16xi32>,
      %get3A_651 = vector.shape_cast %get3A_650 : vector<16xi32> to vector<16xi32>
      %mul3A_652 = arith.constant 16 : i32
      %mul3A_653 = arith.muli %scan3A_647, %mul3A_652 : i32
      %get3A_654 = arith.index_cast %mul3A_653 : i32 to index
      %get3A_655 = tpu.vector_load %arg8[%get3A_654] {strides = array<i32>} : memref<8192xi32, #tpu.memory_space<vmem>>, vector<16xi32>,
      %get3A_656 = vector.shape_cast %get3A_655 : vector<16xi32> to vector<16xi32>
      %mul3A_657 = arith.constant 16 : i32
      %mul3A_658 = arith.muli %scan3A_647, %mul3A_657 : i32
      %get3A_659 = arith.index_cast %mul3A_658 : i32 to index
      %get3A_660 = tpu.vector_load %arg9[%get3A_659] {strides = array<i32>} : memref<8192xi32, #tpu.memory_space<vmem>>, vector<16xi32>,
      %get3A_661 = vector.shape_cast %get3A_660 : vector<16xi32> to vector<16xi32>
      %ge3A = arith.constant 0 : i32
      %ge3A_662 = vector.broadcast %ge3A : i32 to vector<16xi32>
      %ge3A_663 = arith.cmpi sge, %get3A_661, %ge3A_662 : vector<16xi32>
      %lt3A = arith.constant 64 : i32
      %lt3A_664 = vector.broadcast %lt3A : i32 to vector<16xi32>
      %lt3A_665 = arith.cmpi slt, %get3A_661, %lt3A_664 : vector<16xi32>
      %and3A = arith.andi %ge3A_663, %lt3A_665 : vector<16xi1>
      %mul3A_666 = arith.constant 8192 : i32
      %mul3A_667 = vector.broadcast %mul3A_666 : i32 to vector<16xi32>
      %mul3A_668 = arith.muli %get3A_651, %mul3A_667 : vector<16xi32>
      %mul3A_669 = arith.constant 64 : i32
      %mul3A_670 = vector.broadcast %mul3A_669 : i32 to vector<16xi32>
      %mul3A_671 = arith.muli %get3A_656, %mul3A_670 : vector<16xi32>
      %add3A_672 = arith.addi %mul3A_668, %mul3A_671 : vector<16xi32>
      %sub3A = arith.constant 0 : i32
      %sub3A_673 = vector.broadcast %sub3A : i32 to vector<16xi32>
      %sub3A_674 = arith.subi %get3A_661, %sub3A_673 : vector<16xi32>
      %add3A_675 = arith.addi %add3A_672, %sub3A_674 : vector<16xi32>
      %mul3A_676 = arith.constant 16 : i32
      %mul3A_677 = arith.muli %scan3A_647, %mul3A_676 : i32
      %add3A_678 = arith.constant 1048576 : i32
      %add3A_679 = arith.addi %add3A_678, %mul3A_677 : i32
      %iota3A = tpu.iota {dimensions = array<i32: 0>} : vector<16xi32>
      %add3A_680 = vector.broadcast %add3A_679 : i32 to vector<16xi32>
      %add3A_681 = arith.addi %add3A_680, %iota3A : vector<16xi32>
      %select_n3A = arith.select %and3A, %add3A_675, %add3A_681 : vector<16xi1>, vector<16xi32>
      %mul3A_682 = arith.constant 16 : i32
      %mul3A_683 = arith.muli %scan3A_647, %mul3A_682 : i32
      %swap3A = arith.index_cast %mul3A_683 : i32 to index
      %swap3A_684 = tpu.vector_load %arg11[%swap3A] {strides = array<i32>} : memref<8192xi32, #tpu.memory_space<vmem>>, vector<16xi32>,
      %swap3A_685 = vector.shape_cast %swap3A_684 : vector<16xi32> to vector<16xi32>
      %swap3A_686 = vector.shape_cast %select_n3A : vector<16xi32> to vector<16xi32>
      tpu.vector_store %arg11[%swap3A], %swap3A_686 {strides = array<i32>} : memref<8192xi32, #tpu.memory_space<vmem>>, vector<16xi32>,
    }
    %scan3A_426 = arith.constant 512 : i32
    %dma_start3A_427 = arith.constant 0 : i32
    %dma_start3A_428 = tpu.memref_slice %arg13[%dma_start3A_427] : memref<1056768xf32, #tpu.memory_space<vmem_shared>> -> memref<1056768xf32, #tpu.memory_space<vmem_shared>>
    tpu.enqueue_indirect_dma source(%arg12 : memref<8192xf32, #tpu.memory_space<vmem>>) target(%dma_start3A_428 : memref<1056768xf32, #tpu.memory_space<vmem_shared>>) offsets(%arg11 : memref<8192xi32, #tpu.memory_space<vmem>>) semaphore(%arg15 : memref<!tpu.dma_semaphore, #tpu.memory_space<semaphore_mem>>) {add = true}
    %add3A_429 = arith.constant 16384 : i32
    %add3A_430 = arith.addi %add3A_384, %add3A_429 : i32
    %dma_start3A_431 = tpu.memref_slice %arg2[%add3A_430] : memref<2000000xi32, #tpu.memory_space<hbm>> -> memref<8192xi32, #tpu.memory_space<hbm>>
    %dma_start3A_432 = tpu.memref_slice %arg2[%add3A_430] : memref<2000000xi32, #tpu.memory_space<hbm>> -> memref<8192xi32, #tpu.memory_space<hbm>>
    tpu.enqueue_dma source(%dma_start3A_432 : memref<8192xi32, #tpu.memory_space<hbm>>) target(%arg7 : memref<8192xi32, #tpu.memory_space<vmem>>) target_semaphore(%arg14 : memref<!tpu.dma_semaphore, #tpu.memory_space<semaphore_mem>>)
    %dma_start3A_433 = tpu.memref_slice %arg3[%add3A_430] : memref<2000000xi32, #tpu.memory_space<hbm>> -> memref<8192xi32, #tpu.memory_space<hbm>>
    %dma_start3A_434 = tpu.memref_slice %arg3[%add3A_430] : memref<2000000xi32, #tpu.memory_space<hbm>> -> memref<8192xi32, #tpu.memory_space<hbm>>
    tpu.enqueue_dma source(%dma_start3A_434 : memref<8192xi32, #tpu.memory_space<hbm>>) target(%arg8 : memref<8192xi32, #tpu.memory_space<vmem>>) target_semaphore(%arg14 : memref<!tpu.dma_semaphore, #tpu.memory_space<semaphore_mem>>)
    %dma_start3A_435 = tpu.memref_slice %arg4[%add3A_430] : memref<2000000xi32, #tpu.memory_space<hbm>> -> memref<8192xi32, #tpu.memory_space<hbm>>
    %dma_start3A_436 = tpu.memref_slice %arg4[%add3A_430] : memref<2000000xi32, #tpu.memory_space<hbm>> -> memref<8192xi32, #tpu.memory_space<hbm>>
    tpu.enqueue_dma source(%dma_start3A_436 : memref<8192xi32, #tpu.memory_space<hbm>>) target(%arg9 : memref<8192xi32, #tpu.memory_space<vmem>>) target_semaphore(%arg14 : memref<!tpu.dma_semaphore, #tpu.memory_space<semaphore_mem>>)
    %dma_wait3A_437 = arith.constant 0 : i32
    %dma_wait3A_438 = tpu.memref_slice %arg13[%dma_wait3A_437] : memref<1056768xf32, #tpu.memory_space<vmem_shared>> -> memref<1056768xf32, #tpu.memory_space<vmem_shared>>
    tpu.wait_indirect_dma semaphore(%arg15 : memref<!tpu.dma_semaphore, #tpu.memory_space<semaphore_mem>>) src(%arg12 : memref<8192xf32, #tpu.memory_space<vmem>>) dst(%dma_wait3A_438 : memref<1056768xf32, #tpu.memory_space<vmem_shared>>)
    %dma_wait3A_439 = tpu.memref_slice %arg2[%add3A_430] : memref<2000000xi32, #tpu.memory_space<hbm>> -> memref<8192xi32, #tpu.memory_space<hbm>>
    %dma_wait3A_440 = tpu.memref_slice %arg2[%add3A_430] : memref<2000000xi32, #tpu.memory_space<hbm>> -> memref<8192xi32, #tpu.memory_space<hbm>>
    tpu.wait_dma2 semaphore(%arg14 : memref<!tpu.dma_semaphore, #tpu.memory_space<semaphore_mem>>) src(%dma_wait3A_440 : memref<8192xi32, #tpu.memory_space<hbm>>) dst(%arg7 : memref<8192xi32, #tpu.memory_space<vmem>>)
    %dma_wait3A_441 = tpu.memref_slice %arg3[%add3A_430] : memref<2000000xi32, #tpu.memory_space<hbm>> -> memref<8192xi32, #tpu.memory_space<hbm>>
    %dma_wait3A_442 = tpu.memref_slice %arg3[%add3A_430] : memref<2000000xi32, #tpu.memory_space<hbm>> -> memref<8192xi32, #tpu.memory_space<hbm>>
    tpu.wait_dma2 semaphore(%arg14 : memref<!tpu.dma_semaphore, #tpu.memory_space<semaphore_mem>>) src(%dma_wait3A_442 : memref<8192xi32, #tpu.memory_space<hbm>>) dst(%arg8 : memref<8192xi32, #tpu.memory_space<vmem>>)
    %dma_wait3A_443 = tpu.memref_slice %arg4[%add3A_430] : memref<2000000xi32, #tpu.memory_space<hbm>> -> memref<8192xi32, #tpu.memory_space<hbm>>
    %dma_wait3A_444 = tpu.memref_slice %arg4[%add3A_430] : memref<2000000xi32, #tpu.memory_space<hbm>> -> memref<8192xi32, #tpu.memory_space<hbm>>
    tpu.wait_dma2 semaphore(%arg14 : memref<!tpu.dma_semaphore, #tpu.memory_space<semaphore_mem>>) src(%dma_wait3A_444 : memref<8192xi32, #tpu.memory_space<hbm>>) dst(%arg9 : memref<8192xi32, #tpu.memory_space<vmem>>)
    %scan3A_445 = arith.constant 0 : i32
    %scan3A_446 = arith.constant 0 : i32
    %scan3A_447 = arith.constant 512 : i32
    %scan3A_448 = arith.addi %scan3A_446, %scan3A_447 : i32
    %scan3A_449 = arith.constant 1 : i32
    scf.for %scan3A_647 = %scan3A_446 to %scan3A_448 step %scan3A_449  : i32 {
      %mul3A_648 = arith.constant 16 : i32
      %mul3A_649 = arith.muli %scan3A_647, %mul3A_648 : i32
      %get3A = arith.index_cast %mul3A_649 : i32 to index
      %get3A_650 = tpu.vector_load %arg7[%get3A] {strides = array<i32>} : memref<8192xi32, #tpu.memory_space<vmem>>, vector<16xi32>,
      %get3A_651 = vector.shape_cast %get3A_650 : vector<16xi32> to vector<16xi32>
      %mul3A_652 = arith.constant 16 : i32
      %mul3A_653 = arith.muli %scan3A_647, %mul3A_652 : i32
      %get3A_654 = arith.index_cast %mul3A_653 : i32 to index
      %get3A_655 = tpu.vector_load %arg8[%get3A_654] {strides = array<i32>} : memref<8192xi32, #tpu.memory_space<vmem>>, vector<16xi32>,
      %get3A_656 = vector.shape_cast %get3A_655 : vector<16xi32> to vector<16xi32>
      %mul3A_657 = arith.constant 16 : i32
      %mul3A_658 = arith.muli %scan3A_647, %mul3A_657 : i32
      %get3A_659 = arith.index_cast %mul3A_658 : i32 to index
      %get3A_660 = tpu.vector_load %arg9[%get3A_659] {strides = array<i32>} : memref<8192xi32, #tpu.memory_space<vmem>>, vector<16xi32>,
      %get3A_661 = vector.shape_cast %get3A_660 : vector<16xi32> to vector<16xi32>
      %ge3A = arith.constant 0 : i32
      %ge3A_662 = vector.broadcast %ge3A : i32 to vector<16xi32>
      %ge3A_663 = arith.cmpi sge, %get3A_661, %ge3A_662 : vector<16xi32>
      %lt3A = arith.constant 64 : i32
      %lt3A_664 = vector.broadcast %lt3A : i32 to vector<16xi32>
      %lt3A_665 = arith.cmpi slt, %get3A_661, %lt3A_664 : vector<16xi32>
      %and3A = arith.andi %ge3A_663, %lt3A_665 : vector<16xi1>
      %mul3A_666 = arith.constant 8192 : i32
      %mul3A_667 = vector.broadcast %mul3A_666 : i32 to vector<16xi32>
      %mul3A_668 = arith.muli %get3A_651, %mul3A_667 : vector<16xi32>
      %mul3A_669 = arith.constant 64 : i32
      %mul3A_670 = vector.broadcast %mul3A_669 : i32 to vector<16xi32>
      %mul3A_671 = arith.muli %get3A_656, %mul3A_670 : vector<16xi32>
      %add3A_672 = arith.addi %mul3A_668, %mul3A_671 : vector<16xi32>
      %sub3A = arith.constant 0 : i32
      %sub3A_673 = vector.broadcast %sub3A : i32 to vector<16xi32>
      %sub3A_674 = arith.subi %get3A_661, %sub3A_673 : vector<16xi32>
      %add3A_675 = arith.addi %add3A_672, %sub3A_674 : vector<16xi32>
      %mul3A_676 = arith.constant 16 : i32
      %mul3A_677 = arith.muli %scan3A_647, %mul3A_676 : i32
      %add3A_678 = arith.constant 1048576 : i32
      %add3A_679 = arith.addi %add3A_678, %mul3A_677 : i32
      %iota3A = tpu.iota {dimensions = array<i32: 0>} : vector<16xi32>
      %add3A_680 = vector.broadcast %add3A_679 : i32 to vector<16xi32>
      %add3A_681 = arith.addi %add3A_680, %iota3A : vector<16xi32>
      %select_n3A = arith.select %and3A, %add3A_675, %add3A_681 : vector<16xi1>, vector<16xi32>
      %mul3A_682 = arith.constant 16 : i32
      %mul3A_683 = arith.muli %scan3A_647, %mul3A_682 : i32
      %swap3A = arith.index_cast %mul3A_683 : i32 to index
      %swap3A_684 = tpu.vector_load %arg10[%swap3A] {strides = array<i32>} : memref<8192xi32, #tpu.memory_space<vmem>>, vector<16xi32>,
      %swap3A_685 = vector.shape_cast %swap3A_684 : vector<16xi32> to vector<16xi32>
      %swap3A_686 = vector.shape_cast %select_n3A : vector<16xi32> to vector<16xi32>
      tpu.vector_store %arg10[%swap3A], %swap3A_686 {strides = array<i32>} : memref<8192xi32, #tpu.memory_space<vmem>>, vector<16xi32>,
    }
    %scan3A_450 = arith.constant 512 : i32
    %dma_start3A_451 = arith.constant 0 : i32
    %dma_start3A_452 = tpu.memref_slice %arg13[%dma_start3A_451] : memref<1056768xf32, #tpu.memory_space<vmem_shared>> -> memref<1056768xf32, #tpu.memory_space<vmem_shared>>
    tpu.enqueue_indirect_dma source(%arg12 : memref<8192xf32, #tpu.memory_space<vmem>>) target(%dma_start3A_452 : memref<1056768xf32, #tpu.memory_space<vmem_shared>>) offsets(%arg10 : memref<8192xi32, #tpu.memory_space<vmem>>) semaphore(%arg15 : memref<!tpu.dma_semaphore, #tpu.memory_space<semaphore_mem>>) {add = true}
    %add3A_453 = arith.constant 24576 : i32
    %add3A_454 = arith.addi %add3A_384, %add3A_453 : i32
    %dma_start3A_455 = tpu.memref_slice %arg2[%add3A_454] : memref<2000000xi32, #tpu.memory_space<hbm>> -> memref<8192xi32, #tpu.memory_space<hbm>>
    %dma_start3A_456 = tpu.memref_slice %arg2[%add3A_454] : memref<2000000xi32, #tpu.memory_space<hbm>> -> memref<8192xi32, #tpu.memory_space<hbm>>
    tpu.enqueue_dma source(%dma_start3A_456 : memref<8192xi32, #tpu.memory_space<hbm>>) target(%arg7 : memref<8192xi32, #tpu.memory_space<vmem>>) target_semaphore(%arg14 : memref<!tpu.dma_semaphore, #tpu.memory_space<semaphore_mem>>)
    %dma_start3A_457 = tpu.memref_slice %arg3[%add3A_454] : memref<2000000xi32, #tpu.memory_space<hbm>> -> memref<8192xi32, #tpu.memory_space<hbm>>
    %dma_start3A_458 = tpu.memref_slice %arg3[%add3A_454] : memref<2000000xi32, #tpu.memory_space<hbm>> -> memref<8192xi32, #tpu.memory_space<hbm>>
    tpu.enqueue_dma source(%dma_start3A_458 : memref<8192xi32, #tpu.memory_space<hbm>>) target(%arg8 : memref<8192xi32, #tpu.memory_space<vmem>>) target_semaphore(%arg14 : memref<!tpu.dma_semaphore, #tpu.memory_space<semaphore_mem>>)
    %dma_start3A_459 = tpu.memref_slice %arg4[%add3A_454] : memref<2000000xi32, #tpu.memory_space<hbm>> -> memref<8192xi32, #tpu.memory_space<hbm>>
    %dma_start3A_460 = tpu.memref_slice %arg4[%add3A_454] : memref<2000000xi32, #tpu.memory_space<hbm>> -> memref<8192xi32, #tpu.memory_space<hbm>>
    tpu.enqueue_dma source(%dma_start3A_460 : memref<8192xi32, #tpu.memory_space<hbm>>) target(%arg9 : memref<8192xi32, #tpu.memory_space<vmem>>) target_semaphore(%arg14 : memref<!tpu.dma_semaphore, #tpu.memory_space<semaphore_mem>>)
    %dma_wait3A_461 = arith.constant 0 : i32
    %dma_wait3A_462 = tpu.memref_slice %arg13[%dma_wait3A_461] : memref<1056768xf32, #tpu.memory_space<vmem_shared>> -> memref<1056768xf32, #tpu.memory_space<vmem_shared>>
    tpu.wait_indirect_dma semaphore(%arg15 : memref<!tpu.dma_semaphore, #tpu.memory_space<semaphore_mem>>) src(%arg12 : memref<8192xf32, #tpu.memory_space<vmem>>) dst(%dma_wait3A_462 : memref<1056768xf32, #tpu.memory_space<vmem_shared>>)
    %dma_wait3A_463 = tpu.memref_slice %arg2[%add3A_454] : memref<2000000xi32, #tpu.memory_space<hbm>> -> memref<8192xi32, #tpu.memory_space<hbm>>
    %dma_wait3A_464 = tpu.memref_slice %arg2[%add3A_454] : memref<2000000xi32, #tpu.memory_space<hbm>> -> memref<8192xi32, #tpu.memory_space<hbm>>
    tpu.wait_dma2 semaphore(%arg14 : memref<!tpu.dma_semaphore, #tpu.memory_space<semaphore_mem>>) src(%dma_wait3A_464 : memref<8192xi32, #tpu.memory_space<hbm>>) dst(%arg7 : memref<8192xi32, #tpu.memory_space<vmem>>)
    %dma_wait3A_465 = tpu.memref_slice %arg3[%add3A_454] : memref<2000000xi32, #tpu.memory_space<hbm>> -> memref<8192xi32, #tpu.memory_space<hbm>>
    %dma_wait3A_466 = tpu.memref_slice %arg3[%add3A_454] : memref<2000000xi32, #tpu.memory_space<hbm>> -> memref<8192xi32, #tpu.memory_space<hbm>>
    tpu.wait_dma2 semaphore(%arg14 : memref<!tpu.dma_semaphore, #tpu.memory_space<semaphore_mem>>) src(%dma_wait3A_466 : memref<8192xi32, #tpu.memory_space<hbm>>) dst(%arg8 : memref<8192xi32, #tpu.memory_space<vmem>>)
    %dma_wait3A_467 = tpu.memref_slice %arg4[%add3A_454] : memref<2000000xi32, #tpu.memory_space<hbm>> -> memref<8192xi32, #tpu.memory_space<hbm>>
    %dma_wait3A_468 = tpu.memref_slice %arg4[%add3A_454] : memref<2000000xi32, #tpu.memory_space<hbm>> -> memref<8192xi32, #tpu.memory_space<hbm>>
    tpu.wait_dma2 semaphore(%arg14 : memref<!tpu.dma_semaphore, #tpu.memory_space<semaphore_mem>>) src(%dma_wait3A_468 : memref<8192xi32, #tpu.memory_space<hbm>>) dst(%arg9 : memref<8192xi32, #tpu.memory_space<vmem>>)
    %scan3A_469 = arith.constant 0 : i32
    %scan3A_470 = arith.constant 0 : i32
    %scan3A_471 = arith.constant 512 : i32
    %scan3A_472 = arith.addi %scan3A_470, %scan3A_471 : i32
    %scan3A_473 = arith.constant 1 : i32
    scf.for %scan3A_647 = %scan3A_470 to %scan3A_472 step %scan3A_473  : i32 {
      %mul3A_648 = arith.constant 16 : i32
      %mul3A_649 = arith.muli %scan3A_647, %mul3A_648 : i32
      %get3A = arith.index_cast %mul3A_649 : i32 to index
      %get3A_650 = tpu.vector_load %arg7[%get3A] {strides = array<i32>} : memref<8192xi32, #tpu.memory_space<vmem>>, vector<16xi32>,
      %get3A_651 = vector.shape_cast %get3A_650 : vector<16xi32> to vector<16xi32>
      %mul3A_652 = arith.constant 16 : i32
      %mul3A_653 = arith.muli %scan3A_647, %mul3A_652 : i32
      %get3A_654 = arith.index_cast %mul3A_653 : i32 to index
      %get3A_655 = tpu.vector_load %arg8[%get3A_654] {strides = array<i32>} : memref<8192xi32, #tpu.memory_space<vmem>>, vector<16xi32>,
      %get3A_656 = vector.shape_cast %get3A_655 : vector<16xi32> to vector<16xi32>
      %mul3A_657 = arith.constant 16 : i32
      %mul3A_658 = arith.muli %scan3A_647, %mul3A_657 : i32
      %get3A_659 = arith.index_cast %mul3A_658 : i32 to index
      %get3A_660 = tpu.vector_load %arg9[%get3A_659] {strides = array<i32>} : memref<8192xi32, #tpu.memory_space<vmem>>, vector<16xi32>,
      %get3A_661 = vector.shape_cast %get3A_660 : vector<16xi32> to vector<16xi32>
      %ge3A = arith.constant 0 : i32
      %ge3A_662 = vector.broadcast %ge3A : i32 to vector<16xi32>
      %ge3A_663 = arith.cmpi sge, %get3A_661, %ge3A_662 : vector<16xi32>
      %lt3A = arith.constant 64 : i32
      %lt3A_664 = vector.broadcast %lt3A : i32 to vector<16xi32>
      %lt3A_665 = arith.cmpi slt, %get3A_661, %lt3A_664 : vector<16xi32>
      %and3A = arith.andi %ge3A_663, %lt3A_665 : vector<16xi1>
      %mul3A_666 = arith.constant 8192 : i32
      %mul3A_667 = vector.broadcast %mul3A_666 : i32 to vector<16xi32>
      %mul3A_668 = arith.muli %get3A_651, %mul3A_667 : vector<16xi32>
      %mul3A_669 = arith.constant 64 : i32
      %mul3A_670 = vector.broadcast %mul3A_669 : i32 to vector<16xi32>
      %mul3A_671 = arith.muli %get3A_656, %mul3A_670 : vector<16xi32>
      %add3A_672 = arith.addi %mul3A_668, %mul3A_671 : vector<16xi32>
      %sub3A = arith.constant 0 : i32
      %sub3A_673 = vector.broadcast %sub3A : i32 to vector<16xi32>
      %sub3A_674 = arith.subi %get3A_661, %sub3A_673 : vector<16xi32>
      %add3A_675 = arith.addi %add3A_672, %sub3A_674 : vector<16xi32>
      %mul3A_676 = arith.constant 16 : i32
      %mul3A_677 = arith.muli %scan3A_647, %mul3A_676 : i32
      %add3A_678 = arith.constant 1048576 : i32
      %add3A_679 = arith.addi %add3A_678, %mul3A_677 : i32
      %iota3A = tpu.iota {dimensions = array<i32: 0>} : vector<16xi32>
      %add3A_680 = vector.broadcast %add3A_679 : i32 to vector<16xi32>
      %add3A_681 = arith.addi %add3A_680, %iota3A : vector<16xi32>
      %select_n3A = arith.select %and3A, %add3A_675, %add3A_681 : vector<16xi1>, vector<16xi32>
      %mul3A_682 = arith.constant 16 : i32
      %mul3A_683 = arith.muli %scan3A_647, %mul3A_682 : i32
      %swap3A = arith.index_cast %mul3A_683 : i32 to index
      %swap3A_684 = tpu.vector_load %arg11[%swap3A] {strides = array<i32>} : memref<8192xi32, #tpu.memory_space<vmem>>, vector<16xi32>,
      %swap3A_685 = vector.shape_cast %swap3A_684 : vector<16xi32> to vector<16xi32>
      %swap3A_686 = vector.shape_cast %select_n3A : vector<16xi32> to vector<16xi32>
      tpu.vector_store %arg11[%swap3A], %swap3A_686 {strides = array<i32>} : memref<8192xi32, #tpu.memory_space<vmem>>, vector<16xi32>,
    }
    %scan3A_474 = arith.constant 512 : i32
    %dma_start3A_475 = arith.constant 0 : i32
    %dma_start3A_476 = tpu.memref_slice %arg13[%dma_start3A_475] : memref<1056768xf32, #tpu.memory_space<vmem_shared>> -> memref<1056768xf32, #tpu.memory_space<vmem_shared>>
    tpu.enqueue_indirect_dma source(%arg12 : memref<8192xf32, #tpu.memory_space<vmem>>) target(%dma_start3A_476 : memref<1056768xf32, #tpu.memory_space<vmem_shared>>) offsets(%arg11 : memref<8192xi32, #tpu.memory_space<vmem>>) semaphore(%arg15 : memref<!tpu.dma_semaphore, #tpu.memory_space<semaphore_mem>>) {add = true}
    %dma_wait3A_477 = arith.constant 0 : i32
    %dma_wait3A_478 = tpu.memref_slice %arg13[%dma_wait3A_477] : memref<1056768xf32, #tpu.memory_space<vmem_shared>> -> memref<1056768xf32, #tpu.memory_space<vmem_shared>>
    tpu.wait_indirect_dma semaphore(%arg15 : memref<!tpu.dma_semaphore, #tpu.memory_space<semaphore_mem>>) src(%arg12 : memref<8192xf32, #tpu.memory_space<vmem>>) dst(%dma_wait3A_478 : memref<1056768xf32, #tpu.memory_space<vmem_shared>>)
    %dma_wait3A_479 = arith.constant 0 : i32
    %dma_wait3A_480 = tpu.memref_slice %arg13[%dma_wait3A_479] : memref<1056768xf32, #tpu.memory_space<vmem_shared>> -> memref<1056768xf32, #tpu.memory_space<vmem_shared>>
    tpu.wait_indirect_dma semaphore(%arg15 : memref<!tpu.dma_semaphore, #tpu.memory_space<semaphore_mem>>) src(%arg12 : memref<8192xf32, #tpu.memory_space<vmem>>) dst(%dma_wait3A_480 : memref<1056768xf32, #tpu.memory_space<vmem_shared>>)
    %barrier3A_481 = arith.constant 0 : index
    tpu.barrier barrier_id(%barrier3A_481)
    %mul3A_482 = arith.constant 2097152 : i32
    %mul3A_483 = arith.muli %add3A_332, %mul3A_482 : i32
    %add3A_484 = arith.constant 0 : i32
    %add3A_485 = arith.addi %mul3A_483, %add3A_484 : i32
    %add3A_486 = arith.addi %add3A_485, %mul3A_14 : i32
    "tpu.region"() ({
      %run_scoped3A = tpu.sem_alloc : memref<!tpu.dma_semaphore, #tpu.memory_space<semaphore_mem>>
      %dma_start3A_647 = tpu.memref_slice %arg5[%add3A_486] : memref<8388608xf32, #tpu.memory_space<hbm>> -> memref<65536xf32, #tpu.memory_space<hbm>>
      %dma_start3A_648 = tpu.memref_slice %arg13[%mul3A_14] : memref<1056768xf32, #tpu.memory_space<vmem_shared>> -> memref<65536xf32, #tpu.memory_space<vmem_shared>>
      tpu.enqueue_dma source(%dma_start3A_648 : memref<65536xf32, #tpu.memory_space<vmem_shared>>) target(%dma_start3A_647 : memref<65536xf32, #tpu.memory_space<hbm>>) target_semaphore(%run_scoped3A : memref<!tpu.dma_semaphore, #tpu.memory_space<semaphore_mem>>)
      %dma_wait3A_649 = tpu.memref_slice %arg5[%add3A_486] : memref<8388608xf32, #tpu.memory_space<hbm>> -> memref<65536xf32, #tpu.memory_space<hbm>>
      %dma_wait3A_650 = tpu.memref_slice %arg13[%mul3A_14] : memref<1056768xf32, #tpu.memory_space<vmem_shared>> -> memref<65536xf32, #tpu.memory_space<vmem_shared>>
      tpu.wait_dma2 semaphore(%run_scoped3A : memref<!tpu.dma_semaphore, #tpu.memory_space<semaphore_mem>>) src(%dma_wait3A_650 : memref<65536xf32, #tpu.memory_space<vmem_shared>>) dst(%dma_wait3A_649 : memref<65536xf32, #tpu.memory_space<hbm>>)
      tpu.yield
    }) : () -> ()
    %barrier3A_487 = arith.constant 0 : index
    tpu.barrier barrier_id(%barrier3A_487)
    %mul3A_488 = arith.constant 2 : i32
    %mul3A_489 = arith.muli %mul3A_488, %arg0 : i32
    %add3A_490 = arith.constant 1 : i32
    %add3A_491 = arith.addi %mul3A_489, %add3A_490 : i32
    %add3A_492 = arith.constant 0 : i32
    %add3A_493 = arith.addi %mul3A_14, %add3A_492 : i32
    %dma_start3A_494 = tpu.memref_slice %arg13[%add3A_493] : memref<1056768xf32, #tpu.memory_space<vmem_shared>> -> memref<8192xf32, #tpu.memory_space<vmem_shared>>
    %dma_start3A_495 = tpu.memref_slice %arg13[%add3A_493] : memref<1056768xf32, #tpu.memory_space<vmem_shared>> -> memref<8192xf32, #tpu.memory_space<vmem_shared>>
    tpu.enqueue_dma source(%arg6 : memref<8192xf32, #tpu.memory_space<vmem>>) target(%dma_start3A_495 : memref<8192xf32, #tpu.memory_space<vmem_shared>>) target_semaphore(%arg14 : memref<!tpu.dma_semaphore, #tpu.memory_space<semaphore_mem>>)
    %add3A_496 = arith.constant 8192 : i32
    %add3A_497 = arith.addi %mul3A_14, %add3A_496 : i32
    %dma_start3A_498 = tpu.memref_slice %arg13[%add3A_497] : memref<1056768xf32, #tpu.memory_space<vmem_shared>> -> memref<8192xf32, #tpu.memory_space<vmem_shared>>
    %dma_start3A_499 = tpu.memref_slice %arg13[%add3A_497] : memref<1056768xf32, #tpu.memory_space<vmem_shared>> -> memref<8192xf32, #tpu.memory_space<vmem_shared>>
    tpu.enqueue_dma source(%arg6 : memref<8192xf32, #tpu.memory_space<vmem>>) target(%dma_start3A_499 : memref<8192xf32, #tpu.memory_space<vmem_shared>>) target_semaphore(%arg14 : memref<!tpu.dma_semaphore, #tpu.memory_space<semaphore_mem>>)
    %add3A_500 = arith.constant 16384 : i32
    %add3A_501 = arith.addi %mul3A_14, %add3A_500 : i32
    %dma_start3A_502 = tpu.memref_slice %arg13[%add3A_501] : memref<1056768xf32, #tpu.memory_space<vmem_shared>> -> memref<8192xf32, #tpu.memory_space<vmem_shared>>
    %dma_start3A_503 = tpu.memref_slice %arg13[%add3A_501] : memref<1056768xf32, #tpu.memory_space<vmem_shared>> -> memref<8192xf32, #tpu.memory_space<vmem_shared>>
    tpu.enqueue_dma source(%arg6 : memref<8192xf32, #tpu.memory_space<vmem>>) target(%dma_start3A_503 : memref<8192xf32, #tpu.memory_space<vmem_shared>>) target_semaphore(%arg14 : memref<!tpu.dma_semaphore, #tpu.memory_space<semaphore_mem>>)
    %add3A_504 = arith.constant 24576 : i32
    %add3A_505 = arith.addi %mul3A_14, %add3A_504 : i32
    %dma_start3A_506 = tpu.memref_slice %arg13[%add3A_505] : memref<1056768xf32, #tpu.memory_space<vmem_shared>> -> memref<8192xf32, #tpu.memory_space<vmem_shared>>
    %dma_start3A_507 = tpu.memref_slice %arg13[%add3A_505] : memref<1056768xf32, #tpu.memory_space<vmem_shared>> -> memref<8192xf32, #tpu.memory_space<vmem_shared>>
    tpu.enqueue_dma source(%arg6 : memref<8192xf32, #tpu.memory_space<vmem>>) target(%dma_start3A_507 : memref<8192xf32, #tpu.memory_space<vmem_shared>>) target_semaphore(%arg14 : memref<!tpu.dma_semaphore, #tpu.memory_space<semaphore_mem>>)
    %add3A_508 = arith.constant 32768 : i32
    %add3A_509 = arith.addi %mul3A_14, %add3A_508 : i32
    %dma_start3A_510 = tpu.memref_slice %arg13[%add3A_509] : memref<1056768xf32, #tpu.memory_space<vmem_shared>> -> memref<8192xf32, #tpu.memory_space<vmem_shared>>
    %dma_start3A_511 = tpu.memref_slice %arg13[%add3A_509] : memref<1056768xf32, #tpu.memory_space<vmem_shared>> -> memref<8192xf32, #tpu.memory_space<vmem_shared>>
    tpu.enqueue_dma source(%arg6 : memref<8192xf32, #tpu.memory_space<vmem>>) target(%dma_start3A_511 : memref<8192xf32, #tpu.memory_space<vmem_shared>>) target_semaphore(%arg14 : memref<!tpu.dma_semaphore, #tpu.memory_space<semaphore_mem>>)
    %add3A_512 = arith.constant 40960 : i32
    %add3A_513 = arith.addi %mul3A_14, %add3A_512 : i32
    %dma_start3A_514 = tpu.memref_slice %arg13[%add3A_513] : memref<1056768xf32, #tpu.memory_space<vmem_shared>> -> memref<8192xf32, #tpu.memory_space<vmem_shared>>
    %dma_start3A_515 = tpu.memref_slice %arg13[%add3A_513] : memref<1056768xf32, #tpu.memory_space<vmem_shared>> -> memref<8192xf32, #tpu.memory_space<vmem_shared>>
    tpu.enqueue_dma source(%arg6 : memref<8192xf32, #tpu.memory_space<vmem>>) target(%dma_start3A_515 : memref<8192xf32, #tpu.memory_space<vmem_shared>>) target_semaphore(%arg14 : memref<!tpu.dma_semaphore, #tpu.memory_space<semaphore_mem>>)
    %add3A_516 = arith.constant 49152 : i32
    %add3A_517 = arith.addi %mul3A_14, %add3A_516 : i32
    %dma_start3A_518 = tpu.memref_slice %arg13[%add3A_517] : memref<1056768xf32, #tpu.memory_space<vmem_shared>> -> memref<8192xf32, #tpu.memory_space<vmem_shared>>
    %dma_start3A_519 = tpu.memref_slice %arg13[%add3A_517] : memref<1056768xf32, #tpu.memory_space<vmem_shared>> -> memref<8192xf32, #tpu.memory_space<vmem_shared>>
    tpu.enqueue_dma source(%arg6 : memref<8192xf32, #tpu.memory_space<vmem>>) target(%dma_start3A_519 : memref<8192xf32, #tpu.memory_space<vmem_shared>>) target_semaphore(%arg14 : memref<!tpu.dma_semaphore, #tpu.memory_space<semaphore_mem>>)
    %add3A_520 = arith.constant 57344 : i32
    %add3A_521 = arith.addi %mul3A_14, %add3A_520 : i32
    %dma_start3A_522 = tpu.memref_slice %arg13[%add3A_521] : memref<1056768xf32, #tpu.memory_space<vmem_shared>> -> memref<8192xf32, #tpu.memory_space<vmem_shared>>
    %dma_start3A_523 = tpu.memref_slice %arg13[%add3A_521] : memref<1056768xf32, #tpu.memory_space<vmem_shared>> -> memref<8192xf32, #tpu.memory_space<vmem_shared>>
    tpu.enqueue_dma source(%arg6 : memref<8192xf32, #tpu.memory_space<vmem>>) target(%dma_start3A_523 : memref<8192xf32, #tpu.memory_space<vmem_shared>>) target_semaphore(%arg14 : memref<!tpu.dma_semaphore, #tpu.memory_space<semaphore_mem>>)
    %dma_wait3A_524 = tpu.memref_slice %arg13[%mul3A_14] : memref<1056768xf32, #tpu.memory_space<vmem_shared>> -> memref<8192xf32, #tpu.memory_space<vmem_shared>>
    %dma_wait3A_525 = tpu.memref_slice %arg13[%mul3A_14] : memref<1056768xf32, #tpu.memory_space<vmem_shared>> -> memref<8192xf32, #tpu.memory_space<vmem_shared>>
    tpu.wait_dma2 semaphore(%arg14 : memref<!tpu.dma_semaphore, #tpu.memory_space<semaphore_mem>>) src(%arg6 : memref<8192xf32, #tpu.memory_space<vmem>>) dst(%dma_wait3A_525 : memref<8192xf32, #tpu.memory_space<vmem_shared>>)
    %dma_wait3A_526 = tpu.memref_slice %arg13[%mul3A_14] : memref<1056768xf32, #tpu.memory_space<vmem_shared>> -> memref<8192xf32, #tpu.memory_space<vmem_shared>>
    %dma_wait3A_527 = tpu.memref_slice %arg13[%mul3A_14] : memref<1056768xf32, #tpu.memory_space<vmem_shared>> -> memref<8192xf32, #tpu.memory_space<vmem_shared>>
    tpu.wait_dma2 semaphore(%arg14 : memref<!tpu.dma_semaphore, #tpu.memory_space<semaphore_mem>>) src(%arg6 : memref<8192xf32, #tpu.memory_space<vmem>>) dst(%dma_wait3A_527 : memref<8192xf32, #tpu.memory_space<vmem_shared>>)
    %dma_wait3A_528 = tpu.memref_slice %arg13[%mul3A_14] : memref<1056768xf32, #tpu.memory_space<vmem_shared>> -> memref<8192xf32, #tpu.memory_space<vmem_shared>>
    %dma_wait3A_529 = tpu.memref_slice %arg13[%mul3A_14] : memref<1056768xf32, #tpu.memory_space<vmem_shared>> -> memref<8192xf32, #tpu.memory_space<vmem_shared>>
    tpu.wait_dma2 semaphore(%arg14 : memref<!tpu.dma_semaphore, #tpu.memory_space<semaphore_mem>>) src(%arg6 : memref<8192xf32, #tpu.memory_space<vmem>>) dst(%dma_wait3A_529 : memref<8192xf32, #tpu.memory_space<vmem_shared>>)
    %dma_wait3A_530 = tpu.memref_slice %arg13[%mul3A_14] : memref<1056768xf32, #tpu.memory_space<vmem_shared>> -> memref<8192xf32, #tpu.memory_space<vmem_shared>>
    %dma_wait3A_531 = tpu.memref_slice %arg13[%mul3A_14] : memref<1056768xf32, #tpu.memory_space<vmem_shared>> -> memref<8192xf32, #tpu.memory_space<vmem_shared>>
    tpu.wait_dma2 semaphore(%arg14 : memref<!tpu.dma_semaphore, #tpu.memory_space<semaphore_mem>>) src(%arg6 : memref<8192xf32, #tpu.memory_space<vmem>>) dst(%dma_wait3A_531 : memref<8192xf32, #tpu.memory_space<vmem_shared>>)
    %dma_wait3A_532 = tpu.memref_slice %arg13[%mul3A_14] : memref<1056768xf32, #tpu.memory_space<vmem_shared>> -> memref<8192xf32, #tpu.memory_space<vmem_shared>>
    %dma_wait3A_533 = tpu.memref_slice %arg13[%mul3A_14] : memref<1056768xf32, #tpu.memory_space<vmem_shared>> -> memref<8192xf32, #tpu.memory_space<vmem_shared>>
    tpu.wait_dma2 semaphore(%arg14 : memref<!tpu.dma_semaphore, #tpu.memory_space<semaphore_mem>>) src(%arg6 : memref<8192xf32, #tpu.memory_space<vmem>>) dst(%dma_wait3A_533 : memref<8192xf32, #tpu.memory_space<vmem_shared>>)
    %dma_wait3A_534 = tpu.memref_slice %arg13[%mul3A_14] : memref<1056768xf32, #tpu.memory_space<vmem_shared>> -> memref<8192xf32, #tpu.memory_space<vmem_shared>>
    %dma_wait3A_535 = tpu.memref_slice %arg13[%mul3A_14] : memref<1056768xf32, #tpu.memory_space<vmem_shared>> -> memref<8192xf32, #tpu.memory_space<vmem_shared>>
    tpu.wait_dma2 semaphore(%arg14 : memref<!tpu.dma_semaphore, #tpu.memory_space<semaphore_mem>>) src(%arg6 : memref<8192xf32, #tpu.memory_space<vmem>>) dst(%dma_wait3A_535 : memref<8192xf32, #tpu.memory_space<vmem_shared>>)
    %dma_wait3A_536 = tpu.memref_slice %arg13[%mul3A_14] : memref<1056768xf32, #tpu.memory_space<vmem_shared>> -> memref<8192xf32, #tpu.memory_space<vmem_shared>>
    %dma_wait3A_537 = tpu.memref_slice %arg13[%mul3A_14] : memref<1056768xf32, #tpu.memory_space<vmem_shared>> -> memref<8192xf32, #tpu.memory_space<vmem_shared>>
    tpu.wait_dma2 semaphore(%arg14 : memref<!tpu.dma_semaphore, #tpu.memory_space<semaphore_mem>>) src(%arg6 : memref<8192xf32, #tpu.memory_space<vmem>>) dst(%dma_wait3A_537 : memref<8192xf32, #tpu.memory_space<vmem_shared>>)
    %dma_wait3A_538 = tpu.memref_slice %arg13[%mul3A_14] : memref<1056768xf32, #tpu.memory_space<vmem_shared>> -> memref<8192xf32, #tpu.memory_space<vmem_shared>>
    %dma_wait3A_539 = tpu.memref_slice %arg13[%mul3A_14] : memref<1056768xf32, #tpu.memory_space<vmem_shared>> -> memref<8192xf32, #tpu.memory_space<vmem_shared>>
    tpu.wait_dma2 semaphore(%arg14 : memref<!tpu.dma_semaphore, #tpu.memory_space<semaphore_mem>>) src(%arg6 : memref<8192xf32, #tpu.memory_space<vmem>>) dst(%dma_wait3A_539 : memref<8192xf32, #tpu.memory_space<vmem_shared>>)
    %barrier3A_540 = arith.constant 0 : index
    tpu.barrier barrier_id(%barrier3A_540)
    %mul3A_541 = arith.constant 500000 : i32
    %mul3A_542 = arith.muli %add3A_491, %mul3A_541 : i32
    %add3A_543 = arith.addi %mul3A_542, %min3A_12 : i32
    %add3A_544 = arith.constant 0 : i32
    %add3A_545 = arith.addi %add3A_543, %add3A_544 : i32
    %dma_start3A_546 = tpu.memref_slice %arg2[%add3A_545] : memref<2000000xi32, #tpu.memory_space<hbm>> -> memref<8192xi32, #tpu.memory_space<hbm>>
    %dma_start3A_547 = tpu.memref_slice %arg2[%add3A_545] : memref<2000000xi32, #tpu.memory_space<hbm>> -> memref<8192xi32, #tpu.memory_space<hbm>>
    tpu.enqueue_dma source(%dma_start3A_547 : memref<8192xi32, #tpu.memory_space<hbm>>) target(%arg7 : memref<8192xi32, #tpu.memory_space<vmem>>) target_semaphore(%arg14 : memref<!tpu.dma_semaphore, #tpu.memory_space<semaphore_mem>>)
    %dma_start3A_548 = tpu.memref_slice %arg3[%add3A_545] : memref<2000000xi32, #tpu.memory_space<hbm>> -> memref<8192xi32, #tpu.memory_space<hbm>>
    %dma_start3A_549 = tpu.memref_slice %arg3[%add3A_545] : memref<2000000xi32, #tpu.memory_space<hbm>> -> memref<8192xi32, #tpu.memory_space<hbm>>
    tpu.enqueue_dma source(%dma_start3A_549 : memref<8192xi32, #tpu.memory_space<hbm>>) target(%arg8 : memref<8192xi32, #tpu.memory_space<vmem>>) target_semaphore(%arg14 : memref<!tpu.dma_semaphore, #tpu.memory_space<semaphore_mem>>)
    %dma_start3A_550 = tpu.memref_slice %arg4[%add3A_545] : memref<2000000xi32, #tpu.memory_space<hbm>> -> memref<8192xi32, #tpu.memory_space<hbm>>
    %dma_start3A_551 = tpu.memref_slice %arg4[%add3A_545] : memref<2000000xi32, #tpu.memory_space<hbm>> -> memref<8192xi32, #tpu.memory_space<hbm>>
    tpu.enqueue_dma source(%dma_start3A_551 : memref<8192xi32, #tpu.memory_space<hbm>>) target(%arg9 : memref<8192xi32, #tpu.memory_space<vmem>>) target_semaphore(%arg14 : memref<!tpu.dma_semaphore, #tpu.memory_space<semaphore_mem>>)
    %dma_wait3A_552 = tpu.memref_slice %arg2[%add3A_545] : memref<2000000xi32, #tpu.memory_space<hbm>> -> memref<8192xi32, #tpu.memory_space<hbm>>
    %dma_wait3A_553 = tpu.memref_slice %arg2[%add3A_545] : memref<2000000xi32, #tpu.memory_space<hbm>> -> memref<8192xi32, #tpu.memory_space<hbm>>
    tpu.wait_dma2 semaphore(%arg14 : memref<!tpu.dma_semaphore, #tpu.memory_space<semaphore_mem>>) src(%dma_wait3A_553 : memref<8192xi32, #tpu.memory_space<hbm>>) dst(%arg7 : memref<8192xi32, #tpu.memory_space<vmem>>)
    %dma_wait3A_554 = tpu.memref_slice %arg3[%add3A_545] : memref<2000000xi32, #tpu.memory_space<hbm>> -> memref<8192xi32, #tpu.memory_space<hbm>>
    %dma_wait3A_555 = tpu.memref_slice %arg3[%add3A_545] : memref<2000000xi32, #tpu.memory_space<hbm>> -> memref<8192xi32, #tpu.memory_space<hbm>>
    tpu.wait_dma2 semaphore(%arg14 : memref<!tpu.dma_semaphore, #tpu.memory_space<semaphore_mem>>) src(%dma_wait3A_555 : memref<8192xi32, #tpu.memory_space<hbm>>) dst(%arg8 : memref<8192xi32, #tpu.memory_space<vmem>>)
    %dma_wait3A_556 = tpu.memref_slice %arg4[%add3A_545] : memref<2000000xi32, #tpu.memory_space<hbm>> -> memref<8192xi32, #tpu.memory_space<hbm>>
    %dma_wait3A_557 = tpu.memref_slice %arg4[%add3A_545] : memref<2000000xi32, #tpu.memory_space<hbm>> -> memref<8192xi32, #tpu.memory_space<hbm>>
    tpu.wait_dma2 semaphore(%arg14 : memref<!tpu.dma_semaphore, #tpu.memory_space<semaphore_mem>>) src(%dma_wait3A_557 : memref<8192xi32, #tpu.memory_space<hbm>>) dst(%arg9 : memref<8192xi32, #tpu.memory_space<vmem>>)
    %scan3A_558 = arith.constant 0 : i32
    %scan3A_559 = arith.constant 0 : i32
    %scan3A_560 = arith.constant 512 : i32
    %scan3A_561 = arith.addi %scan3A_559, %scan3A_560 : i32
    %scan3A_562 = arith.constant 1 : i32
    scf.for %scan3A_647 = %scan3A_559 to %scan3A_561 step %scan3A_562  : i32 {
      %mul3A_648 = arith.constant 16 : i32
      %mul3A_649 = arith.muli %scan3A_647, %mul3A_648 : i32
      %get3A = arith.index_cast %mul3A_649 : i32 to index
      %get3A_650 = tpu.vector_load %arg7[%get3A] {strides = array<i32>} : memref<8192xi32, #tpu.memory_space<vmem>>, vector<16xi32>,
      %get3A_651 = vector.shape_cast %get3A_650 : vector<16xi32> to vector<16xi32>
      %mul3A_652 = arith.constant 16 : i32
      %mul3A_653 = arith.muli %scan3A_647, %mul3A_652 : i32
      %get3A_654 = arith.index_cast %mul3A_653 : i32 to index
      %get3A_655 = tpu.vector_load %arg8[%get3A_654] {strides = array<i32>} : memref<8192xi32, #tpu.memory_space<vmem>>, vector<16xi32>,
      %get3A_656 = vector.shape_cast %get3A_655 : vector<16xi32> to vector<16xi32>
      %mul3A_657 = arith.constant 16 : i32
      %mul3A_658 = arith.muli %scan3A_647, %mul3A_657 : i32
      %get3A_659 = arith.index_cast %mul3A_658 : i32 to index
      %get3A_660 = tpu.vector_load %arg9[%get3A_659] {strides = array<i32>} : memref<8192xi32, #tpu.memory_space<vmem>>, vector<16xi32>,
      %get3A_661 = vector.shape_cast %get3A_660 : vector<16xi32> to vector<16xi32>
      %ge3A = arith.constant 64 : i32
      %ge3A_662 = vector.broadcast %ge3A : i32 to vector<16xi32>
      %ge3A_663 = arith.cmpi sge, %get3A_661, %ge3A_662 : vector<16xi32>
      %lt3A = arith.constant 128 : i32
      %lt3A_664 = vector.broadcast %lt3A : i32 to vector<16xi32>
      %lt3A_665 = arith.cmpi slt, %get3A_661, %lt3A_664 : vector<16xi32>
      %and3A = arith.andi %ge3A_663, %lt3A_665 : vector<16xi1>
      %mul3A_666 = arith.constant 8192 : i32
      %mul3A_667 = vector.broadcast %mul3A_666 : i32 to vector<16xi32>
      %mul3A_668 = arith.muli %get3A_651, %mul3A_667 : vector<16xi32>
      %mul3A_669 = arith.constant 64 : i32
      %mul3A_670 = vector.broadcast %mul3A_669 : i32 to vector<16xi32>
      %mul3A_671 = arith.muli %get3A_656, %mul3A_670 : vector<16xi32>
      %add3A_672 = arith.addi %mul3A_668, %mul3A_671 : vector<16xi32>
      %sub3A = arith.constant 64 : i32
      %sub3A_673 = vector.broadcast %sub3A : i32 to vector<16xi32>
      %sub3A_674 = arith.subi %get3A_661, %sub3A_673 : vector<16xi32>
      %add3A_675 = arith.addi %add3A_672, %sub3A_674 : vector<16xi32>
      %mul3A_676 = arith.constant 16 : i32
      %mul3A_677 = arith.muli %scan3A_647, %mul3A_676 : i32
      %add3A_678 = arith.constant 1048576 : i32
      %add3A_679 = arith.addi %add3A_678, %mul3A_677 : i32
      %iota3A = tpu.iota {dimensions = array<i32: 0>} : vector<16xi32>
      %add3A_680 = vector.broadcast %add3A_679 : i32 to vector<16xi32>
      %add3A_681 = arith.addi %add3A_680, %iota3A : vector<16xi32>
      %select_n3A = arith.select %and3A, %add3A_675, %add3A_681 : vector<16xi1>, vector<16xi32>
      %mul3A_682 = arith.constant 16 : i32
      %mul3A_683 = arith.muli %scan3A_647, %mul3A_682 : i32
      %swap3A = arith.index_cast %mul3A_683 : i32 to index
      %swap3A_684 = tpu.vector_load %arg10[%swap3A] {strides = array<i32>} : memref<8192xi32, #tpu.memory_space<vmem>>, vector<16xi32>,
      %swap3A_685 = vector.shape_cast %swap3A_684 : vector<16xi32> to vector<16xi32>
      %swap3A_686 = vector.shape_cast %select_n3A : vector<16xi32> to vector<16xi32>
      tpu.vector_store %arg10[%swap3A], %swap3A_686 {strides = array<i32>} : memref<8192xi32, #tpu.memory_space<vmem>>, vector<16xi32>,
    }
    %scan3A_563 = arith.constant 512 : i32
    %dma_start3A_564 = arith.constant 0 : i32
    %dma_start3A_565 = tpu.memref_slice %arg13[%dma_start3A_564] : memref<1056768xf32, #tpu.memory_space<vmem_shared>> -> memref<1056768xf32, #tpu.memory_space<vmem_shared>>
    tpu.enqueue_indirect_dma source(%arg12 : memref<8192xf32, #tpu.memory_space<vmem>>) target(%dma_start3A_565 : memref<1056768xf32, #tpu.memory_space<vmem_shared>>) offsets(%arg10 : memref<8192xi32, #tpu.memory_space<vmem>>) semaphore(%arg15 : memref<!tpu.dma_semaphore, #tpu.memory_space<semaphore_mem>>) {add = true}
    %add3A_566 = arith.constant 8192 : i32
    %add3A_567 = arith.addi %add3A_543, %add3A_566 : i32
    %dma_start3A_568 = tpu.memref_slice %arg2[%add3A_567] : memref<2000000xi32, #tpu.memory_space<hbm>> -> memref<8192xi32, #tpu.memory_space<hbm>>
    %dma_start3A_569 = tpu.memref_slice %arg2[%add3A_567] : memref<2000000xi32, #tpu.memory_space<hbm>> -> memref<8192xi32, #tpu.memory_space<hbm>>
    tpu.enqueue_dma source(%dma_start3A_569 : memref<8192xi32, #tpu.memory_space<hbm>>) target(%arg7 : memref<8192xi32, #tpu.memory_space<vmem>>) target_semaphore(%arg14 : memref<!tpu.dma_semaphore, #tpu.memory_space<semaphore_mem>>)
    %dma_start3A_570 = tpu.memref_slice %arg3[%add3A_567] : memref<2000000xi32, #tpu.memory_space<hbm>> -> memref<8192xi32, #tpu.memory_space<hbm>>
    %dma_start3A_571 = tpu.memref_slice %arg3[%add3A_567] : memref<2000000xi32, #tpu.memory_space<hbm>> -> memref<8192xi32, #tpu.memory_space<hbm>>
    tpu.enqueue_dma source(%dma_start3A_571 : memref<8192xi32, #tpu.memory_space<hbm>>) target(%arg8 : memref<8192xi32, #tpu.memory_space<vmem>>) target_semaphore(%arg14 : memref<!tpu.dma_semaphore, #tpu.memory_space<semaphore_mem>>)
    %dma_start3A_572 = tpu.memref_slice %arg4[%add3A_567] : memref<2000000xi32, #tpu.memory_space<hbm>> -> memref<8192xi32, #tpu.memory_space<hbm>>
    %dma_start3A_573 = tpu.memref_slice %arg4[%add3A_567] : memref<2000000xi32, #tpu.memory_space<hbm>> -> memref<8192xi32, #tpu.memory_space<hbm>>
    tpu.enqueue_dma source(%dma_start3A_573 : memref<8192xi32, #tpu.memory_space<hbm>>) target(%arg9 : memref<8192xi32, #tpu.memory_space<vmem>>) target_semaphore(%arg14 : memref<!tpu.dma_semaphore, #tpu.memory_space<semaphore_mem>>)
    %dma_wait3A_574 = tpu.memref_slice %arg2[%add3A_567] : memref<2000000xi32, #tpu.memory_space<hbm>> -> memref<8192xi32, #tpu.memory_space<hbm>>
    %dma_wait3A_575 = tpu.memref_slice %arg2[%add3A_567] : memref<2000000xi32, #tpu.memory_space<hbm>> -> memref<8192xi32, #tpu.memory_space<hbm>>
    tpu.wait_dma2 semaphore(%arg14 : memref<!tpu.dma_semaphore, #tpu.memory_space<semaphore_mem>>) src(%dma_wait3A_575 : memref<8192xi32, #tpu.memory_space<hbm>>) dst(%arg7 : memref<8192xi32, #tpu.memory_space<vmem>>)
    %dma_wait3A_576 = tpu.memref_slice %arg3[%add3A_567] : memref<2000000xi32, #tpu.memory_space<hbm>> -> memref<8192xi32, #tpu.memory_space<hbm>>
    %dma_wait3A_577 = tpu.memref_slice %arg3[%add3A_567] : memref<2000000xi32, #tpu.memory_space<hbm>> -> memref<8192xi32, #tpu.memory_space<hbm>>
    tpu.wait_dma2 semaphore(%arg14 : memref<!tpu.dma_semaphore, #tpu.memory_space<semaphore_mem>>) src(%dma_wait3A_577 : memref<8192xi32, #tpu.memory_space<hbm>>) dst(%arg8 : memref<8192xi32, #tpu.memory_space<vmem>>)
    %dma_wait3A_578 = tpu.memref_slice %arg4[%add3A_567] : memref<2000000xi32, #tpu.memory_space<hbm>> -> memref<8192xi32, #tpu.memory_space<hbm>>
    %dma_wait3A_579 = tpu.memref_slice %arg4[%add3A_567] : memref<2000000xi32, #tpu.memory_space<hbm>> -> memref<8192xi32, #tpu.memory_space<hbm>>
    tpu.wait_dma2 semaphore(%arg14 : memref<!tpu.dma_semaphore, #tpu.memory_space<semaphore_mem>>) src(%dma_wait3A_579 : memref<8192xi32, #tpu.memory_space<hbm>>) dst(%arg9 : memref<8192xi32, #tpu.memory_space<vmem>>)
    %scan3A_580 = arith.constant 0 : i32
    %scan3A_581 = arith.constant 0 : i32
    %scan3A_582 = arith.constant 512 : i32
    %scan3A_583 = arith.addi %scan3A_581, %scan3A_582 : i32
    %scan3A_584 = arith.constant 1 : i32
    scf.for %scan3A_647 = %scan3A_581 to %scan3A_583 step %scan3A_584  : i32 {
      %mul3A_648 = arith.constant 16 : i32
      %mul3A_649 = arith.muli %scan3A_647, %mul3A_648 : i32
      %get3A = arith.index_cast %mul3A_649 : i32 to index
      %get3A_650 = tpu.vector_load %arg7[%get3A] {strides = array<i32>} : memref<8192xi32, #tpu.memory_space<vmem>>, vector<16xi32>,
      %get3A_651 = vector.shape_cast %get3A_650 : vector<16xi32> to vector<16xi32>
      %mul3A_652 = arith.constant 16 : i32
      %mul3A_653 = arith.muli %scan3A_647, %mul3A_652 : i32
      %get3A_654 = arith.index_cast %mul3A_653 : i32 to index
      %get3A_655 = tpu.vector_load %arg8[%get3A_654] {strides = array<i32>} : memref<8192xi32, #tpu.memory_space<vmem>>, vector<16xi32>,
      %get3A_656 = vector.shape_cast %get3A_655 : vector<16xi32> to vector<16xi32>
      %mul3A_657 = arith.constant 16 : i32
      %mul3A_658 = arith.muli %scan3A_647, %mul3A_657 : i32
      %get3A_659 = arith.index_cast %mul3A_658 : i32 to index
      %get3A_660 = tpu.vector_load %arg9[%get3A_659] {strides = array<i32>} : memref<8192xi32, #tpu.memory_space<vmem>>, vector<16xi32>,
      %get3A_661 = vector.shape_cast %get3A_660 : vector<16xi32> to vector<16xi32>
      %ge3A = arith.constant 64 : i32
      %ge3A_662 = vector.broadcast %ge3A : i32 to vector<16xi32>
      %ge3A_663 = arith.cmpi sge, %get3A_661, %ge3A_662 : vector<16xi32>
      %lt3A = arith.constant 128 : i32
      %lt3A_664 = vector.broadcast %lt3A : i32 to vector<16xi32>
      %lt3A_665 = arith.cmpi slt, %get3A_661, %lt3A_664 : vector<16xi32>
      %and3A = arith.andi %ge3A_663, %lt3A_665 : vector<16xi1>
      %mul3A_666 = arith.constant 8192 : i32
      %mul3A_667 = vector.broadcast %mul3A_666 : i32 to vector<16xi32>
      %mul3A_668 = arith.muli %get3A_651, %mul3A_667 : vector<16xi32>
      %mul3A_669 = arith.constant 64 : i32
      %mul3A_670 = vector.broadcast %mul3A_669 : i32 to vector<16xi32>
      %mul3A_671 = arith.muli %get3A_656, %mul3A_670 : vector<16xi32>
      %add3A_672 = arith.addi %mul3A_668, %mul3A_671 : vector<16xi32>
      %sub3A = arith.constant 64 : i32
      %sub3A_673 = vector.broadcast %sub3A : i32 to vector<16xi32>
      %sub3A_674 = arith.subi %get3A_661, %sub3A_673 : vector<16xi32>
      %add3A_675 = arith.addi %add3A_672, %sub3A_674 : vector<16xi32>
      %mul3A_676 = arith.constant 16 : i32
      %mul3A_677 = arith.muli %scan3A_647, %mul3A_676 : i32
      %add3A_678 = arith.constant 1048576 : i32
      %add3A_679 = arith.addi %add3A_678, %mul3A_677 : i32
      %iota3A = tpu.iota {dimensions = array<i32: 0>} : vector<16xi32>
      %add3A_680 = vector.broadcast %add3A_679 : i32 to vector<16xi32>
      %add3A_681 = arith.addi %add3A_680, %iota3A : vector<16xi32>
      %select_n3A = arith.select %and3A, %add3A_675, %add3A_681 : vector<16xi1>, vector<16xi32>
      %mul3A_682 = arith.constant 16 : i32
      %mul3A_683 = arith.muli %scan3A_647, %mul3A_682 : i32
      %swap3A = arith.index_cast %mul3A_683 : i32 to index
      %swap3A_684 = tpu.vector_load %arg11[%swap3A] {strides = array<i32>} : memref<8192xi32, #tpu.memory_space<vmem>>, vector<16xi32>,
      %swap3A_685 = vector.shape_cast %swap3A_684 : vector<16xi32> to vector<16xi32>
      %swap3A_686 = vector.shape_cast %select_n3A : vector<16xi32> to vector<16xi32>
      tpu.vector_store %arg11[%swap3A], %swap3A_686 {strides = array<i32>} : memref<8192xi32, #tpu.memory_space<vmem>>, vector<16xi32>,
    }
    %scan3A_585 = arith.constant 512 : i32
    %dma_start3A_586 = arith.constant 0 : i32
    %dma_start3A_587 = tpu.memref_slice %arg13[%dma_start3A_586] : memref<1056768xf32, #tpu.memory_space<vmem_shared>> -> memref<1056768xf32, #tpu.memory_space<vmem_shared>>
    tpu.enqueue_indirect_dma source(%arg12 : memref<8192xf32, #tpu.memory_space<vmem>>) target(%dma_start3A_587 : memref<1056768xf32, #tpu.memory_space<vmem_shared>>) offsets(%arg11 : memref<8192xi32, #tpu.memory_space<vmem>>) semaphore(%arg15 : memref<!tpu.dma_semaphore, #tpu.memory_space<semaphore_mem>>) {add = true}
    %add3A_588 = arith.constant 16384 : i32
    %add3A_589 = arith.addi %add3A_543, %add3A_588 : i32
    %dma_start3A_590 = tpu.memref_slice %arg2[%add3A_589] : memref<2000000xi32, #tpu.memory_space<hbm>> -> memref<8192xi32, #tpu.memory_space<hbm>>
    %dma_start3A_591 = tpu.memref_slice %arg2[%add3A_589] : memref<2000000xi32, #tpu.memory_space<hbm>> -> memref<8192xi32, #tpu.memory_space<hbm>>
    tpu.enqueue_dma source(%dma_start3A_591 : memref<8192xi32, #tpu.memory_space<hbm>>) target(%arg7 : memref<8192xi32, #tpu.memory_space<vmem>>) target_semaphore(%arg14 : memref<!tpu.dma_semaphore, #tpu.memory_space<semaphore_mem>>)
    %dma_start3A_592 = tpu.memref_slice %arg3[%add3A_589] : memref<2000000xi32, #tpu.memory_space<hbm>> -> memref<8192xi32, #tpu.memory_space<hbm>>
    %dma_start3A_593 = tpu.memref_slice %arg3[%add3A_589] : memref<2000000xi32, #tpu.memory_space<hbm>> -> memref<8192xi32, #tpu.memory_space<hbm>>
    tpu.enqueue_dma source(%dma_start3A_593 : memref<8192xi32, #tpu.memory_space<hbm>>) target(%arg8 : memref<8192xi32, #tpu.memory_space<vmem>>) target_semaphore(%arg14 : memref<!tpu.dma_semaphore, #tpu.memory_space<semaphore_mem>>)
    %dma_start3A_594 = tpu.memref_slice %arg4[%add3A_589] : memref<2000000xi32, #tpu.memory_space<hbm>> -> memref<8192xi32, #tpu.memory_space<hbm>>
    %dma_start3A_595 = tpu.memref_slice %arg4[%add3A_589] : memref<2000000xi32, #tpu.memory_space<hbm>> -> memref<8192xi32, #tpu.memory_space<hbm>>
    tpu.enqueue_dma source(%dma_start3A_595 : memref<8192xi32, #tpu.memory_space<hbm>>) target(%arg9 : memref<8192xi32, #tpu.memory_space<vmem>>) target_semaphore(%arg14 : memref<!tpu.dma_semaphore, #tpu.memory_space<semaphore_mem>>)
    %dma_wait3A_596 = arith.constant 0 : i32
    %dma_wait3A_597 = tpu.memref_slice %arg13[%dma_wait3A_596] : memref<1056768xf32, #tpu.memory_space<vmem_shared>> -> memref<1056768xf32, #tpu.memory_space<vmem_shared>>
    tpu.wait_indirect_dma semaphore(%arg15 : memref<!tpu.dma_semaphore, #tpu.memory_space<semaphore_mem>>) src(%arg12 : memref<8192xf32, #tpu.memory_space<vmem>>) dst(%dma_wait3A_597 : memref<1056768xf32, #tpu.memory_space<vmem_shared>>)
    %dma_wait3A_598 = tpu.memref_slice %arg2[%add3A_589] : memref<2000000xi32, #tpu.memory_space<hbm>> -> memref<8192xi32, #tpu.memory_space<hbm>>
    %dma_wait3A_599 = tpu.memref_slice %arg2[%add3A_589] : memref<2000000xi32, #tpu.memory_space<hbm>> -> memref<8192xi32, #tpu.memory_space<hbm>>
    tpu.wait_dma2 semaphore(%arg14 : memref<!tpu.dma_semaphore, #tpu.memory_space<semaphore_mem>>) src(%dma_wait3A_599 : memref<8192xi32, #tpu.memory_space<hbm>>) dst(%arg7 : memref<8192xi32, #tpu.memory_space<vmem>>)
    %dma_wait3A_600 = tpu.memref_slice %arg3[%add3A_589] : memref<2000000xi32, #tpu.memory_space<hbm>> -> memref<8192xi32, #tpu.memory_space<hbm>>
    %dma_wait3A_601 = tpu.memref_slice %arg3[%add3A_589] : memref<2000000xi32, #tpu.memory_space<hbm>> -> memref<8192xi32, #tpu.memory_space<hbm>>
    tpu.wait_dma2 semaphore(%arg14 : memref<!tpu.dma_semaphore, #tpu.memory_space<semaphore_mem>>) src(%dma_wait3A_601 : memref<8192xi32, #tpu.memory_space<hbm>>) dst(%arg8 : memref<8192xi32, #tpu.memory_space<vmem>>)
    %dma_wait3A_602 = tpu.memref_slice %arg4[%add3A_589] : memref<2000000xi32, #tpu.memory_space<hbm>> -> memref<8192xi32, #tpu.memory_space<hbm>>
    %dma_wait3A_603 = tpu.memref_slice %arg4[%add3A_589] : memref<2000000xi32, #tpu.memory_space<hbm>> -> memref<8192xi32, #tpu.memory_space<hbm>>
    tpu.wait_dma2 semaphore(%arg14 : memref<!tpu.dma_semaphore, #tpu.memory_space<semaphore_mem>>) src(%dma_wait3A_603 : memref<8192xi32, #tpu.memory_space<hbm>>) dst(%arg9 : memref<8192xi32, #tpu.memory_space<vmem>>)
    %scan3A_604 = arith.constant 0 : i32
    %scan3A_605 = arith.constant 0 : i32
    %scan3A_606 = arith.constant 512 : i32
    %scan3A_607 = arith.addi %scan3A_605, %scan3A_606 : i32
    %scan3A_608 = arith.constant 1 : i32
    scf.for %scan3A_647 = %scan3A_605 to %scan3A_607 step %scan3A_608  : i32 {
      %mul3A_648 = arith.constant 16 : i32
      %mul3A_649 = arith.muli %scan3A_647, %mul3A_648 : i32
      %get3A = arith.index_cast %mul3A_649 : i32 to index
      %get3A_650 = tpu.vector_load %arg7[%get3A] {strides = array<i32>} : memref<8192xi32, #tpu.memory_space<vmem>>, vector<16xi32>,
      %get3A_651 = vector.shape_cast %get3A_650 : vector<16xi32> to vector<16xi32>
      %mul3A_652 = arith.constant 16 : i32
      %mul3A_653 = arith.muli %scan3A_647, %mul3A_652 : i32
      %get3A_654 = arith.index_cast %mul3A_653 : i32 to index
      %get3A_655 = tpu.vector_load %arg8[%get3A_654] {strides = array<i32>} : memref<8192xi32, #tpu.memory_space<vmem>>, vector<16xi32>,
      %get3A_656 = vector.shape_cast %get3A_655 : vector<16xi32> to vector<16xi32>
      %mul3A_657 = arith.constant 16 : i32
      %mul3A_658 = arith.muli %scan3A_647, %mul3A_657 : i32
      %get3A_659 = arith.index_cast %mul3A_658 : i32 to index
      %get3A_660 = tpu.vector_load %arg9[%get3A_659] {strides = array<i32>} : memref<8192xi32, #tpu.memory_space<vmem>>, vector<16xi32>,
      %get3A_661 = vector.shape_cast %get3A_660 : vector<16xi32> to vector<16xi32>
      %ge3A = arith.constant 64 : i32
      %ge3A_662 = vector.broadcast %ge3A : i32 to vector<16xi32>
      %ge3A_663 = arith.cmpi sge, %get3A_661, %ge3A_662 : vector<16xi32>
      %lt3A = arith.constant 128 : i32
      %lt3A_664 = vector.broadcast %lt3A : i32 to vector<16xi32>
      %lt3A_665 = arith.cmpi slt, %get3A_661, %lt3A_664 : vector<16xi32>
      %and3A = arith.andi %ge3A_663, %lt3A_665 : vector<16xi1>
      %mul3A_666 = arith.constant 8192 : i32
      %mul3A_667 = vector.broadcast %mul3A_666 : i32 to vector<16xi32>
      %mul3A_668 = arith.muli %get3A_651, %mul3A_667 : vector<16xi32>
      %mul3A_669 = arith.constant 64 : i32
      %mul3A_670 = vector.broadcast %mul3A_669 : i32 to vector<16xi32>
      %mul3A_671 = arith.muli %get3A_656, %mul3A_670 : vector<16xi32>
      %add3A_672 = arith.addi %mul3A_668, %mul3A_671 : vector<16xi32>
      %sub3A = arith.constant 64 : i32
      %sub3A_673 = vector.broadcast %sub3A : i32 to vector<16xi32>
      %sub3A_674 = arith.subi %get3A_661, %sub3A_673 : vector<16xi32>
      %add3A_675 = arith.addi %add3A_672, %sub3A_674 : vector<16xi32>
      %mul3A_676 = arith.constant 16 : i32
      %mul3A_677 = arith.muli %scan3A_647, %mul3A_676 : i32
      %add3A_678 = arith.constant 1048576 : i32
      %add3A_679 = arith.addi %add3A_678, %mul3A_677 : i32
      %iota3A = tpu.iota {dimensions = array<i32: 0>} : vector<16xi32>
      %add3A_680 = vector.broadcast %add3A_679 : i32 to vector<16xi32>
      %add3A_681 = arith.addi %add3A_680, %iota3A : vector<16xi32>
      %select_n3A = arith.select %and3A, %add3A_675, %add3A_681 : vector<16xi1>, vector<16xi32>
      %mul3A_682 = arith.constant 16 : i32
      %mul3A_683 = arith.muli %scan3A_647, %mul3A_682 : i32
      %swap3A = arith.index_cast %mul3A_683 : i32 to index
      %swap3A_684 = tpu.vector_load %arg10[%swap3A] {strides = array<i32>} : memref<8192xi32, #tpu.memory_space<vmem>>, vector<16xi32>,
      %swap3A_685 = vector.shape_cast %swap3A_684 : vector<16xi32> to vector<16xi32>
      %swap3A_686 = vector.shape_cast %select_n3A : vector<16xi32> to vector<16xi32>
      tpu.vector_store %arg10[%swap3A], %swap3A_686 {strides = array<i32>} : memref<8192xi32, #tpu.memory_space<vmem>>, vector<16xi32>,
    }
    %scan3A_609 = arith.constant 512 : i32
    %dma_start3A_610 = arith.constant 0 : i32
    %dma_start3A_611 = tpu.memref_slice %arg13[%dma_start3A_610] : memref<1056768xf32, #tpu.memory_space<vmem_shared>> -> memref<1056768xf32, #tpu.memory_space<vmem_shared>>
    tpu.enqueue_indirect_dma source(%arg12 : memref<8192xf32, #tpu.memory_space<vmem>>) target(%dma_start3A_611 : memref<1056768xf32, #tpu.memory_space<vmem_shared>>) offsets(%arg10 : memref<8192xi32, #tpu.memory_space<vmem>>) semaphore(%arg15 : memref<!tpu.dma_semaphore, #tpu.memory_space<semaphore_mem>>) {add = true}
    %add3A_612 = arith.constant 24576 : i32
    %add3A_613 = arith.addi %add3A_543, %add3A_612 : i32
    %dma_start3A_614 = tpu.memref_slice %arg2[%add3A_613] : memref<2000000xi32, #tpu.memory_space<hbm>> -> memref<8192xi32, #tpu.memory_space<hbm>>
    %dma_start3A_615 = tpu.memref_slice %arg2[%add3A_613] : memref<2000000xi32, #tpu.memory_space<hbm>> -> memref<8192xi32, #tpu.memory_space<hbm>>
    tpu.enqueue_dma source(%dma_start3A_615 : memref<8192xi32, #tpu.memory_space<hbm>>) target(%arg7 : memref<8192xi32, #tpu.memory_space<vmem>>) target_semaphore(%arg14 : memref<!tpu.dma_semaphore, #tpu.memory_space<semaphore_mem>>)
    %dma_start3A_616 = tpu.memref_slice %arg3[%add3A_613] : memref<2000000xi32, #tpu.memory_space<hbm>> -> memref<8192xi32, #tpu.memory_space<hbm>>
    %dma_start3A_617 = tpu.memref_slice %arg3[%add3A_613] : memref<2000000xi32, #tpu.memory_space<hbm>> -> memref<8192xi32, #tpu.memory_space<hbm>>
    tpu.enqueue_dma source(%dma_start3A_617 : memref<8192xi32, #tpu.memory_space<hbm>>) target(%arg8 : memref<8192xi32, #tpu.memory_space<vmem>>) target_semaphore(%arg14 : memref<!tpu.dma_semaphore, #tpu.memory_space<semaphore_mem>>)
    %dma_start3A_618 = tpu.memref_slice %arg4[%add3A_613] : memref<2000000xi32, #tpu.memory_space<hbm>> -> memref<8192xi32, #tpu.memory_space<hbm>>
    %dma_start3A_619 = tpu.memref_slice %arg4[%add3A_613] : memref<2000000xi32, #tpu.memory_space<hbm>> -> memref<8192xi32, #tpu.memory_space<hbm>>
    tpu.enqueue_dma source(%dma_start3A_619 : memref<8192xi32, #tpu.memory_space<hbm>>) target(%arg9 : memref<8192xi32, #tpu.memory_space<vmem>>) target_semaphore(%arg14 : memref<!tpu.dma_semaphore, #tpu.memory_space<semaphore_mem>>)
    %dma_wait3A_620 = arith.constant 0 : i32
    %dma_wait3A_621 = tpu.memref_slice %arg13[%dma_wait3A_620] : memref<1056768xf32, #tpu.memory_space<vmem_shared>> -> memref<1056768xf32, #tpu.memory_space<vmem_shared>>
    tpu.wait_indirect_dma semaphore(%arg15 : memref<!tpu.dma_semaphore, #tpu.memory_space<semaphore_mem>>) src(%arg12 : memref<8192xf32, #tpu.memory_space<vmem>>) dst(%dma_wait3A_621 : memref<1056768xf32, #tpu.memory_space<vmem_shared>>)
    %dma_wait3A_622 = tpu.memref_slice %arg2[%add3A_613] : memref<2000000xi32, #tpu.memory_space<hbm>> -> memref<8192xi32, #tpu.memory_space<hbm>>
    %dma_wait3A_623 = tpu.memref_slice %arg2[%add3A_613] : memref<2000000xi32, #tpu.memory_space<hbm>> -> memref<8192xi32, #tpu.memory_space<hbm>>
    tpu.wait_dma2 semaphore(%arg14 : memref<!tpu.dma_semaphore, #tpu.memory_space<semaphore_mem>>) src(%dma_wait3A_623 : memref<8192xi32, #tpu.memory_space<hbm>>) dst(%arg7 : memref<8192xi32, #tpu.memory_space<vmem>>)
    %dma_wait3A_624 = tpu.memref_slice %arg3[%add3A_613] : memref<2000000xi32, #tpu.memory_space<hbm>> -> memref<8192xi32, #tpu.memory_space<hbm>>
    %dma_wait3A_625 = tpu.memref_slice %arg3[%add3A_613] : memref<2000000xi32, #tpu.memory_space<hbm>> -> memref<8192xi32, #tpu.memory_space<hbm>>
    tpu.wait_dma2 semaphore(%arg14 : memref<!tpu.dma_semaphore, #tpu.memory_space<semaphore_mem>>) src(%dma_wait3A_625 : memref<8192xi32, #tpu.memory_space<hbm>>) dst(%arg8 : memref<8192xi32, #tpu.memory_space<vmem>>)
    %dma_wait3A_626 = tpu.memref_slice %arg4[%add3A_613] : memref<2000000xi32, #tpu.memory_space<hbm>> -> memref<8192xi32, #tpu.memory_space<hbm>>
    %dma_wait3A_627 = tpu.memref_slice %arg4[%add3A_613] : memref<2000000xi32, #tpu.memory_space<hbm>> -> memref<8192xi32, #tpu.memory_space<hbm>>
    tpu.wait_dma2 semaphore(%arg14 : memref<!tpu.dma_semaphore, #tpu.memory_space<semaphore_mem>>) src(%dma_wait3A_627 : memref<8192xi32, #tpu.memory_space<hbm>>) dst(%arg9 : memref<8192xi32, #tpu.memory_space<vmem>>)
    %scan3A_628 = arith.constant 0 : i32
    %scan3A_629 = arith.constant 0 : i32
    %scan3A_630 = arith.constant 512 : i32
    %scan3A_631 = arith.addi %scan3A_629, %scan3A_630 : i32
    %scan3A_632 = arith.constant 1 : i32
    scf.for %scan3A_647 = %scan3A_629 to %scan3A_631 step %scan3A_632  : i32 {
      %mul3A_648 = arith.constant 16 : i32
      %mul3A_649 = arith.muli %scan3A_647, %mul3A_648 : i32
      %get3A = arith.index_cast %mul3A_649 : i32 to index
      %get3A_650 = tpu.vector_load %arg7[%get3A] {strides = array<i32>} : memref<8192xi32, #tpu.memory_space<vmem>>, vector<16xi32>,
      %get3A_651 = vector.shape_cast %get3A_650 : vector<16xi32> to vector<16xi32>
      %mul3A_652 = arith.constant 16 : i32
      %mul3A_653 = arith.muli %scan3A_647, %mul3A_652 : i32
      %get3A_654 = arith.index_cast %mul3A_653 : i32 to index
      %get3A_655 = tpu.vector_load %arg8[%get3A_654] {strides = array<i32>} : memref<8192xi32, #tpu.memory_space<vmem>>, vector<16xi32>,
      %get3A_656 = vector.shape_cast %get3A_655 : vector<16xi32> to vector<16xi32>
      %mul3A_657 = arith.constant 16 : i32
      %mul3A_658 = arith.muli %scan3A_647, %mul3A_657 : i32
      %get3A_659 = arith.index_cast %mul3A_658 : i32 to index
      %get3A_660 = tpu.vector_load %arg9[%get3A_659] {strides = array<i32>} : memref<8192xi32, #tpu.memory_space<vmem>>, vector<16xi32>,
      %get3A_661 = vector.shape_cast %get3A_660 : vector<16xi32> to vector<16xi32>
      %ge3A = arith.constant 64 : i32
      %ge3A_662 = vector.broadcast %ge3A : i32 to vector<16xi32>
      %ge3A_663 = arith.cmpi sge, %get3A_661, %ge3A_662 : vector<16xi32>
      %lt3A = arith.constant 128 : i32
      %lt3A_664 = vector.broadcast %lt3A : i32 to vector<16xi32>
      %lt3A_665 = arith.cmpi slt, %get3A_661, %lt3A_664 : vector<16xi32>
      %and3A = arith.andi %ge3A_663, %lt3A_665 : vector<16xi1>
      %mul3A_666 = arith.constant 8192 : i32
      %mul3A_667 = vector.broadcast %mul3A_666 : i32 to vector<16xi32>
      %mul3A_668 = arith.muli %get3A_651, %mul3A_667 : vector<16xi32>
      %mul3A_669 = arith.constant 64 : i32
      %mul3A_670 = vector.broadcast %mul3A_669 : i32 to vector<16xi32>
      %mul3A_671 = arith.muli %get3A_656, %mul3A_670 : vector<16xi32>
      %add3A_672 = arith.addi %mul3A_668, %mul3A_671 : vector<16xi32>
      %sub3A = arith.constant 64 : i32
      %sub3A_673 = vector.broadcast %sub3A : i32 to vector<16xi32>
      %sub3A_674 = arith.subi %get3A_661, %sub3A_673 : vector<16xi32>
      %add3A_675 = arith.addi %add3A_672, %sub3A_674 : vector<16xi32>
      %mul3A_676 = arith.constant 16 : i32
      %mul3A_677 = arith.muli %scan3A_647, %mul3A_676 : i32
      %add3A_678 = arith.constant 1048576 : i32
      %add3A_679 = arith.addi %add3A_678, %mul3A_677 : i32
      %iota3A = tpu.iota {dimensions = array<i32: 0>} : vector<16xi32>
      %add3A_680 = vector.broadcast %add3A_679 : i32 to vector<16xi32>
      %add3A_681 = arith.addi %add3A_680, %iota3A : vector<16xi32>
      %select_n3A = arith.select %and3A, %add3A_675, %add3A_681 : vector<16xi1>, vector<16xi32>
      %mul3A_682 = arith.constant 16 : i32
      %mul3A_683 = arith.muli %scan3A_647, %mul3A_682 : i32
      %swap3A = arith.index_cast %mul3A_683 : i32 to index
      %swap3A_684 = tpu.vector_load %arg11[%swap3A] {strides = array<i32>} : memref<8192xi32, #tpu.memory_space<vmem>>, vector<16xi32>,
      %swap3A_685 = vector.shape_cast %swap3A_684 : vector<16xi32> to vector<16xi32>
      %swap3A_686 = vector.shape_cast %select_n3A : vector<16xi32> to vector<16xi32>
      tpu.vector_store %arg11[%swap3A], %swap3A_686 {strides = array<i32>} : memref<8192xi32, #tpu.memory_space<vmem>>, vector<16xi32>,
    }
    %scan3A_633 = arith.constant 512 : i32
    %dma_start3A_634 = arith.constant 0 : i32
    %dma_start3A_635 = tpu.memref_slice %arg13[%dma_start3A_634] : memref<1056768xf32, #tpu.memory_space<vmem_shared>> -> memref<1056768xf32, #tpu.memory_space<vmem_shared>>
    tpu.enqueue_indirect_dma source(%arg12 : memref<8192xf32, #tpu.memory_space<vmem>>) target(%dma_start3A_635 : memref<1056768xf32, #tpu.memory_space<vmem_shared>>) offsets(%arg11 : memref<8192xi32, #tpu.memory_space<vmem>>) semaphore(%arg15 : memref<!tpu.dma_semaphore, #tpu.memory_space<semaphore_mem>>) {add = true}
    %dma_wait3A_636 = arith.constant 0 : i32
    %dma_wait3A_637 = tpu.memref_slice %arg13[%dma_wait3A_636] : memref<1056768xf32, #tpu.memory_space<vmem_shared>> -> memref<1056768xf32, #tpu.memory_space<vmem_shared>>
    tpu.wait_indirect_dma semaphore(%arg15 : memref<!tpu.dma_semaphore, #tpu.memory_space<semaphore_mem>>) src(%arg12 : memref<8192xf32, #tpu.memory_space<vmem>>) dst(%dma_wait3A_637 : memref<1056768xf32, #tpu.memory_space<vmem_shared>>)
    %dma_wait3A_638 = arith.constant 0 : i32
    %dma_wait3A_639 = tpu.memref_slice %arg13[%dma_wait3A_638] : memref<1056768xf32, #tpu.memory_space<vmem_shared>> -> memref<1056768xf32, #tpu.memory_space<vmem_shared>>
    tpu.wait_indirect_dma semaphore(%arg15 : memref<!tpu.dma_semaphore, #tpu.memory_space<semaphore_mem>>) src(%arg12 : memref<8192xf32, #tpu.memory_space<vmem>>) dst(%dma_wait3A_639 : memref<1056768xf32, #tpu.memory_space<vmem_shared>>)
    %barrier3A_640 = arith.constant 0 : index
    tpu.barrier barrier_id(%barrier3A_640)
    %mul3A_641 = arith.constant 2097152 : i32
    %mul3A_642 = arith.muli %add3A_491, %mul3A_641 : i32
    %add3A_643 = arith.constant 1048576 : i32
    %add3A_644 = arith.addi %mul3A_642, %add3A_643 : i32
    %add3A_645 = arith.addi %add3A_644, %mul3A_14 : i32
    "tpu.region"() ({
      %run_scoped3A = tpu.sem_alloc : memref<!tpu.dma_semaphore, #tpu.memory_space<semaphore_mem>>
      %dma_start3A_647 = tpu.memref_slice %arg5[%add3A_645] : memref<8388608xf32, #tpu.memory_space<hbm>> -> memref<65536xf32, #tpu.memory_space<hbm>>
      %dma_start3A_648 = tpu.memref_slice %arg13[%mul3A_14] : memref<1056768xf32, #tpu.memory_space<vmem_shared>> -> memref<65536xf32, #tpu.memory_space<vmem_shared>>
      tpu.enqueue_dma source(%dma_start3A_648 : memref<65536xf32, #tpu.memory_space<vmem_shared>>) target(%dma_start3A_647 : memref<65536xf32, #tpu.memory_space<hbm>>) target_semaphore(%run_scoped3A : memref<!tpu.dma_semaphore, #tpu.memory_space<semaphore_mem>>)
      %dma_wait3A_649 = tpu.memref_slice %arg5[%add3A_645] : memref<8388608xf32, #tpu.memory_space<hbm>> -> memref<65536xf32, #tpu.memory_space<hbm>>
      %dma_wait3A_650 = tpu.memref_slice %arg13[%mul3A_14] : memref<1056768xf32, #tpu.memory_space<vmem_shared>> -> memref<65536xf32, #tpu.memory_space<vmem_shared>>
      tpu.wait_dma2 semaphore(%run_scoped3A : memref<!tpu.dma_semaphore, #tpu.memory_space<semaphore_mem>>) src(%dma_wait3A_650 : memref<65536xf32, #tpu.memory_space<vmem_shared>>) dst(%dma_wait3A_649 : memref<65536xf32, #tpu.memory_space<hbm>>)
      tpu.yield
    }) : () -> ()
    %barrier3A_646 = arith.constant 0 : index
    tpu.barrier barrier_id(%barrier3A_646)
    return
  }
}

#map = affine_map<(d0, d1) -> (0)>
module attributes {stable_mosaic.version = 14 : i64} {
  func.func @gather_kernel(%arg0: i32, %arg1: i32, %arg2: memref<8388608xf32, #tpu.memory_space<hbm>>, %arg3: memref<131072xf32, #tpu.memory_space<hbm>>, %arg4: memref<131072xf32, #tpu.memory_space<hbm>>, %arg5: memref<131072xf32, #tpu.memory_space<hbm>>, %arg6: memref<768xf32, #tpu.memory_space<hbm>>, %arg7: memref<131072xf32, #tpu.memory_space<hbm>>, %arg8: memref<4096xf32, #tpu.memory_space<vmem>>, %arg9: memref<4096xf32, #tpu.memory_space<vmem>>, %arg10: memref<4096xf32, #tpu.memory_space<vmem>>, %arg11: memref<4096xi32, #tpu.memory_space<vmem>>, %arg12: memref<4096xf32, #tpu.memory_space<vmem>>, %arg13: memref<4096xf32, #tpu.memory_space<vmem>>, %arg14: memref<4096xf32, #tpu.memory_space<vmem>>, %arg15: memref<192xf32, #tpu.memory_space<vmem>>, %arg16: memref<!tpu.dma_semaphore, #tpu.memory_space<semaphore_mem>>, %arg17: memref<!tpu.dma_semaphore, #tpu.memory_space<semaphore_mem>>) attributes {dimension_semantics = [#tpu.dimension_semantics<core_parallel>, #tpu.dimension_semantics<subcore_parallel>], iteration_bounds = array<i64: 2, 16>, scalar_prefetch = 0 : i64, scratch_operands = 10 : i64, tpu.core_type = #tpu.core_type<sc_vector_subcore>, window_params = [{transform_indices = #map}, {transform_indices = #map}, {transform_indices = #map}, {transform_indices = #map}, {transform_indices = #map}, {transform_indices = #map}]} {
    %mul3A = arith.constant 16 : i32
    %mul3A_0 = arith.muli %arg0, %mul3A : i32
    %add3A = arith.addi %mul3A_0, %arg1 : i32
    %jit3A = arith.constant 8 : i32
    %div3A = arith.divsi %add3A, %jit3A : i32
    %sign3A = arith.constant 0 : i32
    %sign3A_1 = arith.cmpi sgt, %add3A, %sign3A : i32
    %sign3A_2 = arith.extui %sign3A_1 : i1 to i32
    %sign3A_3 = arith.constant 0 : i32
    %sign3A_4 = arith.cmpi slt, %add3A, %sign3A_3 : i32
    %sign3A_5 = arith.extui %sign3A_4 : i1 to i32
    %sign3A_6 = arith.subi %sign3A_2, %sign3A_5 : i32
    %sign3A_7 = arith.constant 0 : i32
    %sign3A_8 = arith.cmpi sgt, %jit3A, %sign3A_7 : i32
    %sign3A_9 = arith.extui %sign3A_8 : i1 to i32
    %sign3A_10 = arith.constant 0 : i32
    %sign3A_11 = arith.cmpi slt, %jit3A, %sign3A_10 : i32
    %sign3A_12 = arith.extui %sign3A_11 : i1 to i32
    %sign3A_13 = arith.subi %sign3A_9, %sign3A_12 : i32
    %ne3A = arith.cmpi ne, %sign3A_6, %sign3A_13 : i32
    %rem3A = arith.remsi %add3A, %jit3A : i32
    %ne3A_14 = arith.constant 0 : i32
    %ne3A_15 = arith.cmpi ne, %rem3A, %ne3A_14 : i32
    %and3A = arith.andi %ne3A, %ne3A_15 : i1
    %sub3A = arith.constant 1 : i32
    %sub3A_16 = arith.subi %div3A, %sub3A : i32
    %select_n3A = arith.select %and3A, %sub3A_16, %div3A : i32
    %mul3A_17 = arith.constant 4096 : i32
    %mul3A_18 = arith.muli %add3A, %mul3A_17 : i32
    %mul3A_19 = arith.constant 192 : i32
    %mul3A_20 = arith.muli %select_n3A, %mul3A_19 : i32
    %dma_start3A = tpu.memref_slice %arg6[%mul3A_20] : memref<768xf32, #tpu.memory_space<hbm>> -> memref<192xf32, #tpu.memory_space<hbm>>
    %dma_start3A_21 = tpu.memref_slice %arg6[%mul3A_20] : memref<768xf32, #tpu.memory_space<hbm>> -> memref<192xf32, #tpu.memory_space<hbm>>
    tpu.enqueue_dma source(%dma_start3A_21 : memref<192xf32, #tpu.memory_space<hbm>>) target(%arg15 : memref<192xf32, #tpu.memory_space<vmem>>) target_semaphore(%arg16 : memref<!tpu.dma_semaphore, #tpu.memory_space<semaphore_mem>>)
    %dma_start3A_22 = tpu.memref_slice %arg3[%mul3A_18] : memref<131072xf32, #tpu.memory_space<hbm>> -> memref<4096xf32, #tpu.memory_space<hbm>>
    %dma_start3A_23 = tpu.memref_slice %arg3[%mul3A_18] : memref<131072xf32, #tpu.memory_space<hbm>> -> memref<4096xf32, #tpu.memory_space<hbm>>
    tpu.enqueue_dma source(%dma_start3A_23 : memref<4096xf32, #tpu.memory_space<hbm>>) target(%arg8 : memref<4096xf32, #tpu.memory_space<vmem>>) target_semaphore(%arg16 : memref<!tpu.dma_semaphore, #tpu.memory_space<semaphore_mem>>)
    %dma_start3A_24 = tpu.memref_slice %arg4[%mul3A_18] : memref<131072xf32, #tpu.memory_space<hbm>> -> memref<4096xf32, #tpu.memory_space<hbm>>
    %dma_start3A_25 = tpu.memref_slice %arg4[%mul3A_18] : memref<131072xf32, #tpu.memory_space<hbm>> -> memref<4096xf32, #tpu.memory_space<hbm>>
    tpu.enqueue_dma source(%dma_start3A_25 : memref<4096xf32, #tpu.memory_space<hbm>>) target(%arg9 : memref<4096xf32, #tpu.memory_space<vmem>>) target_semaphore(%arg16 : memref<!tpu.dma_semaphore, #tpu.memory_space<semaphore_mem>>)
    %dma_start3A_26 = tpu.memref_slice %arg5[%mul3A_18] : memref<131072xf32, #tpu.memory_space<hbm>> -> memref<4096xf32, #tpu.memory_space<hbm>>
    %dma_start3A_27 = tpu.memref_slice %arg5[%mul3A_18] : memref<131072xf32, #tpu.memory_space<hbm>> -> memref<4096xf32, #tpu.memory_space<hbm>>
    tpu.enqueue_dma source(%dma_start3A_27 : memref<4096xf32, #tpu.memory_space<hbm>>) target(%arg10 : memref<4096xf32, #tpu.memory_space<vmem>>) target_semaphore(%arg16 : memref<!tpu.dma_semaphore, #tpu.memory_space<semaphore_mem>>)
    %dma_wait3A = tpu.memref_slice %arg6[%mul3A_20] : memref<768xf32, #tpu.memory_space<hbm>> -> memref<192xf32, #tpu.memory_space<hbm>>
    %dma_wait3A_28 = tpu.memref_slice %arg6[%mul3A_20] : memref<768xf32, #tpu.memory_space<hbm>> -> memref<192xf32, #tpu.memory_space<hbm>>
    tpu.wait_dma2 semaphore(%arg16 : memref<!tpu.dma_semaphore, #tpu.memory_space<semaphore_mem>>) src(%dma_wait3A_28 : memref<192xf32, #tpu.memory_space<hbm>>) dst(%arg15 : memref<192xf32, #tpu.memory_space<vmem>>)
    %dma_wait3A_29 = tpu.memref_slice %arg3[%mul3A_18] : memref<131072xf32, #tpu.memory_space<hbm>> -> memref<4096xf32, #tpu.memory_space<hbm>>
    %dma_wait3A_30 = tpu.memref_slice %arg3[%mul3A_18] : memref<131072xf32, #tpu.memory_space<hbm>> -> memref<4096xf32, #tpu.memory_space<hbm>>
    tpu.wait_dma2 semaphore(%arg16 : memref<!tpu.dma_semaphore, #tpu.memory_space<semaphore_mem>>) src(%dma_wait3A_30 : memref<4096xf32, #tpu.memory_space<hbm>>) dst(%arg8 : memref<4096xf32, #tpu.memory_space<vmem>>)
    %dma_wait3A_31 = tpu.memref_slice %arg4[%mul3A_18] : memref<131072xf32, #tpu.memory_space<hbm>> -> memref<4096xf32, #tpu.memory_space<hbm>>
    %dma_wait3A_32 = tpu.memref_slice %arg4[%mul3A_18] : memref<131072xf32, #tpu.memory_space<hbm>> -> memref<4096xf32, #tpu.memory_space<hbm>>
    tpu.wait_dma2 semaphore(%arg16 : memref<!tpu.dma_semaphore, #tpu.memory_space<semaphore_mem>>) src(%dma_wait3A_32 : memref<4096xf32, #tpu.memory_space<hbm>>) dst(%arg9 : memref<4096xf32, #tpu.memory_space<vmem>>)
    %dma_wait3A_33 = tpu.memref_slice %arg5[%mul3A_18] : memref<131072xf32, #tpu.memory_space<hbm>> -> memref<4096xf32, #tpu.memory_space<hbm>>
    %dma_wait3A_34 = tpu.memref_slice %arg5[%mul3A_18] : memref<131072xf32, #tpu.memory_space<hbm>> -> memref<4096xf32, #tpu.memory_space<hbm>>
    tpu.wait_dma2 semaphore(%arg16 : memref<!tpu.dma_semaphore, #tpu.memory_space<semaphore_mem>>) src(%dma_wait3A_34 : memref<4096xf32, #tpu.memory_space<hbm>>) dst(%arg10 : memref<4096xf32, #tpu.memory_space<vmem>>)
    %mul3A_35 = arith.constant 2097152 : i32
    %mul3A_36 = arith.muli %select_n3A, %mul3A_35 : i32
    %scan3A = arith.constant 0 : i32
    %scan3A_37 = arith.constant 0 : i32
    %scan3A_38 = arith.constant 256 : i32
    %scan3A_39 = arith.addi %scan3A_37, %scan3A_38 : i32
    %scan3A_40 = arith.constant 1 : i32
    scf.for %scan3A_52 = %scan3A_37 to %scan3A_39 step %scan3A_40  : i32 {
      %mul3A_53 = arith.constant 16 : i32
      %mul3A_54 = arith.muli %scan3A_52, %mul3A_53 : i32
      %get3A = arith.index_cast %mul3A_54 : i32 to index
      %get3A_55 = tpu.vector_load %arg8[%get3A] {strides = array<i32>} : memref<4096xf32, #tpu.memory_space<vmem>>, vector<16xf32>,
      %get3A_56 = vector.shape_cast %get3A_55 : vector<16xf32> to vector<16xf32>
      %get3A_57 = arith.constant 0 : index
      %get3A_58 = tpu.vector_load %arg15[%get3A_57] {strides = array<i32>} : memref<192xf32, #tpu.memory_space<vmem>>, vector<16xf32>,
      %get3A_59 = vector.shape_cast %get3A_58 : vector<16xf32> to vector<16xf32>
      %get3A_60 = arith.constant 48 : index
      %get3A_61 = tpu.vector_load %arg15[%get3A_60] {strides = array<i32>} : memref<192xf32, #tpu.memory_space<vmem>>, vector<16xf32>,
      %get3A_62 = vector.shape_cast %get3A_61 : vector<16xf32> to vector<16xf32>
      %get3A_63 = arith.constant 96 : index
      %get3A_64 = tpu.vector_load %arg15[%get3A_63] {strides = array<i32>} : memref<192xf32, #tpu.memory_space<vmem>>, vector<16xf32>,
      %get3A_65 = vector.shape_cast %get3A_64 : vector<16xf32> to vector<16xf32>
      %convert_element_type3A = arith.fptosi %get3A_65 : vector<16xf32> to vector<16xi32>
      %get3A_66 = arith.constant 144 : index
      %get3A_67 = tpu.vector_load %arg15[%get3A_66] {strides = array<i32>} : memref<192xf32, #tpu.memory_space<vmem>>, vector<16xf32>,
      %get3A_68 = vector.shape_cast %get3A_67 : vector<16xf32> to vector<16xf32>
      %convert_element_type3A_69 = arith.fptosi %get3A_68 : vector<16xf32> to vector<16xi32>
      %sub3A_70 = arith.subf %get3A_56, %get3A_59 : vector<16xf32>
      %div3A_71 = arith.divf %sub3A_70, %get3A_62 : vector<16xf32>
      %convert_element_type3A_72 = arith.fptosi %div3A_71 : vector<16xf32> to vector<16xi32>
      %convert_element_type3A_73 = arith.sitofp %convert_element_type3A_72 : vector<16xi32> to vector<16xf32>
      %lt3A = arith.cmpf olt, %div3A_71, %convert_element_type3A_73 : vector<16xf32>
      %sub3A_74 = arith.constant 1 : i32
      %sub3A_75 = vector.broadcast %sub3A_74 : i32 to vector<16xi32>
      %sub3A_76 = arith.subi %convert_element_type3A_72, %sub3A_75 : vector<16xi32>
      %select_n3A_77 = arith.select %lt3A, %sub3A_76, %convert_element_type3A_72 : vector<16xi1>, vector<16xi32>
      %add3A_78 = arith.addi %select_n3A_77, %convert_element_type3A : vector<16xi32>
      %ge3A = arith.constant 0 : i32
      %ge3A_79 = vector.broadcast %ge3A : i32 to vector<16xi32>
      %ge3A_80 = arith.cmpi sge, %select_n3A_77, %ge3A_79 : vector<16xi32>
      %lt3A_81 = arith.cmpi slt, %select_n3A_77, %convert_element_type3A_69 : vector<16xi32>
      %and3A_82 = arith.andi %ge3A_80, %lt3A_81 : vector<16xi1>
      %lt3A_83 = arith.constant 128 : i32
      %lt3A_84 = vector.broadcast %lt3A_83 : i32 to vector<16xi32>
      %lt3A_85 = arith.cmpi slt, %add3A_78, %lt3A_84 : vector<16xi32>
      %and3A_86 = arith.andi %and3A_82, %lt3A_85 : vector<16xi1>
      %mul3A_87 = arith.constant 16 : i32
      %mul3A_88 = arith.muli %scan3A_52, %mul3A_87 : i32
      %get3A_89 = arith.index_cast %mul3A_88 : i32 to index
      %get3A_90 = tpu.vector_load %arg9[%get3A_89] {strides = array<i32>} : memref<4096xf32, #tpu.memory_space<vmem>>, vector<16xf32>,
      %get3A_91 = vector.shape_cast %get3A_90 : vector<16xf32> to vector<16xf32>
      %get3A_92 = arith.constant 16 : index
      %get3A_93 = tpu.vector_load %arg15[%get3A_92] {strides = array<i32>} : memref<192xf32, #tpu.memory_space<vmem>>, vector<16xf32>,
      %get3A_94 = vector.shape_cast %get3A_93 : vector<16xf32> to vector<16xf32>
      %get3A_95 = arith.constant 64 : index
      %get3A_96 = tpu.vector_load %arg15[%get3A_95] {strides = array<i32>} : memref<192xf32, #tpu.memory_space<vmem>>, vector<16xf32>,
      %get3A_97 = vector.shape_cast %get3A_96 : vector<16xf32> to vector<16xf32>
      %get3A_98 = arith.constant 112 : index
      %get3A_99 = tpu.vector_load %arg15[%get3A_98] {strides = array<i32>} : memref<192xf32, #tpu.memory_space<vmem>>, vector<16xf32>,
      %get3A_100 = vector.shape_cast %get3A_99 : vector<16xf32> to vector<16xf32>
      %convert_element_type3A_101 = arith.fptosi %get3A_100 : vector<16xf32> to vector<16xi32>
      %get3A_102 = arith.constant 160 : index
      %get3A_103 = tpu.vector_load %arg15[%get3A_102] {strides = array<i32>} : memref<192xf32, #tpu.memory_space<vmem>>, vector<16xf32>,
      %get3A_104 = vector.shape_cast %get3A_103 : vector<16xf32> to vector<16xf32>
      %convert_element_type3A_105 = arith.fptosi %get3A_104 : vector<16xf32> to vector<16xi32>
      %sub3A_106 = arith.subf %get3A_91, %get3A_94 : vector<16xf32>
      %div3A_107 = arith.divf %sub3A_106, %get3A_97 : vector<16xf32>
      %convert_element_type3A_108 = arith.fptosi %div3A_107 : vector<16xf32> to vector<16xi32>
      %convert_element_type3A_109 = arith.sitofp %convert_element_type3A_108 : vector<16xi32> to vector<16xf32>
      %lt3A_110 = arith.cmpf olt, %div3A_107, %convert_element_type3A_109 : vector<16xf32>
      %sub3A_111 = arith.constant 1 : i32
      %sub3A_112 = vector.broadcast %sub3A_111 : i32 to vector<16xi32>
      %sub3A_113 = arith.subi %convert_element_type3A_108, %sub3A_112 : vector<16xi32>
      %select_n3A_114 = arith.select %lt3A_110, %sub3A_113, %convert_element_type3A_108 : vector<16xi1>, vector<16xi32>
      %add3A_115 = arith.addi %select_n3A_114, %convert_element_type3A_101 : vector<16xi32>
      %ge3A_116 = arith.constant 0 : i32
      %ge3A_117 = vector.broadcast %ge3A_116 : i32 to vector<16xi32>
      %ge3A_118 = arith.cmpi sge, %select_n3A_114, %ge3A_117 : vector<16xi32>
      %lt3A_119 = arith.cmpi slt, %select_n3A_114, %convert_element_type3A_105 : vector<16xi32>
      %and3A_120 = arith.andi %ge3A_118, %lt3A_119 : vector<16xi1>
      %lt3A_121 = arith.constant 128 : i32
      %lt3A_122 = vector.broadcast %lt3A_121 : i32 to vector<16xi32>
      %lt3A_123 = arith.cmpi slt, %add3A_115, %lt3A_122 : vector<16xi32>
      %and3A_124 = arith.andi %and3A_120, %lt3A_123 : vector<16xi1>
      %mul3A_125 = arith.constant 16 : i32
      %mul3A_126 = arith.muli %scan3A_52, %mul3A_125 : i32
      %get3A_127 = arith.index_cast %mul3A_126 : i32 to index
      %get3A_128 = tpu.vector_load %arg10[%get3A_127] {strides = array<i32>} : memref<4096xf32, #tpu.memory_space<vmem>>, vector<16xf32>,
      %get3A_129 = vector.shape_cast %get3A_128 : vector<16xf32> to vector<16xf32>
      %get3A_130 = arith.constant 32 : index
      %get3A_131 = tpu.vector_load %arg15[%get3A_130] {strides = array<i32>} : memref<192xf32, #tpu.memory_space<vmem>>, vector<16xf32>,
      %get3A_132 = vector.shape_cast %get3A_131 : vector<16xf32> to vector<16xf32>
      %get3A_133 = arith.constant 80 : index
      %get3A_134 = tpu.vector_load %arg15[%get3A_133] {strides = array<i32>} : memref<192xf32, #tpu.memory_space<vmem>>, vector<16xf32>,
      %get3A_135 = vector.shape_cast %get3A_134 : vector<16xf32> to vector<16xf32>
      %get3A_136 = arith.constant 128 : index
      %get3A_137 = tpu.vector_load %arg15[%get3A_136] {strides = array<i32>} : memref<192xf32, #tpu.memory_space<vmem>>, vector<16xf32>,
      %get3A_138 = vector.shape_cast %get3A_137 : vector<16xf32> to vector<16xf32>
      %convert_element_type3A_139 = arith.fptosi %get3A_138 : vector<16xf32> to vector<16xi32>
      %get3A_140 = arith.constant 176 : index
      %get3A_141 = tpu.vector_load %arg15[%get3A_140] {strides = array<i32>} : memref<192xf32, #tpu.memory_space<vmem>>, vector<16xf32>,
      %get3A_142 = vector.shape_cast %get3A_141 : vector<16xf32> to vector<16xf32>
      %convert_element_type3A_143 = arith.fptosi %get3A_142 : vector<16xf32> to vector<16xi32>
      %sub3A_144 = arith.subf %get3A_129, %get3A_132 : vector<16xf32>
      %div3A_145 = arith.divf %sub3A_144, %get3A_135 : vector<16xf32>
      %convert_element_type3A_146 = arith.fptosi %div3A_145 : vector<16xf32> to vector<16xi32>
      %convert_element_type3A_147 = arith.sitofp %convert_element_type3A_146 : vector<16xi32> to vector<16xf32>
      %lt3A_148 = arith.cmpf olt, %div3A_145, %convert_element_type3A_147 : vector<16xf32>
      %sub3A_149 = arith.constant 1 : i32
      %sub3A_150 = vector.broadcast %sub3A_149 : i32 to vector<16xi32>
      %sub3A_151 = arith.subi %convert_element_type3A_146, %sub3A_150 : vector<16xi32>
      %select_n3A_152 = arith.select %lt3A_148, %sub3A_151, %convert_element_type3A_146 : vector<16xi1>, vector<16xi32>
      %add3A_153 = arith.addi %select_n3A_152, %convert_element_type3A_139 : vector<16xi32>
      %ge3A_154 = arith.constant 0 : i32
      %ge3A_155 = vector.broadcast %ge3A_154 : i32 to vector<16xi32>
      %ge3A_156 = arith.cmpi sge, %select_n3A_152, %ge3A_155 : vector<16xi32>
      %lt3A_157 = arith.cmpi slt, %select_n3A_152, %convert_element_type3A_143 : vector<16xi32>
      %and3A_158 = arith.andi %ge3A_156, %lt3A_157 : vector<16xi1>
      %lt3A_159 = arith.constant 128 : i32
      %lt3A_160 = vector.broadcast %lt3A_159 : i32 to vector<16xi32>
      %lt3A_161 = arith.cmpi slt, %add3A_153, %lt3A_160 : vector<16xi32>
      %and3A_162 = arith.andi %and3A_158, %lt3A_161 : vector<16xi1>
      %and3A_163 = arith.andi %and3A_86, %and3A_124 : vector<16xi1>
      %and3A_164 = arith.andi %and3A_163, %and3A_162 : vector<16xi1>
      %shift_right_arithmetic3A = arith.constant 6 : i32
      %shift_right_arithmetic3A_165 = vector.broadcast %shift_right_arithmetic3A : i32 to vector<16xi32>
      %shift_right_arithmetic3A_166 = arith.shrsi %add3A_153, %shift_right_arithmetic3A_165 : vector<16xi32>
      %and3A_167 = arith.constant 63 : i32
      %and3A_168 = vector.broadcast %and3A_167 : i32 to vector<16xi32>
      %and3A_169 = arith.andi %add3A_153, %and3A_168 : vector<16xi32>
      %mul3A_170 = arith.constant 1048576 : i32
      %mul3A_171 = vector.broadcast %mul3A_170 : i32 to vector<16xi32>
      %mul3A_172 = arith.muli %shift_right_arithmetic3A_166, %mul3A_171 : vector<16xi32>
      %mul3A_173 = arith.constant 8192 : i32
      %mul3A_174 = vector.broadcast %mul3A_173 : i32 to vector<16xi32>
      %mul3A_175 = arith.muli %add3A_78, %mul3A_174 : vector<16xi32>
      %add3A_176 = arith.addi %mul3A_172, %mul3A_175 : vector<16xi32>
      %mul3A_177 = arith.constant 64 : i32
      %mul3A_178 = vector.broadcast %mul3A_177 : i32 to vector<16xi32>
      %mul3A_179 = arith.muli %add3A_115, %mul3A_178 : vector<16xi32>
      %add3A_180 = arith.addi %add3A_176, %mul3A_179 : vector<16xi32>
      %add3A_181 = arith.addi %add3A_180, %and3A_169 : vector<16xi32>
      %add3A_182 = vector.broadcast %mul3A_36 : i32 to vector<16xi32>
      %add3A_183 = arith.addi %add3A_181, %add3A_182 : vector<16xi32>
      %broadcast_in_dim3A = vector.broadcast %mul3A_36 : i32 to vector<16xi32>
      %select_n3A_184 = arith.select %and3A_164, %add3A_183, %broadcast_in_dim3A : vector<16xi1>, vector<16xi32>
      %mul3A_185 = arith.constant 16 : i32
      %mul3A_186 = arith.muli %scan3A_52, %mul3A_185 : i32
      %swap3A = arith.index_cast %mul3A_186 : i32 to index
      %swap3A_187 = tpu.vector_load %arg11[%swap3A] {strides = array<i32>} : memref<4096xi32, #tpu.memory_space<vmem>>, vector<16xi32>,
      %swap3A_188 = vector.shape_cast %swap3A_187 : vector<16xi32> to vector<16xi32>
      %swap3A_189 = vector.shape_cast %select_n3A_184 : vector<16xi32> to vector<16xi32>
      tpu.vector_store %arg11[%swap3A], %swap3A_189 {strides = array<i32>} : memref<4096xi32, #tpu.memory_space<vmem>>, vector<16xi32>,
      %jit3A_190 = arith.constant 1.000000e+00 : f32
      %jit3A_191 = arith.constant 0.000000e+00 : f32
      %broadcast_in_dim3A_192 = vector.broadcast %jit3A_190 : f32 to vector<16xf32>
      %broadcast_in_dim3A_193 = vector.broadcast %jit3A_191 : f32 to vector<16xf32>
      %select_n3A_194 = arith.select %and3A_164, %broadcast_in_dim3A_192, %broadcast_in_dim3A_193 : vector<16xi1>, vector<16xf32>
      %mul3A_195 = arith.constant 16 : i32
      %mul3A_196 = arith.muli %scan3A_52, %mul3A_195 : i32
      %swap3A_197 = arith.index_cast %mul3A_196 : i32 to index
      %swap3A_198 = tpu.vector_load %arg12[%swap3A_197] {strides = array<i32>} : memref<4096xf32, #tpu.memory_space<vmem>>, vector<16xf32>,
      %swap3A_199 = vector.shape_cast %swap3A_198 : vector<16xf32> to vector<16xf32>
      %swap3A_200 = vector.shape_cast %select_n3A_194 : vector<16xf32> to vector<16xf32>
      tpu.vector_store %arg12[%swap3A_197], %swap3A_200 {strides = array<i32>} : memref<4096xf32, #tpu.memory_space<vmem>>, vector<16xf32>,
    }
    %scan3A_41 = arith.constant 256 : i32
    %dma_start3A_42 = arith.constant 0 : i32
    %dma_start3A_43 = tpu.memref_slice %arg2[%dma_start3A_42] : memref<8388608xf32, #tpu.memory_space<hbm>> -> memref<8388608xf32, #tpu.memory_space<hbm>>
    tpu.enqueue_indirect_dma source(%dma_start3A_43 : memref<8388608xf32, #tpu.memory_space<hbm>>) target(%arg13 : memref<4096xf32, #tpu.memory_space<vmem>>) offsets(%arg11 : memref<4096xi32, #tpu.memory_space<vmem>>) semaphore(%arg17 : memref<!tpu.dma_semaphore, #tpu.memory_space<semaphore_mem>>)
    %dma_wait3A_44 = arith.constant 0 : i32
    %dma_wait3A_45 = tpu.memref_slice %arg2[%dma_wait3A_44] : memref<8388608xf32, #tpu.memory_space<hbm>> -> memref<8388608xf32, #tpu.memory_space<hbm>>
    tpu.wait_indirect_dma semaphore(%arg17 : memref<!tpu.dma_semaphore, #tpu.memory_space<semaphore_mem>>) src(%dma_wait3A_45 : memref<8388608xf32, #tpu.memory_space<hbm>>) dst(%arg13 : memref<4096xf32, #tpu.memory_space<vmem>>)
    %scan3A_46 = arith.constant 0 : i32
    %scan3A_47 = arith.constant 0 : i32
    %scan3A_48 = arith.constant 256 : i32
    %scan3A_49 = arith.addi %scan3A_47, %scan3A_48 : i32
    %scan3A_50 = arith.constant 1 : i32
    scf.for %scan3A_52 = %scan3A_47 to %scan3A_49 step %scan3A_50  : i32 {
      %mul3A_53 = arith.constant 16 : i32
      %mul3A_54 = arith.muli %scan3A_52, %mul3A_53 : i32
      %get3A = arith.index_cast %mul3A_54 : i32 to index
      %get3A_55 = tpu.vector_load %arg13[%get3A] {strides = array<i32>} : memref<4096xf32, #tpu.memory_space<vmem>>, vector<16xf32>,
      %get3A_56 = vector.shape_cast %get3A_55 : vector<16xf32> to vector<16xf32>
      %gt3A = arith.constant 0.000000e+00 : f32
      %gt3A_57 = vector.broadcast %gt3A : f32 to vector<16xf32>
      %gt3A_58 = arith.cmpf ogt, %get3A_56, %gt3A_57 : vector<16xf32>
      %mul3A_59 = arith.constant 16 : i32
      %mul3A_60 = arith.muli %scan3A_52, %mul3A_59 : i32
      %get3A_61 = arith.index_cast %mul3A_60 : i32 to index
      %get3A_62 = tpu.vector_load %arg12[%get3A_61] {strides = array<i32>} : memref<4096xf32, #tpu.memory_space<vmem>>, vector<16xf32>,
      %get3A_63 = vector.shape_cast %get3A_62 : vector<16xf32> to vector<16xf32>
      %gt3A_64 = arith.constant 0.000000e+00 : f32
      %gt3A_65 = vector.broadcast %gt3A_64 : f32 to vector<16xf32>
      %gt3A_66 = arith.cmpf ogt, %get3A_63, %gt3A_65 : vector<16xf32>
      %and3A_67 = arith.andi %gt3A_58, %gt3A_66 : vector<16xi1>
      %jit3A_68 = arith.constant 1.000000e+00 : f32
      %jit3A_69 = arith.constant 0.000000e+00 : f32
      %broadcast_in_dim3A = vector.broadcast %jit3A_68 : f32 to vector<16xf32>
      %broadcast_in_dim3A_70 = vector.broadcast %jit3A_69 : f32 to vector<16xf32>
      %select_n3A_71 = arith.select %and3A_67, %broadcast_in_dim3A, %broadcast_in_dim3A_70 : vector<16xi1>, vector<16xf32>
      %mul3A_72 = arith.constant 16 : i32
      %mul3A_73 = arith.muli %scan3A_52, %mul3A_72 : i32
      %swap3A = arith.index_cast %mul3A_73 : i32 to index
      %swap3A_74 = tpu.vector_load %arg14[%swap3A] {strides = array<i32>} : memref<4096xf32, #tpu.memory_space<vmem>>, vector<16xf32>,
      %swap3A_75 = vector.shape_cast %swap3A_74 : vector<16xf32> to vector<16xf32>
      %swap3A_76 = vector.shape_cast %select_n3A_71 : vector<16xf32> to vector<16xf32>
      tpu.vector_store %arg14[%swap3A], %swap3A_76 {strides = array<i32>} : memref<4096xf32, #tpu.memory_space<vmem>>, vector<16xf32>,
    }
    %scan3A_51 = arith.constant 256 : i32
    "tpu.region"() ({
      %run_scoped3A = tpu.sem_alloc : memref<!tpu.dma_semaphore, #tpu.memory_space<semaphore_mem>>
      %dma_start3A_52 = tpu.memref_slice %arg7[%mul3A_18] : memref<131072xf32, #tpu.memory_space<hbm>> -> memref<4096xf32, #tpu.memory_space<hbm>>
      %dma_start3A_53 = tpu.memref_slice %arg7[%mul3A_18] : memref<131072xf32, #tpu.memory_space<hbm>> -> memref<4096xf32, #tpu.memory_space<hbm>>
      tpu.enqueue_dma source(%arg14 : memref<4096xf32, #tpu.memory_space<vmem>>) target(%dma_start3A_53 : memref<4096xf32, #tpu.memory_space<hbm>>) target_semaphore(%run_scoped3A : memref<!tpu.dma_semaphore, #tpu.memory_space<semaphore_mem>>)
      %dma_wait3A_54 = tpu.memref_slice %arg7[%mul3A_18] : memref<131072xf32, #tpu.memory_space<hbm>> -> memref<4096xf32, #tpu.memory_space<hbm>>
      %dma_wait3A_55 = tpu.memref_slice %arg7[%mul3A_18] : memref<131072xf32, #tpu.memory_space<hbm>> -> memref<4096xf32, #tpu.memory_space<hbm>>
      tpu.wait_dma2 semaphore(%run_scoped3A : memref<!tpu.dma_semaphore, #tpu.memory_space<semaphore_mem>>) src(%arg14 : memref<4096xf32, #tpu.memory_space<vmem>>) dst(%dma_wait3A_55 : memref<4096xf32, #tpu.memory_space<hbm>>)
      tpu.yield
    }) : () -> ()
    return
  }
}

module attributes {stable_mosaic.version = 14 : i64} {
  func.func @_minmax_body(%arg0: memref<12x32768xf32, #tpu.memory_space<vmem>>, %arg1: memref<2x4x3xf32, #tpu.memory_space<vmem>>) attributes {dimension_semantics = [], scalar_prefetch = 0 : i64, scratch_operands = 0 : i64, tpu.core_type = #tpu.core_type<tc>} {
    %get3A = arith.constant 0 : index
    %get3A_0 = arith.constant 0 : index
    %get3A_1 = vector.load %arg0[%get3A, %get3A_0] : memref<12x32768xf32, #tpu.memory_space<vmem>>, vector<12x32768xf32>
    %reduce_min3A = arith.constant dense<0x7F800000> : vector<12xf32>
    %reduce_min3A_2 = vector.multi_reduction <minimumf>, %get3A_1, %reduce_min3A [1] : vector<12x32768xf32> to vector<12xf32>
    %reshape3A = vector.shape_cast %reduce_min3A_2 : vector<12xf32> to vector<1x4x3xf32>
    %reduce_max3A = arith.constant dense<0xFF800000> : vector<12xf32>
    %reduce_max3A_3 = vector.multi_reduction <maximumf>, %get3A_1, %reduce_max3A [1] : vector<12x32768xf32> to vector<12xf32>
    %reshape3A_4 = vector.shape_cast %reduce_max3A_3 : vector<12xf32> to vector<1x4x3xf32>
    %concatenate3A = tpu.concatenate %reshape3A, %reshape3A_4 in 0 : vector<1x4x3xf32>, vector<1x4x3xf32> -> vector<2x4x3xf32>
    %swap3A = arith.constant 0 : index
    %swap3A_5 = arith.constant 0 : index
    %swap3A_6 = arith.constant 0 : index
    %swap3A_7 = vector.load %arg1[%swap3A, %swap3A_5, %swap3A_6] : memref<2x4x3xf32, #tpu.memory_space<vmem>>, vector<2x4x3xf32>
    tpu.vector_store %arg1[%swap3A, %swap3A_5, %swap3A_6], %concatenate3A {strides = array<i32>} : memref<2x4x3xf32, #tpu.memory_space<vmem>>, vector<2x4x3xf32>,
    return
  }
}

module attributes {stable_mosaic.version = 14 : i64} {
  func.func @_dilate_body(%arg0: memref<4x32x32x32xf32, #tpu.memory_space<vmem>>, %arg1: memref<4x32x32x32xi32, #tpu.memory_space<vmem>>, %arg2: memref<4x32x32x32xi32, #tpu.memory_space<vmem>>) attributes {dimension_semantics = [], scalar_prefetch = 0 : i64, scratch_operands = 0 : i64, tpu.core_type = #tpu.core_type<tc>} {
    %get3A = arith.constant 0 : index
    %get3A_0 = arith.constant 0 : index
    %get3A_1 = arith.constant 0 : index
    %get3A_2 = arith.constant 0 : index
    %get3A_3 = vector.load %arg0[%get3A, %get3A_0, %get3A_1, %get3A_2] : memref<4x32x32x32xf32, #tpu.memory_space<vmem>>, vector<4x32x32x32xf32>
    %reduce_sum3A = vector.shape_cast %get3A_3 : vector<4x32x32x32xf32> to vector<1x4x32x32x32xf32>
    %reduce_sum3A_4 = arith.constant dense<0.000000e+00> : vector<1xf32>
    %reduce_sum3A_5 = vector.multi_reduction <add>, %reduce_sum3A, %reduce_sum3A_4 [1, 2, 3, 4] : vector<1x4x32x32x32xf32> to vector<1xf32>
    %reduce_sum3A_6 = vector.shape_cast %reduce_sum3A_5 : vector<1xf32> to vector<1x1x1x1x1xf32>
    %reduce_sum3A_7 = vector.extract %reduce_sum3A_6[0, 0, 0, 0, 0] : f32 from vector<1x1x1x1x1xf32>
    %convert_element_type3A = arith.fptosi %reduce_sum3A_7 : f32 to i32
    %add3A = arith.constant 100 : i32
    %add3A_8 = arith.addi %convert_element_type3A, %add3A : i32
    %jit3A = arith.constant 0 : i32
    %convert_element_type3A_9 = arith.sitofp %jit3A : i32 to f32
    %pad3A = vector.broadcast %convert_element_type3A_9 : f32 to vector<4x2x32x32xf32>
    %pad3A_10 = tpu.concatenate %pad3A, %get3A_3 in 1 : vector<4x2x32x32xf32>, vector<4x32x32x32xf32> -> vector<4x34x32x32xf32>
    %pad3A_11 = vector.broadcast %convert_element_type3A_9 : f32 to vector<4x2x32x32xf32>
    %pad3A_12 = tpu.concatenate %pad3A_10, %pad3A_11 in 1 : vector<4x34x32x32xf32>, vector<4x2x32x32xf32> -> vector<4x36x32x32xf32>
    %slice3A = vector.extract_strided_slice %pad3A_12 {offsets = [0, 0, 0, 0], sizes = [4, 32, 32, 32], strides = [1, 1, 1, 1]} : vector<4x36x32x32xf32> to vector<4x32x32x32xf32>
    %slice3A_13 = vector.extract_strided_slice %pad3A_12 {offsets = [0, 1, 0, 0], sizes = [4, 32, 32, 32], strides = [1, 1, 1, 1]} : vector<4x36x32x32xf32> to vector<4x32x32x32xf32>
    %slice3A_14 = vector.extract_strided_slice %pad3A_12 {offsets = [0, 2, 0, 0], sizes = [4, 32, 32, 32], strides = [1, 1, 1, 1]} : vector<4x36x32x32xf32> to vector<4x32x32x32xf32>
    %slice3A_15 = vector.extract_strided_slice %pad3A_12 {offsets = [0, 3, 0, 0], sizes = [4, 32, 32, 32], strides = [1, 1, 1, 1]} : vector<4x36x32x32xf32> to vector<4x32x32x32xf32>
    %slice3A_16 = vector.extract_strided_slice %pad3A_12 {offsets = [0, 4, 0, 0], sizes = [4, 32, 32, 32], strides = [1, 1, 1, 1]} : vector<4x36x32x32xf32> to vector<4x32x32x32xf32>
    %max3A = arith.maximumf %slice3A, %slice3A_13 : vector<4x32x32x32xf32>
    %max3A_17 = arith.maximumf %max3A, %slice3A_14 : vector<4x32x32x32xf32>
    %max3A_18 = arith.maximumf %max3A_17, %slice3A_15 : vector<4x32x32x32xf32>
    %max3A_19 = arith.maximumf %max3A_18, %slice3A_16 : vector<4x32x32x32xf32>
    %jit3A_20 = arith.constant 0 : i32
    %convert_element_type3A_21 = arith.sitofp %jit3A_20 : i32 to f32
    %pad3A_22 = vector.broadcast %convert_element_type3A_21 : f32 to vector<4x32x2x32xf32>
    %pad3A_23 = tpu.concatenate %pad3A_22, %max3A_19 in 2 : vector<4x32x2x32xf32>, vector<4x32x32x32xf32> -> vector<4x32x34x32xf32>
    %pad3A_24 = vector.broadcast %convert_element_type3A_21 : f32 to vector<4x32x2x32xf32>
    %pad3A_25 = tpu.concatenate %pad3A_23, %pad3A_24 in 2 : vector<4x32x34x32xf32>, vector<4x32x2x32xf32> -> vector<4x32x36x32xf32>
    %slice3A_26 = vector.extract_strided_slice %pad3A_25 {offsets = [0, 0, 0, 0], sizes = [4, 32, 32, 32], strides = [1, 1, 1, 1]} : vector<4x32x36x32xf32> to vector<4x32x32x32xf32>
    %slice3A_27 = vector.extract_strided_slice %pad3A_25 {offsets = [0, 0, 1, 0], sizes = [4, 32, 32, 32], strides = [1, 1, 1, 1]} : vector<4x32x36x32xf32> to vector<4x32x32x32xf32>
    %slice3A_28 = vector.extract_strided_slice %pad3A_25 {offsets = [0, 0, 2, 0], sizes = [4, 32, 32, 32], strides = [1, 1, 1, 1]} : vector<4x32x36x32xf32> to vector<4x32x32x32xf32>
    %slice3A_29 = vector.extract_strided_slice %pad3A_25 {offsets = [0, 0, 3, 0], sizes = [4, 32, 32, 32], strides = [1, 1, 1, 1]} : vector<4x32x36x32xf32> to vector<4x32x32x32xf32>
    %slice3A_30 = vector.extract_strided_slice %pad3A_25 {offsets = [0, 0, 4, 0], sizes = [4, 32, 32, 32], strides = [1, 1, 1, 1]} : vector<4x32x36x32xf32> to vector<4x32x32x32xf32>
    %max3A_31 = arith.maximumf %slice3A_26, %slice3A_27 : vector<4x32x32x32xf32>
    %max3A_32 = arith.maximumf %max3A_31, %slice3A_28 : vector<4x32x32x32xf32>
    %max3A_33 = arith.maximumf %max3A_32, %slice3A_29 : vector<4x32x32x32xf32>
    %max3A_34 = arith.maximumf %max3A_33, %slice3A_30 : vector<4x32x32x32xf32>
    %jit3A_35 = arith.constant 0 : i32
    %convert_element_type3A_36 = arith.sitofp %jit3A_35 : i32 to f32
    %pad3A_37 = vector.broadcast %convert_element_type3A_36 : f32 to vector<4x32x32x2xf32>
    %pad3A_38 = tpu.concatenate %pad3A_37, %max3A_34 in 3 : vector<4x32x32x2xf32>, vector<4x32x32x32xf32> -> vector<4x32x32x34xf32>
    %pad3A_39 = vector.broadcast %convert_element_type3A_36 : f32 to vector<4x32x32x2xf32>
    %pad3A_40 = tpu.concatenate %pad3A_38, %pad3A_39 in 3 : vector<4x32x32x34xf32>, vector<4x32x32x2xf32> -> vector<4x32x32x36xf32>
    %slice3A_41 = vector.extract_strided_slice %pad3A_40 {offsets = [0, 0, 0, 0], sizes = [4, 32, 32, 32], strides = [1, 1, 1, 1]} : vector<4x32x32x36xf32> to vector<4x32x32x32xf32>
    %slice3A_42 = vector.extract_strided_slice %pad3A_40 {offsets = [0, 0, 0, 1], sizes = [4, 32, 32, 32], strides = [1, 1, 1, 1]} : vector<4x32x32x36xf32> to vector<4x32x32x32xf32>
    %slice3A_43 = vector.extract_strided_slice %pad3A_40 {offsets = [0, 0, 0, 2], sizes = [4, 32, 32, 32], strides = [1, 1, 1, 1]} : vector<4x32x32x36xf32> to vector<4x32x32x32xf32>
    %slice3A_44 = vector.extract_strided_slice %pad3A_40 {offsets = [0, 0, 0, 3], sizes = [4, 32, 32, 32], strides = [1, 1, 1, 1]} : vector<4x32x32x36xf32> to vector<4x32x32x32xf32>
    %slice3A_45 = vector.extract_strided_slice %pad3A_40 {offsets = [0, 0, 0, 4], sizes = [4, 32, 32, 32], strides = [1, 1, 1, 1]} : vector<4x32x32x36xf32> to vector<4x32x32x32xf32>
    %max3A_46 = arith.maximumf %slice3A_41, %slice3A_42 : vector<4x32x32x32xf32>
    %max3A_47 = arith.maximumf %max3A_46, %slice3A_43 : vector<4x32x32x32xf32>
    %max3A_48 = arith.maximumf %max3A_47, %slice3A_44 : vector<4x32x32x32xf32>
    %max3A_49 = arith.maximumf %max3A_48, %slice3A_45 : vector<4x32x32x32xf32>
    %gt3A = arith.constant 0.000000e+00 : f32
    %gt3A_50 = vector.broadcast %gt3A : f32 to vector<4x32x32x32xf32>
    %gt3A_51 = arith.cmpf ogt, %max3A_49, %gt3A_50 : vector<4x32x32x32xf32>
    %get3A_52 = arith.constant 0 : index
    %get3A_53 = arith.constant 0 : index
    %get3A_54 = arith.constant 0 : index
    %get3A_55 = arith.constant 0 : index
    %get3A_56 = vector.load %arg1[%get3A_52, %get3A_53, %get3A_54, %get3A_55] : memref<4x32x32x32xi32, #tpu.memory_space<vmem>>, vector<4x32x32x32xi32>
    %lt3A = vector.broadcast %add3A_8 : i32 to vector<4x32x32x32xi32>
    %lt3A_57 = arith.cmpi slt, %get3A_56, %lt3A : vector<4x32x32x32xi32>
    %or3A = arith.ori %gt3A_51, %lt3A_57 : vector<4x32x32x32xi1>
    %convert_element_type3A_58 = arith.extui %or3A : vector<4x32x32x32xi1> to vector<4x32x32x32xi32>
    %swap3A = arith.constant 0 : index
    %swap3A_59 = arith.constant 0 : index
    %swap3A_60 = arith.constant 0 : index
    %swap3A_61 = arith.constant 0 : index
    %swap3A_62 = vector.load %arg2[%swap3A, %swap3A_59, %swap3A_60, %swap3A_61] : memref<4x32x32x32xi32, #tpu.memory_space<vmem>>, vector<4x32x32x32xi32>
    tpu.vector_store %arg2[%swap3A, %swap3A_59, %swap3A_60, %swap3A_61], %convert_element_type3A_58 {strides = array<i32>} : memref<4x32x32x32xi32, #tpu.memory_space<vmem>>, vector<4x32x32x32xi32>,
    return
  }
}

</mosaic_0001>

<sc_bundles>
// kernel: kernel.6.cloned.1.call-start
scs
__scs_entry_jumppad:
0x0: {  	(pc) =	sbr.rel $0x88, $3  }
0x1: {  	(tag) =	ssettag $0x0;
	lr =	simm.s32 $0x1  }
0x2: {  	[smem:$0x3F9D] =	sst lr;
	_ =	strace $0xD0000000  }
0x3: {  	_ = 	snop  }
0x4: {  	_ = 	snop  }
0x5: {  	_ = 	snop  }
0x6: {  	_ = 	snop  }
0x7: {  	_ = 	snop  }
__scs_overlays_trampoline_lowered:
0x8: {  	[smem:$0x3FAC] =	sst s0  }
0x9: {  	[smem:$0x3FAD] =	sst s1  }
0xa: {  	[smem:$0x3FAE] =	sst s2  }
0xb: {  	[smem:$0x3FAF] =	sst s3  }
0xc: {  	[smem:$0x3FB0] =	sst s4  }
0xd: {  	[smem:$0x3FB1] =	sst s5  }
0xe: {  	[smem:$0x3FB2] =	sst s6  }
0xf: {  	[smem:$0x3FB3] =	sst s7  }
0x10: {  	[smem:$0x3FB4] =	sst s8  }
0x11: {  	[smem:$0x3FB5] =	sst s9;
	s0 =	simm.s32 @!p0 $0x0  }
0x12: {  	s1 =	sld [smem:$0x3F9B];
	s0 =	simm.s32 @p0 $0x1  }
0x13: {  	[smem:$0x3FB6] =	sst s0;
	s0 =	simm.s32 @!p1 $0x0  }
0x14: {  	s2 =	sld [smem:$0x3F9A];
	s0 =	simm.s32 @p1 $0x1  }
0x15: {  	[smem:$0x3FB7] =	sst s0;
	s0 =	simm.s32 @!p2 $0x0  }
0x16: {  	s3 =	sld [smem:$0x3FDB];
	s0 =	simm.s32 @p2 $0x1  }
0x17: {  	s4 =	simm.s32 $0x1BF5;
	[smem:$0x3FB9] =	sst s0  }
0x18: {  	s0 =	sld [smem:$0x3F9C];
	_ =	swait.ge [sflag:s4], $0x0  }
0x19: {  	s7 =	sld [smem:$0x3F9D]  }
0x1a: {  	s8 =	sadd.s32 $0xFFFFE003, lr  }
0x1b: {  	s9 =	sadd.s32 $0xFFFFFEF7, lr;
	s5 =	simm.s32 $0xFFFFFFFF;
	p2 =	slt.u32 s8, $0xFFFFF086  }
0x1c: {  	p1 =	slt.u32 s9, $0xF7A;
	s5 =	simm.s32 @!p2 $0x0  }
0x1d: {  	s5 =	simm.s32 @p1 $0x1;
	p0 =	seq.s32 s7, s2  }
0x1e: {  	s7 =	smul.u32 @!p0 $0xF7A, s2;
	p2 =	seq.s32 @!p0 s5, $0x0  }
0x1f: {  	s9 =	smul.u32 $0xF7A, s1;
	s8 =	simm.s32 @!p0 $0x1BF5;
	p2 =	por !p2, p0  }
0x20: {  	[sflag:s8] =	ssyncset.s32 @!p0 $0xFFFFF086;
	s6 =	sadd.s32 @!p0 s3, s7;
	s7 =	simm.s32 @!p0 $0x108  }
0x21: {  	s3 =	sadd.s32 s3, s9;
	s6 =	sadd.s32 @!p0 $0x88, s6;
	s7 =	simm.s32 @p2 $0x1082  }
0x22: {  	[simem:s7], [sflag:s8] =	dma.local @!p0 [hbm:s6], $0xF7A  }
0x23: {  	s9 =	sor.u32 $0xD0000000, s2;
	s6 =	simm.s32 $0x108;
	_ =	swait.ge @!p0 [sflag:s8], $0x0  }
0x24: {  	s3 =	sadd.s32 $0x88, s3;
	s6 =	simm.s32 @!p1 $0x1082;
	[sflag:s4] =	ssyncset.s32 $0xFFFFF086  }
0x25: {  	[simem:s6], [sflag:s4] =	dma.local [hbm:s3], $0xF7A  }
0x26: {  	[smem:$0x3F9D] =	sst s1;
	(tag) =	ssettag s2;
	_ =	strace s9  }
0x27: {  	s1 =	sld [smem:$0x3FAD]  }
0x28: {  	s2 =	sld [smem:$0x3FAE]  }
0x29: {  	s4 =	sld [smem:$0x3FB0]  }
0x2a: {  	p0 =	seq.s32 s5, $0x0;
	s5 =	sld [smem:$0x3FB1]  }
0x2b: {  	s6 =	sld [smem:$0x3FB2]  }
0x2c: {  	s7 =	sld [smem:$0x3FB3]  }
0x2d: {  	s3 =	simm.s32 $0x108;
	s8 =	sld [smem:$0x3FB4]  }
0x2e: {  	s3 =	simm.s32 @!p0 $0x1082;
	s9 =	sld [smem:$0x3FB5]  }
0x2f: {  	lr =	sadd.s32 s0, s3;
	s0 =	sld [smem:$0x3FAC]  }
0x30: {  	s3 =	sld [smem:$0x3FAF]  }
0x31: {  	[smem:$0x3FB8] =	sst s10  }
0x32: {  	s10 =	sld [smem:$0x3FB6];
	_ =	sdelay $0x3  }
0x33: {  	p0 =	seq.s32 s10, $0x1;
	s10 =	sld [smem:$0x3FB8];
	_ =	sdelay $0x3  }
0x34: {  	[smem:$0x3FB8] =	sst s10  }
0x35: {  	s10 =	sld [smem:$0x3FB7];
	_ =	sdelay $0x3  }
0x36: {  	p1 =	seq.s32 s10, $0x1;
	s10 =	sld [smem:$0x3FB8];
	_ =	sdelay $0x3  }
0x37: {  	[smem:$0x3FB8] =	sst s10  }
0x38: {  	s10 =	sld [smem:$0x3FB9]  }
0x39: {  	_ = 	snop;
	(pc) =	sbr.ind lr, $3  }
0x3a: {  	_ = 	snop  }
0x3b: {  	_ = 	snop  }
0x3c: {  	p2 =	seq.s32 s10, $0x1;
	s10 =	sld [smem:$0x3FB8]  }
0x3d: {  	_ =	shalt  }
0x3e: {  	_ =	shalt  }
0x3f: {  	_ =	shalt  }
0x40: {  	_ =	shalt  }
0x41: {  	_ =	shalt  }
0x42: {  	_ =	shalt  }
0x43: {  	_ =	shalt  }
0x44: {  	_ =	shalt  }
0x45: {  	_ =	shalt  }
0x46: {  	_ =	shalt  }
0x47: {  	_ =	shalt  }
0x48: {  	_ =	shalt  }
0x49: {  	_ =	shalt  }
0x4a: {  	_ =	shalt  }
0x4b: {  	_ =	shalt  }
0x4c: {  	_ =	shalt  }
0x4d: {  	_ =	shalt  }
0x4e: {  	_ =	shalt  }
0x4f: {  	_ =	shalt  }
0x50: {  	_ =	shalt  }
0x51: {  	_ =	shalt  }
0x52: {  	_ =	shalt  }
0x53: {  	_ =	shalt  }
0x54: {  	_ =	shalt  }
0x55: {  	_ =	shalt  }
0x56: {  	_ =	shalt  }
0x57: {  	_ =	shalt  }
0x58: {  	_ =	shalt  }
0x59: {  	_ =	shalt  }
0x5a: {  	_ =	shalt  }
0x5b: {  	_ =	shalt  }
0x5c: {  	_ =	shalt  }
0x5d: {  	_ =	shalt  }
0x5e: {  	_ =	shalt  }
0x5f: {  	_ =	shalt  }
0x60: {  	_ =	shalt  }
0x61: {  	_ =	shalt  }
0x62: {  	_ =	shalt  }
0x63: {  	_ =	shalt  }
0x64: {  	_ =	shalt  }
0x65: {  	_ =	shalt  }
0x66: {  	_ =	shalt  }
0x67: {  	_ =	shalt  }
0x68: {  	_ =	shalt  }
0x69: {  	_ =	shalt  }
0x6a: {  	_ =	shalt  }
0x6b: {  	_ =	shalt  }
0x6c: {  	_ =	shalt  }
0x6d: {  	_ =	shalt  }
0x6e: {  	_ =	shalt  }
0x6f: {  	_ =	shalt  }
0x70: {  	_ =	shalt  }
0x71: {  	_ =	shalt  }
0x72: {  	_ =	shalt  }
0x73: {  	_ =	shalt  }
0x74: {  	_ =	shalt  }
0x75: {  	_ =	shalt  }
0x76: {  	_ =	shalt  }
0x77: {  	_ =	shalt  }
0x78: {  	_ =	shalt  }
0x79: {  	_ =	shalt  }
0x7a: {  	_ =	shalt  }
0x7b: {  	_ =	shalt  }
0x7c: {  	_ =	shalt  }
0x7d: {  	_ =	shalt  }
0x7e: {  	_ =	shalt  }
0x7f: {  	_ =	shalt  }
0x80: {  	_ =	shalt  }
0x81: {  	_ =	shalt  }
0x82: {  	_ =	shalt  }
0x83: {  	_ =	shalt  }
0x84: {  	_ =	shalt  }
0x85: {  	_ =	shalt  }
0x86: {  	_ =	shalt  }
0x87: {  	_ =	shalt  }
.Lfunc_end0:
.L_simem_size_0:
called_computation_lowered:
.L_overlay_start_0:
0x88: {  	s2 =	sld [smem:$0x3FD9]  }
0x89: {  	s3 =	sld [smem:$0x3FFE];
	_ =	sdelay $0x1  }
0x8a: {  	s1 =	srdreg.scid  }
0x8b: {  	s0 =	sand.u32 $0x1, s1  }
0x8c: {  	s16 =	sshll.u32 s0, $0xA;
	s2 =	sadd.s32 s3, s2  }
0x8d: {  	s2 =	sadd.s32 s2, s16  }
0x8e: {  	[smem:$0x3FC4] =	sst s2  }
0x8f: {  	_ = 	snop  }
0x90: {  	(tm) =	ssettm $0x1  }
0x91: {  	s17 =	sld [smem:$0x3FFB];
	_ =	sdelay $0x3  }
0x92: {  	_ =	strace s17  }
0x93: {  	s2 =	sld [smem:$0x3FFC];
	_ =	sdelay $0x3  }
0x94: {  	_ =	strace s2  }
0x95: {  	s2 =	sld [smem:$0x3FFD];
	_ =	sdelay $0x3  }
0x96: {  	_ =	strace s2  }
0x97: {  	_ =	strace $0x8FFFFFFF  }
0x98: {  	s18 =	sld [smem:$0x3FDB];
	_ =	sdelay $0x1  }
0x99: {  	s19 =	simm.s32 $_scs_section_size  }
0x9a: {  	s4 =	simm.s32 $_size__tile_overlayer_lowered;
	s5 =	simm.s32 $_tile_overlayer_lowered  }
0x9b: {  	s22 =	simm.s32 $0x1BFF;
	s21 =	sshll.u32 s5, $0x1;
	s2 =	sadd.s32 s19, s18  }
0x9c: {  	s6 =	simm.s32 $0x0;
	s20 =	sshll.u32 s4, $0x1;
	s4 =	sadd.s32 s21, s2  }
0x9d: {  	[timem:s6], [sflag:s22] =	dma.local [hbm:s4], s20  }
0x9e: {  	_ =	swait.ge [sflag:s22], s20  }
0x9f: {  	s3 =	ssub.s32 $0x0, s20;
	[sflag:s22] =	ssyncset.done $0x0  }
0xa0: {  	[sflag:s22] =	ssyncadd.s32 s3;
	_ =	sdelay $0x1  }
0xa1: {  	s23 =	simm.s32 $0x1B8B  }
0xa2: {  	_ =	swait.ge [sflag:s23], $0x1  }
0xa3: {  	[sflag:s23] =	ssyncset.done $0x0  }
0xa4: {  	s25 =	simm.s32 $0x1B8E;
	s24 =	sld [smem:$0x3FFE];
	[sflag:s23] =	ssyncadd.s32 $0xFFFFFFFF  }
0xa5: {  	s26 =	simm.s32 $execute0_lowered;
	[smem:$0x3FD2] =	sst s25  }
0xa6: {  	s4 =	sshll.u32 s26, $0x1;
	_ =	strace $0x80000046;
	[dreg:$0x1] =	wrdreg $0xFFFFFFFF  }
0xa7: {  	s28 =	simm.s32 $_size_execute0_lowered;
	s2 =	sadd.s32 s2, s4;
	[dreg:$0x0] =	wrdreg $0x0  }
0xa8: {  	s4 =	sshll.u32 s28, $0x1;
	[dreg:$0x2] =	wrdreg s2  }
0xa9: {  	[dreg:$0x3] =	wrdreg s4  }
0xaa: {  	[dreg:$0x4] =	wrdreg $0xC0  }
0xab: {  	_ =	task [dreg:s6], $0x5FFFF  }
0xac: {  	[dreg:$0x1] =	wrdreg $0xFFFFFFFF  }
0xad: {  	[dreg:$0x0] =	wrdreg $0x60  }
0xae: {  	[dreg:$0x2] =	wrdreg s24  }
0xaf: {  	[dreg:$0x3] =	wrdreg $0xE0000  }
0xb0: {  	[dreg:$0x4] =	wrdreg $0x9  }
0xb1: {  	_ =	task.clear_ibuf [dreg:s6], $0x5FFFF;
	_ =	strace $0x90000046  }
0xb2: {  	s29 =	simm.s32 $0x9;
	_ =	strace $0x80000048  }
0xb3: {  	_ =	swait.ge [sflag:s29], $0x1  }
0xb4: {  	[sflag:s29] =	ssyncadd.s32 $0xFFFFFFFF  }
0xb5: {  	_ =	strace $0x90000048  }
0xb6: {  	_ =	sfence  }
0xb7: {  	s30 =	sld [smem:$0x0];
	_ =	sdelay $0x2  }
0xb8: {  	s31 =	sshll.u32 s1, $0xD;
	s1 =	sshrl.u32 s1, $0x2  }
0xb9: {  	s3 =	sand.u32 $0x4000, s31;
	s1 =	sadd.s32 s1, s30  }
0xba: {  	s0 =	sor.u32 s3, s0;
	s1 =	sshll.u32 s1, $0x11  }
0xbb: {  	s0 =	sor.u32 s1, s0  }
0xbc: {  	s0 =	sadd.s32 $0x8F2B, s0  }
0xbd: {  	[sflag:s0] =	ssyncadd.remote.s32 $0x1  }
0xbe: {  	_ =	sfence.sel $0xFFFF  }
0xbf: {  	[dreg:$0x0] =	wrdreg $0xFFFFFFFF;
	(pc) =	sbr.abs _section_cstart, $3  }
0xc0: {  	[dreg:$0x1] =	wrdreg $0xFFFFFFFF  }
0xc1: {  	_ =	task.clear_ibuf [dreg:s6], $0x2FFFF;
	_ =	strace $0x9FFFFFFF  }
0xc2: {  	(tm) =	ssettm $0x7FFFFFFF  }
0xc3: {  	_ =	shalt  }
tec
execute0_lowered:
.L_overlay_start_1:
0x0: {  	(tag) =	ssettag $0x1  }
0x1: {  	s0 =	srdreg.scid;
	s12 =	stileid.u32  }
0x2: {  	s0 =	sand.u32 $0x1, s0;
	s1 =	smul.u32 $0x7A10, s12  }
0x3: {  	s3 =	smul.u32 $0xF4240, s0  }
0x4: {  	s2 =	rddreg [dreg:$0x0];
	s1 =	smin.u32 s1, $0x72120  }
0x5: {  	s30 =	rddreg [dreg:$0x1];
	s4 =	sadd.s32 $0x1200, s2;
	s3 =	sadd.s32 s3, s1  }
0x6: {  	s6 =	sadd.s32 $0x3E400, s2;
	s8 =	sadd.s32 $0x7B600, s2;
	s3 =	sshrl.u32 s3, $0x3  }
0x7: {  	s5 =	ssub.s32 $0x2, s0;
	s26 =	sadd.s32 $0x400, s3;
	s9 =	sadd.s32 s8, s3  }
0x8: {  	s7 =	sshrl.u32 s5, $0x1;
	[dreg:$0x3] =	wrdreg s9;
	s11 =	sadd.s32 s4, s26  }
0x9: {  	s5 =	ssub.s32 s5, s7;
	s10 =	sadd.s32 s6, s26;
	[dreg:$0x4] =	wrdreg s11  }
0xa: {  	s13 =	sadd.s32 $0x800, s3;
	s7 =	sadd.s32 s8, s26;
	[dreg:$0x5] =	wrdreg s10  }
0xb: {  	s17 =	sadd.s32 s4, s3;
	s14 =	sadd.s32 s4, s13;
	[dreg:$0x6] =	wrdreg s7  }
0xc: {  	s18 =	sadd.s32 s6, s3;
	s15 =	sadd.s32 s6, s13;
	[dreg:$0x7] =	wrdreg s14  }
0xd: {  	s3 =	sadd.s32 $0xC00, s3;
	s16 =	sadd.s32 s8, s13;
	[dreg:$0x8] =	wrdreg s15  }
0xe: {  	s19 =	sadd.s32 s4, s3;
	[dreg:$0x9] =	wrdreg s16  }
0xf: {  	s9 =	sshllo.u32 s0, $0x1;
	s20 =	sadd.s32 s6, s3;
	[dreg:$0xa] =	wrdreg s19  }
0x10: {  	s3 =	sadd.s32 s8, s3;
	s0 =	sshll.u32 s0, $0x16;
	[dreg:$0xb] =	wrdreg s20  }
0x11: {  	s11 =	smul.u32 $0x7A120, s9;
	[dreg:$0xc] =	wrdreg s3;
	s14 =	sshll.u32 s12, $0x10  }
0x12: {  	s15 =	sshll.u32 s9, $0x15;
	s16 =	sadd.s32 $0xB8800, s2;
	s0 =	sor.u32 s14, s0  }
0x13: {  	s2 =	sadd.s32 $0xD8800, s2;
	s7 =	simm.s32 $0xA000;
	s0 =	sshrl.u32 s0, $0x3  }
0x14: {  	s9 =	simm.s32 $0x3;
	s1 =	sadd.s32 s1, s11;
	s19 =	sadd.s32 s16, s0  }
0x15: {  	s1 =	sshrl.u32 s1, $0x3;
	s0 =	sadd.s32 s0, s2;
	[dreg:$0x15] =	wrdreg s19  }
0x16: {  	s21 =	sadd.s32 $0x400, s1;
	s22 =	sadd.s32 s4, s1;
	[dreg:$0x16] =	wrdreg s0  }
0x17: {  	s23 =	sadd.s32 s6, s1;
	s26 =	sadd.s32 $0x800, s1;
	[dreg:$0xd] =	wrdreg s22  }
0x18: {  	s10 =	sadd.s32 s8, s1;
	s1 =	sadd.s32 $0xC00, s1;
	[dreg:$0xe] =	wrdreg s23  }
0x19: {  	s24 =	sadd.s32 s4, s21;
	s25 =	sadd.s32 s6, s21;
	s3 =	sadd.s32 s8, s21  }
0x1a: {  	[dreg:$0x12] =	wrdreg s10;
	s11 =	sadd.s32 s4, s26;
	s13 =	sadd.s32 s6, s26  }
0x1b: {  	s21 =	sadd.s32 s8, s26;
	s22 =	sadd.s32 s4, s1;
	[dreg:$0xf] =	wrdreg s24  }
0x1c: {  	s23 =	sadd.s32 s6, s1;
	s26 =	smax.u32 s5, $0x1;
	[dreg:$0x10] =	wrdreg s25  }
0x1d: {  	s4 =	simm.s32 $0x1;
	s5 =	simm.s32 $0x8000;
	[dreg:$0x11] =	wrdreg s3  }
0x1e: {  	[dreg:$0x13] =	wrdreg s11;
	s25 =	sadd.s32 s8, s1;
	s1 =	sor.u32 s14, s15  }
0x1f: {  	[dreg:$0x14] =	wrdreg s13;
	s24 =	simm.s32 $0x0;
	s20 =	sshrl.u32 s1, $0x3  }
0x20: {  	s6 =	simm.s32 $0xC000;
	[smem:$0x7FF] =	sst s24;
	s1 =	sadd.s32 s16, s20  }
0x21: {  	s10 =	simm.s32 $0x0;
	s0 =	sadd.s32 s20, s2;
	[dreg:$0x17] =	wrdreg s1  }
0x22: {  	s8 =	simm.s32 $0x2;
	[dreg:$0x18] =	wrdreg s0;
	s0 =	sadd.s32 s14, s30  }
0x23: {  	_ =	strace $0x80000047;
	[dreg:$0x19] =	wrdreg s26;
	s29 =	sadd.s32 $0x2000, s0  }
0x24: {  	s31 =	sadd.s32 $0x4000, s0;
	s26 =	sadd.s32 $0x6000, s0;
	s28 =	sadd.s32 $0x8000, s0  }
0x25: {  	v0 =	vimm.f32 $0.0e+00;
	v1 =	vimm.f32 $1.000000000e+00;
	v2 =	vlaneseq.u32;
	s1 =	sadd.s32 $0xA000, s0;
	s2 =	sadd.s32 $0xC000, s0;
	s3 =	sadd.s32 $0xE000, s0  }
.LBB2_1:
0x26: {  	s11 =	simm.s32 $0x0  }
.LBB2_2:
0x27: {  	p0 =	sne.s32 s11, $0x7FC0  }
.Ltmp0:
0x28: {  	_ = 	snop;
	(pc) =	sbr.rel @p0 .LBB2_2-.Ltmp0, $3  }
0x29: {  	_ =	sdelay $0x1  }
0x2a: {  	s12 =	sshra.s32 s11, $0x2  }
0x2b: {  	s11 =	sadd.s32 $0x40, s11;
	[tilespmem:s12+$0x0] =	vst v0  }
0x2c: {  	s11 =	simm.s32 $0x40;
	s12 =	simm.s32 $0x0  }
.LBB2_4:
0x2d: {  	p0 =	sne.s32 s11, $0x7FC0;
	[tilespmem:s12+$0xC000] =	vst v1;
	s12 =	smov.u32 s11;
	s11 =	sadd.s32 $0x40, s11  }
.Ltmp1:
0x2e: {  	(pc) =	sbr.rel @p0 .LBB2_4-.Ltmp1, $2  }
0x2f: {  	_ =	sdelay $0x2  }
0x30: {  	s12 =	sshra.s32 s12, $0x2  }
0x31: {  	[tilespmem:s12+$0xC000] =	vst v1  }
0x32: {  	[spmem:s0] =	stream.linear.scatter [tilespmem:s24], [sflag:$0x1], $0x2000, $0x38;
	[tilespmem:$0x1E200] =	vst v63  }
0x33: {  	_ = 	snop  }
0x34: {  	[spmem:s29] =	stream.linear.scatter [tilespmem:s24], [sflag:$0x1], $0x2000, $0x38;
	[tilespmem:$0x1E200] =	vst v63  }
0x35: {  	_ = 	snop  }
0x36: {  	[spmem:s31] =	stream.linear.scatter [tilespmem:s24], [sflag:$0x1], $0x2000, $0x38;
	[tilespmem:$0x1E200] =	vst v63  }
0x37: {  	_ = 	snop  }
0x38: {  	[spmem:s26] =	stream.linear.scatter [tilespmem:s24], [sflag:$0x1], $0x2000, $0x38;
	[tilespmem:$0x1E200] =	vst v63  }
0x39: {  	_ = 	snop  }
0x3a: {  	[spmem:s28] =	stream.linear.scatter [tilespmem:s24], [sflag:$0x1], $0x2000, $0x38;
	[tilespmem:$0x1E200] =	vst v63  }
0x3b: {  	_ = 	snop  }
0x3c: {  	[spmem:s1] =	stream.linear.scatter [tilespmem:s24], [sflag:$0x1], $0x2000, $0x38;
	[tilespmem:$0x1E200] =	vst v63  }
0x3d: {  	_ = 	snop  }
0x3e: {  	[spmem:s2] =	stream.linear.scatter [tilespmem:s24], [sflag:$0x1], $0x2000, $0x38;
	[tilespmem:$0x1E200] =	vst v63  }
0x3f: {  	_ = 	snop  }
0x40: {  	[spmem:s3] =	stream.linear.scatter [tilespmem:s24], [sflag:$0x1], $0x2000, $0x38;
	[tilespmem:$0x1E200] =	vst v63  }
0x41: {  	_ =	swait.ge [sflag:s4], $0x2000  }
0x42: {  	[sflag:s4] =	ssyncset.done $0x0  }
0x43: {  	[sflag:s4] =	ssyncadd.s32 $0xFFFFE000  }
0x44: {  	_ =	swait.ge [sflag:s4], $0x2000  }
0x45: {  	[sflag:s4] =	ssyncset.done $0x0  }
0x46: {  	[sflag:s4] =	ssyncadd.s32 $0xFFFFE000  }
0x47: {  	_ =	swait.ge [sflag:s4], $0x2000  }
0x48: {  	[sflag:s4] =	ssyncset.done $0x0  }
0x49: {  	[sflag:s4] =	ssyncadd.s32 $0xFFFFE000  }
0x4a: {  	_ =	swait.ge [sflag:s4], $0x2000  }
0x4b: {  	[sflag:s4] =	ssyncset.done $0x0  }
0x4c: {  	[sflag:s4] =	ssyncadd.s32 $0xFFFFE000  }
0x4d: {  	_ =	swait.ge [sflag:s4], $0x2000  }
0x4e: {  	[sflag:s4] =	ssyncset.done $0x0  }
0x4f: {  	[sflag:s4] =	ssyncadd.s32 $0xFFFFE000  }
0x50: {  	_ =	swait.ge [sflag:s4], $0x2000  }
0x51: {  	[sflag:s4] =	ssyncset.done $0x0  }
0x52: {  	[sflag:s4] =	ssyncadd.s32 $0xFFFFE000  }
0x53: {  	_ =	swait.ge [sflag:s4], $0x2000  }
0x54: {  	[sflag:s4] =	ssyncset.done $0x0  }
0x55: {  	[sflag:s4] =	ssyncadd.s32 $0xFFFFE000  }
0x56: {  	_ =	swait.ge [sflag:s4], $0x2000  }
0x57: {  	[sflag:s4] =	ssyncset.done $0x0  }
0x58: {  	[sflag:s4] =	ssyncadd.s32 $0xFFFFE000  }
0x59: {  	s19 =	simm.s32 $0x2000;
	[bflag:$0x0] =	sbarrier.arrive $0xFFFF  }
0x5a: {  	[tilespmem:s19], [sflag:$0x1] =	stream.linear.gather [hbm4b:s17+s24], $0x2000, $0x38;
	[tilespmem:$0x1E200] =	vst v63  }
0x5b: {  	s13 =	simm.s32 $0x4000  }
0x5c: {  	[tilespmem:s13], [sflag:$0x1] =	stream.linear.gather [hbm4b:s18+s24], $0x2000, $0x38;
	[tilespmem:$0x1E200] =	vst v63  }
0x5d: {  	s11 =	simm.s32 $0x6000;
	s14 =	rddreg [dreg:$0x3]  }
0x5e: {  	[tilespmem:s11], [sflag:$0x1] =	stream.linear.gather [hbm4b:s14+s24], $0x2000, $0x38;
	[tilespmem:$0x1E200] =	vst v63  }
0x5f: {  	_ =	swait.ge [sflag:s4], $0x2000  }
0x60: {  	[sflag:s4] =	ssyncset.done $0x0  }
0x61: {  	[sflag:s4] =	ssyncadd.s32 $0xFFFFE000  }
0x62: {  	_ =	swait.ge [sflag:s4], $0x2000  }
0x63: {  	[sflag:s4] =	ssyncset.done $0x0  }
0x64: {  	[sflag:s4] =	ssyncadd.s32 $0xFFFFE000  }
0x65: {  	_ =	swait.ge [sflag:s4], $0x2000  }
0x66: {  	[sflag:s4] =	ssyncset.done $0x0  }
0x67: {  	[sflag:s4] =	ssyncadd.s32 $0xFFFFE000  }
0x68: {  	v3 =	vld [tilespmem:s19+$0x0]  }
0x69: {  	v4 =	vld [tilespmem:s13+$0x0];
	_ =	sdelay $0x1  }
0x6a: {  	v5 =	vld [tilespmem:s11+$0x0];
	_ =	sdelay $0x2  }
0x6b: {  	v3 =	vshll.u32 v3, $0xD;
	v4 =	vshll.u32 v4, $0x6  }
0x6c: {  	s20 =	simm.s32 $0x100000;
	v3 =	vadd.s32 v3, v4  }
0x6d: {  	vm0 =	vlt.u32 v5, $0x40;
	v4 =	vor.u32 s20, v2;
	v3 =	vadd.s32 v5, v3  }
0x6e: {  	s12 =	simm.s32 $0x8000;
	v3 =	vsel vm0, v3, v4  }
0x6f: {  	s14 =	simm.s32 $0x2010;
	[tilespmem:s12+$0x0] =	vst v3  }
0x70: {  	s15 =	simm.s32 $0x4010;
	v3 =	vld [tilespmem:s14+$0x0]  }
0x71: {  	s16 =	simm.s32 $0x100020;
	s13 =	simm.s32 $0x100010;
	v4 =	vld [tilespmem:s15+$0x0]  }
.LBB2_6:
0x72: {  	p0 =	sne.s32 s16, $0x101FF0;
	s11 =	sadd.s32 $0x10, s11  }
0x73: {  	v5 =	vld [tilespmem:s11+$0x0];
	_ =	sdelay $0x2  }
0x74: {  	v3 =	vshll.u32 v3, $0xD;
	v4 =	vshll.u32 v4, $0x6  }
0x75: {  	v3 =	vadd.s32 v3, v4  }
.Ltmp2:
0x76: {  	v4 =	vor.u32 s13, v2;
	s13 =	smov.u32 s16;
	vm0 =	vlt.u32 v5, $0x40;
	v3 =	vadd.s32 v5, v3;
	(pc) =	sbr.rel @p0 .LBB2_6-.Ltmp2, $4  }
0x77: {  	s12 =	sadd.s32 $0x10, s12;
	v3 =	vsel vm0, v3, v4  }
0x78: {  	s14 =	sadd.s32 $0x10, s14;
	[tilespmem:s12+$0x0] =	vst v3  }
0x79: {  	s15 =	sadd.s32 $0x10, s15;
	v3 =	vld [tilespmem:s14+$0x0]  }
0x7a: {  	s16 =	sadd.s32 $0x10, s16;
	v4 =	vld [tilespmem:s15+$0x0]  }
0x7b: {  	s11 =	sadd.s32 $0x10, s11  }
0x7c: {  	v5 =	vld [tilespmem:s11+$0x0];
	_ =	sdelay $0x2  }
0x7d: {  	v3 =	vshll.u32 v3, $0xD;
	v4 =	vshll.u32 v4, $0x6  }
0x7e: {  	v3 =	vadd.s32 v3, v4  }
0x7f: {  	v4 =	vor.u32 s13, v2;
	vm0 =	vlt.u32 v5, $0x40;
	v3 =	vadd.s32 v5, v3  }
0x80: {  	s12 =	sadd.s32 $0x10, s12;
	v3 =	vsel vm0, v3, v4  }
0x81: {  	s13 =	simm.s32 $0x2000;
	[tilespmem:s12+$0x0] =	vst v3  }
0x82: {  	[spmem:s30] =	stream.indirect.scatter.add.f32 [tilespmem:s6], [sflag:$0x2], $0x1, s5, s13, $0xb8;
	[tilespmem:$0x1E200] =	vst v63  }
0x83: {  	s15 =	rddreg [dreg:$0x4]  }
0x84: {  	[tilespmem:s13], [sflag:$0x1] =	stream.linear.gather [hbm4b:s15+s24], $0x2000, $0x38;
	[tilespmem:$0x1E200] =	vst v63  }
0x85: {  	s16 =	simm.s32 $0x4000;
	s19 =	rddreg [dreg:$0x5]  }
0x86: {  	[tilespmem:s16], [sflag:$0x1] =	stream.linear.gather [hbm4b:s19+s24], $0x2000, $0x38;
	[tilespmem:$0x1E200] =	vst v63  }
0x87: {  	s14 =	rddreg [dreg:$0x6];
	s11 =	simm.s32 $0x6000  }
0x88: {  	[tilespmem:s11], [sflag:$0x1] =	stream.linear.gather [hbm4b:s14+s24], $0x2000, $0x38;
	[tilespmem:$0x1E200] =	vst v63  }
0x89: {  	_ =	swait.ge [sflag:s4], $0x2000  }
0x8a: {  	[sflag:s4] =	ssyncset.done $0x0  }
0x8b: {  	[sflag:s4] =	ssyncadd.s32 $0xFFFFE000  }
0x8c: {  	_ =	swait.ge [sflag:s4], $0x2000  }
0x8d: {  	[sflag:s4] =	ssyncset.done $0x0  }
0x8e: {  	[sflag:s4] =	ssyncadd.s32 $0xFFFFE000  }
0x8f: {  	_ =	swait.ge [sflag:s4], $0x2000  }
0x90: {  	[sflag:s4] =	ssyncset.done $0x0  }
0x91: {  	[sflag:s4] =	ssyncadd.s32 $0xFFFFE000  }
0x92: {  	v3 =	vld [tilespmem:s13+$0x0]  }
0x93: {  	v4 =	vld [tilespmem:s16+$0x0];
	_ =	sdelay $0x1  }
0x94: {  	v5 =	vld [tilespmem:s11+$0x0];
	_ =	sdelay $0x2  }
0x95: {  	v3 =	vshll.u32 v3, $0xD;
	v4 =	vshll.u32 v4, $0x6  }
0x96: {  	s20 =	simm.s32 $0x100000;
	v3 =	vadd.s32 v3, v4  }
0x97: {  	vm15 =	vlt.u32 v5, $0x40;
	v4 =	vor.u32 s20, v2;
	v3 =	vadd.s32 v5, v3  }
0x98: {  	s12 =	simm.s32 $0xA000;
	v3 =	vsel vm15, v3, v4  }
0x99: {  	s14 =	simm.s32 $0x2010;
	[tilespmem:s12+$0x0] =	vst v3  }
0x9a: {  	s15 =	simm.s32 $0x4010;
	v3 =	vld [tilespmem:s14+$0x0]  }
0x9b: {  	s13 =	simm.s32 $0x100010;
	s16 =	simm.s32 $0x100020;
	v4 =	vld [tilespmem:s15+$0x0]  }
.LBB2_8:
0x9c: {  	p0 =	sne.s32 s16, $0x101FF0;
	s11 =	sadd.s32 $0x10, s11  }
0x9d: {  	v5 =	vld [tilespmem:s11+$0x0];
	_ =	sdelay $0x2  }
0x9e: {  	v3 =	vshll.u32 v3, $0xD;
	v4 =	vshll.u32 v4, $0x6  }
0x9f: {  	v3 =	vadd.s32 v3, v4  }
.Ltmp3:
0xa0: {  	v4 =	vor.u32 s13, v2;
	s13 =	smov.u32 s16;
	vm0 =	vlt.u32 v5, $0x40;
	v3 =	vadd.s32 v5, v3;
	(pc) =	sbr.rel @p0 .LBB2_8-.Ltmp3, $4  }
0xa1: {  	s12 =	sadd.s32 $0x10, s12;
	v3 =	vsel vm0, v3, v4  }
0xa2: {  	s14 =	sadd.s32 $0x10, s14;
	[tilespmem:s12+$0x0] =	vst v3  }
0xa3: {  	s15 =	sadd.s32 $0x10, s15;
	v3 =	vld [tilespmem:s14+$0x0]  }
0xa4: {  	s16 =	sadd.s32 $0x10, s16;
	v4 =	vld [tilespmem:s15+$0x0]  }
0xa5: {  	s11 =	sadd.s32 $0x10, s11  }
0xa6: {  	v5 =	vld [tilespmem:s11+$0x0];
	_ =	sdelay $0x2  }
0xa7: {  	v3 =	vshll.u32 v3, $0xD;
	v4 =	vshll.u32 v4, $0x6  }
0xa8: {  	v3 =	vadd.s32 v3, v4  }
0xa9: {  	v4 =	vor.u32 s13, v2;
	vm0 =	vlt.u32 v5, $0x40;
	v3 =	vadd.s32 v5, v3  }
0xaa: {  	s12 =	sadd.s32 $0x10, s12;
	v3 =	vsel vm0, v3, v4  }
0xab: {  	s13 =	simm.s32 $0x2000;
	[tilespmem:s12+$0x0] =	vst v3  }
0xac: {  	[spmem:s30] =	stream.indirect.scatter.add.f32 [tilespmem:s6], [sflag:$0x2], $0x1, s7, s13, $0xb8;
	[tilespmem:$0x1E200] =	vst v63  }
0xad: {  	s15 =	rddreg [dreg:$0x7]  }
0xae: {  	[tilespmem:s13], [sflag:$0x1] =	stream.linear.gather [hbm4b:s15+s24], $0x2000, $0x38;
	[tilespmem:$0x1E200] =	vst v63  }
0xaf: {  	s16 =	simm.s32 $0x4000;
	s19 =	rddreg [dreg:$0x8]  }
0xb0: {  	[tilespmem:s16], [sflag:$0x1] =	stream.linear.gather [hbm4b:s19+s24], $0x2000, $0x38;
	[tilespmem:$0x1E200] =	vst v63  }
0xb1: {  	s14 =	rddreg [dreg:$0x9];
	s11 =	simm.s32 $0x6000  }
0xb2: {  	[tilespmem:s11], [sflag:$0x1] =	stream.linear.gather [hbm4b:s14+s24], $0x2000, $0x38;
	[tilespmem:$0x1E200] =	vst v63  }
0xb3: {  	_ =	swait.ge [sflag:s8], $0x2000  }
0xb4: {  	[sflag:s8] =	ssyncset.done $0x0  }
0xb5: {  	[sflag:s8] =	ssyncadd.s32 $0xFFFFE000  }
0xb6: {  	_ =	swait.ge [sflag:s4], $0x2000  }
0xb7: {  	[sflag:s4] =	ssyncset.done $0x0  }
0xb8: {  	[sflag:s4] =	ssyncadd.s32 $0xFFFFE000  }
0xb9: {  	_ =	swait.ge [sflag:s4], $0x2000  }
0xba: {  	[sflag:s4] =	ssyncset.done $0x0  }
0xbb: {  	[sflag:s4] =	ssyncadd.s32 $0xFFFFE000  }
0xbc: {  	_ =	swait.ge [sflag:s4], $0x2000  }
0xbd: {  	[sflag:s4] =	ssyncset.done $0x0  }
0xbe: {  	[sflag:s4] =	ssyncadd.s32 $0xFFFFE000  }
0xbf: {  	v3 =	vld [tilespmem:s13+$0x0]  }
0xc0: {  	v4 =	vld [tilespmem:s16+$0x0];
	_ =	sdelay $0x1  }
0xc1: {  	v5 =	vld [tilespmem:s11+$0x0];
	_ =	sdelay $0x2  }
0xc2: {  	v3 =	vshll.u32 v3, $0xD;
	v4 =	vshll.u32 v4, $0x6  }
0xc3: {  	s20 =	simm.s32 $0x100000;
	v3 =	vadd.s32 v3, v4  }
0xc4: {  	vm15 =	vlt.u32 v5, $0x40;
	v4 =	vor.u32 s20, v2;
	v3 =	vadd.s32 v5, v3  }
0xc5: {  	s12 =	simm.s32 $0x8000;
	v3 =	vsel vm15, v3, v4  }
0xc6: {  	s14 =	simm.s32 $0x2010;
	[tilespmem:s12+$0x0] =	vst v3  }
0xc7: {  	s15 =	simm.s32 $0x4010;
	v3 =	vld [tilespmem:s14+$0x0]  }
0xc8: {  	s13 =	simm.s32 $0x100010;
	s16 =	simm.s32 $0x100020;
	v4 =	vld [tilespmem:s15+$0x0]  }
.LBB2_10:
0xc9: {  	p0 =	sne.s32 s16, $0x101FF0;
	s11 =	sadd.s32 $0x10, s11  }
0xca: {  	v5 =	vld [tilespmem:s11+$0x0];
	_ =	sdelay $0x2  }
0xcb: {  	v3 =	vshll.u32 v3, $0xD;
	v4 =	vshll.u32 v4, $0x6  }
0xcc: {  	v3 =	vadd.s32 v3, v4  }
.Ltmp4:
0xcd: {  	v4 =	vor.u32 s13, v2;
	s13 =	smov.u32 s16;
	vm0 =	vlt.u32 v5, $0x40;
	v3 =	vadd.s32 v5, v3;
	(pc) =	sbr.rel @p0 .LBB2_10-.Ltmp4, $4  }
0xce: {  	s12 =	sadd.s32 $0x10, s12;
	v3 =	vsel vm0, v3, v4  }
0xcf: {  	s14 =	sadd.s32 $0x10, s14;
	[tilespmem:s12+$0x0] =	vst v3  }
0xd0: {  	s15 =	sadd.s32 $0x10, s15;
	v3 =	vld [tilespmem:s14+$0x0]  }
0xd1: {  	s16 =	sadd.s32 $0x10, s16;
	v4 =	vld [tilespmem:s15+$0x0]  }
0xd2: {  	s11 =	sadd.s32 $0x10, s11  }
0xd3: {  	v5 =	vld [tilespmem:s11+$0x0];
	_ =	sdelay $0x2  }
0xd4: {  	v3 =	vshll.u32 v3, $0xD;
	v4 =	vshll.u32 v4, $0x6  }
0xd5: {  	v3 =	vadd.s32 v3, v4  }
0xd6: {  	v4 =	vor.u32 s13, v2;
	vm0 =	vlt.u32 v5, $0x40;
	v3 =	vadd.s32 v5, v3  }
0xd7: {  	s12 =	sadd.s32 $0x10, s12;
	v3 =	vsel vm0, v3, v4  }
0xd8: {  	s13 =	simm.s32 $0x2000;
	[tilespmem:s12+$0x0] =	vst v3  }
0xd9: {  	[spmem:s30] =	stream.indirect.scatter.add.f32 [tilespmem:s6], [sflag:$0x2], $0x1, s5, s13, $0xb8;
	[tilespmem:$0x1E200] =	vst v63  }
0xda: {  	s15 =	rddreg [dreg:$0xa]  }
0xdb: {  	[tilespmem:s13], [sflag:$0x1] =	stream.linear.gather [hbm4b:s15+s24], $0x2000, $0x38;
	[tilespmem:$0x1E200] =	vst v63  }
0xdc: {  	s16 =	simm.s32 $0x4000;
	s19 =	rddreg [dreg:$0xb]  }
0xdd: {  	[tilespmem:s16], [sflag:$0x1] =	stream.linear.gather [hbm4b:s19+s24], $0x2000, $0x38;
	[tilespmem:$0x1E200] =	vst v63  }
0xde: {  	s14 =	rddreg [dreg:$0xc];
	s11 =	simm.s32 $0x6000  }
0xdf: {  	[tilespmem:s11], [sflag:$0x1] =	stream.linear.gather [hbm4b:s14+s24], $0x2000, $0x38;
	[tilespmem:$0x1E200] =	vst v63  }
0xe0: {  	_ =	swait.ge [sflag:s8], $0x2000  }
0xe1: {  	[sflag:s8] =	ssyncset.done $0x0  }
0xe2: {  	[sflag:s8] =	ssyncadd.s32 $0xFFFFE000  }
0xe3: {  	_ =	swait.ge [sflag:s4], $0x2000  }
0xe4: {  	[sflag:s4] =	ssyncset.done $0x0  }
0xe5: {  	[sflag:s4] =	ssyncadd.s32 $0xFFFFE000  }
0xe6: {  	_ =	swait.ge [sflag:s4], $0x2000  }
0xe7: {  	[sflag:s4] =	ssyncset.done $0x0  }
0xe8: {  	[sflag:s4] =	ssyncadd.s32 $0xFFFFE000  }
0xe9: {  	_ =	swait.ge [sflag:s4], $0x2000  }
0xea: {  	[sflag:s4] =	ssyncset.done $0x0  }
0xeb: {  	[sflag:s4] =	ssyncadd.s32 $0xFFFFE000  }
0xec: {  	v3 =	vld [tilespmem:s13+$0x0]  }
0xed: {  	v4 =	vld [tilespmem:s16+$0x0];
	_ =	sdelay $0x1  }
0xee: {  	v5 =	vld [tilespmem:s11+$0x0];
	_ =	sdelay $0x2  }
0xef: {  	v3 =	vshll.u32 v3, $0xD;
	v4 =	vshll.u32 v4, $0x6  }
0xf0: {  	s20 =	simm.s32 $0x100000;
	v3 =	vadd.s32 v3, v4  }
0xf1: {  	vm15 =	vlt.u32 v5, $0x40;
	v4 =	vor.u32 s20, v2;
	v3 =	vadd.s32 v5, v3  }
0xf2: {  	s12 =	simm.s32 $0xA000;
	v3 =	vsel vm15, v3, v4  }
0xf3: {  	s14 =	simm.s32 $0x2010;
	[tilespmem:s12+$0x0] =	vst v3  }
0xf4: {  	s15 =	simm.s32 $0x4010;
	v3 =	vld [tilespmem:s14+$0x0]  }
0xf5: {  	s13 =	simm.s32 $0x100010;
	s16 =	simm.s32 $0x100020;
	v4 =	vld [tilespmem:s15+$0x0]  }
.LBB2_12:
0xf6: {  	p0 =	sne.s32 s16, $0x101FF0;
	s11 =	sadd.s32 $0x10, s11  }
0xf7: {  	v5 =	vld [tilespmem:s11+$0x0];
	_ =	sdelay $0x2  }
0xf8: {  	v3 =	vshll.u32 v3, $0xD;
	v4 =	vshll.u32 v4, $0x6  }
0xf9: {  	v3 =	vadd.s32 v3, v4  }
.Ltmp5:
0xfa: {  	v4 =	vor.u32 s13, v2;
	s13 =	smov.u32 s16;
	vm0 =	vlt.u32 v5, $0x40;
	v3 =	vadd.s32 v5, v3;
	(pc) =	sbr.rel @p0 .LBB2_12-.Ltmp5, $4  }
0xfb: {  	s12 =	sadd.s32 $0x10, s12;
	v3 =	vsel vm0, v3, v4  }
0xfc: {  	s14 =	sadd.s32 $0x10, s14;
	[tilespmem:s12+$0x0] =	vst v3  }
0xfd: {  	s15 =	sadd.s32 $0x10, s15;
	v3 =	vld [tilespmem:s14+$0x0]  }
0xfe: {  	s16 =	sadd.s32 $0x10, s16;
	v4 =	vld [tilespmem:s15+$0x0]  }
0xff: {  	s11 =	sadd.s32 $0x10, s11  }
0x100: {  	v5 =	vld [tilespmem:s11+$0x0];
	_ =	sdelay $0x2  }
0x101: {  	v3 =	vshll.u32 v3, $0xD;
	v4 =	vshll.u32 v4, $0x6  }
0x102: {  	v3 =	vadd.s32 v3, v4  }
0x103: {  	v4 =	vor.u32 s13, v2;
	vm0 =	vlt.u32 v5, $0x40;
	v3 =	vadd.s32 v5, v3  }
0x104: {  	s14 =	sadd.s32 $0x10, s12;
	v3 =	vsel vm0, v3, v4  }
0x105: {  	[tilespmem:s14+$0x0] =	vst v3;
	s14 =	simm.s32 $0x2000  }
0x106: {  	[spmem:s30] =	stream.indirect.scatter.add.f32 [tilespmem:s6], [sflag:$0x2], $0x1, s7, s14, $0xb8;
	[tilespmem:$0x1E200] =	vst v63  }
0x107: {  	_ =	swait.ge [sflag:s8], $0x2000  }
0x108: {  	[sflag:s8] =	ssyncset.done $0x0  }
0x109: {  	[sflag:s8] =	ssyncadd.s32 $0xFFFFE000  }
0x10a: {  	_ =	swait.ge [sflag:s8], $0x2000  }
0x10b: {  	[sflag:s8] =	ssyncset.done $0x0  }
0x10c: {  	s15 =	stileid.u32;
	[sflag:s8] =	ssyncadd.s32 $0xFFFFE000  }
0x10d: {  	s11 =	sshll.u32 s15, $0x6;
	[bflag:$0x0] =	sbarrier.arrive $0xFFFF  }
0x10e: {  	s12 =	sshrl.u32 s0, $0x3;
	s11 =	sor.u32 $0x1C03, s11;
	s16 =	rddreg [dreg:$0x15]  }
0x10f: {  	[hbm:s16], [sflag:s11] =	dma.local [spmem:s12], $0x2000  }
0x110: {  	_ =	swait.ge [sflag:s9], $0x2000  }
0x111: {  	[sflag:s9] =	ssyncset.done $0x0  }
0x112: {  	[sflag:s9] =	ssyncadd.s32 $0xFFFFE000  }
0x113: {  	[bflag:$0x0] =	sbarrier.arrive $0xFFFF  }
0x114: {  	[spmem:s0] =	stream.linear.scatter [tilespmem:s24], [sflag:$0x1], $0x2000, $0x38;
	[tilespmem:$0x1E200] =	vst v63  }
0x115: {  	_ = 	snop  }
0x116: {  	[spmem:s29] =	stream.linear.scatter [tilespmem:s24], [sflag:$0x1], $0x2000, $0x38;
	[tilespmem:$0x1E200] =	vst v63  }
0x117: {  	_ = 	snop  }
0x118: {  	[spmem:s31] =	stream.linear.scatter [tilespmem:s24], [sflag:$0x1], $0x2000, $0x38;
	[tilespmem:$0x1E200] =	vst v63  }
0x119: {  	_ = 	snop  }
0x11a: {  	[spmem:s26] =	stream.linear.scatter [tilespmem:s24], [sflag:$0x1], $0x2000, $0x38;
	[tilespmem:$0x1E200] =	vst v63  }
0x11b: {  	_ = 	snop  }
0x11c: {  	[spmem:s28] =	stream.linear.scatter [tilespmem:s24], [sflag:$0x1], $0x2000, $0x38;
	[tilespmem:$0x1E200] =	vst v63  }
0x11d: {  	_ = 	snop  }
0x11e: {  	[spmem:s1] =	stream.linear.scatter [tilespmem:s24], [sflag:$0x1], $0x2000, $0x38;
	[tilespmem:$0x1E200] =	vst v63  }
0x11f: {  	_ = 	snop  }
0x120: {  	[spmem:s2] =	stream.linear.scatter [tilespmem:s24], [sflag:$0x1], $0x2000, $0x38;
	[tilespmem:$0x1E200] =	vst v63  }
0x121: {  	_ = 	snop  }
0x122: {  	[spmem:s3] =	stream.linear.scatter [tilespmem:s24], [sflag:$0x1], $0x2000, $0x38;
	[tilespmem:$0x1E200] =	vst v63  }
0x123: {  	_ =	swait.ge [sflag:s4], $0x2000  }
0x124: {  	[sflag:s4] =	ssyncset.done $0x0  }
0x125: {  	[sflag:s4] =	ssyncadd.s32 $0xFFFFE000  }
0x126: {  	_ =	swait.ge [sflag:s4], $0x2000  }
0x127: {  	[sflag:s4] =	ssyncset.done $0x0  }
0x128: {  	[sflag:s4] =	ssyncadd.s32 $0xFFFFE000  }
0x129: {  	_ =	swait.ge [sflag:s4], $0x2000  }
0x12a: {  	[sflag:s4] =	ssyncset.done $0x0  }
0x12b: {  	[sflag:s4] =	ssyncadd.s32 $0xFFFFE000  }
0x12c: {  	_ =	swait.ge [sflag:s4], $0x2000  }
0x12d: {  	[sflag:s4] =	ssyncset.done $0x0  }
0x12e: {  	[sflag:s4] =	ssyncadd.s32 $0xFFFFE000  }
0x12f: {  	_ =	swait.ge [sflag:s4], $0x2000  }
0x130: {  	[sflag:s4] =	ssyncset.done $0x0  }
0x131: {  	[sflag:s4] =	ssyncadd.s32 $0xFFFFE000  }
0x132: {  	_ =	swait.ge [sflag:s4], $0x2000  }
0x133: {  	[sflag:s4] =	ssyncset.done $0x0  }
0x134: {  	[sflag:s4] =	ssyncadd.s32 $0xFFFFE000  }
0x135: {  	_ =	swait.ge [sflag:s4], $0x2000  }
0x136: {  	[sflag:s4] =	ssyncset.done $0x0  }
0x137: {  	[sflag:s4] =	ssyncadd.s32 $0xFFFFE000  }
0x138: {  	_ =	swait.ge [sflag:s4], $0x2000  }
0x139: {  	[sflag:s4] =	ssyncset.done $0x0  }
0x13a: {  	[sflag:s4] =	ssyncadd.s32 $0xFFFFE000  }
0x13b: {  	[bflag:$0x0] =	sbarrier.arrive $0xFFFF  }
0x13c: {  	[tilespmem:s14], [sflag:$0x1] =	stream.linear.gather [hbm4b:s17+s24], $0x2000, $0x38;
	[tilespmem:$0x1E200] =	vst v63  }
0x13d: {  	s15 =	simm.s32 $0x4000  }
0x13e: {  	[tilespmem:s15], [sflag:$0x1] =	stream.linear.gather [hbm4b:s18+s24], $0x2000, $0x38;
	[tilespmem:$0x1E200] =	vst v63  }
0x13f: {  	s13 =	simm.s32 $0x6000;
	s16 =	rddreg [dreg:$0x3]  }
0x140: {  	[tilespmem:s13], [sflag:$0x1] =	stream.linear.gather [hbm4b:s16+s24], $0x2000, $0x38;
	[tilespmem:$0x1E200] =	vst v63  }
0x141: {  	_ =	swait.ge [sflag:s4], $0x2000  }
0x142: {  	[sflag:s4] =	ssyncset.done $0x0  }
0x143: {  	[sflag:s4] =	ssyncadd.s32 $0xFFFFE000  }
0x144: {  	_ =	swait.ge [sflag:s4], $0x2000  }
0x145: {  	[sflag:s4] =	ssyncset.done $0x0  }
0x146: {  	[sflag:s4] =	ssyncadd.s32 $0xFFFFE000  }
0x147: {  	_ =	swait.ge [sflag:s4], $0x2000  }
0x148: {  	[sflag:s4] =	ssyncset.done $0x0  }
0x149: {  	[sflag:s4] =	ssyncadd.s32 $0xFFFFE000  }
0x14a: {  	v3 =	vld [tilespmem:s14+$0x0]  }
0x14b: {  	v4 =	vld [tilespmem:s15+$0x0];
	_ =	sdelay $0x1  }
0x14c: {  	v5 =	vld [tilespmem:s13+$0x0];
	_ =	sdelay $0x2  }
0x14d: {  	v3 =	vshll.u32 v3, $0xD;
	v4 =	vshll.u32 v4, $0x6  }
0x14e: {  	v3 =	vadd.s32 v4, v3  }
0x14f: {  	s20 =	smov.u32 s18;
	s18 =	simm.s32 $0x100000;
	v4 =	vand.u32 $0xFFFFFFC0, v5;
	v3 =	vadd.s32 v5, v3  }
0x150: {  	vm15 =	veq.s32 v4, $0x40;
	v4 =	vor.u32 s18, v2;
	v3 =	vadd.s32 $0xFFFFFFC0, v3  }
0x151: {  	s14 =	simm.s32 $0x8000;
	v3 =	vsel vm15, v3, v4  }
0x152: {  	s16 =	simm.s32 $0x2010;
	[tilespmem:s14+$0x0] =	vst v3  }
0x153: {  	s19 =	smov.u32 s17;
	s17 =	simm.s32 $0x4010;
	v3 =	vld [tilespmem:s16+$0x0]  }
0x154: {  	s15 =	simm.s32 $0x100010;
	s18 =	simm.s32 $0x100020;
	v4 =	vld [tilespmem:s17+$0x0]  }
.LBB2_14:
0x155: {  	p0 =	sne.s32 s18, $0x101FF0;
	s13 =	sadd.s32 $0x10, s13  }
0x156: {  	v5 =	vld [tilespmem:s13+$0x0];
	_ =	sdelay $0x2  }
0x157: {  	v3 =	vshll.u32 v3, $0xD;
	v4 =	vshll.u32 v4, $0x6  }
0x158: {  	v3 =	vadd.s32 v4, v3  }
0x159: {  	v4 =	vand.u32 $0xFFFFFFC0, v5;
	v3 =	vadd.s32 v5, v3  }
.Ltmp6:
0x15a: {  	vm0 =	veq.s32 v4, $0x40;
	v3 =	vadd.s32 $0xFFFFFFC0, v3;
	v4 =	vor.u32 s15, v2;
	s15 =	smov.u32 s18;
	(pc) =	sbr.rel @p0 .LBB2_14-.Ltmp6, $4  }
0x15b: {  	s14 =	sadd.s32 $0x10, s14;
	v3 =	vsel vm0, v3, v4  }
0x15c: {  	s16 =	sadd.s32 $0x10, s16;
	[tilespmem:s14+$0x0] =	vst v3  }
0x15d: {  	s17 =	sadd.s32 $0x10, s17;
	v3 =	vld [tilespmem:s16+$0x0]  }
0x15e: {  	s18 =	sadd.s32 $0x10, s18;
	v4 =	vld [tilespmem:s17+$0x0]  }
0x15f: {  	s13 =	sadd.s32 $0x10, s13  }
0x160: {  	v5 =	vld [tilespmem:s13+$0x0];
	_ =	sdelay $0x2  }
0x161: {  	v3 =	vshll.u32 v3, $0xD;
	v4 =	vshll.u32 v4, $0x6  }
0x162: {  	v3 =	vadd.s32 v4, v3  }
0x163: {  	v4 =	vand.u32 $0xFFFFFFC0, v5;
	v3 =	vadd.s32 v5, v3  }
0x164: {  	vm0 =	veq.s32 v4, $0x40;
	v3 =	vadd.s32 $0xFFFFFFC0, v3;
	v4 =	vor.u32 s15, v2  }
0x165: {  	s14 =	sadd.s32 $0x10, s14;
	v3 =	vsel vm0, v3, v4  }
0x166: {  	s15 =	simm.s32 $0x2000;
	[tilespmem:s14+$0x0] =	vst v3  }
0x167: {  	[spmem:s30] =	stream.indirect.scatter.add.f32 [tilespmem:s6], [sflag:$0x2], $0x1, s5, s15, $0xb8;
	[tilespmem:$0x1E200] =	vst v63  }
0x168: {  	s17 =	rddreg [dreg:$0x4]  }
0x169: {  	[tilespmem:s15], [sflag:$0x1] =	stream.linear.gather [hbm4b:s17+s24], $0x2000, $0x38;
	[tilespmem:$0x1E200] =	vst v63  }
0x16a: {  	s18 =	simm.s32 $0x4000;
	s17 =	rddreg [dreg:$0x5]  }
0x16b: {  	[tilespmem:s18], [sflag:$0x1] =	stream.linear.gather [hbm4b:s17+s24], $0x2000, $0x38;
	[tilespmem:$0x1E200] =	vst v63  }
0x16c: {  	s16 =	rddreg [dreg:$0x6];
	s13 =	simm.s32 $0x6000  }
0x16d: {  	[tilespmem:s13], [sflag:$0x1] =	stream.linear.gather [hbm4b:s16+s24], $0x2000, $0x38;
	[tilespmem:$0x1E200] =	vst v63  }
0x16e: {  	_ =	swait.ge [sflag:s4], $0x2000  }
0x16f: {  	[sflag:s4] =	ssyncset.done $0x0  }
0x170: {  	[sflag:s4] =	ssyncadd.s32 $0xFFFFE000  }
0x171: {  	_ =	swait.ge [sflag:s4], $0x2000  }
0x172: {  	[sflag:s4] =	ssyncset.done $0x0  }
0x173: {  	[sflag:s4] =	ssyncadd.s32 $0xFFFFE000  }
0x174: {  	_ =	swait.ge [sflag:s4], $0x2000  }
0x175: {  	[sflag:s4] =	ssyncset.done $0x0  }
0x176: {  	[sflag:s4] =	ssyncadd.s32 $0xFFFFE000  }
0x177: {  	v3 =	vld [tilespmem:s15+$0x0]  }
0x178: {  	v4 =	vld [tilespmem:s18+$0x0];
	_ =	sdelay $0x1  }
0x179: {  	v5 =	vld [tilespmem:s13+$0x0];
	_ =	sdelay $0x2  }
0x17a: {  	v3 =	vshll.u32 v3, $0xD;
	v4 =	vshll.u32 v4, $0x6  }
0x17b: {  	v3 =	vadd.s32 v4, v3  }
0x17c: {  	s18 =	simm.s32 $0x100000;
	v4 =	vand.u32 $0xFFFFFFC0, v5;
	v3 =	vadd.s32 v5, v3  }
0x17d: {  	vm15 =	veq.s32 v4, $0x40;
	v4 =	vor.u32 s18, v2;
	v3 =	vadd.s32 $0xFFFFFFC0, v3  }
0x17e: {  	s14 =	simm.s32 $0xA000;
	v3 =	vsel vm15, v3, v4  }
0x17f: {  	s16 =	simm.s32 $0x2010;
	[tilespmem:s14+$0x0] =	vst v3  }
0x180: {  	s17 =	simm.s32 $0x4010;
	v3 =	vld [tilespmem:s16+$0x0]  }
0x181: {  	s15 =	simm.s32 $0x100010;
	s18 =	simm.s32 $0x100020;
	v4 =	vld [tilespmem:s17+$0x0]  }
.LBB2_16:
0x182: {  	p0 =	sne.s32 s18, $0x101FF0;
	s13 =	sadd.s32 $0x10, s13  }
0x183: {  	v5 =	vld [tilespmem:s13+$0x0];
	_ =	sdelay $0x2  }
0x184: {  	v3 =	vshll.u32 v3, $0xD;
	v4 =	vshll.u32 v4, $0x6  }
0x185: {  	v3 =	vadd.s32 v4, v3  }
0x186: {  	v4 =	vand.u32 $0xFFFFFFC0, v5;
	v3 =	vadd.s32 v5, v3  }
.Ltmp7:
0x187: {  	vm0 =	veq.s32 v4, $0x40;
	v3 =	vadd.s32 $0xFFFFFFC0, v3;
	v4 =	vor.u32 s15, v2;
	s15 =	smov.u32 s18;
	(pc) =	sbr.rel @p0 .LBB2_16-.Ltmp7, $4  }
0x188: {  	s14 =	sadd.s32 $0x10, s14;
	v3 =	vsel vm0, v3, v4  }
0x189: {  	s16 =	sadd.s32 $0x10, s16;
	[tilespmem:s14+$0x0] =	vst v3  }
0x18a: {  	s17 =	sadd.s32 $0x10, s17;
	v3 =	vld [tilespmem:s16+$0x0]  }
0x18b: {  	s18 =	sadd.s32 $0x10, s18;
	v4 =	vld [tilespmem:s17+$0x0]  }
0x18c: {  	s13 =	sadd.s32 $0x10, s13  }
0x18d: {  	v5 =	vld [tilespmem:s13+$0x0];
	_ =	sdelay $0x2  }
0x18e: {  	v3 =	vshll.u32 v3, $0xD;
	v4 =	vshll.u32 v4, $0x6  }
0x18f: {  	v3 =	vadd.s32 v4, v3  }
0x190: {  	v4 =	vand.u32 $0xFFFFFFC0, v5;
	v3 =	vadd.s32 v5, v3  }
0x191: {  	vm0 =	veq.s32 v4, $0x40;
	v3 =	vadd.s32 $0xFFFFFFC0, v3;
	v4 =	vor.u32 s15, v2  }
0x192: {  	s14 =	sadd.s32 $0x10, s14;
	v3 =	vsel vm0, v3, v4  }
0x193: {  	s15 =	simm.s32 $0x2000;
	[tilespmem:s14+$0x0] =	vst v3  }
0x194: {  	[spmem:s30] =	stream.indirect.scatter.add.f32 [tilespmem:s6], [sflag:$0x2], $0x1, s7, s15, $0xb8;
	[tilespmem:$0x1E200] =	vst v63  }
0x195: {  	s17 =	rddreg [dreg:$0x7]  }
0x196: {  	[tilespmem:s15], [sflag:$0x1] =	stream.linear.gather [hbm4b:s17+s24], $0x2000, $0x38;
	[tilespmem:$0x1E200] =	vst v63  }
0x197: {  	s18 =	simm.s32 $0x4000;
	s17 =	rddreg [dreg:$0x8]  }
0x198: {  	[tilespmem:s18], [sflag:$0x1] =	stream.linear.gather [hbm4b:s17+s24], $0x2000, $0x38;
	[tilespmem:$0x1E200] =	vst v63  }
0x199: {  	s16 =	rddreg [dreg:$0x9];
	s13 =	simm.s32 $0x6000  }
0x19a: {  	[tilespmem:s13], [sflag:$0x1] =	stream.linear.gather [hbm4b:s16+s24], $0x2000, $0x38;
	[tilespmem:$0x1E200] =	vst v63  }
0x19b: {  	_ =	swait.ge [sflag:s8], $0x2000  }
0x19c: {  	[sflag:s8] =	ssyncset.done $0x0  }
0x19d: {  	[sflag:s8] =	ssyncadd.s32 $0xFFFFE000  }
0x19e: {  	_ =	swait.ge [sflag:s4], $0x2000  }
0x19f: {  	[sflag:s4] =	ssyncset.done $0x0  }
0x1a0: {  	[sflag:s4] =	ssyncadd.s32 $0xFFFFE000  }
0x1a1: {  	_ =	swait.ge [sflag:s4], $0x2000  }
0x1a2: {  	[sflag:s4] =	ssyncset.done $0x0  }
0x1a3: {  	[sflag:s4] =	ssyncadd.s32 $0xFFFFE000  }
0x1a4: {  	_ =	swait.ge [sflag:s4], $0x2000  }
0x1a5: {  	[sflag:s4] =	ssyncset.done $0x0  }
0x1a6: {  	[sflag:s4] =	ssyncadd.s32 $0xFFFFE000  }
0x1a7: {  	v3 =	vld [tilespmem:s15+$0x0]  }
0x1a8: {  	v4 =	vld [tilespmem:s18+$0x0];
	_ =	sdelay $0x1  }
0x1a9: {  	v5 =	vld [tilespmem:s13+$0x0];
	_ =	sdelay $0x2  }
0x1aa: {  	v3 =	vshll.u32 v3, $0xD;
	v4 =	vshll.u32 v4, $0x6  }
0x1ab: {  	v3 =	vadd.s32 v4, v3  }
0x1ac: {  	s18 =	simm.s32 $0x100000;
	v4 =	vand.u32 $0xFFFFFFC0, v5;
	v3 =	vadd.s32 v5, v3  }
0x1ad: {  	vm15 =	veq.s32 v4, $0x40;
	v4 =	vor.u32 s18, v2;
	v3 =	vadd.s32 $0xFFFFFFC0, v3  }
0x1ae: {  	s14 =	simm.s32 $0x8000;
	v3 =	vsel vm15, v3, v4  }
0x1af: {  	s16 =	simm.s32 $0x2010;
	[tilespmem:s14+$0x0] =	vst v3  }
0x1b0: {  	s17 =	simm.s32 $0x4010;
	v3 =	vld [tilespmem:s16+$0x0]  }
0x1b1: {  	s15 =	simm.s32 $0x100010;
	s18 =	simm.s32 $0x100020;
	v4 =	vld [tilespmem:s17+$0x0]  }
.LBB2_18:
0x1b2: {  	p0 =	sne.s32 s18, $0x101FF0;
	s13 =	sadd.s32 $0x10, s13  }
0x1b3: {  	v5 =	vld [tilespmem:s13+$0x0];
	_ =	sdelay $0x2  }
0x1b4: {  	v3 =	vshll.u32 v3, $0xD;
	v4 =	vshll.u32 v4, $0x6  }
0x1b5: {  	v3 =	vadd.s32 v4, v3  }
0x1b6: {  	v4 =	vand.u32 $0xFFFFFFC0, v5;
	v3 =	vadd.s32 v5, v3  }
.Ltmp8:
0x1b7: {  	vm0 =	veq.s32 v4, $0x40;
	v3 =	vadd.s32 $0xFFFFFFC0, v3;
	v4 =	vor.u32 s15, v2;
	s15 =	smov.u32 s18;
	(pc) =	sbr.rel @p0 .LBB2_18-.Ltmp8, $4  }
0x1b8: {  	s14 =	sadd.s32 $0x10, s14;
	v3 =	vsel vm0, v3, v4  }
0x1b9: {  	s16 =	sadd.s32 $0x10, s16;
	[tilespmem:s14+$0x0] =	vst v3  }
0x1ba: {  	s17 =	sadd.s32 $0x10, s17;
	v3 =	vld [tilespmem:s16+$0x0]  }
0x1bb: {  	s18 =	sadd.s32 $0x10, s18;
	v4 =	vld [tilespmem:s17+$0x0]  }
0x1bc: {  	s13 =	sadd.s32 $0x10, s13  }
0x1bd: {  	v5 =	vld [tilespmem:s13+$0x0];
	_ =	sdelay $0x2  }
0x1be: {  	v3 =	vshll.u32 v3, $0xD;
	v4 =	vshll.u32 v4, $0x6  }
0x1bf: {  	v3 =	vadd.s32 v4, v3  }
0x1c0: {  	v4 =	vand.u32 $0xFFFFFFC0, v5;
	v3 =	vadd.s32 v5, v3  }
0x1c1: {  	vm0 =	veq.s32 v4, $0x40;
	v3 =	vadd.s32 $0xFFFFFFC0, v3;
	v4 =	vor.u32 s15, v2  }
0x1c2: {  	s14 =	sadd.s32 $0x10, s14;
	v3 =	vsel vm0, v3, v4  }
0x1c3: {  	s15 =	simm.s32 $0x2000;
	[tilespmem:s14+$0x0] =	vst v3  }
0x1c4: {  	[spmem:s30] =	stream.indirect.scatter.add.f32 [tilespmem:s6], [sflag:$0x2], $0x1, s5, s15, $0xb8;
	[tilespmem:$0x1E200] =	vst v63  }
0x1c5: {  	s17 =	rddreg [dreg:$0xa]  }
0x1c6: {  	[tilespmem:s15], [sflag:$0x1] =	stream.linear.gather [hbm4b:s17+s24], $0x2000, $0x38;
	[tilespmem:$0x1E200] =	vst v63  }
0x1c7: {  	s18 =	simm.s32 $0x4000;
	s17 =	rddreg [dreg:$0xb]  }
0x1c8: {  	[tilespmem:s18], [sflag:$0x1] =	stream.linear.gather [hbm4b:s17+s24], $0x2000, $0x38;
	[tilespmem:$0x1E200] =	vst v63  }
0x1c9: {  	s16 =	rddreg [dreg:$0xc];
	s13 =	simm.s32 $0x6000  }
0x1ca: {  	[tilespmem:s13], [sflag:$0x1] =	stream.linear.gather [hbm4b:s16+s24], $0x2000, $0x38;
	[tilespmem:$0x1E200] =	vst v63  }
0x1cb: {  	_ =	swait.ge [sflag:s8], $0x2000  }
0x1cc: {  	[sflag:s8] =	ssyncset.done $0x0  }
0x1cd: {  	[sflag:s8] =	ssyncadd.s32 $0xFFFFE000  }
0x1ce: {  	_ =	swait.ge [sflag:s4], $0x2000  }
0x1cf: {  	[sflag:s4] =	ssyncset.done $0x0  }
0x1d0: {  	[sflag:s4] =	ssyncadd.s32 $0xFFFFE000  }
0x1d1: {  	_ =	swait.ge [sflag:s4], $0x2000  }
0x1d2: {  	[sflag:s4] =	ssyncset.done $0x0  }
0x1d3: {  	[sflag:s4] =	ssyncadd.s32 $0xFFFFE000  }
0x1d4: {  	_ =	swait.ge [sflag:s4], $0x2000  }
0x1d5: {  	[sflag:s4] =	ssyncset.done $0x0  }
0x1d6: {  	[sflag:s4] =	ssyncadd.s32 $0xFFFFE000  }
0x1d7: {  	v3 =	vld [tilespmem:s15+$0x0]  }
0x1d8: {  	v4 =	vld [tilespmem:s18+$0x0];
	_ =	sdelay $0x1  }
0x1d9: {  	v5 =	vld [tilespmem:s13+$0x0];
	_ =	sdelay $0x2  }
0x1da: {  	v3 =	vshll.u32 v3, $0xD;
	v4 =	vshll.u32 v4, $0x6  }
0x1db: {  	v3 =	vadd.s32 v4, v3  }
0x1dc: {  	s18 =	simm.s32 $0x100000;
	v4 =	vand.u32 $0xFFFFFFC0, v5;
	v3 =	vadd.s32 v5, v3  }
0x1dd: {  	vm15 =	veq.s32 v4, $0x40;
	v4 =	vor.u32 s18, v2;
	v3 =	vadd.s32 $0xFFFFFFC0, v3  }
0x1de: {  	s14 =	simm.s32 $0xA000;
	v3 =	vsel vm15, v3, v4  }
0x1df: {  	s16 =	simm.s32 $0x2010;
	[tilespmem:s14+$0x0] =	vst v3  }
0x1e0: {  	s17 =	simm.s32 $0x4010;
	v3 =	vld [tilespmem:s16+$0x0]  }
0x1e1: {  	s15 =	simm.s32 $0x100010;
	s18 =	simm.s32 $0x100020;
	v4 =	vld [tilespmem:s17+$0x0]  }
.LBB2_20:
0x1e2: {  	p0 =	sne.s32 s18, $0x101FF0;
	s13 =	sadd.s32 $0x10, s13  }
0x1e3: {  	v5 =	vld [tilespmem:s13+$0x0];
	_ =	sdelay $0x2  }
0x1e4: {  	v3 =	vshll.u32 v3, $0xD;
	v4 =	vshll.u32 v4, $0x6  }
0x1e5: {  	v3 =	vadd.s32 v4, v3  }
0x1e6: {  	v4 =	vand.u32 $0xFFFFFFC0, v5;
	v3 =	vadd.s32 v5, v3  }
.Ltmp9:
0x1e7: {  	vm0 =	veq.s32 v4, $0x40;
	v3 =	vadd.s32 $0xFFFFFFC0, v3;
	v4 =	vor.u32 s15, v2;
	s15 =	smov.u32 s18;
	(pc) =	sbr.rel @p0 .LBB2_20-.Ltmp9, $4  }
0x1e8: {  	s14 =	sadd.s32 $0x10, s14;
	v3 =	vsel vm0, v3, v4  }
0x1e9: {  	s16 =	sadd.s32 $0x10, s16;
	[tilespmem:s14+$0x0] =	vst v3  }
0x1ea: {  	s17 =	sadd.s32 $0x10, s17;
	v3 =	vld [tilespmem:s16+$0x0]  }
0x1eb: {  	s18 =	sadd.s32 $0x10, s18;
	v4 =	vld [tilespmem:s17+$0x0]  }
0x1ec: {  	s13 =	sadd.s32 $0x10, s13  }
0x1ed: {  	v5 =	vld [tilespmem:s13+$0x0];
	_ =	sdelay $0x2  }
0x1ee: {  	v3 =	vshll.u32 v3, $0xD;
	v4 =	vshll.u32 v4, $0x6  }
0x1ef: {  	v3 =	vadd.s32 v4, v3  }
0x1f0: {  	v4 =	vand.u32 $0xFFFFFFC0, v5;
	v3 =	vadd.s32 v5, v3  }
0x1f1: {  	vm0 =	veq.s32 v4, $0x40;
	v3 =	vadd.s32 $0xFFFFFFC0, v3;
	v4 =	vor.u32 s15, v2  }
0x1f2: {  	s14 =	sadd.s32 $0x10, s14;
	v3 =	vsel vm0, v3, v4  }
0x1f3: {  	s15 =	simm.s32 $0x2000;
	[tilespmem:s14+$0x0] =	vst v3  }
0x1f4: {  	[spmem:s30] =	stream.indirect.scatter.add.f32 [tilespmem:s6], [sflag:$0x2], $0x1, s7, s15, $0xb8;
	[tilespmem:$0x1E200] =	vst v63  }
0x1f5: {  	_ =	swait.ge [sflag:s8], $0x2000  }
0x1f6: {  	[sflag:s8] =	ssyncset.done $0x0  }
0x1f7: {  	[sflag:s8] =	ssyncadd.s32 $0xFFFFE000  }
0x1f8: {  	_ =	swait.ge [sflag:s8], $0x2000  }
0x1f9: {  	[sflag:s8] =	ssyncset.done $0x0  }
0x1fa: {  	[sflag:s8] =	ssyncadd.s32 $0xFFFFE000  }
0x1fb: {  	[bflag:$0x0] =	sbarrier.arrive $0xFFFF  }
0x1fc: {  	s16 =	rddreg [dreg:$0x16]  }
0x1fd: {  	[hbm:s16], [sflag:s11] =	dma.local [spmem:s12], $0x2000  }
0x1fe: {  	_ =	swait.ge [sflag:s9], $0x2000  }
0x1ff: {  	[sflag:s9] =	ssyncset.done $0x0  }
0x200: {  	[sflag:s9] =	ssyncadd.s32 $0xFFFFE000  }
0x201: {  	[bflag:$0x0] =	sbarrier.arrive $0xFFFF  }
0x202: {  	[spmem:s0] =	stream.linear.scatter [tilespmem:s24], [sflag:$0x1], $0x2000, $0x38;
	[tilespmem:$0x1E200] =	vst v63  }
0x203: {  	_ = 	snop  }
0x204: {  	[spmem:s29] =	stream.linear.scatter [tilespmem:s24], [sflag:$0x1], $0x2000, $0x38;
	[tilespmem:$0x1E200] =	vst v63  }
0x205: {  	_ = 	snop  }
0x206: {  	[spmem:s31] =	stream.linear.scatter [tilespmem:s24], [sflag:$0x1], $0x2000, $0x38;
	[tilespmem:$0x1E200] =	vst v63  }
0x207: {  	_ = 	snop  }
0x208: {  	[spmem:s26] =	stream.linear.scatter [tilespmem:s24], [sflag:$0x1], $0x2000, $0x38;
	[tilespmem:$0x1E200] =	vst v63  }
0x209: {  	_ = 	snop  }
0x20a: {  	[spmem:s28] =	stream.linear.scatter [tilespmem:s24], [sflag:$0x1], $0x2000, $0x38;
	[tilespmem:$0x1E200] =	vst v63  }
0x20b: {  	_ = 	snop  }
0x20c: {  	[spmem:s1] =	stream.linear.scatter [tilespmem:s24], [sflag:$0x1], $0x2000, $0x38;
	[tilespmem:$0x1E200] =	vst v63  }
0x20d: {  	_ = 	snop  }
0x20e: {  	[spmem:s2] =	stream.linear.scatter [tilespmem:s24], [sflag:$0x1], $0x2000, $0x38;
	[tilespmem:$0x1E200] =	vst v63  }
0x20f: {  	_ = 	snop  }
0x210: {  	[spmem:s3] =	stream.linear.scatter [tilespmem:s24], [sflag:$0x1], $0x2000, $0x38;
	[tilespmem:$0x1E200] =	vst v63  }
0x211: {  	_ =	swait.ge [sflag:s4], $0x2000  }
0x212: {  	[sflag:s4] =	ssyncset.done $0x0  }
0x213: {  	[sflag:s4] =	ssyncadd.s32 $0xFFFFE000  }
0x214: {  	_ =	swait.ge [sflag:s4], $0x2000  }
0x215: {  	[sflag:s4] =	ssyncset.done $0x0  }
0x216: {  	[sflag:s4] =	ssyncadd.s32 $0xFFFFE000  }
0x217: {  	_ =	swait.ge [sflag:s4], $0x2000  }
0x218: {  	[sflag:s4] =	ssyncset.done $0x0  }
0x219: {  	[sflag:s4] =	ssyncadd.s32 $0xFFFFE000  }
0x21a: {  	_ =	swait.ge [sflag:s4], $0x2000  }
0x21b: {  	[sflag:s4] =	ssyncset.done $0x0  }
0x21c: {  	[sflag:s4] =	ssyncadd.s32 $0xFFFFE000  }
0x21d: {  	_ =	swait.ge [sflag:s4], $0x2000  }
0x21e: {  	[sflag:s4] =	ssyncset.done $0x0  }
0x21f: {  	[sflag:s4] =	ssyncadd.s32 $0xFFFFE000  }
0x220: {  	_ =	swait.ge [sflag:s4], $0x2000  }
0x221: {  	[sflag:s4] =	ssyncset.done $0x0  }
0x222: {  	[sflag:s4] =	ssyncadd.s32 $0xFFFFE000  }
0x223: {  	_ =	swait.ge [sflag:s4], $0x2000  }
0x224: {  	[sflag:s4] =	ssyncset.done $0x0  }
0x225: {  	[sflag:s4] =	ssyncadd.s32 $0xFFFFE000  }
0x226: {  	_ =	swait.ge [sflag:s4], $0x2000  }
0x227: {  	[sflag:s4] =	ssyncset.done $0x0  }
0x228: {  	[sflag:s4] =	ssyncadd.s32 $0xFFFFE000  }
0x229: {  	[bflag:$0x0] =	sbarrier.arrive $0xFFFF  }
0x22a: {  	s17 =	rddreg [dreg:$0xd]  }
0x22b: {  	[tilespmem:s15], [sflag:$0x1] =	stream.linear.gather [hbm4b:s17+s24], $0x2000, $0x38;
	[tilespmem:$0x1E200] =	vst v63  }
0x22c: {  	s18 =	simm.s32 $0x4000;
	s17 =	rddreg [dreg:$0xe]  }
0x22d: {  	[tilespmem:s18], [sflag:$0x1] =	stream.linear.gather [hbm4b:s17+s24], $0x2000, $0x38;
	[tilespmem:$0x1E200] =	vst v63  }
0x22e: {  	s13 =	simm.s32 $0x6000;
	s16 =	rddreg [dreg:$0x12]  }
0x22f: {  	[tilespmem:s13], [sflag:$0x1] =	stream.linear.gather [hbm4b:s16+s24], $0x2000, $0x38;
	[tilespmem:$0x1E200] =	vst v63  }
0x230: {  	_ =	swait.ge [sflag:s4], $0x2000  }
0x231: {  	[sflag:s4] =	ssyncset.done $0x0  }
0x232: {  	[sflag:s4] =	ssyncadd.s32 $0xFFFFE000  }
0x233: {  	_ =	swait.ge [sflag:s4], $0x2000  }
0x234: {  	[sflag:s4] =	ssyncset.done $0x0  }
0x235: {  	[sflag:s4] =	ssyncadd.s32 $0xFFFFE000  }
0x236: {  	_ =	swait.ge [sflag:s4], $0x2000  }
0x237: {  	[sflag:s4] =	ssyncset.done $0x0  }
0x238: {  	[sflag:s4] =	ssyncadd.s32 $0xFFFFE000  }
0x239: {  	v3 =	vld [tilespmem:s15+$0x0]  }
0x23a: {  	v4 =	vld [tilespmem:s18+$0x0];
	_ =	sdelay $0x1  }
0x23b: {  	v5 =	vld [tilespmem:s13+$0x0];
	_ =	sdelay $0x2  }
0x23c: {  	v3 =	vshll.u32 v3, $0xD;
	v4 =	vshll.u32 v4, $0x6  }
0x23d: {  	s18 =	simm.s32 $0x100000;
	v3 =	vadd.s32 v3, v4  }
0x23e: {  	vm15 =	vlt.u32 v5, $0x40;
	v4 =	vor.u32 s18, v2;
	v3 =	vadd.s32 v5, v3  }
0x23f: {  	s14 =	simm.s32 $0x8000;
	v3 =	vsel vm15, v3, v4  }
0x240: {  	s16 =	simm.s32 $0x2010;
	[tilespmem:s14+$0x0] =	vst v3  }
0x241: {  	s17 =	simm.s32 $0x4010;
	v3 =	vld [tilespmem:s16+$0x0]  }
0x242: {  	s15 =	simm.s32 $0x100010;
	s18 =	simm.s32 $0x100020;
	v4 =	vld [tilespmem:s17+$0x0]  }
.LBB2_22:
0x243: {  	p0 =	sne.s32 s18, $0x101FF0;
	s13 =	sadd.s32 $0x10, s13  }
0x244: {  	v5 =	vld [tilespmem:s13+$0x0];
	_ =	sdelay $0x2  }
0x245: {  	v3 =	vshll.u32 v3, $0xD;
	v4 =	vshll.u32 v4, $0x6  }
0x246: {  	v3 =	vadd.s32 v3, v4  }
.Ltmp10:
0x247: {  	v4 =	vor.u32 s15, v2;
	s15 =	smov.u32 s18;
	vm0 =	vlt.u32 v5, $0x40;
	v3 =	vadd.s32 v5, v3;
	(pc) =	sbr.rel @p0 .LBB2_22-.Ltmp10, $4  }
0x248: {  	s14 =	sadd.s32 $0x10, s14;
	v3 =	vsel vm0, v3, v4  }
0x249: {  	s16 =	sadd.s32 $0x10, s16;
	[tilespmem:s14+$0x0] =	vst v3  }
0x24a: {  	s17 =	sadd.s32 $0x10, s17;
	v3 =	vld [tilespmem:s16+$0x0]  }
0x24b: {  	s18 =	sadd.s32 $0x10, s18;
	v4 =	vld [tilespmem:s17+$0x0]  }
0x24c: {  	s13 =	sadd.s32 $0x10, s13  }
0x24d: {  	v5 =	vld [tilespmem:s13+$0x0];
	_ =	sdelay $0x2  }
0x24e: {  	v3 =	vshll.u32 v3, $0xD;
	v4 =	vshll.u32 v4, $0x6  }
0x24f: {  	v3 =	vadd.s32 v3, v4  }
0x250: {  	v4 =	vor.u32 s15, v2;
	vm0 =	vlt.u32 v5, $0x40;
	v3 =	vadd.s32 v5, v3  }
0x251: {  	s14 =	sadd.s32 $0x10, s14;
	v3 =	vsel vm0, v3, v4  }
0x252: {  	s15 =	simm.s32 $0x2000;
	[tilespmem:s14+$0x0] =	vst v3  }
0x253: {  	[spmem:s30] =	stream.indirect.scatter.add.f32 [tilespmem:s6], [sflag:$0x2], $0x1, s5, s15, $0xb8;
	[tilespmem:$0x1E200] =	vst v63  }
0x254: {  	s17 =	rddreg [dreg:$0xf]  }
0x255: {  	[tilespmem:s15], [sflag:$0x1] =	stream.linear.gather [hbm4b:s17+s24], $0x2000, $0x38;
	[tilespmem:$0x1E200] =	vst v63  }
0x256: {  	s18 =	simm.s32 $0x4000;
	s17 =	rddreg [dreg:$0x10]  }
0x257: {  	[tilespmem:s18], [sflag:$0x1] =	stream.linear.gather [hbm4b:s17+s24], $0x2000, $0x38;
	[tilespmem:$0x1E200] =	vst v63  }
0x258: {  	s16 =	rddreg [dreg:$0x11];
	s13 =	simm.s32 $0x6000  }
0x259: {  	[tilespmem:s13], [sflag:$0x1] =	stream.linear.gather [hbm4b:s16+s24], $0x2000, $0x38;
	[tilespmem:$0x1E200] =	vst v63  }
0x25a: {  	_ =	swait.ge [sflag:s4], $0x2000  }
0x25b: {  	[sflag:s4] =	ssyncset.done $0x0  }
0x25c: {  	[sflag:s4] =	ssyncadd.s32 $0xFFFFE000  }
0x25d: {  	_ =	swait.ge [sflag:s4], $0x2000  }
0x25e: {  	[sflag:s4] =	ssyncset.done $0x0  }
0x25f: {  	[sflag:s4] =	ssyncadd.s32 $0xFFFFE000  }
0x260: {  	_ =	swait.ge [sflag:s4], $0x2000  }
0x261: {  	[sflag:s4] =	ssyncset.done $0x0  }
0x262: {  	[sflag:s4] =	ssyncadd.s32 $0xFFFFE000  }
0x263: {  	v3 =	vld [tilespmem:s15+$0x0]  }
0x264: {  	v4 =	vld [tilespmem:s18+$0x0];
	_ =	sdelay $0x1  }
0x265: {  	v5 =	vld [tilespmem:s13+$0x0];
	_ =	sdelay $0x2  }
0x266: {  	v3 =	vshll.u32 v3, $0xD;
	v4 =	vshll.u32 v4, $0x6  }
0x267: {  	s18 =	simm.s32 $0x100000;
	v3 =	vadd.s32 v3, v4  }
0x268: {  	vm15 =	vlt.u32 v5, $0x40;
	v4 =	vor.u32 s18, v2;
	v3 =	vadd.s32 v5, v3  }
0x269: {  	s14 =	simm.s32 $0xA000;
	v3 =	vsel vm15, v3, v4  }
0x26a: {  	s16 =	simm.s32 $0x2010;
	[tilespmem:s14+$0x0] =	vst v3  }
0x26b: {  	s17 =	simm.s32 $0x4010;
	v3 =	vld [tilespmem:s16+$0x0]  }
0x26c: {  	s15 =	simm.s32 $0x100010;
	s18 =	simm.s32 $0x100020;
	v4 =	vld [tilespmem:s17+$0x0]  }
.LBB2_24:
0x26d: {  	p0 =	sne.s32 s18, $0x101FF0;
	s13 =	sadd.s32 $0x10, s13  }
0x26e: {  	v5 =	vld [tilespmem:s13+$0x0];
	_ =	sdelay $0x2  }
0x26f: {  	v3 =	vshll.u32 v3, $0xD;
	v4 =	vshll.u32 v4, $0x6  }
0x270: {  	v3 =	vadd.s32 v3, v4  }
.Ltmp11:
0x271: {  	v4 =	vor.u32 s15, v2;
	s15 =	smov.u32 s18;
	vm0 =	vlt.u32 v5, $0x40;
	v3 =	vadd.s32 v5, v3;
	(pc) =	sbr.rel @p0 .LBB2_24-.Ltmp11, $4  }
0x272: {  	s14 =	sadd.s32 $0x10, s14;
	v3 =	vsel vm0, v3, v4  }
0x273: {  	s16 =	sadd.s32 $0x10, s16;
	[tilespmem:s14+$0x0] =	vst v3  }
0x274: {  	s17 =	sadd.s32 $0x10, s17;
	v3 =	vld [tilespmem:s16+$0x0]  }
0x275: {  	s18 =	sadd.s32 $0x10, s18;
	v4 =	vld [tilespmem:s17+$0x0]  }
0x276: {  	s13 =	sadd.s32 $0x10, s13  }
0x277: {  	v5 =	vld [tilespmem:s13+$0x0];
	_ =	sdelay $0x2  }
0x278: {  	v3 =	vshll.u32 v3, $0xD;
	v4 =	vshll.u32 v4, $0x6  }
0x279: {  	v3 =	vadd.s32 v3, v4  }
0x27a: {  	v4 =	vor.u32 s15, v2;
	vm0 =	vlt.u32 v5, $0x40;
	v3 =	vadd.s32 v5, v3  }
0x27b: {  	s17 =	sadd.s32 $0x10, s14;
	v3 =	vsel vm0, v3, v4  }
0x27c: {  	s18 =	simm.s32 $0x2000;
	[tilespmem:s17+$0x0] =	vst v3  }
0x27d: {  	[spmem:s30] =	stream.indirect.scatter.add.f32 [tilespmem:s6], [sflag:$0x2], $0x1, s7, s18, $0xb8;
	[tilespmem:$0x1E200] =	vst v63  }
0x27e: {  	s15 =	rddreg [dreg:$0x13]  }
0x27f: {  	[tilespmem:s18], [sflag:$0x1] =	stream.linear.gather [hbm4b:s15+s24], $0x2000, $0x38;
	[tilespmem:$0x1E200] =	vst v63  }
0x280: {  	s16 =	simm.s32 $0x4000;
	s17 =	rddreg [dreg:$0x14]  }
0x281: {  	[tilespmem:s16], [sflag:$0x1] =	stream.linear.gather [hbm4b:s17+s24], $0x2000, $0x38;
	[tilespmem:$0x1E200] =	vst v63  }
0x282: {  	s13 =	simm.s32 $0x6000  }
0x283: {  	[tilespmem:s13], [sflag:$0x1] =	stream.linear.gather [hbm4b:s21+s24], $0x2000, $0x38;
	[tilespmem:$0x1E200] =	vst v63  }
0x284: {  	_ =	swait.ge [sflag:s8], $0x2000  }
0x285: {  	[sflag:s8] =	ssyncset.done $0x0  }
0x286: {  	[sflag:s8] =	ssyncadd.s32 $0xFFFFE000  }
0x287: {  	_ =	swait.ge [sflag:s4], $0x2000  }
0x288: {  	[sflag:s4] =	ssyncset.done $0x0  }
0x289: {  	[sflag:s4] =	ssyncadd.s32 $0xFFFFE000  }
0x28a: {  	_ =	swait.ge [sflag:s4], $0x2000  }
0x28b: {  	[sflag:s4] =	ssyncset.done $0x0  }
0x28c: {  	[sflag:s4] =	ssyncadd.s32 $0xFFFFE000  }
0x28d: {  	_ =	swait.ge [sflag:s4], $0x2000  }
0x28e: {  	[sflag:s4] =	ssyncset.done $0x0  }
0x28f: {  	[sflag:s4] =	ssyncadd.s32 $0xFFFFE000  }
0x290: {  	v3 =	vld [tilespmem:s18+$0x0]  }
0x291: {  	v4 =	vld [tilespmem:s16+$0x0];
	_ =	sdelay $0x1  }
0x292: {  	v5 =	vld [tilespmem:s13+$0x0];
	_ =	sdelay $0x2  }
0x293: {  	v3 =	vshll.u32 v3, $0xD;
	v4 =	vshll.u32 v4, $0x6  }
0x294: {  	s18 =	simm.s32 $0x100000;
	v3 =	vadd.s32 v3, v4  }
0x295: {  	vm15 =	vlt.u32 v5, $0x40;
	v4 =	vor.u32 s18, v2;
	v3 =	vadd.s32 v5, v3  }
0x296: {  	s14 =	simm.s32 $0x8000;
	v3 =	vsel vm15, v3, v4  }
0x297: {  	s16 =	simm.s32 $0x2010;
	[tilespmem:s14+$0x0] =	vst v3  }
0x298: {  	s17 =	simm.s32 $0x4010;
	v3 =	vld [tilespmem:s16+$0x0]  }
0x299: {  	s15 =	simm.s32 $0x100010;
	s18 =	simm.s32 $0x100020;
	v4 =	vld [tilespmem:s17+$0x0]  }
.LBB2_26:
0x29a: {  	p0 =	sne.s32 s18, $0x101FF0;
	s13 =	sadd.s32 $0x10, s13  }
0x29b: {  	v5 =	vld [tilespmem:s13+$0x0];
	_ =	sdelay $0x2  }
0x29c: {  	v3 =	vshll.u32 v3, $0xD;
	v4 =	vshll.u32 v4, $0x6  }
0x29d: {  	v3 =	vadd.s32 v3, v4  }
.Ltmp12:
0x29e: {  	v4 =	vor.u32 s15, v2;
	s15 =	smov.u32 s18;
	vm0 =	vlt.u32 v5, $0x40;
	v3 =	vadd.s32 v5, v3;
	(pc) =	sbr.rel @p0 .LBB2_26-.Ltmp12, $4  }
0x29f: {  	s14 =	sadd.s32 $0x10, s14;
	v3 =	vsel vm0, v3, v4  }
0x2a0: {  	s16 =	sadd.s32 $0x10, s16;
	[tilespmem:s14+$0x0] =	vst v3  }
0x2a1: {  	s17 =	sadd.s32 $0x10, s17;
	v3 =	vld [tilespmem:s16+$0x0]  }
0x2a2: {  	s18 =	sadd.s32 $0x10, s18;
	v4 =	vld [tilespmem:s17+$0x0]  }
0x2a3: {  	s13 =	sadd.s32 $0x10, s13  }
0x2a4: {  	v5 =	vld [tilespmem:s13+$0x0];
	_ =	sdelay $0x2  }
0x2a5: {  	v3 =	vshll.u32 v3, $0xD;
	v4 =	vshll.u32 v4, $0x6  }
0x2a6: {  	v3 =	vadd.s32 v3, v4  }
0x2a7: {  	v4 =	vor.u32 s15, v2;
	vm0 =	vlt.u32 v5, $0x40;
	v3 =	vadd.s32 v5, v3  }
0x2a8: {  	s15 =	sadd.s32 $0x10, s14;
	v3 =	vsel vm0, v3, v4  }
0x2a9: {  	s16 =	simm.s32 $0x2000;
	[tilespmem:s15+$0x0] =	vst v3  }
0x2aa: {  	[spmem:s30] =	stream.indirect.scatter.add.f32 [tilespmem:s6], [sflag:$0x2], $0x1, s5, s16, $0xb8;
	[tilespmem:$0x1E200] =	vst v63  }
0x2ab: {  	_ = 	snop  }
0x2ac: {  	[tilespmem:s16], [sflag:$0x1] =	stream.linear.gather [hbm4b:s22+s24], $0x2000, $0x38;
	[tilespmem:$0x1E200] =	vst v63  }
0x2ad: {  	s17 =	simm.s32 $0x4000  }
0x2ae: {  	[tilespmem:s17], [sflag:$0x1] =	stream.linear.gather [hbm4b:s23+s24], $0x2000, $0x38;
	[tilespmem:$0x1E200] =	vst v63  }
0x2af: {  	s13 =	simm.s32 $0x6000  }
0x2b0: {  	[tilespmem:s13], [sflag:$0x1] =	stream.linear.gather [hbm4b:s25+s24], $0x2000, $0x38;
	[tilespmem:$0x1E200] =	vst v63  }
0x2b1: {  	_ =	swait.ge [sflag:s8], $0x2000  }
0x2b2: {  	[sflag:s8] =	ssyncset.done $0x0  }
0x2b3: {  	[sflag:s8] =	ssyncadd.s32 $0xFFFFE000  }
0x2b4: {  	_ =	swait.ge [sflag:s4], $0x2000  }
0x2b5: {  	[sflag:s4] =	ssyncset.done $0x0  }
0x2b6: {  	[sflag:s4] =	ssyncadd.s32 $0xFFFFE000  }
0x2b7: {  	_ =	swait.ge [sflag:s4], $0x2000  }
0x2b8: {  	[sflag:s4] =	ssyncset.done $0x0  }
0x2b9: {  	[sflag:s4] =	ssyncadd.s32 $0xFFFFE000  }
0x2ba: {  	_ =	swait.ge [sflag:s4], $0x2000  }
0x2bb: {  	[sflag:s4] =	ssyncset.done $0x0  }
0x2bc: {  	[sflag:s4] =	ssyncadd.s32 $0xFFFFE000  }
0x2bd: {  	v3 =	vld [tilespmem:s16+$0x0]  }
0x2be: {  	v4 =	vld [tilespmem:s17+$0x0];
	_ =	sdelay $0x1  }
0x2bf: {  	v5 =	vld [tilespmem:s13+$0x0];
	_ =	sdelay $0x2  }
0x2c0: {  	v3 =	vshll.u32 v3, $0xD;
	v4 =	vshll.u32 v4, $0x6  }
0x2c1: {  	s18 =	simm.s32 $0x100000;
	v3 =	vadd.s32 v3, v4  }
0x2c2: {  	vm15 =	vlt.u32 v5, $0x40;
	v4 =	vor.u32 s18, v2;
	v3 =	vadd.s32 v5, v3  }
0x2c3: {  	s14 =	simm.s32 $0xA000;
	v3 =	vsel vm15, v3, v4  }
0x2c4: {  	s16 =	simm.s32 $0x2010;
	[tilespmem:s14+$0x0] =	vst v3  }
0x2c5: {  	s17 =	simm.s32 $0x4010;
	v3 =	vld [tilespmem:s16+$0x0]  }
0x2c6: {  	s15 =	simm.s32 $0x100010;
	s18 =	simm.s32 $0x100020;
	v4 =	vld [tilespmem:s17+$0x0]  }
.LBB2_28:
0x2c7: {  	p0 =	sne.s32 s18, $0x101FF0;
	s13 =	sadd.s32 $0x10, s13  }
0x2c8: {  	v5 =	vld [tilespmem:s13+$0x0];
	_ =	sdelay $0x2  }
0x2c9: {  	v3 =	vshll.u32 v3, $0xD;
	v4 =	vshll.u32 v4, $0x6  }
0x2ca: {  	v3 =	vadd.s32 v3, v4  }
.Ltmp13:
0x2cb: {  	v4 =	vor.u32 s15, v2;
	s15 =	smov.u32 s18;
	vm0 =	vlt.u32 v5, $0x40;
	v3 =	vadd.s32 v5, v3;
	(pc) =	sbr.rel @p0 .LBB2_28-.Ltmp13, $4  }
0x2cc: {  	s14 =	sadd.s32 $0x10, s14;
	v3 =	vsel vm0, v3, v4  }
0x2cd: {  	s16 =	sadd.s32 $0x10, s16;
	[tilespmem:s14+$0x0] =	vst v3  }
0x2ce: {  	s17 =	sadd.s32 $0x10, s17;
	v3 =	vld [tilespmem:s16+$0x0]  }
0x2cf: {  	s18 =	sadd.s32 $0x10, s18;
	v4 =	vld [tilespmem:s17+$0x0]  }
0x2d0: {  	s13 =	sadd.s32 $0x10, s13  }
0x2d1: {  	v5 =	vld [tilespmem:s13+$0x0];
	_ =	sdelay $0x2  }
0x2d2: {  	v3 =	vshll.u32 v3, $0xD;
	v4 =	vshll.u32 v4, $0x6  }
0x2d3: {  	v3 =	vadd.s32 v3, v4  }
0x2d4: {  	v4 =	vor.u32 s15, v2;
	vm0 =	vlt.u32 v5, $0x40;
	v3 =	vadd.s32 v5, v3  }
0x2d5: {  	s14 =	sadd.s32 $0x10, s14;
	v3 =	vsel vm0, v3, v4  }
0x2d6: {  	s15 =	simm.s32 $0x2000;
	[tilespmem:s14+$0x0] =	vst v3  }
0x2d7: {  	[spmem:s30] =	stream.indirect.scatter.add.f32 [tilespmem:s6], [sflag:$0x2], $0x1, s7, s15, $0xb8;
	[tilespmem:$0x1E200] =	vst v63  }
0x2d8: {  	_ =	swait.ge [sflag:s8], $0x2000  }
0x2d9: {  	[sflag:s8] =	ssyncset.done $0x0  }
0x2da: {  	[sflag:s8] =	ssyncadd.s32 $0xFFFFE000  }
0x2db: {  	_ =	swait.ge [sflag:s8], $0x2000  }
0x2dc: {  	[sflag:s8] =	ssyncset.done $0x0  }
0x2dd: {  	[sflag:s8] =	ssyncadd.s32 $0xFFFFE000  }
0x2de: {  	[bflag:$0x0] =	sbarrier.arrive $0xFFFF  }
0x2df: {  	s16 =	rddreg [dreg:$0x17]  }
0x2e0: {  	[hbm:s16], [sflag:s11] =	dma.local [spmem:s12], $0x2000  }
0x2e1: {  	_ =	swait.ge [sflag:s9], $0x2000  }
0x2e2: {  	[sflag:s9] =	ssyncset.done $0x0  }
0x2e3: {  	[sflag:s9] =	ssyncadd.s32 $0xFFFFE000  }
0x2e4: {  	[bflag:$0x0] =	sbarrier.arrive $0xFFFF  }
0x2e5: {  	[spmem:s0] =	stream.linear.scatter [tilespmem:s24], [sflag:$0x1], $0x2000, $0x38;
	[tilespmem:$0x1E200] =	vst v63  }
0x2e6: {  	_ = 	snop  }
0x2e7: {  	[spmem:s29] =	stream.linear.scatter [tilespmem:s24], [sflag:$0x1], $0x2000, $0x38;
	[tilespmem:$0x1E200] =	vst v63  }
0x2e8: {  	_ = 	snop  }
0x2e9: {  	[spmem:s31] =	stream.linear.scatter [tilespmem:s24], [sflag:$0x1], $0x2000, $0x38;
	[tilespmem:$0x1E200] =	vst v63  }
0x2ea: {  	_ = 	snop  }
0x2eb: {  	[spmem:s26] =	stream.linear.scatter [tilespmem:s24], [sflag:$0x1], $0x2000, $0x38;
	[tilespmem:$0x1E200] =	vst v63  }
0x2ec: {  	_ = 	snop  }
0x2ed: {  	[spmem:s28] =	stream.linear.scatter [tilespmem:s24], [sflag:$0x1], $0x2000, $0x38;
	[tilespmem:$0x1E200] =	vst v63  }
0x2ee: {  	_ = 	snop  }
0x2ef: {  	[spmem:s1] =	stream.linear.scatter [tilespmem:s24], [sflag:$0x1], $0x2000, $0x38;
	[tilespmem:$0x1E200] =	vst v63  }
0x2f0: {  	_ = 	snop  }
0x2f1: {  	[spmem:s2] =	stream.linear.scatter [tilespmem:s24], [sflag:$0x1], $0x2000, $0x38;
	[tilespmem:$0x1E200] =	vst v63  }
0x2f2: {  	_ = 	snop  }
0x2f3: {  	[spmem:s3] =	stream.linear.scatter [tilespmem:s24], [sflag:$0x1], $0x2000, $0x38;
	[tilespmem:$0x1E200] =	vst v63  }
0x2f4: {  	_ =	swait.ge [sflag:s4], $0x2000  }
0x2f5: {  	[sflag:s4] =	ssyncset.done $0x0  }
0x2f6: {  	[sflag:s4] =	ssyncadd.s32 $0xFFFFE000  }
0x2f7: {  	_ =	swait.ge [sflag:s4], $0x2000  }
0x2f8: {  	[sflag:s4] =	ssyncset.done $0x0  }
0x2f9: {  	[sflag:s4] =	ssyncadd.s32 $0xFFFFE000  }
0x2fa: {  	_ =	swait.ge [sflag:s4], $0x2000  }
0x2fb: {  	[sflag:s4] =	ssyncset.done $0x0  }
0x2fc: {  	[sflag:s4] =	ssyncadd.s32 $0xFFFFE000  }
0x2fd: {  	_ =	swait.ge [sflag:s4], $0x2000  }
0x2fe: {  	[sflag:s4] =	ssyncset.done $0x0  }
0x2ff: {  	[sflag:s4] =	ssyncadd.s32 $0xFFFFE000  }
0x300: {  	_ =	swait.ge [sflag:s4], $0x2000  }
0x301: {  	[sflag:s4] =	ssyncset.done $0x0  }
0x302: {  	[sflag:s4] =	ssyncadd.s32 $0xFFFFE000  }
0x303: {  	_ =	swait.ge [sflag:s4], $0x2000  }
0x304: {  	[sflag:s4] =	ssyncset.done $0x0  }
0x305: {  	[sflag:s4] =	ssyncadd.s32 $0xFFFFE000  }
0x306: {  	_ =	swait.ge [sflag:s4], $0x2000  }
0x307: {  	[sflag:s4] =	ssyncset.done $0x0  }
0x308: {  	[sflag:s4] =	ssyncadd.s32 $0xFFFFE000  }
0x309: {  	_ =	swait.ge [sflag:s4], $0x2000  }
0x30a: {  	[sflag:s4] =	ssyncset.done $0x0  }
0x30b: {  	[sflag:s4] =	ssyncadd.s32 $0xFFFFE000  }
0x30c: {  	[bflag:$0x0] =	sbarrier.arrive $0xFFFF  }
0x30d: {  	s17 =	rddreg [dreg:$0xd]  }
0x30e: {  	[tilespmem:s15], [sflag:$0x1] =	stream.linear.gather [hbm4b:s17+s24], $0x2000, $0x38;
	[tilespmem:$0x1E200] =	vst v63  }
0x30f: {  	s18 =	simm.s32 $0x4000;
	s17 =	rddreg [dreg:$0xe]  }
0x310: {  	[tilespmem:s18], [sflag:$0x1] =	stream.linear.gather [hbm4b:s17+s24], $0x2000, $0x38;
	[tilespmem:$0x1E200] =	vst v63  }
0x311: {  	s13 =	simm.s32 $0x6000;
	s16 =	rddreg [dreg:$0x12]  }
0x312: {  	[tilespmem:s13], [sflag:$0x1] =	stream.linear.gather [hbm4b:s16+s24], $0x2000, $0x38;
	[tilespmem:$0x1E200] =	vst v63  }
0x313: {  	_ =	swait.ge [sflag:s4], $0x2000  }
0x314: {  	[sflag:s4] =	ssyncset.done $0x0  }
0x315: {  	[sflag:s4] =	ssyncadd.s32 $0xFFFFE000  }
0x316: {  	_ =	swait.ge [sflag:s4], $0x2000  }
0x317: {  	[sflag:s4] =	ssyncset.done $0x0  }
0x318: {  	[sflag:s4] =	ssyncadd.s32 $0xFFFFE000  }
0x319: {  	_ =	swait.ge [sflag:s4], $0x2000  }
0x31a: {  	[sflag:s4] =	ssyncset.done $0x0  }
0x31b: {  	[sflag:s4] =	ssyncadd.s32 $0xFFFFE000  }
0x31c: {  	v3 =	vld [tilespmem:s15+$0x0]  }
0x31d: {  	v4 =	vld [tilespmem:s18+$0x0];
	_ =	sdelay $0x1  }
0x31e: {  	v5 =	vld [tilespmem:s13+$0x0];
	_ =	sdelay $0x2  }
0x31f: {  	v3 =	vshll.u32 v3, $0xD;
	v4 =	vshll.u32 v4, $0x6  }
0x320: {  	v3 =	vadd.s32 v4, v3  }
0x321: {  	s18 =	simm.s32 $0x100000;
	v4 =	vand.u32 $0xFFFFFFC0, v5;
	v3 =	vadd.s32 v5, v3  }
0x322: {  	vm15 =	veq.s32 v4, $0x40;
	v4 =	vor.u32 s18, v2;
	v3 =	vadd.s32 $0xFFFFFFC0, v3  }
0x323: {  	s14 =	simm.s32 $0x8000;
	v3 =	vsel vm15, v3, v4  }
0x324: {  	s16 =	simm.s32 $0x2010;
	[tilespmem:s14+$0x0] =	vst v3  }
0x325: {  	s17 =	simm.s32 $0x4010;
	v3 =	vld [tilespmem:s16+$0x0]  }
0x326: {  	s15 =	simm.s32 $0x100010;
	s18 =	simm.s32 $0x100020;
	v4 =	vld [tilespmem:s17+$0x0]  }
.LBB2_30:
0x327: {  	p0 =	sne.s32 s18, $0x101FF0;
	s13 =	sadd.s32 $0x10, s13  }
0x328: {  	v5 =	vld [tilespmem:s13+$0x0];
	_ =	sdelay $0x2  }
0x329: {  	v3 =	vshll.u32 v3, $0xD;
	v4 =	vshll.u32 v4, $0x6  }
0x32a: {  	v3 =	vadd.s32 v4, v3  }
0x32b: {  	v4 =	vand.u32 $0xFFFFFFC0, v5;
	v3 =	vadd.s32 v5, v3  }
.Ltmp14:
0x32c: {  	vm0 =	veq.s32 v4, $0x40;
	v3 =	vadd.s32 $0xFFFFFFC0, v3;
	v4 =	vor.u32 s15, v2;
	s15 =	smov.u32 s18;
	(pc) =	sbr.rel @p0 .LBB2_30-.Ltmp14, $4  }
0x32d: {  	s14 =	sadd.s32 $0x10, s14;
	v3 =	vsel vm0, v3, v4  }
0x32e: {  	s16 =	sadd.s32 $0x10, s16;
	[tilespmem:s14+$0x0] =	vst v3  }
0x32f: {  	s17 =	sadd.s32 $0x10, s17;
	v3 =	vld [tilespmem:s16+$0x0]  }
0x330: {  	s18 =	sadd.s32 $0x10, s18;
	v4 =	vld [tilespmem:s17+$0x0]  }
0x331: {  	s13 =	sadd.s32 $0x10, s13  }
0x332: {  	v5 =	vld [tilespmem:s13+$0x0];
	_ =	sdelay $0x2  }
0x333: {  	v3 =	vshll.u32 v3, $0xD;
	v4 =	vshll.u32 v4, $0x6  }
0x334: {  	v3 =	vadd.s32 v4, v3  }
0x335: {  	v4 =	vand.u32 $0xFFFFFFC0, v5;
	v3 =	vadd.s32 v5, v3  }
0x336: {  	vm0 =	veq.s32 v4, $0x40;
	v3 =	vadd.s32 $0xFFFFFFC0, v3;
	v4 =	vor.u32 s15, v2  }
0x337: {  	s14 =	sadd.s32 $0x10, s14;
	v3 =	vsel vm0, v3, v4  }
0x338: {  	s15 =	simm.s32 $0x2000;
	[tilespmem:s14+$0x0] =	vst v3  }
0x339: {  	[spmem:s30] =	stream.indirect.scatter.add.f32 [tilespmem:s6], [sflag:$0x2], $0x1, s5, s15, $0xb8;
	[tilespmem:$0x1E200] =	vst v63  }
0x33a: {  	s17 =	rddreg [dreg:$0xf]  }
0x33b: {  	[tilespmem:s15], [sflag:$0x1] =	stream.linear.gather [hbm4b:s17+s24], $0x2000, $0x38;
	[tilespmem:$0x1E200] =	vst v63  }
0x33c: {  	s18 =	simm.s32 $0x4000;
	s17 =	rddreg [dreg:$0x10]  }
0x33d: {  	[tilespmem:s18], [sflag:$0x1] =	stream.linear.gather [hbm4b:s17+s24], $0x2000, $0x38;
	[tilespmem:$0x1E200] =	vst v63  }
0x33e: {  	s16 =	rddreg [dreg:$0x11];
	s13 =	simm.s32 $0x6000  }
0x33f: {  	[tilespmem:s13], [sflag:$0x1] =	stream.linear.gather [hbm4b:s16+s24], $0x2000, $0x38;
	[tilespmem:$0x1E200] =	vst v63  }
0x340: {  	_ =	swait.ge [sflag:s4], $0x2000  }
0x341: {  	[sflag:s4] =	ssyncset.done $0x0  }
0x342: {  	[sflag:s4] =	ssyncadd.s32 $0xFFFFE000  }
0x343: {  	_ =	swait.ge [sflag:s4], $0x2000  }
0x344: {  	[sflag:s4] =	ssyncset.done $0x0  }
0x345: {  	[sflag:s4] =	ssyncadd.s32 $0xFFFFE000  }
0x346: {  	_ =	swait.ge [sflag:s4], $0x2000  }
0x347: {  	[sflag:s4] =	ssyncset.done $0x0  }
0x348: {  	[sflag:s4] =	ssyncadd.s32 $0xFFFFE000  }
0x349: {  	v3 =	vld [tilespmem:s15+$0x0]  }
0x34a: {  	v4 =	vld [tilespmem:s18+$0x0];
	_ =	sdelay $0x1  }
0x34b: {  	v5 =	vld [tilespmem:s13+$0x0];
	_ =	sdelay $0x2  }
0x34c: {  	v3 =	vshll.u32 v3, $0xD;
	v4 =	vshll.u32 v4, $0x6  }
0x34d: {  	v3 =	vadd.s32 v4, v3  }
0x34e: {  	s18 =	simm.s32 $0x100000;
	v4 =	vand.u32 $0xFFFFFFC0, v5;
	v3 =	vadd.s32 v5, v3  }
0x34f: {  	vm15 =	veq.s32 v4, $0x40;
	v4 =	vor.u32 s18, v2;
	v3 =	vadd.s32 $0xFFFFFFC0, v3  }
0x350: {  	s14 =	simm.s32 $0xA000;
	v3 =	vsel vm15, v3, v4  }
0x351: {  	s16 =	simm.s32 $0x2010;
	[tilespmem:s14+$0x0] =	vst v3  }
0x352: {  	s17 =	simm.s32 $0x4010;
	v3 =	vld [tilespmem:s16+$0x0]  }
0x353: {  	s15 =	simm.s32 $0x100010;
	s18 =	simm.s32 $0x100020;
	v4 =	vld [tilespmem:s17+$0x0]  }
.LBB2_32:
0x354: {  	p0 =	sne.s32 s18, $0x101FF0;
	s13 =	sadd.s32 $0x10, s13  }
0x355: {  	v5 =	vld [tilespmem:s13+$0x0];
	_ =	sdelay $0x2  }
0x356: {  	v3 =	vshll.u32 v3, $0xD;
	v4 =	vshll.u32 v4, $0x6  }
0x357: {  	v3 =	vadd.s32 v4, v3  }
0x358: {  	v4 =	vand.u32 $0xFFFFFFC0, v5;
	v3 =	vadd.s32 v5, v3  }
.Ltmp15:
0x359: {  	vm0 =	veq.s32 v4, $0x40;
	v3 =	vadd.s32 $0xFFFFFFC0, v3;
	v4 =	vor.u32 s15, v2;
	s15 =	smov.u32 s18;
	(pc) =	sbr.rel @p0 .LBB2_32-.Ltmp15, $4  }
0x35a: {  	s14 =	sadd.s32 $0x10, s14;
	v3 =	vsel vm0, v3, v4  }
0x35b: {  	s16 =	sadd.s32 $0x10, s16;
	[tilespmem:s14+$0x0] =	vst v3  }
0x35c: {  	s17 =	sadd.s32 $0x10, s17;
	v3 =	vld [tilespmem:s16+$0x0]  }
0x35d: {  	s18 =	sadd.s32 $0x10, s18;
	v4 =	vld [tilespmem:s17+$0x0]  }
0x35e: {  	s13 =	sadd.s32 $0x10, s13  }
0x35f: {  	v5 =	vld [tilespmem:s13+$0x0];
	_ =	sdelay $0x2  }
0x360: {  	v3 =	vshll.u32 v3, $0xD;
	v4 =	vshll.u32 v4, $0x6  }
0x361: {  	v3 =	vadd.s32 v4, v3  }
0x362: {  	v4 =	vand.u32 $0xFFFFFFC0, v5;
	v3 =	vadd.s32 v5, v3  }
0x363: {  	vm0 =	veq.s32 v4, $0x40;
	v3 =	vadd.s32 $0xFFFFFFC0, v3;
	v4 =	vor.u32 s15, v2  }
0x364: {  	s17 =	sadd.s32 $0x10, s14;
	v3 =	vsel vm0, v3, v4  }
0x365: {  	s18 =	simm.s32 $0x2000;
	[tilespmem:s17+$0x0] =	vst v3  }
0x366: {  	[spmem:s30] =	stream.indirect.scatter.add.f32 [tilespmem:s6], [sflag:$0x2], $0x1, s7, s18, $0xb8;
	[tilespmem:$0x1E200] =	vst v63  }
0x367: {  	s15 =	rddreg [dreg:$0x13]  }
0x368: {  	[tilespmem:s18], [sflag:$0x1] =	stream.linear.gather [hbm4b:s15+s24], $0x2000, $0x38;
	[tilespmem:$0x1E200] =	vst v63  }
0x369: {  	s16 =	simm.s32 $0x4000;
	s17 =	rddreg [dreg:$0x14]  }
0x36a: {  	[tilespmem:s16], [sflag:$0x1] =	stream.linear.gather [hbm4b:s17+s24], $0x2000, $0x38;
	[tilespmem:$0x1E200] =	vst v63  }
0x36b: {  	s13 =	simm.s32 $0x6000  }
0x36c: {  	[tilespmem:s13], [sflag:$0x1] =	stream.linear.gather [hbm4b:s21+s24], $0x2000, $0x38;
	[tilespmem:$0x1E200] =	vst v63  }
0x36d: {  	_ =	swait.ge [sflag:s8], $0x2000  }
0x36e: {  	[sflag:s8] =	ssyncset.done $0x0  }
0x36f: {  	[sflag:s8] =	ssyncadd.s32 $0xFFFFE000  }
0x370: {  	_ =	swait.ge [sflag:s4], $0x2000  }
0x371: {  	[sflag:s4] =	ssyncset.done $0x0  }
0x372: {  	[sflag:s4] =	ssyncadd.s32 $0xFFFFE000  }
0x373: {  	_ =	swait.ge [sflag:s4], $0x2000  }
0x374: {  	[sflag:s4] =	ssyncset.done $0x0  }
0x375: {  	[sflag:s4] =	ssyncadd.s32 $0xFFFFE000  }
0x376: {  	_ =	swait.ge [sflag:s4], $0x2000  }
0x377: {  	[sflag:s4] =	ssyncset.done $0x0  }
0x378: {  	[sflag:s4] =	ssyncadd.s32 $0xFFFFE000  }
0x379: {  	v3 =	vld [tilespmem:s18+$0x0]  }
0x37a: {  	v4 =	vld [tilespmem:s16+$0x0];
	_ =	sdelay $0x1  }
0x37b: {  	v5 =	vld [tilespmem:s13+$0x0];
	_ =	sdelay $0x2  }
0x37c: {  	v3 =	vshll.u32 v3, $0xD;
	v4 =	vshll.u32 v4, $0x6  }
0x37d: {  	v3 =	vadd.s32 v4, v3  }
0x37e: {  	s18 =	simm.s32 $0x100000;
	v4 =	vand.u32 $0xFFFFFFC0, v5;
	v3 =	vadd.s32 v5, v3  }
0x37f: {  	vm15 =	veq.s32 v4, $0x40;
	v4 =	vor.u32 s18, v2;
	v3 =	vadd.s32 $0xFFFFFFC0, v3  }
0x380: {  	s14 =	simm.s32 $0x8000;
	v3 =	vsel vm15, v3, v4  }
0x381: {  	s16 =	simm.s32 $0x2010;
	[tilespmem:s14+$0x0] =	vst v3  }
0x382: {  	s17 =	simm.s32 $0x4010;
	v3 =	vld [tilespmem:s16+$0x0]  }
0x383: {  	s15 =	simm.s32 $0x100010;
	s18 =	simm.s32 $0x100020;
	v4 =	vld [tilespmem:s17+$0x0]  }
.LBB2_34:
0x384: {  	p0 =	sne.s32 s18, $0x101FF0;
	s13 =	sadd.s32 $0x10, s13  }
0x385: {  	v5 =	vld [tilespmem:s13+$0x0];
	_ =	sdelay $0x2  }
0x386: {  	v3 =	vshll.u32 v3, $0xD;
	v4 =	vshll.u32 v4, $0x6  }
0x387: {  	v3 =	vadd.s32 v4, v3  }
0x388: {  	v4 =	vand.u32 $0xFFFFFFC0, v5;
	v3 =	vadd.s32 v5, v3  }
.Ltmp16:
0x389: {  	vm0 =	veq.s32 v4, $0x40;
	v3 =	vadd.s32 $0xFFFFFFC0, v3;
	v4 =	vor.u32 s15, v2;
	s15 =	smov.u32 s18;
	(pc) =	sbr.rel @p0 .LBB2_34-.Ltmp16, $4  }
0x38a: {  	s14 =	sadd.s32 $0x10, s14;
	v3 =	vsel vm0, v3, v4  }
0x38b: {  	s16 =	sadd.s32 $0x10, s16;
	[tilespmem:s14+$0x0] =	vst v3  }
0x38c: {  	s17 =	sadd.s32 $0x10, s17;
	v3 =	vld [tilespmem:s16+$0x0]  }
0x38d: {  	s18 =	sadd.s32 $0x10, s18;
	v4 =	vld [tilespmem:s17+$0x0]  }
0x38e: {  	s13 =	sadd.s32 $0x10, s13  }
0x38f: {  	v5 =	vld [tilespmem:s13+$0x0];
	_ =	sdelay $0x2  }
0x390: {  	v3 =	vshll.u32 v3, $0xD;
	v4 =	vshll.u32 v4, $0x6  }
0x391: {  	v3 =	vadd.s32 v4, v3  }
0x392: {  	v4 =	vand.u32 $0xFFFFFFC0, v5;
	v3 =	vadd.s32 v5, v3  }
0x393: {  	vm0 =	veq.s32 v4, $0x40;
	v3 =	vadd.s32 $0xFFFFFFC0, v3;
	v4 =	vor.u32 s15, v2  }
0x394: {  	s15 =	sadd.s32 $0x10, s14;
	v3 =	vsel vm0, v3, v4  }
0x395: {  	s16 =	simm.s32 $0x2000;
	[tilespmem:s15+$0x0] =	vst v3  }
0x396: {  	[spmem:s30] =	stream.indirect.scatter.add.f32 [tilespmem:s6], [sflag:$0x2], $0x1, s5, s16, $0xb8;
	[tilespmem:$0x1E200] =	vst v63  }
0x397: {  	_ = 	snop  }
0x398: {  	[tilespmem:s16], [sflag:$0x1] =	stream.linear.gather [hbm4b:s22+s24], $0x2000, $0x38;
	[tilespmem:$0x1E200] =	vst v63  }
0x399: {  	s17 =	simm.s32 $0x4000  }
0x39a: {  	[tilespmem:s17], [sflag:$0x1] =	stream.linear.gather [hbm4b:s23+s24], $0x2000, $0x38;
	[tilespmem:$0x1E200] =	vst v63  }
0x39b: {  	s13 =	simm.s32 $0x6000  }
0x39c: {  	[tilespmem:s13], [sflag:$0x1] =	stream.linear.gather [hbm4b:s25+s24], $0x2000, $0x38;
	[tilespmem:$0x1E200] =	vst v63  }
0x39d: {  	_ =	swait.ge [sflag:s8], $0x2000  }
0x39e: {  	[sflag:s8] =	ssyncset.done $0x0  }
0x39f: {  	[sflag:s8] =	ssyncadd.s32 $0xFFFFE000  }
0x3a0: {  	_ =	swait.ge [sflag:s4], $0x2000  }
0x3a1: {  	[sflag:s4] =	ssyncset.done $0x0  }
0x3a2: {  	[sflag:s4] =	ssyncadd.s32 $0xFFFFE000  }
0x3a3: {  	_ =	swait.ge [sflag:s4], $0x2000  }
0x3a4: {  	[sflag:s4] =	ssyncset.done $0x0  }
0x3a5: {  	[sflag:s4] =	ssyncadd.s32 $0xFFFFE000  }
0x3a6: {  	_ =	swait.ge [sflag:s4], $0x2000  }
0x3a7: {  	[sflag:s4] =	ssyncset.done $0x0  }
0x3a8: {  	[sflag:s4] =	ssyncadd.s32 $0xFFFFE000  }
0x3a9: {  	v3 =	vld [tilespmem:s16+$0x0]  }
0x3aa: {  	v4 =	vld [tilespmem:s17+$0x0];
	_ =	sdelay $0x1  }
0x3ab: {  	v5 =	vld [tilespmem:s13+$0x0];
	_ =	sdelay $0x2  }
0x3ac: {  	v3 =	vshll.u32 v3, $0xD;
	v4 =	vshll.u32 v4, $0x6  }
0x3ad: {  	v3 =	vadd.s32 v4, v3  }
0x3ae: {  	s18 =	simm.s32 $0x100000;
	v4 =	vand.u32 $0xFFFFFFC0, v5;
	v3 =	vadd.s32 v5, v3  }
0x3af: {  	vm15 =	veq.s32 v4, $0x40;
	v4 =	vor.u32 s18, v2;
	v3 =	vadd.s32 $0xFFFFFFC0, v3  }
0x3b0: {  	s14 =	simm.s32 $0xA000;
	v3 =	vsel vm15, v3, v4  }
0x3b1: {  	s16 =	simm.s32 $0x2010;
	[tilespmem:s14+$0x0] =	vst v3  }
0x3b2: {  	s17 =	simm.s32 $0x4010;
	v3 =	vld [tilespmem:s16+$0x0]  }
0x3b3: {  	s15 =	simm.s32 $0x100010;
	s18 =	simm.s32 $0x100020;
	v4 =	vld [tilespmem:s17+$0x0]  }
.LBB2_36:
0x3b4: {  	p0 =	sne.s32 s18, $0x101FF0;
	s13 =	sadd.s32 $0x10, s13  }
0x3b5: {  	v5 =	vld [tilespmem:s13+$0x0];
	_ =	sdelay $0x2  }
0x3b6: {  	v3 =	vshll.u32 v3, $0xD;
	v4 =	vshll.u32 v4, $0x6  }
0x3b7: {  	v3 =	vadd.s32 v4, v3  }
0x3b8: {  	v4 =	vand.u32 $0xFFFFFFC0, v5;
	v3 =	vadd.s32 v5, v3  }
.Ltmp17:
0x3b9: {  	vm0 =	veq.s32 v4, $0x40;
	v3 =	vadd.s32 $0xFFFFFFC0, v3;
	v4 =	vor.u32 s15, v2;
	s15 =	smov.u32 s18;
	(pc) =	sbr.rel @p0 .LBB2_36-.Ltmp17, $4  }
0x3ba: {  	s14 =	sadd.s32 $0x10, s14;
	v3 =	vsel vm0, v3, v4  }
0x3bb: {  	s16 =	sadd.s32 $0x10, s16;
	[tilespmem:s14+$0x0] =	vst v3  }
0x3bc: {  	s17 =	sadd.s32 $0x10, s17;
	v3 =	vld [tilespmem:s16+$0x0]  }
0x3bd: {  	s18 =	sadd.s32 $0x10, s18;
	v4 =	vld [tilespmem:s17+$0x0]  }
0x3be: {  	s13 =	sadd.s32 $0x10, s13  }
0x3bf: {  	v5 =	vld [tilespmem:s13+$0x0];
	_ =	sdelay $0x2  }
0x3c0: {  	v3 =	vshll.u32 v3, $0xD;
	v4 =	vshll.u32 v4, $0x6  }
0x3c1: {  	v3 =	vadd.s32 v4, v3  }
0x3c2: {  	v62 =	vand.u32 $0xFFFFFFC0, v5;
	v3 =	vadd.s32 v5, v3  }
0x3c3: {  	v63 =	vor.u32 s15, v2;
	vm0 =	veq.s32 v62, $0x40;
	v3 =	vadd.s32 $0xFFFFFFC0, v3  }
0x3c4: {  	s15 =	sadd.s32 $0x10, s14;
	v3 =	vsel vm0, v3, v63  }
0x3c5: {  	s16 =	simm.s32 $0x2000;
	[tilespmem:s15+$0x0] =	vst v3  }
0x3c6: {  	[spmem:s30] =	stream.indirect.scatter.add.f32 [tilespmem:s6], [sflag:$0x2], $0x1, s7, s16, $0xb8;
	[tilespmem:$0x1E200] =	vst v63  }
0x3c7: {  	_ =	swait.ge [sflag:s8], $0x2000  }
0x3c8: {  	[sflag:s8] =	ssyncset.done $0x0  }
0x3c9: {  	[sflag:s8] =	ssyncadd.s32 $0xFFFFE000  }
0x3ca: {  	_ =	swait.ge [sflag:s8], $0x2000  }
0x3cb: {  	[sflag:s8] =	ssyncset.done $0x0  }
0x3cc: {  	[sflag:s8] =	ssyncadd.s32 $0xFFFFE000  }
0x3cd: {  	[bflag:$0x0] =	sbarrier.arrive $0xFFFF  }
0x3ce: {  	s17 =	rddreg [dreg:$0x18]  }
0x3cf: {  	[hbm:s17], [sflag:s11] =	dma.local [spmem:s12], $0x2000  }
0x3d0: {  	_ =	swait.ge [sflag:s9], $0x2000  }
0x3d1: {  	s10 =	sadd.s32 $0x1, s10;
	s18 =	rddreg [dreg:$0x19]  }
0x3d2: {  	p0 =	sne.s32 s10, s18  }
.Ltmp18:
0x3d3: {  	_ = 	snop;
	(pc) =	sbr.rel @p0 .LBB2_1-.Ltmp18, $4  }
0x3d4: {  	[sflag:s9] =	ssyncset.done $0x0  }
0x3d5: {  	[sflag:s9] =	ssyncadd.s32 $0xFFFFE000  }
0x3d6: {  	[bflag:$0x0] =	sbarrier.arrive $0xFFFF  }
0x3d7: {  	s17 =	smov.u32 s19;
	s18 =	smov.u32 s20  }
0x3d8: {  	_ =	sfence.sel $0x180000  }
0x3d9: {  	[bflag:$0x0] =	sbarrier.arrive $0xFFFF  }
0x3da: {  	_ =	strace $0x90000047  }
0x3db: {  	s0 =	stileid.u32;
	[bflag:$0x2] =	sbarrier.arrive $0xFFFF  }
0x3dc: {  	p0 =	sne.s32 s0, $0x0;
	s0 =	rddreg [dreg:$0x2]  }
0x3dd: {  	s0 =	sadd.s32 @!p0 $0x100000, s0  }
0x3de: {  	[sflag:s0] =	ssyncadd.tile.s32 @!p0 $0x1;
	_ =	shalt  }
.Lfunc_end2:
_tile_overlayer_lowered:
.L_overlay_start_2:
0x3df: {  	(tag) =	ssettag $0x2  }
0x3e0: {  	s0 =	rddreg [dreg:$0x0];
	s2 =	stileid.u32  }
0x3e1: {  	s1 =	rddreg [dreg:$0x1];
	p0 =	sne.s32 s2, $0x0  }
0x3e2: {  	s3 =	rddreg [dreg:$0x2];
	[bflag:$0x3] =	sbarrier.arrive $0xFFFF;
	s2 =	simm.s32 @!p0 $0x1C03  }
0x3e3: {  	[timem:s3], [sflag:s2] =	dma.local @!p0 [hbm:s0], s1  }
0x3e4: {  	s0 =	simm.s32 @!p0 $0x3  }
0x3e5: {  	_ =	swait.ge @!p0 [sflag:s0], s1  }
0x3e6: {  	s1 =	ssub.s32 @!p0 $0x0, s1;
	[sflag:s0] =	ssyncset.done @!p0 $0x0  }
0x3e7: {  	[sflag:s0] =	ssyncadd.s32 @!p0 s1  }
0x3e8: {  	[bflag:$0x3] =	sbarrier.arrive $0xFFFF  }
0x3e9: {  	_ =	shalt  }

// kernel: kernel.9.cloned.1.call-start
scs
__scs_entry_jumppad:
0x0: {  	(pc) =	sbr.rel $0x88, $3  }
0x1: {  	(tag) =	ssettag $0x0;
	lr =	simm.s32 $0x1  }
0x2: {  	[smem:$0x3F9D] =	sst lr;
	_ =	strace $0xD0000000  }
0x3: {  	_ = 	snop  }
0x4: {  	_ = 	snop  }
0x5: {  	_ = 	snop  }
0x6: {  	_ = 	snop  }
0x7: {  	_ = 	snop  }
__scs_overlays_trampoline_lowered:
0x8: {  	[smem:$0x3FAC] =	sst s0  }
0x9: {  	[smem:$0x3FAD] =	sst s1  }
0xa: {  	[smem:$0x3FAE] =	sst s2  }
0xb: {  	[smem:$0x3FAF] =	sst s3  }
0xc: {  	[smem:$0x3FB0] =	sst s4  }
0xd: {  	[smem:$0x3FB1] =	sst s5  }
0xe: {  	[smem:$0x3FB2] =	sst s6  }
0xf: {  	[smem:$0x3FB3] =	sst s7  }
0x10: {  	[smem:$0x3FB4] =	sst s8  }
0x11: {  	[smem:$0x3FB5] =	sst s9;
	s0 =	simm.s32 @!p0 $0x0  }
0x12: {  	s1 =	sld [smem:$0x3F9B];
	s0 =	simm.s32 @p0 $0x1  }
0x13: {  	[smem:$0x3FB6] =	sst s0;
	s0 =	simm.s32 @!p1 $0x0  }
0x14: {  	s2 =	sld [smem:$0x3F9A];
	s0 =	simm.s32 @p1 $0x1  }
0x15: {  	[smem:$0x3FB7] =	sst s0;
	s0 =	simm.s32 @!p2 $0x0  }
0x16: {  	s3 =	sld [smem:$0x3FDB];
	s0 =	simm.s32 @p2 $0x1  }
0x17: {  	s4 =	simm.s32 $0x1BF5;
	[smem:$0x3FB9] =	sst s0  }
0x18: {  	s0 =	sld [smem:$0x3F9C];
	_ =	swait.ge [sflag:s4], $0x0  }
0x19: {  	s7 =	sld [smem:$0x3F9D]  }
0x1a: {  	s8 =	sadd.s32 $0xFFFFE003, lr  }
0x1b: {  	s9 =	sadd.s32 $0xFFFFFEF7, lr;
	s5 =	simm.s32 $0xFFFFFFFF;
	p2 =	slt.u32 s8, $0xFFFFF086  }
0x1c: {  	p1 =	slt.u32 s9, $0xF7A;
	s5 =	simm.s32 @!p2 $0x0  }
0x1d: {  	s5 =	simm.s32 @p1 $0x1;
	p0 =	seq.s32 s7, s2  }
0x1e: {  	s7 =	smul.u32 @!p0 $0xF7A, s2;
	p2 =	seq.s32 @!p0 s5, $0x0  }
0x1f: {  	s9 =	smul.u32 $0xF7A, s1;
	s8 =	simm.s32 @!p0 $0x1BF5;
	p2 =	por !p2, p0  }
0x20: {  	[sflag:s8] =	ssyncset.s32 @!p0 $0xFFFFF086;
	s6 =	sadd.s32 @!p0 s3, s7;
	s7 =	simm.s32 @!p0 $0x108  }
0x21: {  	s3 =	sadd.s32 s3, s9;
	s6 =	sadd.s32 @!p0 $0x88, s6;
	s7 =	simm.s32 @p2 $0x1082  }
0x22: {  	[simem:s7], [sflag:s8] =	dma.local @!p0 [hbm:s6], $0xF7A  }
0x23: {  	s9 =	sor.u32 $0xD0000000, s2;
	s6 =	simm.s32 $0x108;
	_ =	swait.ge @!p0 [sflag:s8], $0x0  }
0x24: {  	s3 =	sadd.s32 $0x88, s3;
	s6 =	simm.s32 @!p1 $0x1082;
	[sflag:s4] =	ssyncset.s32 $0xFFFFF086  }
0x25: {  	[simem:s6], [sflag:s4] =	dma.local [hbm:s3], $0xF7A  }
0x26: {  	[smem:$0x3F9D] =	sst s1;
	(tag) =	ssettag s2;
	_ =	strace s9  }
0x27: {  	s1 =	sld [smem:$0x3FAD]  }
0x28: {  	s2 =	sld [smem:$0x3FAE]  }
0x29: {  	s4 =	sld [smem:$0x3FB0]  }
0x2a: {  	p0 =	seq.s32 s5, $0x0;
	s5 =	sld [smem:$0x3FB1]  }
0x2b: {  	s6 =	sld [smem:$0x3FB2]  }
0x2c: {  	s7 =	sld [smem:$0x3FB3]  }
0x2d: {  	s3 =	simm.s32 $0x108;
	s8 =	sld [smem:$0x3FB4]  }
0x2e: {  	s3 =	simm.s32 @!p0 $0x1082;
	s9 =	sld [smem:$0x3FB5]  }
0x2f: {  	lr =	sadd.s32 s0, s3;
	s0 =	sld [smem:$0x3FAC]  }
0x30: {  	s3 =	sld [smem:$0x3FAF]  }
0x31: {  	[smem:$0x3FB8] =	sst s10  }
0x32: {  	s10 =	sld [smem:$0x3FB6];
	_ =	sdelay $0x3  }
0x33: {  	p0 =	seq.s32 s10, $0x1;
	s10 =	sld [smem:$0x3FB8];
	_ =	sdelay $0x3  }
0x34: {  	[smem:$0x3FB8] =	sst s10  }
0x35: {  	s10 =	sld [smem:$0x3FB7];
	_ =	sdelay $0x3  }
0x36: {  	p1 =	seq.s32 s10, $0x1;
	s10 =	sld [smem:$0x3FB8];
	_ =	sdelay $0x3  }
0x37: {  	[smem:$0x3FB8] =	sst s10  }
0x38: {  	s10 =	sld [smem:$0x3FB9]  }
0x39: {  	_ = 	snop;
	(pc) =	sbr.ind lr, $3  }
0x3a: {  	_ = 	snop  }
0x3b: {  	_ = 	snop  }
0x3c: {  	p2 =	seq.s32 s10, $0x1;
	s10 =	sld [smem:$0x3FB8]  }
0x3d: {  	_ =	shalt  }
0x3e: {  	_ =	shalt  }
0x3f: {  	_ =	shalt  }
0x40: {  	_ =	shalt  }
0x41: {  	_ =	shalt  }
0x42: {  	_ =	shalt  }
0x43: {  	_ =	shalt  }
0x44: {  	_ =	shalt  }
0x45: {  	_ =	shalt  }
0x46: {  	_ =	shalt  }
0x47: {  	_ =	shalt  }
0x48: {  	_ =	shalt  }
0x49: {  	_ =	shalt  }
0x4a: {  	_ =	shalt  }
0x4b: {  	_ =	shalt  }
0x4c: {  	_ =	shalt  }
0x4d: {  	_ =	shalt  }
0x4e: {  	_ =	shalt  }
0x4f: {  	_ =	shalt  }
0x50: {  	_ =	shalt  }
0x51: {  	_ =	shalt  }
0x52: {  	_ =	shalt  }
0x53: {  	_ =	shalt  }
0x54: {  	_ =	shalt  }
0x55: {  	_ =	shalt  }
0x56: {  	_ =	shalt  }
0x57: {  	_ =	shalt  }
0x58: {  	_ =	shalt  }
0x59: {  	_ =	shalt  }
0x5a: {  	_ =	shalt  }
0x5b: {  	_ =	shalt  }
0x5c: {  	_ =	shalt  }
0x5d: {  	_ =	shalt  }
0x5e: {  	_ =	shalt  }
0x5f: {  	_ =	shalt  }
0x60: {  	_ =	shalt  }
0x61: {  	_ =	shalt  }
0x62: {  	_ =	shalt  }
0x63: {  	_ =	shalt  }
0x64: {  	_ =	shalt  }
0x65: {  	_ =	shalt  }
0x66: {  	_ =	shalt  }
0x67: {  	_ =	shalt  }
0x68: {  	_ =	shalt  }
0x69: {  	_ =	shalt  }
0x6a: {  	_ =	shalt  }
0x6b: {  	_ =	shalt  }
0x6c: {  	_ =	shalt  }
0x6d: {  	_ =	shalt  }
0x6e: {  	_ =	shalt  }
0x6f: {  	_ =	shalt  }
0x70: {  	_ =	shalt  }
0x71: {  	_ =	shalt  }
0x72: {  	_ =	shalt  }
0x73: {  	_ =	shalt  }
0x74: {  	_ =	shalt  }
0x75: {  	_ =	shalt  }
0x76: {  	_ =	shalt  }
0x77: {  	_ =	shalt  }
0x78: {  	_ =	shalt  }
0x79: {  	_ =	shalt  }
0x7a: {  	_ =	shalt  }
0x7b: {  	_ =	shalt  }
0x7c: {  	_ =	shalt  }
0x7d: {  	_ =	shalt  }
0x7e: {  	_ =	shalt  }
0x7f: {  	_ =	shalt  }
0x80: {  	_ =	shalt  }
0x81: {  	_ =	shalt  }
0x82: {  	_ =	shalt  }
0x83: {  	_ =	shalt  }
0x84: {  	_ =	shalt  }
0x85: {  	_ =	shalt  }
0x86: {  	_ =	shalt  }
0x87: {  	_ =	shalt  }
.Lfunc_end0:
.L_simem_size_0:
called_computation.1_lowered:
.L_overlay_start_0:
0x88: {  	s2 =	sld [smem:$0x3FD9]  }
0x89: {  	s3 =	sld [smem:$0x3FFE];
	_ =	sdelay $0x1  }
0x8a: {  	s1 =	srdreg.scid  }
0x8b: {  	s0 =	sand.u32 $0x1, s1  }
0x8c: {  	s14 =	sshll.u32 s0, $0xA;
	s2 =	sadd.s32 s3, s2  }
0x8d: {  	s2 =	sadd.s32 s2, s14  }
0x8e: {  	[smem:$0x3FC4] =	sst s2  }
0x8f: {  	_ = 	snop  }
0x90: {  	s2 =	sld [smem:$0x3FD0];
	_ =	sdelay $0x2  }
0x91: {  	s15 =	simm.s32 $0xA;
	s4 =	simm.s32 $0x10  }
0x92: {  	[smem:s4], [sflag:s15] =	dma.local [hbm:s2], $0x1  }
0x93: {  	_ =	swait.eq [sflag:s15], $0x1  }
0x94: {  	[sflag:s15] =	ssyncset.done $0x0  }
0x95: {  	s16 =	sld [smem:$0x10];
	[sflag:s15] =	ssyncadd.s32 $0xFFFFFFFF  }
0x96: {  	s17 =	sld [smem:$0x11];
	(tm) =	ssettm $0x1  }
0x97: {  	s18 =	sld [smem:$0x3FFB];
	_ =	sdelay $0x3  }
0x98: {  	_ =	strace s18  }
0x99: {  	s4 =	sld [smem:$0x3FFC];
	_ =	sdelay $0x3  }
0x9a: {  	_ =	strace s4  }
0x9b: {  	s4 =	sld [smem:$0x3FFD];
	_ =	sdelay $0x3  }
0x9c: {  	_ =	strace s4  }
0x9d: {  	_ =	strace $0x8FFFFFFF  }
0x9e: {  	s19 =	sld [smem:$0x3FDB];
	_ =	sdelay $0x1  }
0x9f: {  	s5 =	simm.s32 $_scs_section_size  }
0xa0: {  	s6 =	simm.s32 $_size__tile_overlayer_lowered;
	s7 =	simm.s32 $_tile_overlayer_lowered  }
0xa1: {  	s22 =	simm.s32 $0x1BFF;
	s21 =	sshll.u32 s7, $0x1;
	s4 =	sadd.s32 s5, s19  }
0xa2: {  	s8 =	simm.s32 $0x0;
	s20 =	sshll.u32 s6, $0x1;
	s6 =	sadd.s32 s21, s4  }
0xa3: {  	[timem:s8], [sflag:s22] =	dma.local [hbm:s6], s20  }
0xa4: {  	_ =	swait.ge [sflag:s22], s20  }
0xa5: {  	s5 =	ssub.s32 $0x0, s20;
	[sflag:s22] =	ssyncset.done $0x0  }
0xa6: {  	[sflag:s22] =	ssyncadd.s32 s5;
	_ =	sdelay $0x1  }
0xa7: {  	s23 =	simm.s32 $0x1B8B  }
0xa8: {  	_ =	swait.ge [sflag:s23], $0x1  }
0xa9: {  	[sflag:s23] =	ssyncset.done $0x0  }
0xaa: {  	s25 =	simm.s32 $0x1B8E;
	s24 =	sld [smem:$0x3FFE];
	[sflag:s23] =	ssyncadd.s32 $0xFFFFFFFF  }
0xab: {  	s26 =	simm.s32 $execute0_lowered;
	[smem:$0x3FD2] =	sst s25  }
0xac: {  	s6 =	sshll.u32 s26, $0x1;
	_ =	strace $0x80000049;
	[dreg:$0x1] =	wrdreg $0xFFFFFFFF  }
0xad: {  	s28 =	simm.s32 $_size_execute0_lowered;
	s4 =	sadd.s32 s4, s6;
	[dreg:$0x0] =	wrdreg $0x0  }
0xae: {  	s6 =	sshll.u32 s28, $0x1;
	[dreg:$0x2] =	wrdreg s4  }
0xaf: {  	[dreg:$0x3] =	wrdreg s6  }
0xb0: {  	[dreg:$0x4] =	wrdreg $0xC0  }
0xb1: {  	_ =	task [dreg:s8], $0x5FFFF  }
0xb2: {  	[dreg:$0x1] =	wrdreg $0xFFFFFFFF  }
0xb3: {  	[dreg:$0x0] =	wrdreg $0x60  }
0xb4: {  	[dreg:$0x2] =	wrdreg s24  }
0xb5: {  	[dreg:$0x3] =	wrdreg s17  }
0xb6: {  	[dreg:$0x4] =	wrdreg s16  }
0xb7: {  	[dreg:$0x5] =	wrdreg $0x9  }
0xb8: {  	_ =	task.clear_ibuf [dreg:s8], $0x6FFFF;
	_ =	strace $0x90000049  }
0xb9: {  	s29 =	simm.s32 $0x9;
	_ =	strace $0x8000004B  }
0xba: {  	_ =	swait.ge [sflag:s29], $0x1  }
0xbb: {  	[sflag:s29] =	ssyncadd.s32 $0xFFFFFFFF  }
0xbc: {  	_ =	strace $0x9000004B  }
0xbd: {  	_ =	sfence  }
0xbe: {  	s30 =	sld [smem:$0x0];
	_ =	sdelay $0x2  }
0xbf: {  	s31 =	sshll.u32 s1, $0xD;
	s1 =	sshrl.u32 s1, $0x2  }
0xc0: {  	s3 =	sand.u32 $0x4000, s31;
	s1 =	sadd.s32 s1, s30  }
0xc1: {  	s0 =	sor.u32 s3, s0;
	s1 =	sshll.u32 s1, $0x11  }
0xc2: {  	s0 =	sor.u32 s1, s0  }
0xc3: {  	s0 =	sadd.s32 $0x8F2B, s0  }
0xc4: {  	[sflag:s0] =	ssyncadd.remote.s32 $0x1  }
0xc5: {  	_ =	sfence.sel $0xFFFF  }
0xc6: {  	[dreg:$0x0] =	wrdreg $0xFFFFFFFF;
	(pc) =	sbr.abs _section_cstart, $3  }
0xc7: {  	[dreg:$0x1] =	wrdreg $0xFFFFFFFF  }
0xc8: {  	_ =	task.clear_ibuf [dreg:s8], $0x2FFFF;
	_ =	strace $0x9FFFFFFF  }
0xc9: {  	(tm) =	ssettm $0x7FFFFFFF  }
tec
execute0_lowered:
.L_overlay_start_1:
0x0: {  	(tag) =	ssettag $0x1  }
0x1: {  	s7 =	rddreg [dreg:$0x0]  }
0x2: {  	s8 =	rddreg [dreg:$0x1]  }
0x3: {  	s0 =	srdreg.scid;
	s3 =	simm.s32 $0x1;
	s9 =	rddreg [dreg:$0x2]  }
0x4: {  	s2 =	simm.s32 $0x0;
	s15 =	simm.s32 $0x5000;
	s5 =	sand.u32 $0x1, s0  }
0x5: {  	s16 =	simm.s32 $0x2;
	s0 =	stileid.u32;
	s1 =	sshll.u32 s5, $0x4  }
0x6: {  	s18 =	simm.s32 $0x3;
	s30 =	sand.u32 $0x7, s0;
	s6 =	sor.u32 s0, s1  }
0x7: {  	s19 =	simm.s32 $0x0;
	p1 =	sne.s32 s30, $0x0;
	p0 =	seq.s32 s6, $0x0  }
0x8: {  	[smem:$0x7FF] =	sst s2;
	s5 =	ssub.s32 $0x2, s5;
	p0 =	por !p1, !p0  }
0x9: {  	s1 =	rddreg [dreg:$0x3];
	_ =	strace $0x8000004A;
	p0 =	por !p0, !p0  }
0xa: {  	s31 =	sshrl.u32 s5, $0x1;
	s4 =	sshrl.u32 s6, $0x3;
	s3 =	simm.s32 @!p0 $0x0  }
0xb: {  	s12 =	sshll.u32 s6, $0x9;
	s14 =	ssub.s32 s5, s31;
	s10 =	ssub.s32 s4, s3  }
0xc: {  	s13 =	sadd.s32 s12, s7;
	s6 =	sadd.s32 s8, s12;
	s11 =	smul.u32 $0xC0, s10  }
0xd: {  	s8 =	sadd.s32 $0x1B8800, s13;
	s3 =	sadd.s32 $0xB8800, s7;
	s4 =	simm.s32 $0x1  }
0xe: {  	s17 =	sshll.u32 s10, $0x15;
	s10 =	smax.u32 s14, $0x1;
	s11 =	sshrl.u32 s11, $0x3  }
0xf: {  	s14 =	simm.s32 $0x3000;
	v0 =	vmov s17;
	s17 =	simm.s32 $0x6000;
	s11 =	sadd.s32 s11, s7  }
0x10: {  	s7 =	sadd.s32 s9, s12;
	s9 =	sadd.s32 $0x1200, s13;
	s12 =	simm.s32 $0x1000  }
0x11: {  	v1 =	vimm.s32 $0x0;
	v2 =	vimm.f32 $0.0e+00;
	s13 =	simm.s32 $0x2000;
	s5 =	sadd.s32 $0x1BC800, s11;
	s11 =	simm.s32 $0x7000  }
.LBB2_1:
0x12: {  	[tilespmem:s11], [sflag:$0x1] =	stream.linear.gather [hbm4b:s5+s2], $0xC0, $0x38;
	[tilespmem:$0x7100] =	vst v63  }
0x13: {  	_ = 	snop  }
0x14: {  	[tilespmem:s2], [sflag:$0x1] =	stream.linear.gather [hbm4b:s6+s2], $0x1000, $0x38;
	[tilespmem:$0x7100] =	vst v63  }
0x15: {  	_ = 	snop  }
0x16: {  	[tilespmem:s12], [sflag:$0x1] =	stream.linear.gather [hbm4b:s7+s2], $0x1000, $0x38;
	[tilespmem:$0x7100] =	vst v63  }
0x17: {  	_ = 	snop  }
0x18: {  	[tilespmem:s13], [sflag:$0x1] =	stream.linear.gather [hbm4b:s8+s2], $0x1000, $0x38;
	[tilespmem:$0x7100] =	vst v63  }
0x19: {  	_ =	swait.ge [sflag:s4], $0xC0  }
0x1a: {  	[sflag:s4] =	ssyncset.done $0x0  }
0x1b: {  	[sflag:s4] =	ssyncadd.s32 $0xFFFFFF40  }
0x1c: {  	_ =	swait.ge [sflag:s4], $0x1000  }
0x1d: {  	[sflag:s4] =	ssyncset.done $0x0  }
0x1e: {  	[sflag:s4] =	ssyncadd.s32 $0xFFFFF000  }
0x1f: {  	_ =	swait.ge [sflag:s4], $0x1000  }
0x20: {  	[sflag:s4] =	ssyncset.done $0x0  }
0x21: {  	[sflag:s4] =	ssyncadd.s32 $0xFFFFF000  }
0x22: {  	_ =	swait.ge [sflag:s4], $0x1000  }
0x23: {  	[sflag:s4] =	ssyncset.done $0x0  }
0x24: {  	s20 =	simm.s32 $0x0;
	[sflag:s4] =	ssyncadd.s32 $0xFFFFF000  }
0x25: {  	v8 =	vld [tilespmem:s20+$0x0]  }
0x26: {  	v3 =	vld [tilespmem:$0x7040]  }
0x27: {  	v4 =	vld [tilespmem:$0x7050]  }
0x28: {  	v5 =	vld [tilespmem:$0x7090]  }
0x29: {  	v6 =	vld [tilespmem:$0x7030]  }
0x2a: {  	v7 =	vld [tilespmem:$0x7060]  }
0x2b: {  	v9 =	vld [tilespmem:$0x70A0]  }
0x2c: {  	v10 =	vld [tilespmem:$0x7080];
	(erf) = vrcp.f32 v3  }
0x2d: {  	v11 =	vld [tilespmem:$0x7010];
	(erf) = vrcp.f32 v4  }
0x2e: {  	v12 =	vld [tilespmem:$0x70B0];
	(erf) = vrcp.f32 v6  }
0x2f: {  	v4 =	vld [tilespmem:s20+$0x1000]  }
0x30: {  	v13 =	vld [tilespmem:$0x7000];
	v3 =	vtrunc.f32 v5  }
0x31: {  	v5 =	vtrunc.f32 v7;
	v7 =	vtrunc.f32 v10;
	v10 =	vld [tilespmem:$0x7020]  }
0x32: {  	v9 =	vtrunc.f32 v9;
	v6 =	vcvt.f32.s32 v5;
	v5 =	vld [tilespmem:s20+$0x2000];
	_ =	sdelay $0x1  }
0x33: {  	v12 =	vtrunc.f32 v12;
	v14 =	vsub.f32 v4, v11  }
0x34: {  	v3 =	vcvt.f32.s32 v3;
	v4 =	vcvt.f32.s32 v9;
	v9 =	vpop (erf)  }
0x35: {  	s21 =	simm.s32 $0x40;
	v7 =	vcvt.f32.s32 v7;
	v11 =	vsub.f32 v8, v13;
	v8 =	vmul.f32 v9, v14;
	v9 =	vpop (erf)  }
.LBB2_2:
0x36: {  	p0 =	sne.s32 s21, $0x3FC0;
	v12 =	vcvt.f32.s32 v12;
	v5 =	vsub.f32 v5, v10;
	v10 =	vpop (erf);
	s22 =	smov.u32 s21;
	s21 =	sadd.s32 $0x40, s21  }
0x37: {  	v10 =	vmul.f32 v10, v11;
	v11 =	vld [tilespmem:$0x7070];
	v13 =	vtrunc.f32 v8  }
0x38: {  	v14 =	vcvt.f32.s32 v13;
	vm0 =	vlt.f32 v8, v13;
	v5 =	vmul.f32 v9, v5  }
0x39: {  	v8 =	vtrunc.f32 v10;
	v9 =	vsel vm0, $0xFFFFFFFF, v1  }
0x3a: {  	v13 =	vcvt.f32.s32 v8;
	vm0 =	vlt.f32 v10, v8;
	v8 =	vtrunc.f32 v5  }
0x3b: {  	v10 =	vsel vm0, $0xFFFFFFFF, v1;
	v15 =	vcvt.f32.s32 v8;
	vm0 =	vlt.f32 v5, v8  }
0x3c: {  	v8 =	vadd.s32 v13, v10;
	v5 =	vtrunc.f32 v11;
	v10 =	vsel vm0, $0xFFFFFFFF, v1  }
0x3d: {  	v9 =	vadd.s32 v14, v9;
	v6 =	vadd.s32 v6, v8;
	v10 =	vadd.s32 v15, v10  }
0x3e: {  	s22 =	sshra.s32 s22, $0x2;
	v5 =	vcvt.f32.s32 v5;
	v7 =	vadd.s32 v7, v10;
	vm0 =	vlt.s32 v10, v12  }
0x3f: {  	vm1 =	vlt.s32 v8, v3;
	vm2 =	vlt.s32 v7, $0x80;
	v3 =	vshll.u32 v7, $0xE  }
0x40: {  	vm3 =	vgt.s32 v10, $0xFFFFFFFF;
	vm0 =	vmand vm0, vm2;
	v3 =	vand.u32 $0xFFF00000, v3  }
0x41: {  	v10 =	vadd.s32 v5, v9;
	vm2 =	vlt.s32 v6, $0x80;
	vm0 =	vmand vm0, vm3  }
0x42: {  	vm1 =	vmand vm1, vm2;
	vm2 =	vlt.s32 v9, v4;
	v4 =	vshll.u32 v10, $0x6  }
0x43: {  	v7 =	vand.u32 $0x3F, v7;
	v6 =	vshll.u32 v6, $0xD;
	vm3 =	vlt.s32 v10, $0x80;
	v5 =	vld [tilespmem:s22+$0x2000]  }
0x44: {  	vm5 =	vgt.s32 v9, $0xFFFFFFFF;
	vm4 =	vgt.s32 v8, $0xFFFFFFFF;
	vm2 =	vmand vm2, vm3;
	v11 =	vld [tilespmem:s22+$0x0]  }
0x45: {  	vm1 =	vmand vm1, vm4;
	v4 =	vadd.s32 v6, v4;
	vm2 =	vmand vm2, vm5  }
0x46: {  	v4 =	vor.u32 v7, v4;
	vm1 =	vmand vm1, vm2  }
0x47: {  	v3 =	vadd.s32 v3, v4;
	vm0 =	vmand vm1, vm0  }
0x48: {  	v3 =	vnsel vm0, $0x0, v3;
	v4 =	vsel vm0, $0x3F800000, v2  }
0x49: {  	v3 =	vadd.s32 v0, v3;
	[tilespmem:s20+$0x4000] =	vst v4  }
0x4a: {  	[tilespmem:s20+$0x3000] =	vst v3;
	s20 =	smov.u32 s22  }
0x4b: {  	v3 =	vld [tilespmem:$0x7090]  }
0x4c: {  	v4 =	vld [tilespmem:$0x7040]  }
0x4d: {  	v6 =	vld [tilespmem:$0x7030]  }
0x4e: {  	v7 =	vld [tilespmem:$0x7050]  }
0x4f: {  	v8 =	vld [tilespmem:$0x7060]  }
0x50: {  	v3 =	vtrunc.f32 v3  }
0x51: {  	v9 =	vld [tilespmem:$0x70A0]  }
0x52: {  	v10 =	vld [tilespmem:$0x7080];
	(erf) = vrcp.f32 v4  }
0x53: {  	v3 =	vcvt.f32.s32 v3;
	v12 =	vld [tilespmem:s20+$0x1000];
	(erf) = vrcp.f32 v7  }
0x54: {  	v4 =	vtrunc.f32 v8;
	v8 =	vld [tilespmem:$0x7010];
	(erf) = vrcp.f32 v6  }
0x55: {  	v6 =	vcvt.f32.s32 v4;
	v13 =	vld [tilespmem:$0x70B0]  }
0x56: {  	v4 =	vtrunc.f32 v9  }
0x57: {  	v9 =	vld [tilespmem:$0x7000];
	v7 =	vtrunc.f32 v10  }
.Ltmp0:
0x58: {  	v10 =	vld [tilespmem:$0x7020];
	v7 =	vcvt.f32.s32 v7;
	(pc) =	sbr.rel @p0 .LBB2_2-.Ltmp0, $4  }
0x59: {  	v4 =	vcvt.f32.s32 v4  }
0x5a: {  	v8 =	vsub.f32 v12, v8  }
0x5b: {  	v12 =	vpop (erf)  }
0x5c: {  	v11 =	vsub.f32 v11, v9;
	v8 =	vmul.f32 v12, v8;
	v12 =	vtrunc.f32 v13;
	v9 =	vpop (erf)  }
0x5d: {  	v5 =	vsub.f32 v5, v10;
	v55 =	vpop (erf)  }
0x5e: {  	v12 =	vcvt.f32.s32 v12;
	v56 =	vld [tilespmem:$0x7070];
	v10 =	vmul.f32 v55, v11  }
0x5f: {  	v13 =	vtrunc.f32 v8;
	v5 =	vmul.f32 v9, v5  }
0x60: {  	v57 =	vcvt.f32.s32 v13;
	vm0 =	vlt.f32 v8, v13;
	v58 =	vtrunc.f32 v10  }
0x61: {  	v59 =	vcvt.f32.s32 v58;
	vm1 =	vlt.f32 v10, v58;
	v60 =	vtrunc.f32 v5  }
0x62: {  	v10 =	vsel vm1, $0xFFFFFFFF, v1;
	v14 =	vcvt.f32.s32 v60;
	vm10 =	vlt.f32 v5, v60  }
0x63: {  	v5 =	vsel vm0, $0xFFFFFFFF, v1;
	v11 =	vtrunc.f32 v56;
	v61 =	vadd.s32 v59, v10  }
0x64: {  	v62 =	vsel vm10, $0xFFFFFFFF, v1;
	v5 =	vadd.s32 v57, v5;
	v63 =	vcvt.f32.s32 v11  }
0x65: {  	v6 =	vadd.s32 v6, v61;
	v10 =	vadd.s32 v14, v62;
	vm12 =	vlt.s32 v61, v3  }
0x66: {  	vm14 =	vlt.s32 v5, v4;
	vm5 =	vgt.s32 v61, $0xFFFFFFFF;
	vm15 =	vgt.s32 v5, $0xFFFFFFFF  }
0x67: {  	v7 =	vadd.s32 v7, v10;
	vm11 =	vlt.s32 v10, v12;
	vm3 =	vgt.s32 v10, $0xFFFFFFFF  }
0x68: {  	vm13 =	vlt.s32 v6, $0x80;
	v9 =	vadd.s32 v63, v5;
	v6 =	vshll.u32 v6, $0xD  }
0x69: {  	vm2 =	vlt.s32 v7, $0x80;
	v3 =	vshll.u32 v7, $0xE;
	vm1 =	vmand vm12, vm13  }
0x6a: {  	v4 =	vshll.u32 v9, $0x6;
	vm4 =	vlt.s32 v9, $0x80;
	v7 =	vand.u32 $0x3F, v7  }
0x6b: {  	vm0 =	vmand vm11, vm2;
	v3 =	vand.u32 $0xFFF00000, v3;
	vm2 =	vmand vm14, vm4  }
0x6c: {  	vm1 =	vmand vm1, vm5;
	v4 =	vadd.s32 v6, v4;
	vm2 =	vmand vm2, vm15  }
0x6d: {  	vm0 =	vmand vm0, vm3;
	v4 =	vor.u32 v7, v4;
	vm1 =	vmand vm1, vm2  }
0x6e: {  	v3 =	vadd.s32 v3, v4;
	vm0 =	vmand vm1, vm0  }
0x6f: {  	v3 =	vnsel vm0, $0x0, v3;
	v4 =	vsel vm0, $0x3F800000, v2  }
0x70: {  	v3 =	vadd.s32 v0, v3;
	[tilespmem:s20+$0x4000] =	vst v4  }
0x71: {  	[tilespmem:s20+$0x3000] =	vst v3  }
0x72: {  	[tilespmem:s15], [sflag:$0x2] =	stream.indirect.gather [hbm4b:s3+s12], $0x1, s14, s12, $0xb8;
	[tilespmem:$0x7100] =	vst v63  }
0x73: {  	_ =	swait.ge [sflag:s16], $0x1000  }
0x74: {  	[sflag:s16] =	ssyncset.done $0x0  }
0x75: {  	s20 =	simm.s32 $0x0;
	[sflag:s16] =	ssyncadd.s32 $0xFFFFF000  }
0x76: {  	v3 =	vld [tilespmem:s20+$0x5000]  }
0x77: {  	v4 =	vld [tilespmem:s20+$0x4000];
	_ =	sdelay $0x1  }
0x78: {  	s21 =	simm.s32 $0x40  }
.LBB2_4:
0x79: {  	p0 =	sne.s32 s21, $0x3FC0  }
.Ltmp1:
0x7a: {  	s22 =	sshra.s32 s21, $0x2;
	(pc) =	sbr.rel @p0 .LBB2_4-.Ltmp1, $4  }
0x7b: {  	s21 =	sadd.s32 $0x40, s21;
	vm0 =	vgt.f32 v3, $0.0e+00;
	v3 =	vld [tilespmem:s22+$0x5000];
	vm1 =	vgt.f32 v4, $0.0e+00  }
0x7c: {  	v4 =	vld [tilespmem:s22+$0x4000];
	vm0 =	vmand vm0, vm1  }
0x7d: {  	v5 =	vsel vm0, $0x3F800000, v2  }
0x7e: {  	[tilespmem:s20+$0x6000] =	vst v5;
	s20 =	smov.u32 s22  }
0x7f: {  	_ =	sdelay $0x1  }
0x80: {  	vm0 =	vgt.f32 v3, $0.0e+00;
	vm1 =	vgt.f32 v4, $0.0e+00  }
0x81: {  	s19 =	sadd.s32 $0x1, s19;
	vm0 =	vmand vm0, vm1  }
0x82: {  	p0 =	sne.s32 s19, s10;
	v3 =	vsel vm0, $0x3F800000, v2  }
.Ltmp2:
0x83: {  	[tilespmem:s20+$0x6000] =	vst v3;
	(pc) =	sbr.rel @p0 .LBB2_1-.Ltmp2, $4  }
0x84: {  	[hbm4b:s9+s2] =	stream.linear.scatter [tilespmem:s17], [sflag:$0x3], $0x1000, $0x38;
	[tilespmem:$0x7100] =	vst v63  }
0x85: {  	_ =	swait.ge [sflag:s18], $0x1000  }
0x86: {  	[sflag:s18] =	ssyncset.done $0x0  }
0x87: {  	[sflag:s18] =	ssyncadd.s32 $0xFFFFF000  }
0x88: {  	_ =	sfence.sel $0x180000  }
0x89: {  	[bflag:$0x0] =	sbarrier.arrive $0xFFFF  }
0x8a: {  	p0 =	sne.s32 s0, $0x0;
	_ =	strace $0x9000004A  }
0x8b: {  	s0 =	sadd.s32 @!p0 $0x100000, s1;
	[bflag:$0x2] =	sbarrier.arrive $0xFFFF  }
0x8c: {  	[sflag:s0] =	ssyncadd.tile.s32 @!p0 $0x1;
	_ =	shalt  }
.Lfunc_end2:
_tile_overlayer_lowered:
.L_overlay_start_2:
0x8d: {  	(tag) =	ssettag $0x2  }
0x8e: {  	s0 =	rddreg [dreg:$0x0];
	s2 =	stileid.u32  }
0x8f: {  	s1 =	rddreg [dreg:$0x1];
	p0 =	sne.s32 s2, $0x0  }
0x90: {  	s3 =	rddreg [dreg:$0x2];
	[bflag:$0x3] =	sbarrier.arrive $0xFFFF;
	s2 =	simm.s32 @!p0 $0x1C03  }
0x91: {  	[timem:s3], [sflag:s2] =	dma.local @!p0 [hbm:s0], s1  }
0x92: {  	s0 =	simm.s32 @!p0 $0x3  }
0x93: {  	_ =	swait.ge @!p0 [sflag:s0], s1  }
0x94: {  	s1 =	ssub.s32 @!p0 $0x0, s1;
	[sflag:s0] =	ssyncset.done @!p0 $0x0  }
0x95: {  	[sflag:s0] =	ssyncadd.s32 @!p0 s1  }
0x96: {  	[bflag:$0x3] =	sbarrier.arrive $0xFFFF  }
0x97: {  	_ =	shalt  }

</sc_bundles>
